<compile_context>
chip_gen: v7x
topology: tpu7x:2x2x1
jax: 0.10.2.dev20260603
libtpu: 0.0.44.dev20260713+nightly
codegen_flags: <defaults>
</compile_context>

<pallas_src>
import functools

import jax
import jax.numpy as jnp
from jax import lax
from jax.experimental import pallas as pl
from jax.experimental.pallas import tpu as pltpu
from jax.experimental.pallas import tpu_sc as plsc

BATCH = 4096
SEQ_LEN = 200
EMBEDDING_DIM = 32

NUM_WORKERS = 32
BLK_S = 5
N_BLK = SEQ_LEN // BLK_S
LANES = 16
D_TILES = EMBEDDING_DIM // 8
R16 = D_TILES * BLK_S


def _gather_kernel(idxT_hbm, table_hbm, out_hbm, idx_v, grab_v, out_v,
                   g0, g1, w0, w1):
    gsems = (g0, g1)
    wsems = (w0, w1)
    c = lax.axis_index("c")
    s = lax.axis_index("s")
    wid = s * 2 + c
    col0 = wid * 128

    def issue_gathers(blk, b):
        pltpu.sync_copy(
            idxT_hbm.at[pl.ds(blk * BLK_S, BLK_S), pl.ds(col0, 128)],
            idx_v.at[b],
        )
        for q in range(BLK_S):
            pltpu.async_copy(
                table_hbm.at[idx_v.at[b, q]],
                grab_v.at[b, pl.ds(q * 128, 128)],
                gsems[b],
            )

    def drain_gathers(b):
        pltpu.make_async_copy(
            table_hbm.at[pl.ds(0, BLK_S * 128)],
            grab_v.at[b],
            gsems[b],
        ).wait()

    def transpose_block(b):
        rows_qg = [
            lax.iota(jnp.int32, LANES) + (q * 128 + g * LANES)
            for q in range(BLK_S)
            for g in range(8)
        ]
        src = grab_v.at[b]

        @plsc.parallel_loop(0, EMBEDDING_DIM, 1, unroll=8)
        def _(d):
            dh = d // 8
            dl = d % 8
            col = jnp.zeros((LANES,), jnp.int32) + d
            r_base = dh * BLK_S
            for q in range(BLK_S):
                for g in range(8):
                    vec = plsc.load_gather(src, [rows_qg[q * 8 + g], col])
                    out_v[b, r_base + q, dl, pl.ds(g * LANES, LANES)] = vec

    def issue_writes(blk, b):
        for dh in range(D_TILES):
            pltpu.async_copy(
                out_v.at[b, pl.ds(dh * BLK_S, BLK_S)],
                out_hbm.at[pl.ds(blk * BLK_S, BLK_S), dh, wid],
                wsems[b],
            )

    def drain_writes(b):
        pltpu.make_async_copy(
            out_hbm.at[pl.ds(0, R16), 0, 0],
            out_v.at[b],
            wsems[b],
        ).wait()

    issue_gathers(0, 0)
    issue_gathers(1, 1)

    def body(outer, carry):
        def half(blk, b):
            drain_gathers(b)

            @pl.when(outer >= 1)
            def _():
                drain_writes(b)

            transpose_block(b)
            issue_writes(blk, b)

            @pl.when(blk + 2 < N_BLK)
            def _():
                issue_gathers(blk + 2, b)

        half(2 * outer, 0)
        half(2 * outer + 1, 1)
        return carry

    lax.fori_loop(0, N_BLK // 2, body, 0)
    drain_writes(0)
    drain_writes(1)


def kernel(input, weight):
    idxT = input.T
    mesh = plsc.VectorSubcoreMesh(core_axis_name="c", subcore_axis_name="s")
    run = functools.partial(
        pl.kernel,
        mesh=mesh,
        out_type=jax.ShapeDtypeStruct((SEQ_LEN, D_TILES, 32, 8, 128), jnp.float32),
        scratch_types=[
            pltpu.VMEM((2, BLK_S, 128), jnp.int32),
            pltpu.VMEM((2, BLK_S * 128, EMBEDDING_DIM), jnp.float32),
            pltpu.VMEM((2, R16, 8, 128), jnp.float32),
            pltpu.SemaphoreType.DMA,
            pltpu.SemaphoreType.DMA,
            pltpu.SemaphoreType.DMA,
            pltpu.SemaphoreType.DMA,
        ],
        compiler_params=pltpu.CompilerParams(
            use_tc_tiling_on_sc=False, needs_layout_passes=False
        ),
    )(_gather_kernel)
    out5d = run(idxT, weight)
    t = out5d.transpose(2, 4, 0, 1, 3)
    return t.reshape(BATCH, SEQ_LEN, EMBEDDING_DIM)

# --- scband reference (transcript-rebuilt; emitter-appended) ---
"""Pipeline reference for scband-embedding-layer-with-dropout-60009283060151 (READ-ONLY COPY).

The authoritative reference and input builder live on the scoring server;
editing this copy changes nothing except your own understanding.
"""

import jax, jax.numpy as jnp
import numpy as np

NUM_EMBEDDINGS = 1000000
EMBEDDING_DIM = 32
BATCH = 4096
SEQ_LEN = 200

def setup_inputs(seed: int = 0) -> dict:
    key = jax.random.key(seed)
    k1, k2 = jax.random.split(key)
    indices = jax.random.randint(k1, (BATCH, SEQ_LEN), 0, NUM_EMBEDDINGS, dtype=jnp.int32)
    weight = jax.random.normal(k2, (NUM_EMBEDDINGS, EMBEDDING_DIM), dtype=jnp.float32) * 0.02
    return {"input": indices, "weight": weight}

def reference(input, weight):
    # Eval-mode forward: dropout on the embedding weight matrix is disabled,
    # so the masked_weight is exactly the embedding weight. Plain row-gather.
    return jnp.take(weight, input, axis=0)

if __name__ == "__main__":
    import jax
    _d = setup_inputs()
    print(jax.jit(kernel)(*tuple(_d.values())))

</pallas_src>

<mosaic_0001>
#map = affine_map<(d0, d1) -> (0, 0)>
#map1 = affine_map<(d0, d1) -> (0, 0, 0, 0, 0)>
module attributes {stable_mosaic.version = 14 : i64} {
  func.func @_gather_kernel(%arg0: i32, %arg1: i32, %arg2: memref<200x4096xi32, #tpu.memory_space<hbm>>, %arg3: memref<1000000x32xf32, #tpu.memory_space<hbm>>, %arg4: memref<200x4x32x8x128xf32, #tpu.memory_space<hbm>>, %arg5: memref<2x5x128xi32, #tpu.memory_space<vmem>>, %arg6: memref<2x640x32xf32, #tpu.memory_space<vmem>>, %arg7: memref<2x20x8x128xf32, #tpu.memory_space<vmem>>, %arg8: memref<!tpu.dma_semaphore, #tpu.memory_space<semaphore_mem>>, %arg9: memref<!tpu.dma_semaphore, #tpu.memory_space<semaphore_mem>>, %arg10: memref<!tpu.dma_semaphore, #tpu.memory_space<semaphore_mem>>, %arg11: memref<!tpu.dma_semaphore, #tpu.memory_space<semaphore_mem>>) attributes {dimension_semantics = [#tpu.dimension_semantics<core_parallel>, #tpu.dimension_semantics<subcore_parallel>], iteration_bounds = array<i64: 2, 16>, scalar_prefetch = 0 : i64, scratch_operands = 7 : i64, tpu.core_type = #tpu.core_type<sc_vector_subcore>, window_params = [{transform_indices = #map}, {transform_indices = #map}, {transform_indices = #map1}]} {
    %mul3A = arith.constant 2 : i32
    %mul3A_0 = arith.muli %arg1, %mul3A : i32
    %add3A = arith.addi %mul3A_0, %arg0 : i32
    %mul3A_1 = arith.constant 128 : i32
    %mul3A_2 = arith.muli %add3A, %mul3A_1 : i32
    %run_scoped3A = arith.constant 0 : i32
    "tpu.region"() ({
      %run_scoped3A_183 = tpu.sem_alloc : memref<!tpu.dma_semaphore, #tpu.memory_space<semaphore_mem>>
      %dma_start3A_184 = arith.constant 0 : i32
      %dma_start3A_185 = arith.constant 0 : i32
      %dma_start3A_186 = tpu.memref_slice %arg5[%run_scoped3A, %dma_start3A_184, %dma_start3A_185] : memref<2x5x128xi32, #tpu.memory_space<vmem>> -> memref<1x5x128xi32, #tpu.memory_space<vmem>>
      %dma_start3A_187 = tpu.memref_squeeze %dma_start3A_186 : memref<1x5x128xi32, #tpu.memory_space<vmem>> -> memref<5x128xi32, #tpu.memory_space<vmem>>
      %dma_start3A_188 = arith.constant 0 : i32
      %dma_start3A_189 = tpu.memref_slice %arg2[%dma_start3A_188, %mul3A_2] : memref<200x4096xi32, #tpu.memory_space<hbm>> -> memref<5x128xi32, #tpu.memory_space<hbm>>
      %dma_start3A_190 = arith.constant 0 : i32
      %dma_start3A_191 = arith.constant 0 : i32
      %dma_start3A_192 = tpu.memref_slice %arg5[%run_scoped3A, %dma_start3A_190, %dma_start3A_191] : memref<2x5x128xi32, #tpu.memory_space<vmem>> -> memref<1x5x128xi32, #tpu.memory_space<vmem>>
      %dma_start3A_193 = tpu.memref_squeeze %dma_start3A_192 : memref<1x5x128xi32, #tpu.memory_space<vmem>> -> memref<5x128xi32, #tpu.memory_space<vmem>>
      %dma_start3A_194 = arith.constant 0 : i32
      %dma_start3A_195 = tpu.memref_slice %arg2[%dma_start3A_194, %mul3A_2] : memref<200x4096xi32, #tpu.memory_space<hbm>> -> memref<5x128xi32, #tpu.memory_space<hbm>>
      tpu.enqueue_dma source(%dma_start3A_195 : memref<5x128xi32, #tpu.memory_space<hbm>>) target(%dma_start3A_193 : memref<5x128xi32, #tpu.memory_space<vmem>>) target_semaphore(%run_scoped3A_183 : memref<!tpu.dma_semaphore, #tpu.memory_space<semaphore_mem>>)
      %dma_wait3A_196 = arith.constant 0 : i32
      %dma_wait3A_197 = arith.constant 0 : i32
      %dma_wait3A_198 = tpu.memref_slice %arg5[%run_scoped3A, %dma_wait3A_196, %dma_wait3A_197] : memref<2x5x128xi32, #tpu.memory_space<vmem>> -> memref<1x5x128xi32, #tpu.memory_space<vmem>>
      %dma_wait3A_199 = tpu.memref_squeeze %dma_wait3A_198 : memref<1x5x128xi32, #tpu.memory_space<vmem>> -> memref<5x128xi32, #tpu.memory_space<vmem>>
      %dma_wait3A_200 = arith.constant 0 : i32
      %dma_wait3A_201 = tpu.memref_slice %arg2[%dma_wait3A_200, %mul3A_2] : memref<200x4096xi32, #tpu.memory_space<hbm>> -> memref<5x128xi32, #tpu.memory_space<hbm>>
      %dma_wait3A_202 = arith.constant 0 : i32
      %dma_wait3A_203 = arith.constant 0 : i32
      %dma_wait3A_204 = tpu.memref_slice %arg5[%run_scoped3A, %dma_wait3A_202, %dma_wait3A_203] : memref<2x5x128xi32, #tpu.memory_space<vmem>> -> memref<1x5x128xi32, #tpu.memory_space<vmem>>
      %dma_wait3A_205 = tpu.memref_squeeze %dma_wait3A_204 : memref<1x5x128xi32, #tpu.memory_space<vmem>> -> memref<5x128xi32, #tpu.memory_space<vmem>>
      %dma_wait3A_206 = arith.constant 0 : i32
      %dma_wait3A_207 = tpu.memref_slice %arg2[%dma_wait3A_206, %mul3A_2] : memref<200x4096xi32, #tpu.memory_space<hbm>> -> memref<5x128xi32, #tpu.memory_space<hbm>>
      tpu.wait_dma2 semaphore(%run_scoped3A_183 : memref<!tpu.dma_semaphore, #tpu.memory_space<semaphore_mem>>) src(%dma_wait3A_207 : memref<5x128xi32, #tpu.memory_space<hbm>>) dst(%dma_wait3A_205 : memref<5x128xi32, #tpu.memory_space<vmem>>)
      tpu.yield
    }) : () -> ()
    %dma_start3A = arith.constant 0 : i32
    %dma_start3A_3 = arith.constant 0 : i32
    %dma_start3A_4 = arith.constant 0 : i32
    %dma_start3A_5 = arith.constant 0 : i32
    %dma_start3A_6 = arith.constant 0 : i32
    %dma_start3A_7 = tpu.memref_slice %arg6[%dma_start3A_4, %dma_start3A_5, %dma_start3A_6] : memref<2x640x32xf32, #tpu.memory_space<vmem>> -> memref<1x128x32xf32, #tpu.memory_space<vmem>>
    %dma_start3A_8 = tpu.memref_squeeze %dma_start3A_7 : memref<1x128x32xf32, #tpu.memory_space<vmem>> -> memref<128x32xf32, #tpu.memory_space<vmem>>
    %dma_start3A_9 = arith.constant 0 : i32
    %dma_start3A_10 = tpu.memref_slice %arg5[%dma_start3A, %dma_start3A_3, %dma_start3A_9] : memref<2x5x128xi32, #tpu.memory_space<vmem>> -> memref<1x1x128xi32, #tpu.memory_space<vmem>>
    %dma_start3A_11 = tpu.memref_squeeze %dma_start3A_10 : memref<1x1x128xi32, #tpu.memory_space<vmem>> -> memref<128xi32, #tpu.memory_space<vmem>>
    %dma_start3A_12 = arith.constant 0 : i32
    %dma_start3A_13 = arith.constant 0 : i32
    %dma_start3A_14 = tpu.memref_slice %arg3[%dma_start3A_12, %dma_start3A_13] : memref<1000000x32xf32, #tpu.memory_space<hbm>> -> memref<1000000x32xf32, #tpu.memory_space<hbm>>
    tpu.enqueue_indirect_dma source(%dma_start3A_14 : memref<1000000x32xf32, #tpu.memory_space<hbm>>) target(%dma_start3A_8 : memref<128x32xf32, #tpu.memory_space<vmem>>) offsets(%dma_start3A_11 : memref<128xi32, #tpu.memory_space<vmem>>) semaphore(%arg8 : memref<!tpu.dma_semaphore, #tpu.memory_space<semaphore_mem>>)
    %dma_start3A_15 = arith.constant 0 : i32
    %dma_start3A_16 = arith.constant 1 : i32
    %dma_start3A_17 = arith.constant 0 : i32
    %dma_start3A_18 = arith.constant 128 : i32
    %dma_start3A_19 = arith.constant 0 : i32
    %dma_start3A_20 = tpu.memref_slice %arg6[%dma_start3A_17, %dma_start3A_18, %dma_start3A_19] : memref<2x640x32xf32, #tpu.memory_space<vmem>> -> memref<1x128x32xf32, #tpu.memory_space<vmem>>
    %dma_start3A_21 = tpu.memref_squeeze %dma_start3A_20 : memref<1x128x32xf32, #tpu.memory_space<vmem>> -> memref<128x32xf32, #tpu.memory_space<vmem>>
    %dma_start3A_22 = arith.constant 0 : i32
    %dma_start3A_23 = tpu.memref_slice %arg5[%dma_start3A_15, %dma_start3A_16, %dma_start3A_22] : memref<2x5x128xi32, #tpu.memory_space<vmem>> -> memref<1x1x128xi32, #tpu.memory_space<vmem>>
    %dma_start3A_24 = tpu.memref_squeeze %dma_start3A_23 : memref<1x1x128xi32, #tpu.memory_space<vmem>> -> memref<128xi32, #tpu.memory_space<vmem>>
    %dma_start3A_25 = arith.constant 0 : i32
    %dma_start3A_26 = arith.constant 0 : i32
    %dma_start3A_27 = tpu.memref_slice %arg3[%dma_start3A_25, %dma_start3A_26] : memref<1000000x32xf32, #tpu.memory_space<hbm>> -> memref<1000000x32xf32, #tpu.memory_space<hbm>>
    tpu.enqueue_indirect_dma source(%dma_start3A_27 : memref<1000000x32xf32, #tpu.memory_space<hbm>>) target(%dma_start3A_21 : memref<128x32xf32, #tpu.memory_space<vmem>>) offsets(%dma_start3A_24 : memref<128xi32, #tpu.memory_space<vmem>>) semaphore(%arg8 : memref<!tpu.dma_semaphore, #tpu.memory_space<semaphore_mem>>)
    %dma_start3A_28 = arith.constant 0 : i32
    %dma_start3A_29 = arith.constant 2 : i32
    %dma_start3A_30 = arith.constant 0 : i32
    %dma_start3A_31 = arith.constant 256 : i32
    %dma_start3A_32 = arith.constant 0 : i32
    %dma_start3A_33 = tpu.memref_slice %arg6[%dma_start3A_30, %dma_start3A_31, %dma_start3A_32] : memref<2x640x32xf32, #tpu.memory_space<vmem>> -> memref<1x128x32xf32, #tpu.memory_space<vmem>>
    %dma_start3A_34 = tpu.memref_squeeze %dma_start3A_33 : memref<1x128x32xf32, #tpu.memory_space<vmem>> -> memref<128x32xf32, #tpu.memory_space<vmem>>
    %dma_start3A_35 = arith.constant 0 : i32
    %dma_start3A_36 = tpu.memref_slice %arg5[%dma_start3A_28, %dma_start3A_29, %dma_start3A_35] : memref<2x5x128xi32, #tpu.memory_space<vmem>> -> memref<1x1x128xi32, #tpu.memory_space<vmem>>
    %dma_start3A_37 = tpu.memref_squeeze %dma_start3A_36 : memref<1x1x128xi32, #tpu.memory_space<vmem>> -> memref<128xi32, #tpu.memory_space<vmem>>
    %dma_start3A_38 = arith.constant 0 : i32
    %dma_start3A_39 = arith.constant 0 : i32
    %dma_start3A_40 = tpu.memref_slice %arg3[%dma_start3A_38, %dma_start3A_39] : memref<1000000x32xf32, #tpu.memory_space<hbm>> -> memref<1000000x32xf32, #tpu.memory_space<hbm>>
    tpu.enqueue_indirect_dma source(%dma_start3A_40 : memref<1000000x32xf32, #tpu.memory_space<hbm>>) target(%dma_start3A_34 : memref<128x32xf32, #tpu.memory_space<vmem>>) offsets(%dma_start3A_37 : memref<128xi32, #tpu.memory_space<vmem>>) semaphore(%arg8 : memref<!tpu.dma_semaphore, #tpu.memory_space<semaphore_mem>>)
    %dma_start3A_41 = arith.constant 0 : i32
    %dma_start3A_42 = arith.constant 3 : i32
    %dma_start3A_43 = arith.constant 0 : i32
    %dma_start3A_44 = arith.constant 384 : i32
    %dma_start3A_45 = arith.constant 0 : i32
    %dma_start3A_46 = tpu.memref_slice %arg6[%dma_start3A_43, %dma_start3A_44, %dma_start3A_45] : memref<2x640x32xf32, #tpu.memory_space<vmem>> -> memref<1x128x32xf32, #tpu.memory_space<vmem>>
    %dma_start3A_47 = tpu.memref_squeeze %dma_start3A_46 : memref<1x128x32xf32, #tpu.memory_space<vmem>> -> memref<128x32xf32, #tpu.memory_space<vmem>>
    %dma_start3A_48 = arith.constant 0 : i32
    %dma_start3A_49 = tpu.memref_slice %arg5[%dma_start3A_41, %dma_start3A_42, %dma_start3A_48] : memref<2x5x128xi32, #tpu.memory_space<vmem>> -> memref<1x1x128xi32, #tpu.memory_space<vmem>>
    %dma_start3A_50 = tpu.memref_squeeze %dma_start3A_49 : memref<1x1x128xi32, #tpu.memory_space<vmem>> -> memref<128xi32, #tpu.memory_space<vmem>>
    %dma_start3A_51 = arith.constant 0 : i32
    %dma_start3A_52 = arith.constant 0 : i32
    %dma_start3A_53 = tpu.memref_slice %arg3[%dma_start3A_51, %dma_start3A_52] : memref<1000000x32xf32, #tpu.memory_space<hbm>> -> memref<1000000x32xf32, #tpu.memory_space<hbm>>
    tpu.enqueue_indirect_dma source(%dma_start3A_53 : memref<1000000x32xf32, #tpu.memory_space<hbm>>) target(%dma_start3A_47 : memref<128x32xf32, #tpu.memory_space<vmem>>) offsets(%dma_start3A_50 : memref<128xi32, #tpu.memory_space<vmem>>) semaphore(%arg8 : memref<!tpu.dma_semaphore, #tpu.memory_space<semaphore_mem>>)
    %dma_start3A_54 = arith.constant 0 : i32
    %dma_start3A_55 = arith.constant 4 : i32
    %dma_start3A_56 = arith.constant 0 : i32
    %dma_start3A_57 = arith.constant 512 : i32
    %dma_start3A_58 = arith.constant 0 : i32
    %dma_start3A_59 = tpu.memref_slice %arg6[%dma_start3A_56, %dma_start3A_57, %dma_start3A_58] : memref<2x640x32xf32, #tpu.memory_space<vmem>> -> memref<1x128x32xf32, #tpu.memory_space<vmem>>
    %dma_start3A_60 = tpu.memref_squeeze %dma_start3A_59 : memref<1x128x32xf32, #tpu.memory_space<vmem>> -> memref<128x32xf32, #tpu.memory_space<vmem>>
    %dma_start3A_61 = arith.constant 0 : i32
    %dma_start3A_62 = tpu.memref_slice %arg5[%dma_start3A_54, %dma_start3A_55, %dma_start3A_61] : memref<2x5x128xi32, #tpu.memory_space<vmem>> -> memref<1x1x128xi32, #tpu.memory_space<vmem>>
    %dma_start3A_63 = tpu.memref_squeeze %dma_start3A_62 : memref<1x1x128xi32, #tpu.memory_space<vmem>> -> memref<128xi32, #tpu.memory_space<vmem>>
    %dma_start3A_64 = arith.constant 0 : i32
    %dma_start3A_65 = arith.constant 0 : i32
    %dma_start3A_66 = tpu.memref_slice %arg3[%dma_start3A_64, %dma_start3A_65] : memref<1000000x32xf32, #tpu.memory_space<hbm>> -> memref<1000000x32xf32, #tpu.memory_space<hbm>>
    tpu.enqueue_indirect_dma source(%dma_start3A_66 : memref<1000000x32xf32, #tpu.memory_space<hbm>>) target(%dma_start3A_60 : memref<128x32xf32, #tpu.memory_space<vmem>>) offsets(%dma_start3A_63 : memref<128xi32, #tpu.memory_space<vmem>>) semaphore(%arg8 : memref<!tpu.dma_semaphore, #tpu.memory_space<semaphore_mem>>)
    %run_scoped3A_67 = arith.constant 1 : i32
    "tpu.region"() ({
      %run_scoped3A_183 = tpu.sem_alloc : memref<!tpu.dma_semaphore, #tpu.memory_space<semaphore_mem>>
      %dma_start3A_184 = arith.constant 0 : i32
      %dma_start3A_185 = arith.constant 0 : i32
      %dma_start3A_186 = tpu.memref_slice %arg5[%run_scoped3A_67, %dma_start3A_184, %dma_start3A_185] : memref<2x5x128xi32, #tpu.memory_space<vmem>> -> memref<1x5x128xi32, #tpu.memory_space<vmem>>
      %dma_start3A_187 = tpu.memref_squeeze %dma_start3A_186 : memref<1x5x128xi32, #tpu.memory_space<vmem>> -> memref<5x128xi32, #tpu.memory_space<vmem>>
      %dma_start3A_188 = arith.constant 5 : i32
      %dma_start3A_189 = tpu.memref_slice %arg2[%dma_start3A_188, %mul3A_2] : memref<200x4096xi32, #tpu.memory_space<hbm>> -> memref<5x128xi32, #tpu.memory_space<hbm>>
      %dma_start3A_190 = arith.constant 0 : i32
      %dma_start3A_191 = arith.constant 0 : i32
      %dma_start3A_192 = tpu.memref_slice %arg5[%run_scoped3A_67, %dma_start3A_190, %dma_start3A_191] : memref<2x5x128xi32, #tpu.memory_space<vmem>> -> memref<1x5x128xi32, #tpu.memory_space<vmem>>
      %dma_start3A_193 = tpu.memref_squeeze %dma_start3A_192 : memref<1x5x128xi32, #tpu.memory_space<vmem>> -> memref<5x128xi32, #tpu.memory_space<vmem>>
      %dma_start3A_194 = arith.constant 5 : i32
      %dma_start3A_195 = tpu.memref_slice %arg2[%dma_start3A_194, %mul3A_2] : memref<200x4096xi32, #tpu.memory_space<hbm>> -> memref<5x128xi32, #tpu.memory_space<hbm>>
      tpu.enqueue_dma source(%dma_start3A_195 : memref<5x128xi32, #tpu.memory_space<hbm>>) target(%dma_start3A_193 : memref<5x128xi32, #tpu.memory_space<vmem>>) target_semaphore(%run_scoped3A_183 : memref<!tpu.dma_semaphore, #tpu.memory_space<semaphore_mem>>)
      %dma_wait3A_196 = arith.constant 0 : i32
      %dma_wait3A_197 = arith.constant 0 : i32
      %dma_wait3A_198 = tpu.memref_slice %arg5[%run_scoped3A_67, %dma_wait3A_196, %dma_wait3A_197] : memref<2x5x128xi32, #tpu.memory_space<vmem>> -> memref<1x5x128xi32, #tpu.memory_space<vmem>>
      %dma_wait3A_199 = tpu.memref_squeeze %dma_wait3A_198 : memref<1x5x128xi32, #tpu.memory_space<vmem>> -> memref<5x128xi32, #tpu.memory_space<vmem>>
      %dma_wait3A_200 = arith.constant 5 : i32
      %dma_wait3A_201 = tpu.memref_slice %arg2[%dma_wait3A_200, %mul3A_2] : memref<200x4096xi32, #tpu.memory_space<hbm>> -> memref<5x128xi32, #tpu.memory_space<hbm>>
      %dma_wait3A_202 = arith.constant 0 : i32
      %dma_wait3A_203 = arith.constant 0 : i32
      %dma_wait3A_204 = tpu.memref_slice %arg5[%run_scoped3A_67, %dma_wait3A_202, %dma_wait3A_203] : memref<2x5x128xi32, #tpu.memory_space<vmem>> -> memref<1x5x128xi32, #tpu.memory_space<vmem>>
      %dma_wait3A_205 = tpu.memref_squeeze %dma_wait3A_204 : memref<1x5x128xi32, #tpu.memory_space<vmem>> -> memref<5x128xi32, #tpu.memory_space<vmem>>
      %dma_wait3A_206 = arith.constant 5 : i32
      %dma_wait3A_207 = tpu.memref_slice %arg2[%dma_wait3A_206, %mul3A_2] : memref<200x4096xi32, #tpu.memory_space<hbm>> -> memref<5x128xi32, #tpu.memory_space<hbm>>
      tpu.wait_dma2 semaphore(%run_scoped3A_183 : memref<!tpu.dma_semaphore, #tpu.memory_space<semaphore_mem>>) src(%dma_wait3A_207 : memref<5x128xi32, #tpu.memory_space<hbm>>) dst(%dma_wait3A_205 : memref<5x128xi32, #tpu.memory_space<vmem>>)
      tpu.yield
    }) : () -> ()
    %dma_start3A_68 = arith.constant 1 : i32
    %dma_start3A_69 = arith.constant 0 : i32
    %dma_start3A_70 = arith.constant 1 : i32
    %dma_start3A_71 = arith.constant 0 : i32
    %dma_start3A_72 = arith.constant 0 : i32
    %dma_start3A_73 = tpu.memref_slice %arg6[%dma_start3A_70, %dma_start3A_71, %dma_start3A_72] : memref<2x640x32xf32, #tpu.memory_space<vmem>> -> memref<1x128x32xf32, #tpu.memory_space<vmem>>
    %dma_start3A_74 = tpu.memref_squeeze %dma_start3A_73 : memref<1x128x32xf32, #tpu.memory_space<vmem>> -> memref<128x32xf32, #tpu.memory_space<vmem>>
    %dma_start3A_75 = arith.constant 0 : i32
    %dma_start3A_76 = tpu.memref_slice %arg5[%dma_start3A_68, %dma_start3A_69, %dma_start3A_75] : memref<2x5x128xi32, #tpu.memory_space<vmem>> -> memref<1x1x128xi32, #tpu.memory_space<vmem>>
    %dma_start3A_77 = tpu.memref_squeeze %dma_start3A_76 : memref<1x1x128xi32, #tpu.memory_space<vmem>> -> memref<128xi32, #tpu.memory_space<vmem>>
    %dma_start3A_78 = arith.constant 0 : i32
    %dma_start3A_79 = arith.constant 0 : i32
    %dma_start3A_80 = tpu.memref_slice %arg3[%dma_start3A_78, %dma_start3A_79] : memref<1000000x32xf32, #tpu.memory_space<hbm>> -> memref<1000000x32xf32, #tpu.memory_space<hbm>>
    tpu.enqueue_indirect_dma source(%dma_start3A_80 : memref<1000000x32xf32, #tpu.memory_space<hbm>>) target(%dma_start3A_74 : memref<128x32xf32, #tpu.memory_space<vmem>>) offsets(%dma_start3A_77 : memref<128xi32, #tpu.memory_space<vmem>>) semaphore(%arg9 : memref<!tpu.dma_semaphore, #tpu.memory_space<semaphore_mem>>)
    %dma_start3A_81 = arith.constant 1 : i32
    %dma_start3A_82 = arith.constant 1 : i32
    %dma_start3A_83 = arith.constant 1 : i32
    %dma_start3A_84 = arith.constant 128 : i32
    %dma_start3A_85 = arith.constant 0 : i32
    %dma_start3A_86 = tpu.memref_slice %arg6[%dma_start3A_83, %dma_start3A_84, %dma_start3A_85] : memref<2x640x32xf32, #tpu.memory_space<vmem>> -> memref<1x128x32xf32, #tpu.memory_space<vmem>>
    %dma_start3A_87 = tpu.memref_squeeze %dma_start3A_86 : memref<1x128x32xf32, #tpu.memory_space<vmem>> -> memref<128x32xf32, #tpu.memory_space<vmem>>
    %dma_start3A_88 = arith.constant 0 : i32
    %dma_start3A_89 = tpu.memref_slice %arg5[%dma_start3A_81, %dma_start3A_82, %dma_start3A_88] : memref<2x5x128xi32, #tpu.memory_space<vmem>> -> memref<1x1x128xi32, #tpu.memory_space<vmem>>
    %dma_start3A_90 = tpu.memref_squeeze %dma_start3A_89 : memref<1x1x128xi32, #tpu.memory_space<vmem>> -> memref<128xi32, #tpu.memory_space<vmem>>
    %dma_start3A_91 = arith.constant 0 : i32
    %dma_start3A_92 = arith.constant 0 : i32
    %dma_start3A_93 = tpu.memref_slice %arg3[%dma_start3A_91, %dma_start3A_92] : memref<1000000x32xf32, #tpu.memory_space<hbm>> -> memref<1000000x32xf32, #tpu.memory_space<hbm>>
    tpu.enqueue_indirect_dma source(%dma_start3A_93 : memref<1000000x32xf32, #tpu.memory_space<hbm>>) target(%dma_start3A_87 : memref<128x32xf32, #tpu.memory_space<vmem>>) offsets(%dma_start3A_90 : memref<128xi32, #tpu.memory_space<vmem>>) semaphore(%arg9 : memref<!tpu.dma_semaphore, #tpu.memory_space<semaphore_mem>>)
    %dma_start3A_94 = arith.constant 1 : i32
    %dma_start3A_95 = arith.constant 2 : i32
    %dma_start3A_96 = arith.constant 1 : i32
    %dma_start3A_97 = arith.constant 256 : i32
    %dma_start3A_98 = arith.constant 0 : i32
    %dma_start3A_99 = tpu.memref_slice %arg6[%dma_start3A_96, %dma_start3A_97, %dma_start3A_98] : memref<2x640x32xf32, #tpu.memory_space<vmem>> -> memref<1x128x32xf32, #tpu.memory_space<vmem>>
    %dma_start3A_100 = tpu.memref_squeeze %dma_start3A_99 : memref<1x128x32xf32, #tpu.memory_space<vmem>> -> memref<128x32xf32, #tpu.memory_space<vmem>>
    %dma_start3A_101 = arith.constant 0 : i32
    %dma_start3A_102 = tpu.memref_slice %arg5[%dma_start3A_94, %dma_start3A_95, %dma_start3A_101] : memref<2x5x128xi32, #tpu.memory_space<vmem>> -> memref<1x1x128xi32, #tpu.memory_space<vmem>>
    %dma_start3A_103 = tpu.memref_squeeze %dma_start3A_102 : memref<1x1x128xi32, #tpu.memory_space<vmem>> -> memref<128xi32, #tpu.memory_space<vmem>>
    %dma_start3A_104 = arith.constant 0 : i32
    %dma_start3A_105 = arith.constant 0 : i32
    %dma_start3A_106 = tpu.memref_slice %arg3[%dma_start3A_104, %dma_start3A_105] : memref<1000000x32xf32, #tpu.memory_space<hbm>> -> memref<1000000x32xf32, #tpu.memory_space<hbm>>
    tpu.enqueue_indirect_dma source(%dma_start3A_106 : memref<1000000x32xf32, #tpu.memory_space<hbm>>) target(%dma_start3A_100 : memref<128x32xf32, #tpu.memory_space<vmem>>) offsets(%dma_start3A_103 : memref<128xi32, #tpu.memory_space<vmem>>) semaphore(%arg9 : memref<!tpu.dma_semaphore, #tpu.memory_space<semaphore_mem>>)
    %dma_start3A_107 = arith.constant 1 : i32
    %dma_start3A_108 = arith.constant 3 : i32
    %dma_start3A_109 = arith.constant 1 : i32
    %dma_start3A_110 = arith.constant 384 : i32
    %dma_start3A_111 = arith.constant 0 : i32
    %dma_start3A_112 = tpu.memref_slice %arg6[%dma_start3A_109, %dma_start3A_110, %dma_start3A_111] : memref<2x640x32xf32, #tpu.memory_space<vmem>> -> memref<1x128x32xf32, #tpu.memory_space<vmem>>
    %dma_start3A_113 = tpu.memref_squeeze %dma_start3A_112 : memref<1x128x32xf32, #tpu.memory_space<vmem>> -> memref<128x32xf32, #tpu.memory_space<vmem>>
    %dma_start3A_114 = arith.constant 0 : i32
    %dma_start3A_115 = tpu.memref_slice %arg5[%dma_start3A_107, %dma_start3A_108, %dma_start3A_114] : memref<2x5x128xi32, #tpu.memory_space<vmem>> -> memref<1x1x128xi32, #tpu.memory_space<vmem>>
    %dma_start3A_116 = tpu.memref_squeeze %dma_start3A_115 : memref<1x1x128xi32, #tpu.memory_space<vmem>> -> memref<128xi32, #tpu.memory_space<vmem>>
    %dma_start3A_117 = arith.constant 0 : i32
    %dma_start3A_118 = arith.constant 0 : i32
    %dma_start3A_119 = tpu.memref_slice %arg3[%dma_start3A_117, %dma_start3A_118] : memref<1000000x32xf32, #tpu.memory_space<hbm>> -> memref<1000000x32xf32, #tpu.memory_space<hbm>>
    tpu.enqueue_indirect_dma source(%dma_start3A_119 : memref<1000000x32xf32, #tpu.memory_space<hbm>>) target(%dma_start3A_113 : memref<128x32xf32, #tpu.memory_space<vmem>>) offsets(%dma_start3A_116 : memref<128xi32, #tpu.memory_space<vmem>>) semaphore(%arg9 : memref<!tpu.dma_semaphore, #tpu.memory_space<semaphore_mem>>)
    %dma_start3A_120 = arith.constant 1 : i32
    %dma_start3A_121 = arith.constant 4 : i32
    %dma_start3A_122 = arith.constant 1 : i32
    %dma_start3A_123 = arith.constant 512 : i32
    %dma_start3A_124 = arith.constant 0 : i32
    %dma_start3A_125 = tpu.memref_slice %arg6[%dma_start3A_122, %dma_start3A_123, %dma_start3A_124] : memref<2x640x32xf32, #tpu.memory_space<vmem>> -> memref<1x128x32xf32, #tpu.memory_space<vmem>>
    %dma_start3A_126 = tpu.memref_squeeze %dma_start3A_125 : memref<1x128x32xf32, #tpu.memory_space<vmem>> -> memref<128x32xf32, #tpu.memory_space<vmem>>
    %dma_start3A_127 = arith.constant 0 : i32
    %dma_start3A_128 = tpu.memref_slice %arg5[%dma_start3A_120, %dma_start3A_121, %dma_start3A_127] : memref<2x5x128xi32, #tpu.memory_space<vmem>> -> memref<1x1x128xi32, #tpu.memory_space<vmem>>
    %dma_start3A_129 = tpu.memref_squeeze %dma_start3A_128 : memref<1x1x128xi32, #tpu.memory_space<vmem>> -> memref<128xi32, #tpu.memory_space<vmem>>
    %dma_start3A_130 = arith.constant 0 : i32
    %dma_start3A_131 = arith.constant 0 : i32
    %dma_start3A_132 = tpu.memref_slice %arg3[%dma_start3A_130, %dma_start3A_131] : memref<1000000x32xf32, #tpu.memory_space<hbm>> -> memref<1000000x32xf32, #tpu.memory_space<hbm>>
    tpu.enqueue_indirect_dma source(%dma_start3A_132 : memref<1000000x32xf32, #tpu.memory_space<hbm>>) target(%dma_start3A_126 : memref<128x32xf32, #tpu.memory_space<vmem>>) offsets(%dma_start3A_129 : memref<128xi32, #tpu.memory_space<vmem>>) semaphore(%arg9 : memref<!tpu.dma_semaphore, #tpu.memory_space<semaphore_mem>>)
    %scan3A = arith.constant 0 : i32
    %scan3A_133 = arith.constant 0 : i32
    %scan3A_134 = arith.constant 20 : i32
    %scan3A_135 = arith.addi %scan3A_133, %scan3A_134 : i32
    %scan3A_136 = arith.constant 1 : i32
    scf.for %scan3A_183 = %scan3A_133 to %scan3A_135 step %scan3A_136  : i32 {
      %mul3A_184 = arith.constant 2 : i32
      %mul3A_185 = arith.muli %mul3A_184, %scan3A_183 : i32
      %dma_wait3A_186 = arith.constant 0 : i32
      %dma_wait3A_187 = arith.constant 0 : i32
      %dma_wait3A_188 = arith.constant 0 : i32
      %dma_wait3A_189 = tpu.memref_slice %arg6[%dma_wait3A_186, %dma_wait3A_187, %dma_wait3A_188] : memref<2x640x32xf32, #tpu.memory_space<vmem>> -> memref<1x640x32xf32, #tpu.memory_space<vmem>>
      %dma_wait3A_190 = tpu.memref_squeeze %dma_wait3A_189 : memref<1x640x32xf32, #tpu.memory_space<vmem>> -> memref<640x32xf32, #tpu.memory_space<vmem>>
      %dma_wait3A_191 = arith.constant 0 : i32
      %dma_wait3A_192 = arith.constant 0 : i32
      %dma_wait3A_193 = tpu.memref_slice %arg3[%dma_wait3A_191, %dma_wait3A_192] : memref<1000000x32xf32, #tpu.memory_space<hbm>> -> memref<640x32xf32, #tpu.memory_space<hbm>>
      %dma_wait3A_194 = arith.constant 0 : i32
      %dma_wait3A_195 = arith.constant 0 : i32
      %dma_wait3A_196 = tpu.memref_slice %arg6[%dma_wait3A_186, %dma_wait3A_194, %dma_wait3A_195] : memref<2x640x32xf32, #tpu.memory_space<vmem>> -> memref<1x640x32xf32, #tpu.memory_space<vmem>>
      %dma_wait3A_197 = tpu.memref_squeeze %dma_wait3A_196 : memref<1x640x32xf32, #tpu.memory_space<vmem>> -> memref<640x32xf32, #tpu.memory_space<vmem>>
      %dma_wait3A_198 = arith.constant 0 : i32
      %dma_wait3A_199 = arith.constant 0 : i32
      %dma_wait3A_200 = tpu.memref_slice %arg3[%dma_wait3A_198, %dma_wait3A_199] : memref<1000000x32xf32, #tpu.memory_space<hbm>> -> memref<640x32xf32, #tpu.memory_space<hbm>>
      tpu.wait_dma2 semaphore(%arg8 : memref<!tpu.dma_semaphore, #tpu.memory_space<semaphore_mem>>) src(%dma_wait3A_200 : memref<640x32xf32, #tpu.memory_space<hbm>>) dst(%dma_wait3A_197 : memref<640x32xf32, #tpu.memory_space<vmem>>)
      %ge3A = arith.constant 1 : i32
      %ge3A_201 = arith.cmpi sge, %scan3A_183, %ge3A : i32
      %convert_element_type3A = arith.extui %ge3A_201 : i1 to i32
      %cond3A = arith.constant 0 : i32
      %cond3A_202 = arith.cmpi ne, %convert_element_type3A, %cond3A : i32
      scf.if %cond3A_202 {
        %dma_wait3A_742 = arith.constant 0 : i32
        %dma_wait3A_743 = arith.constant 0 : i32
        %dma_wait3A_744 = arith.constant 0 : i32
        %dma_wait3A_745 = arith.constant 0 : i32
        %dma_wait3A_746 = arith.constant 0 : i32
        %dma_wait3A_747 = arith.constant 0 : i32
        %dma_wait3A_748 = tpu.memref_slice %arg7[%dma_wait3A_744, %dma_wait3A_745, %dma_wait3A_746, %dma_wait3A_747] : memref<2x20x8x128xf32, #tpu.memory_space<vmem>> -> memref<1x20x8x128xf32, #tpu.memory_space<vmem>>
        %dma_wait3A_749 = tpu.memref_squeeze %dma_wait3A_748 : memref<1x20x8x128xf32, #tpu.memory_space<vmem>> -> memref<20x8x128xf32, #tpu.memory_space<vmem>>
        %dma_wait3A_750 = arith.constant 0 : i32
        %dma_wait3A_751 = arith.constant 0 : i32
        %dma_wait3A_752 = arith.constant 0 : i32
        %dma_wait3A_753 = tpu.memref_slice %arg4[%dma_wait3A_750, %dma_wait3A_742, %dma_wait3A_743, %dma_wait3A_751, %dma_wait3A_752] : memref<200x4x32x8x128xf32, #tpu.memory_space<hbm>> -> memref<20x1x1x8x128xf32, #tpu.memory_space<hbm>>
        %dma_wait3A_754 = tpu.memref_squeeze %dma_wait3A_753 : memref<20x1x1x8x128xf32, #tpu.memory_space<hbm>> -> memref<20x8x128xf32, #tpu.memory_space<hbm>>
        %dma_wait3A_755 = arith.constant 0 : i32
        %dma_wait3A_756 = arith.constant 0 : i32
        %dma_wait3A_757 = arith.constant 0 : i32
        %dma_wait3A_758 = tpu.memref_slice %arg7[%dma_wait3A_744, %dma_wait3A_755, %dma_wait3A_756, %dma_wait3A_757] : memref<2x20x8x128xf32, #tpu.memory_space<vmem>> -> memref<1x20x8x128xf32, #tpu.memory_space<vmem>>
        %dma_wait3A_759 = tpu.memref_squeeze %dma_wait3A_758 : memref<1x20x8x128xf32, #tpu.memory_space<vmem>> -> memref<20x8x128xf32, #tpu.memory_space<vmem>>
        %dma_wait3A_760 = arith.constant 0 : i32
        %dma_wait3A_761 = arith.constant 0 : i32
        %dma_wait3A_762 = arith.constant 0 : i32
        %dma_wait3A_763 = tpu.memref_slice %arg4[%dma_wait3A_760, %dma_wait3A_742, %dma_wait3A_743, %dma_wait3A_761, %dma_wait3A_762] : memref<200x4x32x8x128xf32, #tpu.memory_space<hbm>> -> memref<20x1x1x8x128xf32, #tpu.memory_space<hbm>>
        %dma_wait3A_764 = tpu.memref_squeeze %dma_wait3A_763 : memref<20x1x1x8x128xf32, #tpu.memory_space<hbm>> -> memref<20x8x128xf32, #tpu.memory_space<hbm>>
        tpu.wait_dma2 semaphore(%arg10 : memref<!tpu.dma_semaphore, #tpu.memory_space<semaphore_mem>>) src(%dma_wait3A_764 : memref<20x8x128xf32, #tpu.memory_space<hbm>>) dst(%dma_wait3A_759 : memref<20x8x128xf32, #tpu.memory_space<vmem>>)
      } else {
      }
      %iota3A = tpu.iota {dimensions = array<i32: 0>} : vector<16xi32>
      %add3A_203 = arith.constant 0 : i32
      %add3A_204 = vector.broadcast %add3A_203 : i32 to vector<16xi32>
      %add3A_205 = arith.addi %iota3A, %add3A_204 : vector<16xi32>
      %iota3A_206 = tpu.iota {dimensions = array<i32: 0>} : vector<16xi32>
      %add3A_207 = arith.constant 16 : i32
      %add3A_208 = vector.broadcast %add3A_207 : i32 to vector<16xi32>
      %add3A_209 = arith.addi %iota3A_206, %add3A_208 : vector<16xi32>
      %iota3A_210 = tpu.iota {dimensions = array<i32: 0>} : vector<16xi32>
      %add3A_211 = arith.constant 32 : i32
      %add3A_212 = vector.broadcast %add3A_211 : i32 to vector<16xi32>
      %add3A_213 = arith.addi %iota3A_210, %add3A_212 : vector<16xi32>
      %iota3A_214 = tpu.iota {dimensions = array<i32: 0>} : vector<16xi32>
      %add3A_215 = arith.constant 48 : i32
      %add3A_216 = vector.broadcast %add3A_215 : i32 to vector<16xi32>
      %add3A_217 = arith.addi %iota3A_214, %add3A_216 : vector<16xi32>
      %iota3A_218 = tpu.iota {dimensions = array<i32: 0>} : vector<16xi32>
      %add3A_219 = arith.constant 64 : i32
      %add3A_220 = vector.broadcast %add3A_219 : i32 to vector<16xi32>
      %add3A_221 = arith.addi %iota3A_218, %add3A_220 : vector<16xi32>
      %iota3A_222 = tpu.iota {dimensions = array<i32: 0>} : vector<16xi32>
      %add3A_223 = arith.constant 80 : i32
      %add3A_224 = vector.broadcast %add3A_223 : i32 to vector<16xi32>
      %add3A_225 = arith.addi %iota3A_222, %add3A_224 : vector<16xi32>
      %iota3A_226 = tpu.iota {dimensions = array<i32: 0>} : vector<16xi32>
      %add3A_227 = arith.constant 96 : i32
      %add3A_228 = vector.broadcast %add3A_227 : i32 to vector<16xi32>
      %add3A_229 = arith.addi %iota3A_226, %add3A_228 : vector<16xi32>
      %iota3A_230 = tpu.iota {dimensions = array<i32: 0>} : vector<16xi32>
      %add3A_231 = arith.constant 112 : i32
      %add3A_232 = vector.broadcast %add3A_231 : i32 to vector<16xi32>
      %add3A_233 = arith.addi %iota3A_230, %add3A_232 : vector<16xi32>
      %iota3A_234 = tpu.iota {dimensions = array<i32: 0>} : vector<16xi32>
      %add3A_235 = arith.constant 128 : i32
      %add3A_236 = vector.broadcast %add3A_235 : i32 to vector<16xi32>
      %add3A_237 = arith.addi %iota3A_234, %add3A_236 : vector<16xi32>
      %iota3A_238 = tpu.iota {dimensions = array<i32: 0>} : vector<16xi32>
      %add3A_239 = arith.constant 144 : i32
      %add3A_240 = vector.broadcast %add3A_239 : i32 to vector<16xi32>
      %add3A_241 = arith.addi %iota3A_238, %add3A_240 : vector<16xi32>
      %iota3A_242 = tpu.iota {dimensions = array<i32: 0>} : vector<16xi32>
      %add3A_243 = arith.constant 160 : i32
      %add3A_244 = vector.broadcast %add3A_243 : i32 to vector<16xi32>
      %add3A_245 = arith.addi %iota3A_242, %add3A_244 : vector<16xi32>
      %iota3A_246 = tpu.iota {dimensions = array<i32: 0>} : vector<16xi32>
      %add3A_247 = arith.constant 176 : i32
      %add3A_248 = vector.broadcast %add3A_247 : i32 to vector<16xi32>
      %add3A_249 = arith.addi %iota3A_246, %add3A_248 : vector<16xi32>
      %iota3A_250 = tpu.iota {dimensions = array<i32: 0>} : vector<16xi32>
      %add3A_251 = arith.constant 192 : i32
      %add3A_252 = vector.broadcast %add3A_251 : i32 to vector<16xi32>
      %add3A_253 = arith.addi %iota3A_250, %add3A_252 : vector<16xi32>
      %iota3A_254 = tpu.iota {dimensions = array<i32: 0>} : vector<16xi32>
      %add3A_255 = arith.constant 208 : i32
      %add3A_256 = vector.broadcast %add3A_255 : i32 to vector<16xi32>
      %add3A_257 = arith.addi %iota3A_254, %add3A_256 : vector<16xi32>
      %iota3A_258 = tpu.iota {dimensions = array<i32: 0>} : vector<16xi32>
      %add3A_259 = arith.constant 224 : i32
      %add3A_260 = vector.broadcast %add3A_259 : i32 to vector<16xi32>
      %add3A_261 = arith.addi %iota3A_258, %add3A_260 : vector<16xi32>
      %iota3A_262 = tpu.iota {dimensions = array<i32: 0>} : vector<16xi32>
      %add3A_263 = arith.constant 240 : i32
      %add3A_264 = vector.broadcast %add3A_263 : i32 to vector<16xi32>
      %add3A_265 = arith.addi %iota3A_262, %add3A_264 : vector<16xi32>
      %iota3A_266 = tpu.iota {dimensions = array<i32: 0>} : vector<16xi32>
      %add3A_267 = arith.constant 256 : i32
      %add3A_268 = vector.broadcast %add3A_267 : i32 to vector<16xi32>
      %add3A_269 = arith.addi %iota3A_266, %add3A_268 : vector<16xi32>
      %iota3A_270 = tpu.iota {dimensions = array<i32: 0>} : vector<16xi32>
      %add3A_271 = arith.constant 272 : i32
      %add3A_272 = vector.broadcast %add3A_271 : i32 to vector<16xi32>
      %add3A_273 = arith.addi %iota3A_270, %add3A_272 : vector<16xi32>
      %iota3A_274 = tpu.iota {dimensions = array<i32: 0>} : vector<16xi32>
      %add3A_275 = arith.constant 288 : i32
      %add3A_276 = vector.broadcast %add3A_275 : i32 to vector<16xi32>
      %add3A_277 = arith.addi %iota3A_274, %add3A_276 : vector<16xi32>
      %iota3A_278 = tpu.iota {dimensions = array<i32: 0>} : vector<16xi32>
      %add3A_279 = arith.constant 304 : i32
      %add3A_280 = vector.broadcast %add3A_279 : i32 to vector<16xi32>
      %add3A_281 = arith.addi %iota3A_278, %add3A_280 : vector<16xi32>
      %iota3A_282 = tpu.iota {dimensions = array<i32: 0>} : vector<16xi32>
      %add3A_283 = arith.constant 320 : i32
      %add3A_284 = vector.broadcast %add3A_283 : i32 to vector<16xi32>
      %add3A_285 = arith.addi %iota3A_282, %add3A_284 : vector<16xi32>
      %iota3A_286 = tpu.iota {dimensions = array<i32: 0>} : vector<16xi32>
      %add3A_287 = arith.constant 336 : i32
      %add3A_288 = vector.broadcast %add3A_287 : i32 to vector<16xi32>
      %add3A_289 = arith.addi %iota3A_286, %add3A_288 : vector<16xi32>
      %iota3A_290 = tpu.iota {dimensions = array<i32: 0>} : vector<16xi32>
      %add3A_291 = arith.constant 352 : i32
      %add3A_292 = vector.broadcast %add3A_291 : i32 to vector<16xi32>
      %add3A_293 = arith.addi %iota3A_290, %add3A_292 : vector<16xi32>
      %iota3A_294 = tpu.iota {dimensions = array<i32: 0>} : vector<16xi32>
      %add3A_295 = arith.constant 368 : i32
      %add3A_296 = vector.broadcast %add3A_295 : i32 to vector<16xi32>
      %add3A_297 = arith.addi %iota3A_294, %add3A_296 : vector<16xi32>
      %iota3A_298 = tpu.iota {dimensions = array<i32: 0>} : vector<16xi32>
      %add3A_299 = arith.constant 384 : i32
      %add3A_300 = vector.broadcast %add3A_299 : i32 to vector<16xi32>
      %add3A_301 = arith.addi %iota3A_298, %add3A_300 : vector<16xi32>
      %iota3A_302 = tpu.iota {dimensions = array<i32: 0>} : vector<16xi32>
      %add3A_303 = arith.constant 400 : i32
      %add3A_304 = vector.broadcast %add3A_303 : i32 to vector<16xi32>
      %add3A_305 = arith.addi %iota3A_302, %add3A_304 : vector<16xi32>
      %iota3A_306 = tpu.iota {dimensions = array<i32: 0>} : vector<16xi32>
      %add3A_307 = arith.constant 416 : i32
      %add3A_308 = vector.broadcast %add3A_307 : i32 to vector<16xi32>
      %add3A_309 = arith.addi %iota3A_306, %add3A_308 : vector<16xi32>
      %iota3A_310 = tpu.iota {dimensions = array<i32: 0>} : vector<16xi32>
      %add3A_311 = arith.constant 432 : i32
      %add3A_312 = vector.broadcast %add3A_311 : i32 to vector<16xi32>
      %add3A_313 = arith.addi %iota3A_310, %add3A_312 : vector<16xi32>
      %iota3A_314 = tpu.iota {dimensions = array<i32: 0>} : vector<16xi32>
      %add3A_315 = arith.constant 448 : i32
      %add3A_316 = vector.broadcast %add3A_315 : i32 to vector<16xi32>
      %add3A_317 = arith.addi %iota3A_314, %add3A_316 : vector<16xi32>
      %iota3A_318 = tpu.iota {dimensions = array<i32: 0>} : vector<16xi32>
      %add3A_319 = arith.constant 464 : i32
      %add3A_320 = vector.broadcast %add3A_319 : i32 to vector<16xi32>
      %add3A_321 = arith.addi %iota3A_318, %add3A_320 : vector<16xi32>
      %iota3A_322 = tpu.iota {dimensions = array<i32: 0>} : vector<16xi32>
      %add3A_323 = arith.constant 480 : i32
      %add3A_324 = vector.broadcast %add3A_323 : i32 to vector<16xi32>
      %add3A_325 = arith.addi %iota3A_322, %add3A_324 : vector<16xi32>
      %iota3A_326 = tpu.iota {dimensions = array<i32: 0>} : vector<16xi32>
      %add3A_327 = arith.constant 496 : i32
      %add3A_328 = vector.broadcast %add3A_327 : i32 to vector<16xi32>
      %add3A_329 = arith.addi %iota3A_326, %add3A_328 : vector<16xi32>
      %iota3A_330 = tpu.iota {dimensions = array<i32: 0>} : vector<16xi32>
      %add3A_331 = arith.constant 512 : i32
      %add3A_332 = vector.broadcast %add3A_331 : i32 to vector<16xi32>
      %add3A_333 = arith.addi %iota3A_330, %add3A_332 : vector<16xi32>
      %iota3A_334 = tpu.iota {dimensions = array<i32: 0>} : vector<16xi32>
      %add3A_335 = arith.constant 528 : i32
      %add3A_336 = vector.broadcast %add3A_335 : i32 to vector<16xi32>
      %add3A_337 = arith.addi %iota3A_334, %add3A_336 : vector<16xi32>
      %iota3A_338 = tpu.iota {dimensions = array<i32: 0>} : vector<16xi32>
      %add3A_339 = arith.constant 544 : i32
      %add3A_340 = vector.broadcast %add3A_339 : i32 to vector<16xi32>
      %add3A_341 = arith.addi %iota3A_338, %add3A_340 : vector<16xi32>
      %iota3A_342 = tpu.iota {dimensions = array<i32: 0>} : vector<16xi32>
      %add3A_343 = arith.constant 560 : i32
      %add3A_344 = vector.broadcast %add3A_343 : i32 to vector<16xi32>
      %add3A_345 = arith.addi %iota3A_342, %add3A_344 : vector<16xi32>
      %iota3A_346 = tpu.iota {dimensions = array<i32: 0>} : vector<16xi32>
      %add3A_347 = arith.constant 576 : i32
      %add3A_348 = vector.broadcast %add3A_347 : i32 to vector<16xi32>
      %add3A_349 = arith.addi %iota3A_346, %add3A_348 : vector<16xi32>
      %iota3A_350 = tpu.iota {dimensions = array<i32: 0>} : vector<16xi32>
      %add3A_351 = arith.constant 592 : i32
      %add3A_352 = vector.broadcast %add3A_351 : i32 to vector<16xi32>
      %add3A_353 = arith.addi %iota3A_350, %add3A_352 : vector<16xi32>
      %iota3A_354 = tpu.iota {dimensions = array<i32: 0>} : vector<16xi32>
      %add3A_355 = arith.constant 608 : i32
      %add3A_356 = vector.broadcast %add3A_355 : i32 to vector<16xi32>
      %add3A_357 = arith.addi %iota3A_354, %add3A_356 : vector<16xi32>
      %iota3A_358 = tpu.iota {dimensions = array<i32: 0>} : vector<16xi32>
      %add3A_359 = arith.constant 624 : i32
      %add3A_360 = vector.broadcast %add3A_359 : i32 to vector<16xi32>
      %add3A_361 = arith.addi %iota3A_358, %add3A_360 : vector<16xi32>
      %parallel_loop3A = arith.constant 0 : i32
      %parallel_loop3A_362 = arith.constant 32 : i32
      %parallel_loop3A_363 = arith.constant 1 : i32
      %parallel_loop3A_364 = arith.constant 0 : i32
      scf.for %parallel_loop3A_742 = %parallel_loop3A to %parallel_loop3A_362 step %parallel_loop3A_363  : i32 {
        %parallel_loop3A_743 = arith.constant 8 : i32
        %parallel_loop3A_744 = arith.divsi %parallel_loop3A_742, %parallel_loop3A_743 : i32
        %parallel_loop3A_745 = arith.constant 0 : i32
        %parallel_loop3A_746 = arith.cmpi sgt, %parallel_loop3A_742, %parallel_loop3A_745 : i32
        %parallel_loop3A_747 = arith.extui %parallel_loop3A_746 : i1 to i32
        %parallel_loop3A_748 = arith.constant 0 : i32
        %parallel_loop3A_749 = arith.cmpi slt, %parallel_loop3A_742, %parallel_loop3A_748 : i32
        %parallel_loop3A_750 = arith.extui %parallel_loop3A_749 : i1 to i32
        %parallel_loop3A_751 = arith.subi %parallel_loop3A_747, %parallel_loop3A_750 : i32
        %parallel_loop3A_752 = arith.constant 0 : i32
        %parallel_loop3A_753 = arith.cmpi sgt, %parallel_loop3A_743, %parallel_loop3A_752 : i32
        %parallel_loop3A_754 = arith.extui %parallel_loop3A_753 : i1 to i32
        %parallel_loop3A_755 = arith.constant 0 : i32
        %parallel_loop3A_756 = arith.cmpi slt, %parallel_loop3A_743, %parallel_loop3A_755 : i32
        %parallel_loop3A_757 = arith.extui %parallel_loop3A_756 : i1 to i32
        %parallel_loop3A_758 = arith.subi %parallel_loop3A_754, %parallel_loop3A_757 : i32
        %parallel_loop3A_759 = arith.cmpi ne, %parallel_loop3A_751, %parallel_loop3A_758 : i32
        %parallel_loop3A_760 = arith.remsi %parallel_loop3A_742, %parallel_loop3A_743 : i32
        %parallel_loop3A_761 = arith.constant 0 : i32
        %parallel_loop3A_762 = arith.cmpi ne, %parallel_loop3A_760, %parallel_loop3A_761 : i32
        %parallel_loop3A_763 = arith.andi %parallel_loop3A_759, %parallel_loop3A_762 : i1
        %parallel_loop3A_764 = arith.constant 1 : i32
        %parallel_loop3A_765 = arith.subi %parallel_loop3A_744, %parallel_loop3A_764 : i32
        %parallel_loop3A_766 = arith.select %parallel_loop3A_763, %parallel_loop3A_765, %parallel_loop3A_744 : i32
        %parallel_loop3A_767 = arith.constant 8 : i32
        %parallel_loop3A_768 = arith.constant 0 : i32
        %parallel_loop3A_769 = arith.cmpi eq, %parallel_loop3A_767, %parallel_loop3A_768 : i32
        %parallel_loop3A_770 = arith.constant 1 : i32
        %parallel_loop3A_771 = arith.select %parallel_loop3A_769, %parallel_loop3A_770, %parallel_loop3A_767 : i32
        %parallel_loop3A_772 = arith.remsi %parallel_loop3A_742, %parallel_loop3A_771 : i32
        %parallel_loop3A_773 = arith.constant 0 : i32
        %parallel_loop3A_774 = arith.cmpi ne, %parallel_loop3A_772, %parallel_loop3A_773 : i32
        %parallel_loop3A_775 = arith.constant 0 : i32
        %parallel_loop3A_776 = arith.cmpi slt, %parallel_loop3A_772, %parallel_loop3A_775 : i32
        %parallel_loop3A_777 = arith.constant 0 : i32
        %parallel_loop3A_778 = arith.cmpi slt, %parallel_loop3A_771, %parallel_loop3A_777 : i32
        %parallel_loop3A_779 = arith.xori %parallel_loop3A_776, %parallel_loop3A_778 : i1
        %parallel_loop3A_780 = arith.andi %parallel_loop3A_779, %parallel_loop3A_774 : i1
        %parallel_loop3A_781 = arith.addi %parallel_loop3A_772, %parallel_loop3A_771 : i32
        %parallel_loop3A_782 = arith.select %parallel_loop3A_780, %parallel_loop3A_781, %parallel_loop3A_772 : i32
        %parallel_loop3A_783 = arith.constant 0 : i32
        %parallel_loop3A_784 = vector.broadcast %parallel_loop3A_783 : i32 to vector<16xi32>
        %parallel_loop3A_785 = vector.broadcast %parallel_loop3A_742 : i32 to vector<16xi32>
        %parallel_loop3A_786 = arith.addi %parallel_loop3A_784, %parallel_loop3A_785 : vector<16xi32>
        %parallel_loop3A_787 = arith.constant 5 : i32
        %parallel_loop3A_788 = arith.muli %parallel_loop3A_766, %parallel_loop3A_787 : i32
        %parallel_loop3A_789 = arith.constant 0 : i32
        %parallel_loop3A_790 = arith.constant 0 : i32
        %parallel_loop3A_791 = tpu.memref_slice %arg6[%parallel_loop3A_364, %parallel_loop3A_789, %parallel_loop3A_790] : memref<2x640x32xf32, #tpu.memory_space<vmem>> -> memref<1x640x32xf32, #tpu.memory_space<vmem>>
        %parallel_loop3A_792 = tpu.memref_squeeze %parallel_loop3A_791 : memref<1x640x32xf32, #tpu.memory_space<vmem>> -> memref<640x32xf32, #tpu.memory_space<vmem>>
        %parallel_loop3A_793 = tpu.vector_load_idx %parallel_loop3A_792[%add3A_205, %parallel_loop3A_786] : memref<640x32xf32, #tpu.memory_space<vmem>>[vector<16xi32>, vector<16xi32>], vector<16xf32>,
        %parallel_loop3A_794 = arith.constant 0 : i32
        %parallel_loop3A_795 = arith.addi %parallel_loop3A_788, %parallel_loop3A_794 : i32
        %parallel_loop3A_796 = arith.constant 0 : i32
        %parallel_loop3A_797 = arith.index_cast %parallel_loop3A_796 : i32 to index
        %parallel_loop3A_798 = arith.index_cast %parallel_loop3A_795 : i32 to index
        %parallel_loop3A_799 = arith.index_cast %parallel_loop3A_782 : i32 to index
        %parallel_loop3A_800 = arith.constant 0 : index
        %parallel_loop3A_801 = tpu.vector_load %arg7[%parallel_loop3A_797, %parallel_loop3A_798, %parallel_loop3A_799, %parallel_loop3A_800] {strides = array<i32>} : memref<2x20x8x128xf32, #tpu.memory_space<vmem>>, vector<16xf32>,
        tpu.vector_store %arg7[%parallel_loop3A_797, %parallel_loop3A_798, %parallel_loop3A_799, %parallel_loop3A_800], %parallel_loop3A_793 {strides = array<i32>} : memref<2x20x8x128xf32, #tpu.memory_space<vmem>>, vector<16xf32>,
        %parallel_loop3A_802 = arith.constant 0 : i32
        %parallel_loop3A_803 = arith.constant 0 : i32
        %parallel_loop3A_804 = tpu.memref_slice %arg6[%parallel_loop3A_364, %parallel_loop3A_802, %parallel_loop3A_803] : memref<2x640x32xf32, #tpu.memory_space<vmem>> -> memref<1x640x32xf32, #tpu.memory_space<vmem>>
        %parallel_loop3A_805 = tpu.memref_squeeze %parallel_loop3A_804 : memref<1x640x32xf32, #tpu.memory_space<vmem>> -> memref<640x32xf32, #tpu.memory_space<vmem>>
        %parallel_loop3A_806 = tpu.vector_load_idx %parallel_loop3A_805[%add3A_209, %parallel_loop3A_786] : memref<640x32xf32, #tpu.memory_space<vmem>>[vector<16xi32>, vector<16xi32>], vector<16xf32>,
        %parallel_loop3A_807 = arith.constant 0 : i32
        %parallel_loop3A_808 = arith.addi %parallel_loop3A_788, %parallel_loop3A_807 : i32
        %parallel_loop3A_809 = arith.constant 0 : i32
        %parallel_loop3A_810 = arith.index_cast %parallel_loop3A_809 : i32 to index
        %parallel_loop3A_811 = arith.index_cast %parallel_loop3A_808 : i32 to index
        %parallel_loop3A_812 = arith.index_cast %parallel_loop3A_782 : i32 to index
        %parallel_loop3A_813 = arith.constant 16 : index
        %parallel_loop3A_814 = tpu.vector_load %arg7[%parallel_loop3A_810, %parallel_loop3A_811, %parallel_loop3A_812, %parallel_loop3A_813] {strides = array<i32>} : memref<2x20x8x128xf32, #tpu.memory_space<vmem>>, vector<16xf32>,
        tpu.vector_store %arg7[%parallel_loop3A_810, %parallel_loop3A_811, %parallel_loop3A_812, %parallel_loop3A_813], %parallel_loop3A_806 {strides = array<i32>} : memref<2x20x8x128xf32, #tpu.memory_space<vmem>>, vector<16xf32>,
        %parallel_loop3A_815 = arith.constant 0 : i32
        %parallel_loop3A_816 = arith.constant 0 : i32
        %parallel_loop3A_817 = tpu.memref_slice %arg6[%parallel_loop3A_364, %parallel_loop3A_815, %parallel_loop3A_816] : memref<2x640x32xf32, #tpu.memory_space<vmem>> -> memref<1x640x32xf32, #tpu.memory_space<vmem>>
        %parallel_loop3A_818 = tpu.memref_squeeze %parallel_loop3A_817 : memref<1x640x32xf32, #tpu.memory_space<vmem>> -> memref<640x32xf32, #tpu.memory_space<vmem>>
        %parallel_loop3A_819 = tpu.vector_load_idx %parallel_loop3A_818[%add3A_213, %parallel_loop3A_786] : memref<640x32xf32, #tpu.memory_space<vmem>>[vector<16xi32>, vector<16xi32>], vector<16xf32>,
        %parallel_loop3A_820 = arith.constant 0 : i32
        %parallel_loop3A_821 = arith.addi %parallel_loop3A_788, %parallel_loop3A_820 : i32
        %parallel_loop3A_822 = arith.constant 0 : i32
        %parallel_loop3A_823 = arith.index_cast %parallel_loop3A_822 : i32 to index
        %parallel_loop3A_824 = arith.index_cast %parallel_loop3A_821 : i32 to index
        %parallel_loop3A_825 = arith.index_cast %parallel_loop3A_782 : i32 to index
        %parallel_loop3A_826 = arith.constant 32 : index
        %parallel_loop3A_827 = tpu.vector_load %arg7[%parallel_loop3A_823, %parallel_loop3A_824, %parallel_loop3A_825, %parallel_loop3A_826] {strides = array<i32>} : memref<2x20x8x128xf32, #tpu.memory_space<vmem>>, vector<16xf32>,
        tpu.vector_store %arg7[%parallel_loop3A_823, %parallel_loop3A_824, %parallel_loop3A_825, %parallel_loop3A_826], %parallel_loop3A_819 {strides = array<i32>} : memref<2x20x8x128xf32, #tpu.memory_space<vmem>>, vector<16xf32>,
        %parallel_loop3A_828 = arith.constant 0 : i32
        %parallel_loop3A_829 = arith.constant 0 : i32
        %parallel_loop3A_830 = tpu.memref_slice %arg6[%parallel_loop3A_364, %parallel_loop3A_828, %parallel_loop3A_829] : memref<2x640x32xf32, #tpu.memory_space<vmem>> -> memref<1x640x32xf32, #tpu.memory_space<vmem>>
        %parallel_loop3A_831 = tpu.memref_squeeze %parallel_loop3A_830 : memref<1x640x32xf32, #tpu.memory_space<vmem>> -> memref<640x32xf32, #tpu.memory_space<vmem>>
        %parallel_loop3A_832 = tpu.vector_load_idx %parallel_loop3A_831[%add3A_217, %parallel_loop3A_786] : memref<640x32xf32, #tpu.memory_space<vmem>>[vector<16xi32>, vector<16xi32>], vector<16xf32>,
        %parallel_loop3A_833 = arith.constant 0 : i32
        %parallel_loop3A_834 = arith.addi %parallel_loop3A_788, %parallel_loop3A_833 : i32
        %parallel_loop3A_835 = arith.constant 0 : i32
        %parallel_loop3A_836 = arith.index_cast %parallel_loop3A_835 : i32 to index
        %parallel_loop3A_837 = arith.index_cast %parallel_loop3A_834 : i32 to index
        %parallel_loop3A_838 = arith.index_cast %parallel_loop3A_782 : i32 to index
        %parallel_loop3A_839 = arith.constant 48 : index
        %parallel_loop3A_840 = tpu.vector_load %arg7[%parallel_loop3A_836, %parallel_loop3A_837, %parallel_loop3A_838, %parallel_loop3A_839] {strides = array<i32>} : memref<2x20x8x128xf32, #tpu.memory_space<vmem>>, vector<16xf32>,
        tpu.vector_store %arg7[%parallel_loop3A_836, %parallel_loop3A_837, %parallel_loop3A_838, %parallel_loop3A_839], %parallel_loop3A_832 {strides = array<i32>} : memref<2x20x8x128xf32, #tpu.memory_space<vmem>>, vector<16xf32>,
        %parallel_loop3A_841 = arith.constant 0 : i32
        %parallel_loop3A_842 = arith.constant 0 : i32
        %parallel_loop3A_843 = tpu.memref_slice %arg6[%parallel_loop3A_364, %parallel_loop3A_841, %parallel_loop3A_842] : memref<2x640x32xf32, #tpu.memory_space<vmem>> -> memref<1x640x32xf32, #tpu.memory_space<vmem>>
        %parallel_loop3A_844 = tpu.memref_squeeze %parallel_loop3A_843 : memref<1x640x32xf32, #tpu.memory_space<vmem>> -> memref<640x32xf32, #tpu.memory_space<vmem>>
        %parallel_loop3A_845 = tpu.vector_load_idx %parallel_loop3A_844[%add3A_221, %parallel_loop3A_786] : memref<640x32xf32, #tpu.memory_space<vmem>>[vector<16xi32>, vector<16xi32>], vector<16xf32>,
        %parallel_loop3A_846 = arith.constant 0 : i32
        %parallel_loop3A_847 = arith.addi %parallel_loop3A_788, %parallel_loop3A_846 : i32
        %parallel_loop3A_848 = arith.constant 0 : i32
        %parallel_loop3A_849 = arith.index_cast %parallel_loop3A_848 : i32 to index
        %parallel_loop3A_850 = arith.index_cast %parallel_loop3A_847 : i32 to index
        %parallel_loop3A_851 = arith.index_cast %parallel_loop3A_782 : i32 to index
        %parallel_loop3A_852 = arith.constant 64 : index
        %parallel_loop3A_853 = tpu.vector_load %arg7[%parallel_loop3A_849, %parallel_loop3A_850, %parallel_loop3A_851, %parallel_loop3A_852] {strides = array<i32>} : memref<2x20x8x128xf32, #tpu.memory_space<vmem>>, vector<16xf32>,
        tpu.vector_store %arg7[%parallel_loop3A_849, %parallel_loop3A_850, %parallel_loop3A_851, %parallel_loop3A_852], %parallel_loop3A_845 {strides = array<i32>} : memref<2x20x8x128xf32, #tpu.memory_space<vmem>>, vector<16xf32>,
        %parallel_loop3A_854 = arith.constant 0 : i32
        %parallel_loop3A_855 = arith.constant 0 : i32
        %parallel_loop3A_856 = tpu.memref_slice %arg6[%parallel_loop3A_364, %parallel_loop3A_854, %parallel_loop3A_855] : memref<2x640x32xf32, #tpu.memory_space<vmem>> -> memref<1x640x32xf32, #tpu.memory_space<vmem>>
        %parallel_loop3A_857 = tpu.memref_squeeze %parallel_loop3A_856 : memref<1x640x32xf32, #tpu.memory_space<vmem>> -> memref<640x32xf32, #tpu.memory_space<vmem>>
        %parallel_loop3A_858 = tpu.vector_load_idx %parallel_loop3A_857[%add3A_225, %parallel_loop3A_786] : memref<640x32xf32, #tpu.memory_space<vmem>>[vector<16xi32>, vector<16xi32>], vector<16xf32>,
        %parallel_loop3A_859 = arith.constant 0 : i32
        %parallel_loop3A_860 = arith.addi %parallel_loop3A_788, %parallel_loop3A_859 : i32
        %parallel_loop3A_861 = arith.constant 0 : i32
        %parallel_loop3A_862 = arith.index_cast %parallel_loop3A_861 : i32 to index
        %parallel_loop3A_863 = arith.index_cast %parallel_loop3A_860 : i32 to index
        %parallel_loop3A_864 = arith.index_cast %parallel_loop3A_782 : i32 to index
        %parallel_loop3A_865 = arith.constant 80 : index
        %parallel_loop3A_866 = tpu.vector_load %arg7[%parallel_loop3A_862, %parallel_loop3A_863, %parallel_loop3A_864, %parallel_loop3A_865] {strides = array<i32>} : memref<2x20x8x128xf32, #tpu.memory_space<vmem>>, vector<16xf32>,
        tpu.vector_store %arg7[%parallel_loop3A_862, %parallel_loop3A_863, %parallel_loop3A_864, %parallel_loop3A_865], %parallel_loop3A_858 {strides = array<i32>} : memref<2x20x8x128xf32, #tpu.memory_space<vmem>>, vector<16xf32>,
        %parallel_loop3A_867 = arith.constant 0 : i32
        %parallel_loop3A_868 = arith.constant 0 : i32
        %parallel_loop3A_869 = tpu.memref_slice %arg6[%parallel_loop3A_364, %parallel_loop3A_867, %parallel_loop3A_868] : memref<2x640x32xf32, #tpu.memory_space<vmem>> -> memref<1x640x32xf32, #tpu.memory_space<vmem>>
        %parallel_loop3A_870 = tpu.memref_squeeze %parallel_loop3A_869 : memref<1x640x32xf32, #tpu.memory_space<vmem>> -> memref<640x32xf32, #tpu.memory_space<vmem>>
        %parallel_loop3A_871 = tpu.vector_load_idx %parallel_loop3A_870[%add3A_229, %parallel_loop3A_786] : memref<640x32xf32, #tpu.memory_space<vmem>>[vector<16xi32>, vector<16xi32>], vector<16xf32>,
        %parallel_loop3A_872 = arith.constant 0 : i32
        %parallel_loop3A_873 = arith.addi %parallel_loop3A_788, %parallel_loop3A_872 : i32
        %parallel_loop3A_874 = arith.constant 0 : i32
        %parallel_loop3A_875 = arith.index_cast %parallel_loop3A_874 : i32 to index
        %parallel_loop3A_876 = arith.index_cast %parallel_loop3A_873 : i32 to index
        %parallel_loop3A_877 = arith.index_cast %parallel_loop3A_782 : i32 to index
        %parallel_loop3A_878 = arith.constant 96 : index
        %parallel_loop3A_879 = tpu.vector_load %arg7[%parallel_loop3A_875, %parallel_loop3A_876, %parallel_loop3A_877, %parallel_loop3A_878] {strides = array<i32>} : memref<2x20x8x128xf32, #tpu.memory_space<vmem>>, vector<16xf32>,
        tpu.vector_store %arg7[%parallel_loop3A_875, %parallel_loop3A_876, %parallel_loop3A_877, %parallel_loop3A_878], %parallel_loop3A_871 {strides = array<i32>} : memref<2x20x8x128xf32, #tpu.memory_space<vmem>>, vector<16xf32>,
        %parallel_loop3A_880 = arith.constant 0 : i32
        %parallel_loop3A_881 = arith.constant 0 : i32
        %parallel_loop3A_882 = tpu.memref_slice %arg6[%parallel_loop3A_364, %parallel_loop3A_880, %parallel_loop3A_881] : memref<2x640x32xf32, #tpu.memory_space<vmem>> -> memref<1x640x32xf32, #tpu.memory_space<vmem>>
        %parallel_loop3A_883 = tpu.memref_squeeze %parallel_loop3A_882 : memref<1x640x32xf32, #tpu.memory_space<vmem>> -> memref<640x32xf32, #tpu.memory_space<vmem>>
        %parallel_loop3A_884 = tpu.vector_load_idx %parallel_loop3A_883[%add3A_233, %parallel_loop3A_786] : memref<640x32xf32, #tpu.memory_space<vmem>>[vector<16xi32>, vector<16xi32>], vector<16xf32>,
        %parallel_loop3A_885 = arith.constant 0 : i32
        %parallel_loop3A_886 = arith.addi %parallel_loop3A_788, %parallel_loop3A_885 : i32
        %parallel_loop3A_887 = arith.constant 0 : i32
        %parallel_loop3A_888 = arith.index_cast %parallel_loop3A_887 : i32 to index
        %parallel_loop3A_889 = arith.index_cast %parallel_loop3A_886 : i32 to index
        %parallel_loop3A_890 = arith.index_cast %parallel_loop3A_782 : i32 to index
        %parallel_loop3A_891 = arith.constant 112 : index
        %parallel_loop3A_892 = tpu.vector_load %arg7[%parallel_loop3A_888, %parallel_loop3A_889, %parallel_loop3A_890, %parallel_loop3A_891] {strides = array<i32>} : memref<2x20x8x128xf32, #tpu.memory_space<vmem>>, vector<16xf32>,
        tpu.vector_store %arg7[%parallel_loop3A_888, %parallel_loop3A_889, %parallel_loop3A_890, %parallel_loop3A_891], %parallel_loop3A_884 {strides = array<i32>} : memref<2x20x8x128xf32, #tpu.memory_space<vmem>>, vector<16xf32>,
        %parallel_loop3A_893 = arith.constant 0 : i32
        %parallel_loop3A_894 = arith.constant 0 : i32
        %parallel_loop3A_895 = tpu.memref_slice %arg6[%parallel_loop3A_364, %parallel_loop3A_893, %parallel_loop3A_894] : memref<2x640x32xf32, #tpu.memory_space<vmem>> -> memref<1x640x32xf32, #tpu.memory_space<vmem>>
        %parallel_loop3A_896 = tpu.memref_squeeze %parallel_loop3A_895 : memref<1x640x32xf32, #tpu.memory_space<vmem>> -> memref<640x32xf32, #tpu.memory_space<vmem>>
        %parallel_loop3A_897 = tpu.vector_load_idx %parallel_loop3A_896[%add3A_237, %parallel_loop3A_786] : memref<640x32xf32, #tpu.memory_space<vmem>>[vector<16xi32>, vector<16xi32>], vector<16xf32>,
        %parallel_loop3A_898 = arith.constant 1 : i32
        %parallel_loop3A_899 = arith.addi %parallel_loop3A_788, %parallel_loop3A_898 : i32
        %parallel_loop3A_900 = arith.constant 0 : i32
        %parallel_loop3A_901 = arith.index_cast %parallel_loop3A_900 : i32 to index
        %parallel_loop3A_902 = arith.index_cast %parallel_loop3A_899 : i32 to index
        %parallel_loop3A_903 = arith.index_cast %parallel_loop3A_782 : i32 to index
        %parallel_loop3A_904 = arith.constant 0 : index
        %parallel_loop3A_905 = tpu.vector_load %arg7[%parallel_loop3A_901, %parallel_loop3A_902, %parallel_loop3A_903, %parallel_loop3A_904] {strides = array<i32>} : memref<2x20x8x128xf32, #tpu.memory_space<vmem>>, vector<16xf32>,
        tpu.vector_store %arg7[%parallel_loop3A_901, %parallel_loop3A_902, %parallel_loop3A_903, %parallel_loop3A_904], %parallel_loop3A_897 {strides = array<i32>} : memref<2x20x8x128xf32, #tpu.memory_space<vmem>>, vector<16xf32>,
        %parallel_loop3A_906 = arith.constant 0 : i32
        %parallel_loop3A_907 = arith.constant 0 : i32
        %parallel_loop3A_908 = tpu.memref_slice %arg6[%parallel_loop3A_364, %parallel_loop3A_906, %parallel_loop3A_907] : memref<2x640x32xf32, #tpu.memory_space<vmem>> -> memref<1x640x32xf32, #tpu.memory_space<vmem>>
        %parallel_loop3A_909 = tpu.memref_squeeze %parallel_loop3A_908 : memref<1x640x32xf32, #tpu.memory_space<vmem>> -> memref<640x32xf32, #tpu.memory_space<vmem>>
        %parallel_loop3A_910 = tpu.vector_load_idx %parallel_loop3A_909[%add3A_241, %parallel_loop3A_786] : memref<640x32xf32, #tpu.memory_space<vmem>>[vector<16xi32>, vector<16xi32>], vector<16xf32>,
        %parallel_loop3A_911 = arith.constant 1 : i32
        %parallel_loop3A_912 = arith.addi %parallel_loop3A_788, %parallel_loop3A_911 : i32
        %parallel_loop3A_913 = arith.constant 0 : i32
        %parallel_loop3A_914 = arith.index_cast %parallel_loop3A_913 : i32 to index
        %parallel_loop3A_915 = arith.index_cast %parallel_loop3A_912 : i32 to index
        %parallel_loop3A_916 = arith.index_cast %parallel_loop3A_782 : i32 to index
        %parallel_loop3A_917 = arith.constant 16 : index
        %parallel_loop3A_918 = tpu.vector_load %arg7[%parallel_loop3A_914, %parallel_loop3A_915, %parallel_loop3A_916, %parallel_loop3A_917] {strides = array<i32>} : memref<2x20x8x128xf32, #tpu.memory_space<vmem>>, vector<16xf32>,
        tpu.vector_store %arg7[%parallel_loop3A_914, %parallel_loop3A_915, %parallel_loop3A_916, %parallel_loop3A_917], %parallel_loop3A_910 {strides = array<i32>} : memref<2x20x8x128xf32, #tpu.memory_space<vmem>>, vector<16xf32>,
        %parallel_loop3A_919 = arith.constant 0 : i32
        %parallel_loop3A_920 = arith.constant 0 : i32
        %parallel_loop3A_921 = tpu.memref_slice %arg6[%parallel_loop3A_364, %parallel_loop3A_919, %parallel_loop3A_920] : memref<2x640x32xf32, #tpu.memory_space<vmem>> -> memref<1x640x32xf32, #tpu.memory_space<vmem>>
        %parallel_loop3A_922 = tpu.memref_squeeze %parallel_loop3A_921 : memref<1x640x32xf32, #tpu.memory_space<vmem>> -> memref<640x32xf32, #tpu.memory_space<vmem>>
        %parallel_loop3A_923 = tpu.vector_load_idx %parallel_loop3A_922[%add3A_245, %parallel_loop3A_786] : memref<640x32xf32, #tpu.memory_space<vmem>>[vector<16xi32>, vector<16xi32>], vector<16xf32>,
        %parallel_loop3A_924 = arith.constant 1 : i32
        %parallel_loop3A_925 = arith.addi %parallel_loop3A_788, %parallel_loop3A_924 : i32
        %parallel_loop3A_926 = arith.constant 0 : i32
        %parallel_loop3A_927 = arith.index_cast %parallel_loop3A_926 : i32 to index
        %parallel_loop3A_928 = arith.index_cast %parallel_loop3A_925 : i32 to index
        %parallel_loop3A_929 = arith.index_cast %parallel_loop3A_782 : i32 to index
        %parallel_loop3A_930 = arith.constant 32 : index
        %parallel_loop3A_931 = tpu.vector_load %arg7[%parallel_loop3A_927, %parallel_loop3A_928, %parallel_loop3A_929, %parallel_loop3A_930] {strides = array<i32>} : memref<2x20x8x128xf32, #tpu.memory_space<vmem>>, vector<16xf32>,
        tpu.vector_store %arg7[%parallel_loop3A_927, %parallel_loop3A_928, %parallel_loop3A_929, %parallel_loop3A_930], %parallel_loop3A_923 {strides = array<i32>} : memref<2x20x8x128xf32, #tpu.memory_space<vmem>>, vector<16xf32>,
        %parallel_loop3A_932 = arith.constant 0 : i32
        %parallel_loop3A_933 = arith.constant 0 : i32
        %parallel_loop3A_934 = tpu.memref_slice %arg6[%parallel_loop3A_364, %parallel_loop3A_932, %parallel_loop3A_933] : memref<2x640x32xf32, #tpu.memory_space<vmem>> -> memref<1x640x32xf32, #tpu.memory_space<vmem>>
        %parallel_loop3A_935 = tpu.memref_squeeze %parallel_loop3A_934 : memref<1x640x32xf32, #tpu.memory_space<vmem>> -> memref<640x32xf32, #tpu.memory_space<vmem>>
        %parallel_loop3A_936 = tpu.vector_load_idx %parallel_loop3A_935[%add3A_249, %parallel_loop3A_786] : memref<640x32xf32, #tpu.memory_space<vmem>>[vector<16xi32>, vector<16xi32>], vector<16xf32>,
        %parallel_loop3A_937 = arith.constant 1 : i32
        %parallel_loop3A_938 = arith.addi %parallel_loop3A_788, %parallel_loop3A_937 : i32
        %parallel_loop3A_939 = arith.constant 0 : i32
        %parallel_loop3A_940 = arith.index_cast %parallel_loop3A_939 : i32 to index
        %parallel_loop3A_941 = arith.index_cast %parallel_loop3A_938 : i32 to index
        %parallel_loop3A_942 = arith.index_cast %parallel_loop3A_782 : i32 to index
        %parallel_loop3A_943 = arith.constant 48 : index
        %parallel_loop3A_944 = tpu.vector_load %arg7[%parallel_loop3A_940, %parallel_loop3A_941, %parallel_loop3A_942, %parallel_loop3A_943] {strides = array<i32>} : memref<2x20x8x128xf32, #tpu.memory_space<vmem>>, vector<16xf32>,
        tpu.vector_store %arg7[%parallel_loop3A_940, %parallel_loop3A_941, %parallel_loop3A_942, %parallel_loop3A_943], %parallel_loop3A_936 {strides = array<i32>} : memref<2x20x8x128xf32, #tpu.memory_space<vmem>>, vector<16xf32>,
        %parallel_loop3A_945 = arith.constant 0 : i32
        %parallel_loop3A_946 = arith.constant 0 : i32
        %parallel_loop3A_947 = tpu.memref_slice %arg6[%parallel_loop3A_364, %parallel_loop3A_945, %parallel_loop3A_946] : memref<2x640x32xf32, #tpu.memory_space<vmem>> -> memref<1x640x32xf32, #tpu.memory_space<vmem>>
        %parallel_loop3A_948 = tpu.memref_squeeze %parallel_loop3A_947 : memref<1x640x32xf32, #tpu.memory_space<vmem>> -> memref<640x32xf32, #tpu.memory_space<vmem>>
        %parallel_loop3A_949 = tpu.vector_load_idx %parallel_loop3A_948[%add3A_253, %parallel_loop3A_786] : memref<640x32xf32, #tpu.memory_space<vmem>>[vector<16xi32>, vector<16xi32>], vector<16xf32>,
        %parallel_loop3A_950 = arith.constant 1 : i32
        %parallel_loop3A_951 = arith.addi %parallel_loop3A_788, %parallel_loop3A_950 : i32
        %parallel_loop3A_952 = arith.constant 0 : i32
        %parallel_loop3A_953 = arith.index_cast %parallel_loop3A_952 : i32 to index
        %parallel_loop3A_954 = arith.index_cast %parallel_loop3A_951 : i32 to index
        %parallel_loop3A_955 = arith.index_cast %parallel_loop3A_782 : i32 to index
        %parallel_loop3A_956 = arith.constant 64 : index
        %parallel_loop3A_957 = tpu.vector_load %arg7[%parallel_loop3A_953, %parallel_loop3A_954, %parallel_loop3A_955, %parallel_loop3A_956] {strides = array<i32>} : memref<2x20x8x128xf32, #tpu.memory_space<vmem>>, vector<16xf32>,
        tpu.vector_store %arg7[%parallel_loop3A_953, %parallel_loop3A_954, %parallel_loop3A_955, %parallel_loop3A_956], %parallel_loop3A_949 {strides = array<i32>} : memref<2x20x8x128xf32, #tpu.memory_space<vmem>>, vector<16xf32>,
        %parallel_loop3A_958 = arith.constant 0 : i32
        %parallel_loop3A_959 = arith.constant 0 : i32
        %parallel_loop3A_960 = tpu.memref_slice %arg6[%parallel_loop3A_364, %parallel_loop3A_958, %parallel_loop3A_959] : memref<2x640x32xf32, #tpu.memory_space<vmem>> -> memref<1x640x32xf32, #tpu.memory_space<vmem>>
        %parallel_loop3A_961 = tpu.memref_squeeze %parallel_loop3A_960 : memref<1x640x32xf32, #tpu.memory_space<vmem>> -> memref<640x32xf32, #tpu.memory_space<vmem>>
        %parallel_loop3A_962 = tpu.vector_load_idx %parallel_loop3A_961[%add3A_257, %parallel_loop3A_786] : memref<640x32xf32, #tpu.memory_space<vmem>>[vector<16xi32>, vector<16xi32>], vector<16xf32>,
        %parallel_loop3A_963 = arith.constant 1 : i32
        %parallel_loop3A_964 = arith.addi %parallel_loop3A_788, %parallel_loop3A_963 : i32
        %parallel_loop3A_965 = arith.constant 0 : i32
        %parallel_loop3A_966 = arith.index_cast %parallel_loop3A_965 : i32 to index
        %parallel_loop3A_967 = arith.index_cast %parallel_loop3A_964 : i32 to index
        %parallel_loop3A_968 = arith.index_cast %parallel_loop3A_782 : i32 to index
        %parallel_loop3A_969 = arith.constant 80 : index
        %parallel_loop3A_970 = tpu.vector_load %arg7[%parallel_loop3A_966, %parallel_loop3A_967, %parallel_loop3A_968, %parallel_loop3A_969] {strides = array<i32>} : memref<2x20x8x128xf32, #tpu.memory_space<vmem>>, vector<16xf32>,
        tpu.vector_store %arg7[%parallel_loop3A_966, %parallel_loop3A_967, %parallel_loop3A_968, %parallel_loop3A_969], %parallel_loop3A_962 {strides = array<i32>} : memref<2x20x8x128xf32, #tpu.memory_space<vmem>>, vector<16xf32>,
        %parallel_loop3A_971 = arith.constant 0 : i32
        %parallel_loop3A_972 = arith.constant 0 : i32
        %parallel_loop3A_973 = tpu.memref_slice %arg6[%parallel_loop3A_364, %parallel_loop3A_971, %parallel_loop3A_972] : memref<2x640x32xf32, #tpu.memory_space<vmem>> -> memref<1x640x32xf32, #tpu.memory_space<vmem>>
        %parallel_loop3A_974 = tpu.memref_squeeze %parallel_loop3A_973 : memref<1x640x32xf32, #tpu.memory_space<vmem>> -> memref<640x32xf32, #tpu.memory_space<vmem>>
        %parallel_loop3A_975 = tpu.vector_load_idx %parallel_loop3A_974[%add3A_261, %parallel_loop3A_786] : memref<640x32xf32, #tpu.memory_space<vmem>>[vector<16xi32>, vector<16xi32>], vector<16xf32>,
        %parallel_loop3A_976 = arith.constant 1 : i32
        %parallel_loop3A_977 = arith.addi %parallel_loop3A_788, %parallel_loop3A_976 : i32
        %parallel_loop3A_978 = arith.constant 0 : i32
        %parallel_loop3A_979 = arith.index_cast %parallel_loop3A_978 : i32 to index
        %parallel_loop3A_980 = arith.index_cast %parallel_loop3A_977 : i32 to index
        %parallel_loop3A_981 = arith.index_cast %parallel_loop3A_782 : i32 to index
        %parallel_loop3A_982 = arith.constant 96 : index
        %parallel_loop3A_983 = tpu.vector_load %arg7[%parallel_loop3A_979, %parallel_loop3A_980, %parallel_loop3A_981, %parallel_loop3A_982] {strides = array<i32>} : memref<2x20x8x128xf32, #tpu.memory_space<vmem>>, vector<16xf32>,
        tpu.vector_store %arg7[%parallel_loop3A_979, %parallel_loop3A_980, %parallel_loop3A_981, %parallel_loop3A_982], %parallel_loop3A_975 {strides = array<i32>} : memref<2x20x8x128xf32, #tpu.memory_space<vmem>>, vector<16xf32>,
        %parallel_loop3A_984 = arith.constant 0 : i32
        %parallel_loop3A_985 = arith.constant 0 : i32
        %parallel_loop3A_986 = tpu.memref_slice %arg6[%parallel_loop3A_364, %parallel_loop3A_984, %parallel_loop3A_985] : memref<2x640x32xf32, #tpu.memory_space<vmem>> -> memref<1x640x32xf32, #tpu.memory_space<vmem>>
        %parallel_loop3A_987 = tpu.memref_squeeze %parallel_loop3A_986 : memref<1x640x32xf32, #tpu.memory_space<vmem>> -> memref<640x32xf32, #tpu.memory_space<vmem>>
        %parallel_loop3A_988 = tpu.vector_load_idx %parallel_loop3A_987[%add3A_265, %parallel_loop3A_786] : memref<640x32xf32, #tpu.memory_space<vmem>>[vector<16xi32>, vector<16xi32>], vector<16xf32>,
        %parallel_loop3A_989 = arith.constant 1 : i32
        %parallel_loop3A_990 = arith.addi %parallel_loop3A_788, %parallel_loop3A_989 : i32
        %parallel_loop3A_991 = arith.constant 0 : i32
        %parallel_loop3A_992 = arith.index_cast %parallel_loop3A_991 : i32 to index
        %parallel_loop3A_993 = arith.index_cast %parallel_loop3A_990 : i32 to index
        %parallel_loop3A_994 = arith.index_cast %parallel_loop3A_782 : i32 to index
        %parallel_loop3A_995 = arith.constant 112 : index
        %parallel_loop3A_996 = tpu.vector_load %arg7[%parallel_loop3A_992, %parallel_loop3A_993, %parallel_loop3A_994, %parallel_loop3A_995] {strides = array<i32>} : memref<2x20x8x128xf32, #tpu.memory_space<vmem>>, vector<16xf32>,
        tpu.vector_store %arg7[%parallel_loop3A_992, %parallel_loop3A_993, %parallel_loop3A_994, %parallel_loop3A_995], %parallel_loop3A_988 {strides = array<i32>} : memref<2x20x8x128xf32, #tpu.memory_space<vmem>>, vector<16xf32>,
        %parallel_loop3A_997 = arith.constant 0 : i32
        %parallel_loop3A_998 = arith.constant 0 : i32
        %parallel_loop3A_999 = tpu.memref_slice %arg6[%parallel_loop3A_364, %parallel_loop3A_997, %parallel_loop3A_998] : memref<2x640x32xf32, #tpu.memory_space<vmem>> -> memref<1x640x32xf32, #tpu.memory_space<vmem>>
        %parallel_loop3A_1000 = tpu.memref_squeeze %parallel_loop3A_999 : memref<1x640x32xf32, #tpu.memory_space<vmem>> -> memref<640x32xf32, #tpu.memory_space<vmem>>
        %parallel_loop3A_1001 = tpu.vector_load_idx %parallel_loop3A_1000[%add3A_269, %parallel_loop3A_786] : memref<640x32xf32, #tpu.memory_space<vmem>>[vector<16xi32>, vector<16xi32>], vector<16xf32>,
        %parallel_loop3A_1002 = arith.constant 2 : i32
        %parallel_loop3A_1003 = arith.addi %parallel_loop3A_788, %parallel_loop3A_1002 : i32
        %parallel_loop3A_1004 = arith.constant 0 : i32
        %parallel_loop3A_1005 = arith.index_cast %parallel_loop3A_1004 : i32 to index
        %parallel_loop3A_1006 = arith.index_cast %parallel_loop3A_1003 : i32 to index
        %parallel_loop3A_1007 = arith.index_cast %parallel_loop3A_782 : i32 to index
        %parallel_loop3A_1008 = arith.constant 0 : index
        %parallel_loop3A_1009 = tpu.vector_load %arg7[%parallel_loop3A_1005, %parallel_loop3A_1006, %parallel_loop3A_1007, %parallel_loop3A_1008] {strides = array<i32>} : memref<2x20x8x128xf32, #tpu.memory_space<vmem>>, vector<16xf32>,
        tpu.vector_store %arg7[%parallel_loop3A_1005, %parallel_loop3A_1006, %parallel_loop3A_1007, %parallel_loop3A_1008], %parallel_loop3A_1001 {strides = array<i32>} : memref<2x20x8x128xf32, #tpu.memory_space<vmem>>, vector<16xf32>,
        %parallel_loop3A_1010 = arith.constant 0 : i32
        %parallel_loop3A_1011 = arith.constant 0 : i32
        %parallel_loop3A_1012 = tpu.memref_slice %arg6[%parallel_loop3A_364, %parallel_loop3A_1010, %parallel_loop3A_1011] : memref<2x640x32xf32, #tpu.memory_space<vmem>> -> memref<1x640x32xf32, #tpu.memory_space<vmem>>
        %parallel_loop3A_1013 = tpu.memref_squeeze %parallel_loop3A_1012 : memref<1x640x32xf32, #tpu.memory_space<vmem>> -> memref<640x32xf32, #tpu.memory_space<vmem>>
        %parallel_loop3A_1014 = tpu.vector_load_idx %parallel_loop3A_1013[%add3A_273, %parallel_loop3A_786] : memref<640x32xf32, #tpu.memory_space<vmem>>[vector<16xi32>, vector<16xi32>], vector<16xf32>,
        %parallel_loop3A_1015 = arith.constant 2 : i32
        %parallel_loop3A_1016 = arith.addi %parallel_loop3A_788, %parallel_loop3A_1015 : i32
        %parallel_loop3A_1017 = arith.constant 0 : i32
        %parallel_loop3A_1018 = arith.index_cast %parallel_loop3A_1017 : i32 to index
        %parallel_loop3A_1019 = arith.index_cast %parallel_loop3A_1016 : i32 to index
        %parallel_loop3A_1020 = arith.index_cast %parallel_loop3A_782 : i32 to index
        %parallel_loop3A_1021 = arith.constant 16 : index
        %parallel_loop3A_1022 = tpu.vector_load %arg7[%parallel_loop3A_1018, %parallel_loop3A_1019, %parallel_loop3A_1020, %parallel_loop3A_1021] {strides = array<i32>} : memref<2x20x8x128xf32, #tpu.memory_space<vmem>>, vector<16xf32>,
        tpu.vector_store %arg7[%parallel_loop3A_1018, %parallel_loop3A_1019, %parallel_loop3A_1020, %parallel_loop3A_1021], %parallel_loop3A_1014 {strides = array<i32>} : memref<2x20x8x128xf32, #tpu.memory_space<vmem>>, vector<16xf32>,
        %parallel_loop3A_1023 = arith.constant 0 : i32
        %parallel_loop3A_1024 = arith.constant 0 : i32
        %parallel_loop3A_1025 = tpu.memref_slice %arg6[%parallel_loop3A_364, %parallel_loop3A_1023, %parallel_loop3A_1024] : memref<2x640x32xf32, #tpu.memory_space<vmem>> -> memref<1x640x32xf32, #tpu.memory_space<vmem>>
        %parallel_loop3A_1026 = tpu.memref_squeeze %parallel_loop3A_1025 : memref<1x640x32xf32, #tpu.memory_space<vmem>> -> memref<640x32xf32, #tpu.memory_space<vmem>>
        %parallel_loop3A_1027 = tpu.vector_load_idx %parallel_loop3A_1026[%add3A_277, %parallel_loop3A_786] : memref<640x32xf32, #tpu.memory_space<vmem>>[vector<16xi32>, vector<16xi32>], vector<16xf32>,
        %parallel_loop3A_1028 = arith.constant 2 : i32
        %parallel_loop3A_1029 = arith.addi %parallel_loop3A_788, %parallel_loop3A_1028 : i32
        %parallel_loop3A_1030 = arith.constant 0 : i32
        %parallel_loop3A_1031 = arith.index_cast %parallel_loop3A_1030 : i32 to index
        %parallel_loop3A_1032 = arith.index_cast %parallel_loop3A_1029 : i32 to index
        %parallel_loop3A_1033 = arith.index_cast %parallel_loop3A_782 : i32 to index
        %parallel_loop3A_1034 = arith.constant 32 : index
        %parallel_loop3A_1035 = tpu.vector_load %arg7[%parallel_loop3A_1031, %parallel_loop3A_1032, %parallel_loop3A_1033, %parallel_loop3A_1034] {strides = array<i32>} : memref<2x20x8x128xf32, #tpu.memory_space<vmem>>, vector<16xf32>,
        tpu.vector_store %arg7[%parallel_loop3A_1031, %parallel_loop3A_1032, %parallel_loop3A_1033, %parallel_loop3A_1034], %parallel_loop3A_1027 {strides = array<i32>} : memref<2x20x8x128xf32, #tpu.memory_space<vmem>>, vector<16xf32>,
        %parallel_loop3A_1036 = arith.constant 0 : i32
        %parallel_loop3A_1037 = arith.constant 0 : i32
        %parallel_loop3A_1038 = tpu.memref_slice %arg6[%parallel_loop3A_364, %parallel_loop3A_1036, %parallel_loop3A_1037] : memref<2x640x32xf32, #tpu.memory_space<vmem>> -> memref<1x640x32xf32, #tpu.memory_space<vmem>>
        %parallel_loop3A_1039 = tpu.memref_squeeze %parallel_loop3A_1038 : memref<1x640x32xf32, #tpu.memory_space<vmem>> -> memref<640x32xf32, #tpu.memory_space<vmem>>
        %parallel_loop3A_1040 = tpu.vector_load_idx %parallel_loop3A_1039[%add3A_281, %parallel_loop3A_786] : memref<640x32xf32, #tpu.memory_space<vmem>>[vector<16xi32>, vector<16xi32>], vector<16xf32>,
        %parallel_loop3A_1041 = arith.constant 2 : i32
        %parallel_loop3A_1042 = arith.addi %parallel_loop3A_788, %parallel_loop3A_1041 : i32
        %parallel_loop3A_1043 = arith.constant 0 : i32
        %parallel_loop3A_1044 = arith.index_cast %parallel_loop3A_1043 : i32 to index
        %parallel_loop3A_1045 = arith.index_cast %parallel_loop3A_1042 : i32 to index
        %parallel_loop3A_1046 = arith.index_cast %parallel_loop3A_782 : i32 to index
        %parallel_loop3A_1047 = arith.constant 48 : index
        %parallel_loop3A_1048 = tpu.vector_load %arg7[%parallel_loop3A_1044, %parallel_loop3A_1045, %parallel_loop3A_1046, %parallel_loop3A_1047] {strides = array<i32>} : memref<2x20x8x128xf32, #tpu.memory_space<vmem>>, vector<16xf32>,
        tpu.vector_store %arg7[%parallel_loop3A_1044, %parallel_loop3A_1045, %parallel_loop3A_1046, %parallel_loop3A_1047], %parallel_loop3A_1040 {strides = array<i32>} : memref<2x20x8x128xf32, #tpu.memory_space<vmem>>, vector<16xf32>,
        %parallel_loop3A_1049 = arith.constant 0 : i32
        %parallel_loop3A_1050 = arith.constant 0 : i32
        %parallel_loop3A_1051 = tpu.memref_slice %arg6[%parallel_loop3A_364, %parallel_loop3A_1049, %parallel_loop3A_1050] : memref<2x640x32xf32, #tpu.memory_space<vmem>> -> memref<1x640x32xf32, #tpu.memory_space<vmem>>
        %parallel_loop3A_1052 = tpu.memref_squeeze %parallel_loop3A_1051 : memref<1x640x32xf32, #tpu.memory_space<vmem>> -> memref<640x32xf32, #tpu.memory_space<vmem>>
        %parallel_loop3A_1053 = tpu.vector_load_idx %parallel_loop3A_1052[%add3A_285, %parallel_loop3A_786] : memref<640x32xf32, #tpu.memory_space<vmem>>[vector<16xi32>, vector<16xi32>], vector<16xf32>,
        %parallel_loop3A_1054 = arith.constant 2 : i32
        %parallel_loop3A_1055 = arith.addi %parallel_loop3A_788, %parallel_loop3A_1054 : i32
        %parallel_loop3A_1056 = arith.constant 0 : i32
        %parallel_loop3A_1057 = arith.index_cast %parallel_loop3A_1056 : i32 to index
        %parallel_loop3A_1058 = arith.index_cast %parallel_loop3A_1055 : i32 to index
        %parallel_loop3A_1059 = arith.index_cast %parallel_loop3A_782 : i32 to index
        %parallel_loop3A_1060 = arith.constant 64 : index
        %parallel_loop3A_1061 = tpu.vector_load %arg7[%parallel_loop3A_1057, %parallel_loop3A_1058, %parallel_loop3A_1059, %parallel_loop3A_1060] {strides = array<i32>} : memref<2x20x8x128xf32, #tpu.memory_space<vmem>>, vector<16xf32>,
        tpu.vector_store %arg7[%parallel_loop3A_1057, %parallel_loop3A_1058, %parallel_loop3A_1059, %parallel_loop3A_1060], %parallel_loop3A_1053 {strides = array<i32>} : memref<2x20x8x128xf32, #tpu.memory_space<vmem>>, vector<16xf32>,
        %parallel_loop3A_1062 = arith.constant 0 : i32
        %parallel_loop3A_1063 = arith.constant 0 : i32
        %parallel_loop3A_1064 = tpu.memref_slice %arg6[%parallel_loop3A_364, %parallel_loop3A_1062, %parallel_loop3A_1063] : memref<2x640x32xf32, #tpu.memory_space<vmem>> -> memref<1x640x32xf32, #tpu.memory_space<vmem>>
        %parallel_loop3A_1065 = tpu.memref_squeeze %parallel_loop3A_1064 : memref<1x640x32xf32, #tpu.memory_space<vmem>> -> memref<640x32xf32, #tpu.memory_space<vmem>>
        %parallel_loop3A_1066 = tpu.vector_load_idx %parallel_loop3A_1065[%add3A_289, %parallel_loop3A_786] : memref<640x32xf32, #tpu.memory_space<vmem>>[vector<16xi32>, vector<16xi32>], vector<16xf32>,
        %parallel_loop3A_1067 = arith.constant 2 : i32
        %parallel_loop3A_1068 = arith.addi %parallel_loop3A_788, %parallel_loop3A_1067 : i32
        %parallel_loop3A_1069 = arith.constant 0 : i32
        %parallel_loop3A_1070 = arith.index_cast %parallel_loop3A_1069 : i32 to index
        %parallel_loop3A_1071 = arith.index_cast %parallel_loop3A_1068 : i32 to index
        %parallel_loop3A_1072 = arith.index_cast %parallel_loop3A_782 : i32 to index
        %parallel_loop3A_1073 = arith.constant 80 : index
        %parallel_loop3A_1074 = tpu.vector_load %arg7[%parallel_loop3A_1070, %parallel_loop3A_1071, %parallel_loop3A_1072, %parallel_loop3A_1073] {strides = array<i32>} : memref<2x20x8x128xf32, #tpu.memory_space<vmem>>, vector<16xf32>,
        tpu.vector_store %arg7[%parallel_loop3A_1070, %parallel_loop3A_1071, %parallel_loop3A_1072, %parallel_loop3A_1073], %parallel_loop3A_1066 {strides = array<i32>} : memref<2x20x8x128xf32, #tpu.memory_space<vmem>>, vector<16xf32>,
        %parallel_loop3A_1075 = arith.constant 0 : i32
        %parallel_loop3A_1076 = arith.constant 0 : i32
        %parallel_loop3A_1077 = tpu.memref_slice %arg6[%parallel_loop3A_364, %parallel_loop3A_1075, %parallel_loop3A_1076] : memref<2x640x32xf32, #tpu.memory_space<vmem>> -> memref<1x640x32xf32, #tpu.memory_space<vmem>>
        %parallel_loop3A_1078 = tpu.memref_squeeze %parallel_loop3A_1077 : memref<1x640x32xf32, #tpu.memory_space<vmem>> -> memref<640x32xf32, #tpu.memory_space<vmem>>
        %parallel_loop3A_1079 = tpu.vector_load_idx %parallel_loop3A_1078[%add3A_293, %parallel_loop3A_786] : memref<640x32xf32, #tpu.memory_space<vmem>>[vector<16xi32>, vector<16xi32>], vector<16xf32>,
        %parallel_loop3A_1080 = arith.constant 2 : i32
        %parallel_loop3A_1081 = arith.addi %parallel_loop3A_788, %parallel_loop3A_1080 : i32
        %parallel_loop3A_1082 = arith.constant 0 : i32
        %parallel_loop3A_1083 = arith.index_cast %parallel_loop3A_1082 : i32 to index
        %parallel_loop3A_1084 = arith.index_cast %parallel_loop3A_1081 : i32 to index
        %parallel_loop3A_1085 = arith.index_cast %parallel_loop3A_782 : i32 to index
        %parallel_loop3A_1086 = arith.constant 96 : index
        %parallel_loop3A_1087 = tpu.vector_load %arg7[%parallel_loop3A_1083, %parallel_loop3A_1084, %parallel_loop3A_1085, %parallel_loop3A_1086] {strides = array<i32>} : memref<2x20x8x128xf32, #tpu.memory_space<vmem>>, vector<16xf32>,
        tpu.vector_store %arg7[%parallel_loop3A_1083, %parallel_loop3A_1084, %parallel_loop3A_1085, %parallel_loop3A_1086], %parallel_loop3A_1079 {strides = array<i32>} : memref<2x20x8x128xf32, #tpu.memory_space<vmem>>, vector<16xf32>,
        %parallel_loop3A_1088 = arith.constant 0 : i32
        %parallel_loop3A_1089 = arith.constant 0 : i32
        %parallel_loop3A_1090 = tpu.memref_slice %arg6[%parallel_loop3A_364, %parallel_loop3A_1088, %parallel_loop3A_1089] : memref<2x640x32xf32, #tpu.memory_space<vmem>> -> memref<1x640x32xf32, #tpu.memory_space<vmem>>
        %parallel_loop3A_1091 = tpu.memref_squeeze %parallel_loop3A_1090 : memref<1x640x32xf32, #tpu.memory_space<vmem>> -> memref<640x32xf32, #tpu.memory_space<vmem>>
        %parallel_loop3A_1092 = tpu.vector_load_idx %parallel_loop3A_1091[%add3A_297, %parallel_loop3A_786] : memref<640x32xf32, #tpu.memory_space<vmem>>[vector<16xi32>, vector<16xi32>], vector<16xf32>,
        %parallel_loop3A_1093 = arith.constant 2 : i32
        %parallel_loop3A_1094 = arith.addi %parallel_loop3A_788, %parallel_loop3A_1093 : i32
        %parallel_loop3A_1095 = arith.constant 0 : i32
        %parallel_loop3A_1096 = arith.index_cast %parallel_loop3A_1095 : i32 to index
        %parallel_loop3A_1097 = arith.index_cast %parallel_loop3A_1094 : i32 to index
        %parallel_loop3A_1098 = arith.index_cast %parallel_loop3A_782 : i32 to index
        %parallel_loop3A_1099 = arith.constant 112 : index
        %parallel_loop3A_1100 = tpu.vector_load %arg7[%parallel_loop3A_1096, %parallel_loop3A_1097, %parallel_loop3A_1098, %parallel_loop3A_1099] {strides = array<i32>} : memref<2x20x8x128xf32, #tpu.memory_space<vmem>>, vector<16xf32>,
        tpu.vector_store %arg7[%parallel_loop3A_1096, %parallel_loop3A_1097, %parallel_loop3A_1098, %parallel_loop3A_1099], %parallel_loop3A_1092 {strides = array<i32>} : memref<2x20x8x128xf32, #tpu.memory_space<vmem>>, vector<16xf32>,
        %parallel_loop3A_1101 = arith.constant 0 : i32
        %parallel_loop3A_1102 = arith.constant 0 : i32
        %parallel_loop3A_1103 = tpu.memref_slice %arg6[%parallel_loop3A_364, %parallel_loop3A_1101, %parallel_loop3A_1102] : memref<2x640x32xf32, #tpu.memory_space<vmem>> -> memref<1x640x32xf32, #tpu.memory_space<vmem>>
        %parallel_loop3A_1104 = tpu.memref_squeeze %parallel_loop3A_1103 : memref<1x640x32xf32, #tpu.memory_space<vmem>> -> memref<640x32xf32, #tpu.memory_space<vmem>>
        %parallel_loop3A_1105 = tpu.vector_load_idx %parallel_loop3A_1104[%add3A_301, %parallel_loop3A_786] : memref<640x32xf32, #tpu.memory_space<vmem>>[vector<16xi32>, vector<16xi32>], vector<16xf32>,
        %parallel_loop3A_1106 = arith.constant 3 : i32
        %parallel_loop3A_1107 = arith.addi %parallel_loop3A_788, %parallel_loop3A_1106 : i32
        %parallel_loop3A_1108 = arith.constant 0 : i32
        %parallel_loop3A_1109 = arith.index_cast %parallel_loop3A_1108 : i32 to index
        %parallel_loop3A_1110 = arith.index_cast %parallel_loop3A_1107 : i32 to index
        %parallel_loop3A_1111 = arith.index_cast %parallel_loop3A_782 : i32 to index
        %parallel_loop3A_1112 = arith.constant 0 : index
        %parallel_loop3A_1113 = tpu.vector_load %arg7[%parallel_loop3A_1109, %parallel_loop3A_1110, %parallel_loop3A_1111, %parallel_loop3A_1112] {strides = array<i32>} : memref<2x20x8x128xf32, #tpu.memory_space<vmem>>, vector<16xf32>,
        tpu.vector_store %arg7[%parallel_loop3A_1109, %parallel_loop3A_1110, %parallel_loop3A_1111, %parallel_loop3A_1112], %parallel_loop3A_1105 {strides = array<i32>} : memref<2x20x8x128xf32, #tpu.memory_space<vmem>>, vector<16xf32>,
        %parallel_loop3A_1114 = arith.constant 0 : i32
        %parallel_loop3A_1115 = arith.constant 0 : i32
        %parallel_loop3A_1116 = tpu.memref_slice %arg6[%parallel_loop3A_364, %parallel_loop3A_1114, %parallel_loop3A_1115] : memref<2x640x32xf32, #tpu.memory_space<vmem>> -> memref<1x640x32xf32, #tpu.memory_space<vmem>>
        %parallel_loop3A_1117 = tpu.memref_squeeze %parallel_loop3A_1116 : memref<1x640x32xf32, #tpu.memory_space<vmem>> -> memref<640x32xf32, #tpu.memory_space<vmem>>
        %parallel_loop3A_1118 = tpu.vector_load_idx %parallel_loop3A_1117[%add3A_305, %parallel_loop3A_786] : memref<640x32xf32, #tpu.memory_space<vmem>>[vector<16xi32>, vector<16xi32>], vector<16xf32>,
        %parallel_loop3A_1119 = arith.constant 3 : i32
        %parallel_loop3A_1120 = arith.addi %parallel_loop3A_788, %parallel_loop3A_1119 : i32
        %parallel_loop3A_1121 = arith.constant 0 : i32
        %parallel_loop3A_1122 = arith.index_cast %parallel_loop3A_1121 : i32 to index
        %parallel_loop3A_1123 = arith.index_cast %parallel_loop3A_1120 : i32 to index
        %parallel_loop3A_1124 = arith.index_cast %parallel_loop3A_782 : i32 to index
        %parallel_loop3A_1125 = arith.constant 16 : index
        %parallel_loop3A_1126 = tpu.vector_load %arg7[%parallel_loop3A_1122, %parallel_loop3A_1123, %parallel_loop3A_1124, %parallel_loop3A_1125] {strides = array<i32>} : memref<2x20x8x128xf32, #tpu.memory_space<vmem>>, vector<16xf32>,
        tpu.vector_store %arg7[%parallel_loop3A_1122, %parallel_loop3A_1123, %parallel_loop3A_1124, %parallel_loop3A_1125], %parallel_loop3A_1118 {strides = array<i32>} : memref<2x20x8x128xf32, #tpu.memory_space<vmem>>, vector<16xf32>,
        %parallel_loop3A_1127 = arith.constant 0 : i32
        %parallel_loop3A_1128 = arith.constant 0 : i32
        %parallel_loop3A_1129 = tpu.memref_slice %arg6[%parallel_loop3A_364, %parallel_loop3A_1127, %parallel_loop3A_1128] : memref<2x640x32xf32, #tpu.memory_space<vmem>> -> memref<1x640x32xf32, #tpu.memory_space<vmem>>
        %parallel_loop3A_1130 = tpu.memref_squeeze %parallel_loop3A_1129 : memref<1x640x32xf32, #tpu.memory_space<vmem>> -> memref<640x32xf32, #tpu.memory_space<vmem>>
        %parallel_loop3A_1131 = tpu.vector_load_idx %parallel_loop3A_1130[%add3A_309, %parallel_loop3A_786] : memref<640x32xf32, #tpu.memory_space<vmem>>[vector<16xi32>, vector<16xi32>], vector<16xf32>,
        %parallel_loop3A_1132 = arith.constant 3 : i32
        %parallel_loop3A_1133 = arith.addi %parallel_loop3A_788, %parallel_loop3A_1132 : i32
        %parallel_loop3A_1134 = arith.constant 0 : i32
        %parallel_loop3A_1135 = arith.index_cast %parallel_loop3A_1134 : i32 to index
        %parallel_loop3A_1136 = arith.index_cast %parallel_loop3A_1133 : i32 to index
        %parallel_loop3A_1137 = arith.index_cast %parallel_loop3A_782 : i32 to index
        %parallel_loop3A_1138 = arith.constant 32 : index
        %parallel_loop3A_1139 = tpu.vector_load %arg7[%parallel_loop3A_1135, %parallel_loop3A_1136, %parallel_loop3A_1137, %parallel_loop3A_1138] {strides = array<i32>} : memref<2x20x8x128xf32, #tpu.memory_space<vmem>>, vector<16xf32>,
        tpu.vector_store %arg7[%parallel_loop3A_1135, %parallel_loop3A_1136, %parallel_loop3A_1137, %parallel_loop3A_1138], %parallel_loop3A_1131 {strides = array<i32>} : memref<2x20x8x128xf32, #tpu.memory_space<vmem>>, vector<16xf32>,
        %parallel_loop3A_1140 = arith.constant 0 : i32
        %parallel_loop3A_1141 = arith.constant 0 : i32
        %parallel_loop3A_1142 = tpu.memref_slice %arg6[%parallel_loop3A_364, %parallel_loop3A_1140, %parallel_loop3A_1141] : memref<2x640x32xf32, #tpu.memory_space<vmem>> -> memref<1x640x32xf32, #tpu.memory_space<vmem>>
        %parallel_loop3A_1143 = tpu.memref_squeeze %parallel_loop3A_1142 : memref<1x640x32xf32, #tpu.memory_space<vmem>> -> memref<640x32xf32, #tpu.memory_space<vmem>>
        %parallel_loop3A_1144 = tpu.vector_load_idx %parallel_loop3A_1143[%add3A_313, %parallel_loop3A_786] : memref<640x32xf32, #tpu.memory_space<vmem>>[vector<16xi32>, vector<16xi32>], vector<16xf32>,
        %parallel_loop3A_1145 = arith.constant 3 : i32
        %parallel_loop3A_1146 = arith.addi %parallel_loop3A_788, %parallel_loop3A_1145 : i32
        %parallel_loop3A_1147 = arith.constant 0 : i32
        %parallel_loop3A_1148 = arith.index_cast %parallel_loop3A_1147 : i32 to index
        %parallel_loop3A_1149 = arith.index_cast %parallel_loop3A_1146 : i32 to index
        %parallel_loop3A_1150 = arith.index_cast %parallel_loop3A_782 : i32 to index
        %parallel_loop3A_1151 = arith.constant 48 : index
        %parallel_loop3A_1152 = tpu.vector_load %arg7[%parallel_loop3A_1148, %parallel_loop3A_1149, %parallel_loop3A_1150, %parallel_loop3A_1151] {strides = array<i32>} : memref<2x20x8x128xf32, #tpu.memory_space<vmem>>, vector<16xf32>,
        tpu.vector_store %arg7[%parallel_loop3A_1148, %parallel_loop3A_1149, %parallel_loop3A_1150, %parallel_loop3A_1151], %parallel_loop3A_1144 {strides = array<i32>} : memref<2x20x8x128xf32, #tpu.memory_space<vmem>>, vector<16xf32>,
        %parallel_loop3A_1153 = arith.constant 0 : i32
        %parallel_loop3A_1154 = arith.constant 0 : i32
        %parallel_loop3A_1155 = tpu.memref_slice %arg6[%parallel_loop3A_364, %parallel_loop3A_1153, %parallel_loop3A_1154] : memref<2x640x32xf32, #tpu.memory_space<vmem>> -> memref<1x640x32xf32, #tpu.memory_space<vmem>>
        %parallel_loop3A_1156 = tpu.memref_squeeze %parallel_loop3A_1155 : memref<1x640x32xf32, #tpu.memory_space<vmem>> -> memref<640x32xf32, #tpu.memory_space<vmem>>
        %parallel_loop3A_1157 = tpu.vector_load_idx %parallel_loop3A_1156[%add3A_317, %parallel_loop3A_786] : memref<640x32xf32, #tpu.memory_space<vmem>>[vector<16xi32>, vector<16xi32>], vector<16xf32>,
        %parallel_loop3A_1158 = arith.constant 3 : i32
        %parallel_loop3A_1159 = arith.addi %parallel_loop3A_788, %parallel_loop3A_1158 : i32
        %parallel_loop3A_1160 = arith.constant 0 : i32
        %parallel_loop3A_1161 = arith.index_cast %parallel_loop3A_1160 : i32 to index
        %parallel_loop3A_1162 = arith.index_cast %parallel_loop3A_1159 : i32 to index
        %parallel_loop3A_1163 = arith.index_cast %parallel_loop3A_782 : i32 to index
        %parallel_loop3A_1164 = arith.constant 64 : index
        %parallel_loop3A_1165 = tpu.vector_load %arg7[%parallel_loop3A_1161, %parallel_loop3A_1162, %parallel_loop3A_1163, %parallel_loop3A_1164] {strides = array<i32>} : memref<2x20x8x128xf32, #tpu.memory_space<vmem>>, vector<16xf32>,
        tpu.vector_store %arg7[%parallel_loop3A_1161, %parallel_loop3A_1162, %parallel_loop3A_1163, %parallel_loop3A_1164], %parallel_loop3A_1157 {strides = array<i32>} : memref<2x20x8x128xf32, #tpu.memory_space<vmem>>, vector<16xf32>,
        %parallel_loop3A_1166 = arith.constant 0 : i32
        %parallel_loop3A_1167 = arith.constant 0 : i32
        %parallel_loop3A_1168 = tpu.memref_slice %arg6[%parallel_loop3A_364, %parallel_loop3A_1166, %parallel_loop3A_1167] : memref<2x640x32xf32, #tpu.memory_space<vmem>> -> memref<1x640x32xf32, #tpu.memory_space<vmem>>
        %parallel_loop3A_1169 = tpu.memref_squeeze %parallel_loop3A_1168 : memref<1x640x32xf32, #tpu.memory_space<vmem>> -> memref<640x32xf32, #tpu.memory_space<vmem>>
        %parallel_loop3A_1170 = tpu.vector_load_idx %parallel_loop3A_1169[%add3A_321, %parallel_loop3A_786] : memref<640x32xf32, #tpu.memory_space<vmem>>[vector<16xi32>, vector<16xi32>], vector<16xf32>,
        %parallel_loop3A_1171 = arith.constant 3 : i32
        %parallel_loop3A_1172 = arith.addi %parallel_loop3A_788, %parallel_loop3A_1171 : i32
        %parallel_loop3A_1173 = arith.constant 0 : i32
        %parallel_loop3A_1174 = arith.index_cast %parallel_loop3A_1173 : i32 to index
        %parallel_loop3A_1175 = arith.index_cast %parallel_loop3A_1172 : i32 to index
        %parallel_loop3A_1176 = arith.index_cast %parallel_loop3A_782 : i32 to index
        %parallel_loop3A_1177 = arith.constant 80 : index
        %parallel_loop3A_1178 = tpu.vector_load %arg7[%parallel_loop3A_1174, %parallel_loop3A_1175, %parallel_loop3A_1176, %parallel_loop3A_1177] {strides = array<i32>} : memref<2x20x8x128xf32, #tpu.memory_space<vmem>>, vector<16xf32>,
        tpu.vector_store %arg7[%parallel_loop3A_1174, %parallel_loop3A_1175, %parallel_loop3A_1176, %parallel_loop3A_1177], %parallel_loop3A_1170 {strides = array<i32>} : memref<2x20x8x128xf32, #tpu.memory_space<vmem>>, vector<16xf32>,
        %parallel_loop3A_1179 = arith.constant 0 : i32
        %parallel_loop3A_1180 = arith.constant 0 : i32
        %parallel_loop3A_1181 = tpu.memref_slice %arg6[%parallel_loop3A_364, %parallel_loop3A_1179, %parallel_loop3A_1180] : memref<2x640x32xf32, #tpu.memory_space<vmem>> -> memref<1x640x32xf32, #tpu.memory_space<vmem>>
        %parallel_loop3A_1182 = tpu.memref_squeeze %parallel_loop3A_1181 : memref<1x640x32xf32, #tpu.memory_space<vmem>> -> memref<640x32xf32, #tpu.memory_space<vmem>>
        %parallel_loop3A_1183 = tpu.vector_load_idx %parallel_loop3A_1182[%add3A_325, %parallel_loop3A_786] : memref<640x32xf32, #tpu.memory_space<vmem>>[vector<16xi32>, vector<16xi32>], vector<16xf32>,
        %parallel_loop3A_1184 = arith.constant 3 : i32
        %parallel_loop3A_1185 = arith.addi %parallel_loop3A_788, %parallel_loop3A_1184 : i32
        %parallel_loop3A_1186 = arith.constant 0 : i32
        %parallel_loop3A_1187 = arith.index_cast %parallel_loop3A_1186 : i32 to index
        %parallel_loop3A_1188 = arith.index_cast %parallel_loop3A_1185 : i32 to index
        %parallel_loop3A_1189 = arith.index_cast %parallel_loop3A_782 : i32 to index
        %parallel_loop3A_1190 = arith.constant 96 : index
        %parallel_loop3A_1191 = tpu.vector_load %arg7[%parallel_loop3A_1187, %parallel_loop3A_1188, %parallel_loop3A_1189, %parallel_loop3A_1190] {strides = array<i32>} : memref<2x20x8x128xf32, #tpu.memory_space<vmem>>, vector<16xf32>,
        tpu.vector_store %arg7[%parallel_loop3A_1187, %parallel_loop3A_1188, %parallel_loop3A_1189, %parallel_loop3A_1190], %parallel_loop3A_1183 {strides = array<i32>} : memref<2x20x8x128xf32, #tpu.memory_space<vmem>>, vector<16xf32>,
        %parallel_loop3A_1192 = arith.constant 0 : i32
        %parallel_loop3A_1193 = arith.constant 0 : i32
        %parallel_loop3A_1194 = tpu.memref_slice %arg6[%parallel_loop3A_364, %parallel_loop3A_1192, %parallel_loop3A_1193] : memref<2x640x32xf32, #tpu.memory_space<vmem>> -> memref<1x640x32xf32, #tpu.memory_space<vmem>>
        %parallel_loop3A_1195 = tpu.memref_squeeze %parallel_loop3A_1194 : memref<1x640x32xf32, #tpu.memory_space<vmem>> -> memref<640x32xf32, #tpu.memory_space<vmem>>
        %parallel_loop3A_1196 = tpu.vector_load_idx %parallel_loop3A_1195[%add3A_329, %parallel_loop3A_786] : memref<640x32xf32, #tpu.memory_space<vmem>>[vector<16xi32>, vector<16xi32>], vector<16xf32>,
        %parallel_loop3A_1197 = arith.constant 3 : i32
        %parallel_loop3A_1198 = arith.addi %parallel_loop3A_788, %parallel_loop3A_1197 : i32
        %parallel_loop3A_1199 = arith.constant 0 : i32
        %parallel_loop3A_1200 = arith.index_cast %parallel_loop3A_1199 : i32 to index
        %parallel_loop3A_1201 = arith.index_cast %parallel_loop3A_1198 : i32 to index
        %parallel_loop3A_1202 = arith.index_cast %parallel_loop3A_782 : i32 to index
        %parallel_loop3A_1203 = arith.constant 112 : index
        %parallel_loop3A_1204 = tpu.vector_load %arg7[%parallel_loop3A_1200, %parallel_loop3A_1201, %parallel_loop3A_1202, %parallel_loop3A_1203] {strides = array<i32>} : memref<2x20x8x128xf32, #tpu.memory_space<vmem>>, vector<16xf32>,
        tpu.vector_store %arg7[%parallel_loop3A_1200, %parallel_loop3A_1201, %parallel_loop3A_1202, %parallel_loop3A_1203], %parallel_loop3A_1196 {strides = array<i32>} : memref<2x20x8x128xf32, #tpu.memory_space<vmem>>, vector<16xf32>,
        %parallel_loop3A_1205 = arith.constant 0 : i32
        %parallel_loop3A_1206 = arith.constant 0 : i32
        %parallel_loop3A_1207 = tpu.memref_slice %arg6[%parallel_loop3A_364, %parallel_loop3A_1205, %parallel_loop3A_1206] : memref<2x640x32xf32, #tpu.memory_space<vmem>> -> memref<1x640x32xf32, #tpu.memory_space<vmem>>
        %parallel_loop3A_1208 = tpu.memref_squeeze %parallel_loop3A_1207 : memref<1x640x32xf32, #tpu.memory_space<vmem>> -> memref<640x32xf32, #tpu.memory_space<vmem>>
        %parallel_loop3A_1209 = tpu.vector_load_idx %parallel_loop3A_1208[%add3A_333, %parallel_loop3A_786] : memref<640x32xf32, #tpu.memory_space<vmem>>[vector<16xi32>, vector<16xi32>], vector<16xf32>,
        %parallel_loop3A_1210 = arith.constant 4 : i32
        %parallel_loop3A_1211 = arith.addi %parallel_loop3A_788, %parallel_loop3A_1210 : i32
        %parallel_loop3A_1212 = arith.constant 0 : i32
        %parallel_loop3A_1213 = arith.index_cast %parallel_loop3A_1212 : i32 to index
        %parallel_loop3A_1214 = arith.index_cast %parallel_loop3A_1211 : i32 to index
        %parallel_loop3A_1215 = arith.index_cast %parallel_loop3A_782 : i32 to index
        %parallel_loop3A_1216 = arith.constant 0 : index
        %parallel_loop3A_1217 = tpu.vector_load %arg7[%parallel_loop3A_1213, %parallel_loop3A_1214, %parallel_loop3A_1215, %parallel_loop3A_1216] {strides = array<i32>} : memref<2x20x8x128xf32, #tpu.memory_space<vmem>>, vector<16xf32>,
        tpu.vector_store %arg7[%parallel_loop3A_1213, %parallel_loop3A_1214, %parallel_loop3A_1215, %parallel_loop3A_1216], %parallel_loop3A_1209 {strides = array<i32>} : memref<2x20x8x128xf32, #tpu.memory_space<vmem>>, vector<16xf32>,
        %parallel_loop3A_1218 = arith.constant 0 : i32
        %parallel_loop3A_1219 = arith.constant 0 : i32
        %parallel_loop3A_1220 = tpu.memref_slice %arg6[%parallel_loop3A_364, %parallel_loop3A_1218, %parallel_loop3A_1219] : memref<2x640x32xf32, #tpu.memory_space<vmem>> -> memref<1x640x32xf32, #tpu.memory_space<vmem>>
        %parallel_loop3A_1221 = tpu.memref_squeeze %parallel_loop3A_1220 : memref<1x640x32xf32, #tpu.memory_space<vmem>> -> memref<640x32xf32, #tpu.memory_space<vmem>>
        %parallel_loop3A_1222 = tpu.vector_load_idx %parallel_loop3A_1221[%add3A_337, %parallel_loop3A_786] : memref<640x32xf32, #tpu.memory_space<vmem>>[vector<16xi32>, vector<16xi32>], vector<16xf32>,
        %parallel_loop3A_1223 = arith.constant 4 : i32
        %parallel_loop3A_1224 = arith.addi %parallel_loop3A_788, %parallel_loop3A_1223 : i32
        %parallel_loop3A_1225 = arith.constant 0 : i32
        %parallel_loop3A_1226 = arith.index_cast %parallel_loop3A_1225 : i32 to index
        %parallel_loop3A_1227 = arith.index_cast %parallel_loop3A_1224 : i32 to index
        %parallel_loop3A_1228 = arith.index_cast %parallel_loop3A_782 : i32 to index
        %parallel_loop3A_1229 = arith.constant 16 : index
        %parallel_loop3A_1230 = tpu.vector_load %arg7[%parallel_loop3A_1226, %parallel_loop3A_1227, %parallel_loop3A_1228, %parallel_loop3A_1229] {strides = array<i32>} : memref<2x20x8x128xf32, #tpu.memory_space<vmem>>, vector<16xf32>,
        tpu.vector_store %arg7[%parallel_loop3A_1226, %parallel_loop3A_1227, %parallel_loop3A_1228, %parallel_loop3A_1229], %parallel_loop3A_1222 {strides = array<i32>} : memref<2x20x8x128xf32, #tpu.memory_space<vmem>>, vector<16xf32>,
        %parallel_loop3A_1231 = arith.constant 0 : i32
        %parallel_loop3A_1232 = arith.constant 0 : i32
        %parallel_loop3A_1233 = tpu.memref_slice %arg6[%parallel_loop3A_364, %parallel_loop3A_1231, %parallel_loop3A_1232] : memref<2x640x32xf32, #tpu.memory_space<vmem>> -> memref<1x640x32xf32, #tpu.memory_space<vmem>>
        %parallel_loop3A_1234 = tpu.memref_squeeze %parallel_loop3A_1233 : memref<1x640x32xf32, #tpu.memory_space<vmem>> -> memref<640x32xf32, #tpu.memory_space<vmem>>
        %parallel_loop3A_1235 = tpu.vector_load_idx %parallel_loop3A_1234[%add3A_341, %parallel_loop3A_786] : memref<640x32xf32, #tpu.memory_space<vmem>>[vector<16xi32>, vector<16xi32>], vector<16xf32>,
        %parallel_loop3A_1236 = arith.constant 4 : i32
        %parallel_loop3A_1237 = arith.addi %parallel_loop3A_788, %parallel_loop3A_1236 : i32
        %parallel_loop3A_1238 = arith.constant 0 : i32
        %parallel_loop3A_1239 = arith.index_cast %parallel_loop3A_1238 : i32 to index
        %parallel_loop3A_1240 = arith.index_cast %parallel_loop3A_1237 : i32 to index
        %parallel_loop3A_1241 = arith.index_cast %parallel_loop3A_782 : i32 to index
        %parallel_loop3A_1242 = arith.constant 32 : index
        %parallel_loop3A_1243 = tpu.vector_load %arg7[%parallel_loop3A_1239, %parallel_loop3A_1240, %parallel_loop3A_1241, %parallel_loop3A_1242] {strides = array<i32>} : memref<2x20x8x128xf32, #tpu.memory_space<vmem>>, vector<16xf32>,
        tpu.vector_store %arg7[%parallel_loop3A_1239, %parallel_loop3A_1240, %parallel_loop3A_1241, %parallel_loop3A_1242], %parallel_loop3A_1235 {strides = array<i32>} : memref<2x20x8x128xf32, #tpu.memory_space<vmem>>, vector<16xf32>,
        %parallel_loop3A_1244 = arith.constant 0 : i32
        %parallel_loop3A_1245 = arith.constant 0 : i32
        %parallel_loop3A_1246 = tpu.memref_slice %arg6[%parallel_loop3A_364, %parallel_loop3A_1244, %parallel_loop3A_1245] : memref<2x640x32xf32, #tpu.memory_space<vmem>> -> memref<1x640x32xf32, #tpu.memory_space<vmem>>
        %parallel_loop3A_1247 = tpu.memref_squeeze %parallel_loop3A_1246 : memref<1x640x32xf32, #tpu.memory_space<vmem>> -> memref<640x32xf32, #tpu.memory_space<vmem>>
        %parallel_loop3A_1248 = tpu.vector_load_idx %parallel_loop3A_1247[%add3A_345, %parallel_loop3A_786] : memref<640x32xf32, #tpu.memory_space<vmem>>[vector<16xi32>, vector<16xi32>], vector<16xf32>,
        %parallel_loop3A_1249 = arith.constant 4 : i32
        %parallel_loop3A_1250 = arith.addi %parallel_loop3A_788, %parallel_loop3A_1249 : i32
        %parallel_loop3A_1251 = arith.constant 0 : i32
        %parallel_loop3A_1252 = arith.index_cast %parallel_loop3A_1251 : i32 to index
        %parallel_loop3A_1253 = arith.index_cast %parallel_loop3A_1250 : i32 to index
        %parallel_loop3A_1254 = arith.index_cast %parallel_loop3A_782 : i32 to index
        %parallel_loop3A_1255 = arith.constant 48 : index
        %parallel_loop3A_1256 = tpu.vector_load %arg7[%parallel_loop3A_1252, %parallel_loop3A_1253, %parallel_loop3A_1254, %parallel_loop3A_1255] {strides = array<i32>} : memref<2x20x8x128xf32, #tpu.memory_space<vmem>>, vector<16xf32>,
        tpu.vector_store %arg7[%parallel_loop3A_1252, %parallel_loop3A_1253, %parallel_loop3A_1254, %parallel_loop3A_1255], %parallel_loop3A_1248 {strides = array<i32>} : memref<2x20x8x128xf32, #tpu.memory_space<vmem>>, vector<16xf32>,
        %parallel_loop3A_1257 = arith.constant 0 : i32
        %parallel_loop3A_1258 = arith.constant 0 : i32
        %parallel_loop3A_1259 = tpu.memref_slice %arg6[%parallel_loop3A_364, %parallel_loop3A_1257, %parallel_loop3A_1258] : memref<2x640x32xf32, #tpu.memory_space<vmem>> -> memref<1x640x32xf32, #tpu.memory_space<vmem>>
        %parallel_loop3A_1260 = tpu.memref_squeeze %parallel_loop3A_1259 : memref<1x640x32xf32, #tpu.memory_space<vmem>> -> memref<640x32xf32, #tpu.memory_space<vmem>>
        %parallel_loop3A_1261 = tpu.vector_load_idx %parallel_loop3A_1260[%add3A_349, %parallel_loop3A_786] : memref<640x32xf32, #tpu.memory_space<vmem>>[vector<16xi32>, vector<16xi32>], vector<16xf32>,
        %parallel_loop3A_1262 = arith.constant 4 : i32
        %parallel_loop3A_1263 = arith.addi %parallel_loop3A_788, %parallel_loop3A_1262 : i32
        %parallel_loop3A_1264 = arith.constant 0 : i32
        %parallel_loop3A_1265 = arith.index_cast %parallel_loop3A_1264 : i32 to index
        %parallel_loop3A_1266 = arith.index_cast %parallel_loop3A_1263 : i32 to index
        %parallel_loop3A_1267 = arith.index_cast %parallel_loop3A_782 : i32 to index
        %parallel_loop3A_1268 = arith.constant 64 : index
        %parallel_loop3A_1269 = tpu.vector_load %arg7[%parallel_loop3A_1265, %parallel_loop3A_1266, %parallel_loop3A_1267, %parallel_loop3A_1268] {strides = array<i32>} : memref<2x20x8x128xf32, #tpu.memory_space<vmem>>, vector<16xf32>,
        tpu.vector_store %arg7[%parallel_loop3A_1265, %parallel_loop3A_1266, %parallel_loop3A_1267, %parallel_loop3A_1268], %parallel_loop3A_1261 {strides = array<i32>} : memref<2x20x8x128xf32, #tpu.memory_space<vmem>>, vector<16xf32>,
        %parallel_loop3A_1270 = arith.constant 0 : i32
        %parallel_loop3A_1271 = arith.constant 0 : i32
        %parallel_loop3A_1272 = tpu.memref_slice %arg6[%parallel_loop3A_364, %parallel_loop3A_1270, %parallel_loop3A_1271] : memref<2x640x32xf32, #tpu.memory_space<vmem>> -> memref<1x640x32xf32, #tpu.memory_space<vmem>>
        %parallel_loop3A_1273 = tpu.memref_squeeze %parallel_loop3A_1272 : memref<1x640x32xf32, #tpu.memory_space<vmem>> -> memref<640x32xf32, #tpu.memory_space<vmem>>
        %parallel_loop3A_1274 = tpu.vector_load_idx %parallel_loop3A_1273[%add3A_353, %parallel_loop3A_786] : memref<640x32xf32, #tpu.memory_space<vmem>>[vector<16xi32>, vector<16xi32>], vector<16xf32>,
        %parallel_loop3A_1275 = arith.constant 4 : i32
        %parallel_loop3A_1276 = arith.addi %parallel_loop3A_788, %parallel_loop3A_1275 : i32
        %parallel_loop3A_1277 = arith.constant 0 : i32
        %parallel_loop3A_1278 = arith.index_cast %parallel_loop3A_1277 : i32 to index
        %parallel_loop3A_1279 = arith.index_cast %parallel_loop3A_1276 : i32 to index
        %parallel_loop3A_1280 = arith.index_cast %parallel_loop3A_782 : i32 to index
        %parallel_loop3A_1281 = arith.constant 80 : index
        %parallel_loop3A_1282 = tpu.vector_load %arg7[%parallel_loop3A_1278, %parallel_loop3A_1279, %parallel_loop3A_1280, %parallel_loop3A_1281] {strides = array<i32>} : memref<2x20x8x128xf32, #tpu.memory_space<vmem>>, vector<16xf32>,
        tpu.vector_store %arg7[%parallel_loop3A_1278, %parallel_loop3A_1279, %parallel_loop3A_1280, %parallel_loop3A_1281], %parallel_loop3A_1274 {strides = array<i32>} : memref<2x20x8x128xf32, #tpu.memory_space<vmem>>, vector<16xf32>,
        %parallel_loop3A_1283 = arith.constant 0 : i32
        %parallel_loop3A_1284 = arith.constant 0 : i32
        %parallel_loop3A_1285 = tpu.memref_slice %arg6[%parallel_loop3A_364, %parallel_loop3A_1283, %parallel_loop3A_1284] : memref<2x640x32xf32, #tpu.memory_space<vmem>> -> memref<1x640x32xf32, #tpu.memory_space<vmem>>
        %parallel_loop3A_1286 = tpu.memref_squeeze %parallel_loop3A_1285 : memref<1x640x32xf32, #tpu.memory_space<vmem>> -> memref<640x32xf32, #tpu.memory_space<vmem>>
        %parallel_loop3A_1287 = tpu.vector_load_idx %parallel_loop3A_1286[%add3A_357, %parallel_loop3A_786] : memref<640x32xf32, #tpu.memory_space<vmem>>[vector<16xi32>, vector<16xi32>], vector<16xf32>,
        %parallel_loop3A_1288 = arith.constant 4 : i32
        %parallel_loop3A_1289 = arith.addi %parallel_loop3A_788, %parallel_loop3A_1288 : i32
        %parallel_loop3A_1290 = arith.constant 0 : i32
        %parallel_loop3A_1291 = arith.index_cast %parallel_loop3A_1290 : i32 to index
        %parallel_loop3A_1292 = arith.index_cast %parallel_loop3A_1289 : i32 to index
        %parallel_loop3A_1293 = arith.index_cast %parallel_loop3A_782 : i32 to index
        %parallel_loop3A_1294 = arith.constant 96 : index
        %parallel_loop3A_1295 = tpu.vector_load %arg7[%parallel_loop3A_1291, %parallel_loop3A_1292, %parallel_loop3A_1293, %parallel_loop3A_1294] {strides = array<i32>} : memref<2x20x8x128xf32, #tpu.memory_space<vmem>>, vector<16xf32>,
        tpu.vector_store %arg7[%parallel_loop3A_1291, %parallel_loop3A_1292, %parallel_loop3A_1293, %parallel_loop3A_1294], %parallel_loop3A_1287 {strides = array<i32>} : memref<2x20x8x128xf32, #tpu.memory_space<vmem>>, vector<16xf32>,
        %parallel_loop3A_1296 = arith.constant 0 : i32
        %parallel_loop3A_1297 = arith.constant 0 : i32
        %parallel_loop3A_1298 = tpu.memref_slice %arg6[%parallel_loop3A_364, %parallel_loop3A_1296, %parallel_loop3A_1297] : memref<2x640x32xf32, #tpu.memory_space<vmem>> -> memref<1x640x32xf32, #tpu.memory_space<vmem>>
        %parallel_loop3A_1299 = tpu.memref_squeeze %parallel_loop3A_1298 : memref<1x640x32xf32, #tpu.memory_space<vmem>> -> memref<640x32xf32, #tpu.memory_space<vmem>>
        %parallel_loop3A_1300 = tpu.vector_load_idx %parallel_loop3A_1299[%add3A_361, %parallel_loop3A_786] : memref<640x32xf32, #tpu.memory_space<vmem>>[vector<16xi32>, vector<16xi32>], vector<16xf32>,
        %parallel_loop3A_1301 = arith.constant 4 : i32
        %parallel_loop3A_1302 = arith.addi %parallel_loop3A_788, %parallel_loop3A_1301 : i32
        %parallel_loop3A_1303 = arith.constant 0 : i32
        %parallel_loop3A_1304 = arith.index_cast %parallel_loop3A_1303 : i32 to index
        %parallel_loop3A_1305 = arith.index_cast %parallel_loop3A_1302 : i32 to index
        %parallel_loop3A_1306 = arith.index_cast %parallel_loop3A_782 : i32 to index
        %parallel_loop3A_1307 = arith.constant 112 : index
        %parallel_loop3A_1308 = tpu.vector_load %arg7[%parallel_loop3A_1304, %parallel_loop3A_1305, %parallel_loop3A_1306, %parallel_loop3A_1307] {strides = array<i32>} : memref<2x20x8x128xf32, #tpu.memory_space<vmem>>, vector<16xf32>,
        tpu.vector_store %arg7[%parallel_loop3A_1304, %parallel_loop3A_1305, %parallel_loop3A_1306, %parallel_loop3A_1307], %parallel_loop3A_1300 {strides = array<i32>} : memref<2x20x8x128xf32, #tpu.memory_space<vmem>>, vector<16xf32>,
      } {sc.loop_unroll_factor = 8 : i64, sc.parallel_access}
      %mul3A_365 = arith.constant 5 : i32
      %mul3A_366 = arith.muli %mul3A_185, %mul3A_365 : i32
      %dma_start3A_367 = arith.constant 0 : i32
      %dma_start3A_368 = arith.constant 0 : i32
      %dma_start3A_369 = arith.constant 0 : i32
      %dma_start3A_370 = arith.constant 0 : i32
      %dma_start3A_371 = arith.constant 0 : i32
      %dma_start3A_372 = tpu.memref_slice %arg7[%dma_start3A_367, %dma_start3A_369, %dma_start3A_370, %dma_start3A_371] : memref<2x20x8x128xf32, #tpu.memory_space<vmem>> -> memref<1x5x8x128xf32, #tpu.memory_space<vmem>>
      %dma_start3A_373 = tpu.memref_squeeze %dma_start3A_372 : memref<1x5x8x128xf32, #tpu.memory_space<vmem>> -> memref<5x8x128xf32, #tpu.memory_space<vmem>>
      %dma_start3A_374 = arith.constant 0 : i32
      %dma_start3A_375 = arith.constant 0 : i32
      %dma_start3A_376 = tpu.memref_slice %arg4[%mul3A_366, %dma_start3A_368, %add3A, %dma_start3A_374, %dma_start3A_375] : memref<200x4x32x8x128xf32, #tpu.memory_space<hbm>> -> memref<5x1x1x8x128xf32, #tpu.memory_space<hbm>>
      %dma_start3A_377 = tpu.memref_squeeze %dma_start3A_376 : memref<5x1x1x8x128xf32, #tpu.memory_space<hbm>> -> memref<5x8x128xf32, #tpu.memory_space<hbm>>
      %dma_start3A_378 = arith.constant 0 : i32
      %dma_start3A_379 = arith.constant 0 : i32
      %dma_start3A_380 = tpu.memref_slice %arg4[%mul3A_366, %dma_start3A_368, %add3A, %dma_start3A_378, %dma_start3A_379] : memref<200x4x32x8x128xf32, #tpu.memory_space<hbm>> -> memref<5x1x1x8x128xf32, #tpu.memory_space<hbm>>
      %dma_start3A_381 = tpu.memref_squeeze %dma_start3A_380 : memref<5x1x1x8x128xf32, #tpu.memory_space<hbm>> -> memref<5x8x128xf32, #tpu.memory_space<hbm>>
      %dma_start3A_382 = arith.constant 0 : i32
      %dma_start3A_383 = arith.constant 0 : i32
      %dma_start3A_384 = arith.constant 0 : i32
      %dma_start3A_385 = tpu.memref_slice %arg7[%dma_start3A_367, %dma_start3A_382, %dma_start3A_383, %dma_start3A_384] : memref<2x20x8x128xf32, #tpu.memory_space<vmem>> -> memref<1x5x8x128xf32, #tpu.memory_space<vmem>>
      %dma_start3A_386 = tpu.memref_squeeze %dma_start3A_385 : memref<1x5x8x128xf32, #tpu.memory_space<vmem>> -> memref<5x8x128xf32, #tpu.memory_space<vmem>>
      tpu.enqueue_dma source(%dma_start3A_386 : memref<5x8x128xf32, #tpu.memory_space<vmem>>) target(%dma_start3A_381 : memref<5x8x128xf32, #tpu.memory_space<hbm>>) target_semaphore(%arg10 : memref<!tpu.dma_semaphore, #tpu.memory_space<semaphore_mem>>)
      %mul3A_387 = arith.constant 5 : i32
      %mul3A_388 = arith.muli %mul3A_185, %mul3A_387 : i32
      %dma_start3A_389 = arith.constant 0 : i32
      %dma_start3A_390 = arith.constant 1 : i32
      %dma_start3A_391 = arith.constant 5 : i32
      %dma_start3A_392 = arith.constant 0 : i32
      %dma_start3A_393 = arith.constant 0 : i32
      %dma_start3A_394 = tpu.memref_slice %arg7[%dma_start3A_389, %dma_start3A_391, %dma_start3A_392, %dma_start3A_393] : memref<2x20x8x128xf32, #tpu.memory_space<vmem>> -> memref<1x5x8x128xf32, #tpu.memory_space<vmem>>
      %dma_start3A_395 = tpu.memref_squeeze %dma_start3A_394 : memref<1x5x8x128xf32, #tpu.memory_space<vmem>> -> memref<5x8x128xf32, #tpu.memory_space<vmem>>
      %dma_start3A_396 = arith.constant 0 : i32
      %dma_start3A_397 = arith.constant 0 : i32
      %dma_start3A_398 = tpu.memref_slice %arg4[%mul3A_388, %dma_start3A_390, %add3A, %dma_start3A_396, %dma_start3A_397] : memref<200x4x32x8x128xf32, #tpu.memory_space<hbm>> -> memref<5x1x1x8x128xf32, #tpu.memory_space<hbm>>
      %dma_start3A_399 = tpu.memref_squeeze %dma_start3A_398 : memref<5x1x1x8x128xf32, #tpu.memory_space<hbm>> -> memref<5x8x128xf32, #tpu.memory_space<hbm>>
      %dma_start3A_400 = arith.constant 0 : i32
      %dma_start3A_401 = arith.constant 0 : i32
      %dma_start3A_402 = tpu.memref_slice %arg4[%mul3A_388, %dma_start3A_390, %add3A, %dma_start3A_400, %dma_start3A_401] : memref<200x4x32x8x128xf32, #tpu.memory_space<hbm>> -> memref<5x1x1x8x128xf32, #tpu.memory_space<hbm>>
      %dma_start3A_403 = tpu.memref_squeeze %dma_start3A_402 : memref<5x1x1x8x128xf32, #tpu.memory_space<hbm>> -> memref<5x8x128xf32, #tpu.memory_space<hbm>>
      %dma_start3A_404 = arith.constant 5 : i32
      %dma_start3A_405 = arith.constant 0 : i32
      %dma_start3A_406 = arith.constant 0 : i32
      %dma_start3A_407 = tpu.memref_slice %arg7[%dma_start3A_389, %dma_start3A_404, %dma_start3A_405, %dma_start3A_406] : memref<2x20x8x128xf32, #tpu.memory_space<vmem>> -> memref<1x5x8x128xf32, #tpu.memory_space<vmem>>
      %dma_start3A_408 = tpu.memref_squeeze %dma_start3A_407 : memref<1x5x8x128xf32, #tpu.memory_space<vmem>> -> memref<5x8x128xf32, #tpu.memory_space<vmem>>
      tpu.enqueue_dma source(%dma_start3A_408 : memref<5x8x128xf32, #tpu.memory_space<vmem>>) target(%dma_start3A_403 : memref<5x8x128xf32, #tpu.memory_space<hbm>>) target_semaphore(%arg10 : memref<!tpu.dma_semaphore, #tpu.memory_space<semaphore_mem>>)
      %mul3A_409 = arith.constant 5 : i32
      %mul3A_410 = arith.muli %mul3A_185, %mul3A_409 : i32
      %dma_start3A_411 = arith.constant 0 : i32
      %dma_start3A_412 = arith.constant 2 : i32
      %dma_start3A_413 = arith.constant 10 : i32
      %dma_start3A_414 = arith.constant 0 : i32
      %dma_start3A_415 = arith.constant 0 : i32
      %dma_start3A_416 = tpu.memref_slice %arg7[%dma_start3A_411, %dma_start3A_413, %dma_start3A_414, %dma_start3A_415] : memref<2x20x8x128xf32, #tpu.memory_space<vmem>> -> memref<1x5x8x128xf32, #tpu.memory_space<vmem>>
      %dma_start3A_417 = tpu.memref_squeeze %dma_start3A_416 : memref<1x5x8x128xf32, #tpu.memory_space<vmem>> -> memref<5x8x128xf32, #tpu.memory_space<vmem>>
      %dma_start3A_418 = arith.constant 0 : i32
      %dma_start3A_419 = arith.constant 0 : i32
      %dma_start3A_420 = tpu.memref_slice %arg4[%mul3A_410, %dma_start3A_412, %add3A, %dma_start3A_418, %dma_start3A_419] : memref<200x4x32x8x128xf32, #tpu.memory_space<hbm>> -> memref<5x1x1x8x128xf32, #tpu.memory_space<hbm>>
      %dma_start3A_421 = tpu.memref_squeeze %dma_start3A_420 : memref<5x1x1x8x128xf32, #tpu.memory_space<hbm>> -> memref<5x8x128xf32, #tpu.memory_space<hbm>>
      %dma_start3A_422 = arith.constant 0 : i32
      %dma_start3A_423 = arith.constant 0 : i32
      %dma_start3A_424 = tpu.memref_slice %arg4[%mul3A_410, %dma_start3A_412, %add3A, %dma_start3A_422, %dma_start3A_423] : memref<200x4x32x8x128xf32, #tpu.memory_space<hbm>> -> memref<5x1x1x8x128xf32, #tpu.memory_space<hbm>>
      %dma_start3A_425 = tpu.memref_squeeze %dma_start3A_424 : memref<5x1x1x8x128xf32, #tpu.memory_space<hbm>> -> memref<5x8x128xf32, #tpu.memory_space<hbm>>
      %dma_start3A_426 = arith.constant 10 : i32
      %dma_start3A_427 = arith.constant 0 : i32
      %dma_start3A_428 = arith.constant 0 : i32
      %dma_start3A_429 = tpu.memref_slice %arg7[%dma_start3A_411, %dma_start3A_426, %dma_start3A_427, %dma_start3A_428] : memref<2x20x8x128xf32, #tpu.memory_space<vmem>> -> memref<1x5x8x128xf32, #tpu.memory_space<vmem>>
      %dma_start3A_430 = tpu.memref_squeeze %dma_start3A_429 : memref<1x5x8x128xf32, #tpu.memory_space<vmem>> -> memref<5x8x128xf32, #tpu.memory_space<vmem>>
      tpu.enqueue_dma source(%dma_start3A_430 : memref<5x8x128xf32, #tpu.memory_space<vmem>>) target(%dma_start3A_425 : memref<5x8x128xf32, #tpu.memory_space<hbm>>) target_semaphore(%arg10 : memref<!tpu.dma_semaphore, #tpu.memory_space<semaphore_mem>>)
      %mul3A_431 = arith.constant 5 : i32
      %mul3A_432 = arith.muli %mul3A_185, %mul3A_431 : i32
      %dma_start3A_433 = arith.constant 0 : i32
      %dma_start3A_434 = arith.constant 3 : i32
      %dma_start3A_435 = arith.constant 15 : i32
      %dma_start3A_436 = arith.constant 0 : i32
      %dma_start3A_437 = arith.constant 0 : i32
      %dma_start3A_438 = tpu.memref_slice %arg7[%dma_start3A_433, %dma_start3A_435, %dma_start3A_436, %dma_start3A_437] : memref<2x20x8x128xf32, #tpu.memory_space<vmem>> -> memref<1x5x8x128xf32, #tpu.memory_space<vmem>>
      %dma_start3A_439 = tpu.memref_squeeze %dma_start3A_438 : memref<1x5x8x128xf32, #tpu.memory_space<vmem>> -> memref<5x8x128xf32, #tpu.memory_space<vmem>>
      %dma_start3A_440 = arith.constant 0 : i32
      %dma_start3A_441 = arith.constant 0 : i32
      %dma_start3A_442 = tpu.memref_slice %arg4[%mul3A_432, %dma_start3A_434, %add3A, %dma_start3A_440, %dma_start3A_441] : memref<200x4x32x8x128xf32, #tpu.memory_space<hbm>> -> memref<5x1x1x8x128xf32, #tpu.memory_space<hbm>>
      %dma_start3A_443 = tpu.memref_squeeze %dma_start3A_442 : memref<5x1x1x8x128xf32, #tpu.memory_space<hbm>> -> memref<5x8x128xf32, #tpu.memory_space<hbm>>
      %dma_start3A_444 = arith.constant 0 : i32
      %dma_start3A_445 = arith.constant 0 : i32
      %dma_start3A_446 = tpu.memref_slice %arg4[%mul3A_432, %dma_start3A_434, %add3A, %dma_start3A_444, %dma_start3A_445] : memref<200x4x32x8x128xf32, #tpu.memory_space<hbm>> -> memref<5x1x1x8x128xf32, #tpu.memory_space<hbm>>
      %dma_start3A_447 = tpu.memref_squeeze %dma_start3A_446 : memref<5x1x1x8x128xf32, #tpu.memory_space<hbm>> -> memref<5x8x128xf32, #tpu.memory_space<hbm>>
      %dma_start3A_448 = arith.constant 15 : i32
      %dma_start3A_449 = arith.constant 0 : i32
      %dma_start3A_450 = arith.constant 0 : i32
      %dma_start3A_451 = tpu.memref_slice %arg7[%dma_start3A_433, %dma_start3A_448, %dma_start3A_449, %dma_start3A_450] : memref<2x20x8x128xf32, #tpu.memory_space<vmem>> -> memref<1x5x8x128xf32, #tpu.memory_space<vmem>>
      %dma_start3A_452 = tpu.memref_squeeze %dma_start3A_451 : memref<1x5x8x128xf32, #tpu.memory_space<vmem>> -> memref<5x8x128xf32, #tpu.memory_space<vmem>>
      tpu.enqueue_dma source(%dma_start3A_452 : memref<5x8x128xf32, #tpu.memory_space<vmem>>) target(%dma_start3A_447 : memref<5x8x128xf32, #tpu.memory_space<hbm>>) target_semaphore(%arg10 : memref<!tpu.dma_semaphore, #tpu.memory_space<semaphore_mem>>)
      %add3A_453 = arith.constant 2 : i32
      %add3A_454 = arith.addi %mul3A_185, %add3A_453 : i32
      %lt3A = arith.constant 40 : i32
      %lt3A_455 = arith.cmpi slt, %add3A_454, %lt3A : i32
      %convert_element_type3A_456 = arith.extui %lt3A_455 : i1 to i32
      %cond3A_457 = arith.constant 0 : i32
      %cond3A_458 = arith.cmpi ne, %convert_element_type3A_456, %cond3A_457 : i32
      scf.if %cond3A_458 {
        %add3A_742 = arith.constant 2 : i32
        %add3A_743 = arith.addi %mul3A_185, %add3A_742 : i32
        %mul3A_744 = arith.constant 5 : i32
        %mul3A_745 = arith.muli %add3A_743, %mul3A_744 : i32
        %run_scoped3A_746 = arith.constant 0 : i32
        "tpu.region"() ({
          %run_scoped3A_812 = tpu.sem_alloc : memref<!tpu.dma_semaphore, #tpu.memory_space<semaphore_mem>>
          %dma_start3A_813 = arith.constant 0 : i32
          %dma_start3A_814 = arith.constant 0 : i32
          %dma_start3A_815 = tpu.memref_slice %arg5[%run_scoped3A_746, %dma_start3A_813, %dma_start3A_814] : memref<2x5x128xi32, #tpu.memory_space<vmem>> -> memref<1x5x128xi32, #tpu.memory_space<vmem>>
          %dma_start3A_816 = tpu.memref_squeeze %dma_start3A_815 : memref<1x5x128xi32, #tpu.memory_space<vmem>> -> memref<5x128xi32, #tpu.memory_space<vmem>>
          %dma_start3A_817 = tpu.memref_slice %arg2[%mul3A_745, %mul3A_2] : memref<200x4096xi32, #tpu.memory_space<hbm>> -> memref<5x128xi32, #tpu.memory_space<hbm>>
          %dma_start3A_818 = arith.constant 0 : i32
          %dma_start3A_819 = arith.constant 0 : i32
          %dma_start3A_820 = tpu.memref_slice %arg5[%run_scoped3A_746, %dma_start3A_818, %dma_start3A_819] : memref<2x5x128xi32, #tpu.memory_space<vmem>> -> memref<1x5x128xi32, #tpu.memory_space<vmem>>
          %dma_start3A_821 = tpu.memref_squeeze %dma_start3A_820 : memref<1x5x128xi32, #tpu.memory_space<vmem>> -> memref<5x128xi32, #tpu.memory_space<vmem>>
          %dma_start3A_822 = tpu.memref_slice %arg2[%mul3A_745, %mul3A_2] : memref<200x4096xi32, #tpu.memory_space<hbm>> -> memref<5x128xi32, #tpu.memory_space<hbm>>
          tpu.enqueue_dma source(%dma_start3A_822 : memref<5x128xi32, #tpu.memory_space<hbm>>) target(%dma_start3A_821 : memref<5x128xi32, #tpu.memory_space<vmem>>) target_semaphore(%run_scoped3A_812 : memref<!tpu.dma_semaphore, #tpu.memory_space<semaphore_mem>>)
          %dma_wait3A_823 = arith.constant 0 : i32
          %dma_wait3A_824 = arith.constant 0 : i32
          %dma_wait3A_825 = tpu.memref_slice %arg5[%run_scoped3A_746, %dma_wait3A_823, %dma_wait3A_824] : memref<2x5x128xi32, #tpu.memory_space<vmem>> -> memref<1x5x128xi32, #tpu.memory_space<vmem>>
          %dma_wait3A_826 = tpu.memref_squeeze %dma_wait3A_825 : memref<1x5x128xi32, #tpu.memory_space<vmem>> -> memref<5x128xi32, #tpu.memory_space<vmem>>
          %dma_wait3A_827 = tpu.memref_slice %arg2[%mul3A_745, %mul3A_2] : memref<200x4096xi32, #tpu.memory_space<hbm>> -> memref<5x128xi32, #tpu.memory_space<hbm>>
          %dma_wait3A_828 = arith.constant 0 : i32
          %dma_wait3A_829 = arith.constant 0 : i32
          %dma_wait3A_830 = tpu.memref_slice %arg5[%run_scoped3A_746, %dma_wait3A_828, %dma_wait3A_829] : memref<2x5x128xi32, #tpu.memory_space<vmem>> -> memref<1x5x128xi32, #tpu.memory_space<vmem>>
          %dma_wait3A_831 = tpu.memref_squeeze %dma_wait3A_830 : memref<1x5x128xi32, #tpu.memory_space<vmem>> -> memref<5x128xi32, #tpu.memory_space<vmem>>
          %dma_wait3A_832 = tpu.memref_slice %arg2[%mul3A_745, %mul3A_2] : memref<200x4096xi32, #tpu.memory_space<hbm>> -> memref<5x128xi32, #tpu.memory_space<hbm>>
          tpu.wait_dma2 semaphore(%run_scoped3A_812 : memref<!tpu.dma_semaphore, #tpu.memory_space<semaphore_mem>>) src(%dma_wait3A_832 : memref<5x128xi32, #tpu.memory_space<hbm>>) dst(%dma_wait3A_831 : memref<5x128xi32, #tpu.memory_space<vmem>>)
          tpu.yield
        }) : () -> ()
        %dma_start3A_747 = arith.constant 0 : i32
        %dma_start3A_748 = arith.constant 0 : i32
        %dma_start3A_749 = arith.constant 0 : i32
        %dma_start3A_750 = arith.constant 0 : i32
        %dma_start3A_751 = arith.constant 0 : i32
        %dma_start3A_752 = tpu.memref_slice %arg6[%dma_start3A_749, %dma_start3A_750, %dma_start3A_751] : memref<2x640x32xf32, #tpu.memory_space<vmem>> -> memref<1x128x32xf32, #tpu.memory_space<vmem>>
        %dma_start3A_753 = tpu.memref_squeeze %dma_start3A_752 : memref<1x128x32xf32, #tpu.memory_space<vmem>> -> memref<128x32xf32, #tpu.memory_space<vmem>>
        %dma_start3A_754 = arith.constant 0 : i32
        %dma_start3A_755 = tpu.memref_slice %arg5[%dma_start3A_747, %dma_start3A_748, %dma_start3A_754] : memref<2x5x128xi32, #tpu.memory_space<vmem>> -> memref<1x1x128xi32, #tpu.memory_space<vmem>>
        %dma_start3A_756 = tpu.memref_squeeze %dma_start3A_755 : memref<1x1x128xi32, #tpu.memory_space<vmem>> -> memref<128xi32, #tpu.memory_space<vmem>>
        %dma_start3A_757 = arith.constant 0 : i32
        %dma_start3A_758 = arith.constant 0 : i32
        %dma_start3A_759 = tpu.memref_slice %arg3[%dma_start3A_757, %dma_start3A_758] : memref<1000000x32xf32, #tpu.memory_space<hbm>> -> memref<1000000x32xf32, #tpu.memory_space<hbm>>
        tpu.enqueue_indirect_dma source(%dma_start3A_759 : memref<1000000x32xf32, #tpu.memory_space<hbm>>) target(%dma_start3A_753 : memref<128x32xf32, #tpu.memory_space<vmem>>) offsets(%dma_start3A_756 : memref<128xi32, #tpu.memory_space<vmem>>) semaphore(%arg8 : memref<!tpu.dma_semaphore, #tpu.memory_space<semaphore_mem>>)
        %dma_start3A_760 = arith.constant 0 : i32
        %dma_start3A_761 = arith.constant 1 : i32
        %dma_start3A_762 = arith.constant 0 : i32
        %dma_start3A_763 = arith.constant 128 : i32
        %dma_start3A_764 = arith.constant 0 : i32
        %dma_start3A_765 = tpu.memref_slice %arg6[%dma_start3A_762, %dma_start3A_763, %dma_start3A_764] : memref<2x640x32xf32, #tpu.memory_space<vmem>> -> memref<1x128x32xf32, #tpu.memory_space<vmem>>
        %dma_start3A_766 = tpu.memref_squeeze %dma_start3A_765 : memref<1x128x32xf32, #tpu.memory_space<vmem>> -> memref<128x32xf32, #tpu.memory_space<vmem>>
        %dma_start3A_767 = arith.constant 0 : i32
        %dma_start3A_768 = tpu.memref_slice %arg5[%dma_start3A_760, %dma_start3A_761, %dma_start3A_767] : memref<2x5x128xi32, #tpu.memory_space<vmem>> -> memref<1x1x128xi32, #tpu.memory_space<vmem>>
        %dma_start3A_769 = tpu.memref_squeeze %dma_start3A_768 : memref<1x1x128xi32, #tpu.memory_space<vmem>> -> memref<128xi32, #tpu.memory_space<vmem>>
        %dma_start3A_770 = arith.constant 0 : i32
        %dma_start3A_771 = arith.constant 0 : i32
        %dma_start3A_772 = tpu.memref_slice %arg3[%dma_start3A_770, %dma_start3A_771] : memref<1000000x32xf32, #tpu.memory_space<hbm>> -> memref<1000000x32xf32, #tpu.memory_space<hbm>>
        tpu.enqueue_indirect_dma source(%dma_start3A_772 : memref<1000000x32xf32, #tpu.memory_space<hbm>>) target(%dma_start3A_766 : memref<128x32xf32, #tpu.memory_space<vmem>>) offsets(%dma_start3A_769 : memref<128xi32, #tpu.memory_space<vmem>>) semaphore(%arg8 : memref<!tpu.dma_semaphore, #tpu.memory_space<semaphore_mem>>)
        %dma_start3A_773 = arith.constant 0 : i32
        %dma_start3A_774 = arith.constant 2 : i32
        %dma_start3A_775 = arith.constant 0 : i32
        %dma_start3A_776 = arith.constant 256 : i32
        %dma_start3A_777 = arith.constant 0 : i32
        %dma_start3A_778 = tpu.memref_slice %arg6[%dma_start3A_775, %dma_start3A_776, %dma_start3A_777] : memref<2x640x32xf32, #tpu.memory_space<vmem>> -> memref<1x128x32xf32, #tpu.memory_space<vmem>>
        %dma_start3A_779 = tpu.memref_squeeze %dma_start3A_778 : memref<1x128x32xf32, #tpu.memory_space<vmem>> -> memref<128x32xf32, #tpu.memory_space<vmem>>
        %dma_start3A_780 = arith.constant 0 : i32
        %dma_start3A_781 = tpu.memref_slice %arg5[%dma_start3A_773, %dma_start3A_774, %dma_start3A_780] : memref<2x5x128xi32, #tpu.memory_space<vmem>> -> memref<1x1x128xi32, #tpu.memory_space<vmem>>
        %dma_start3A_782 = tpu.memref_squeeze %dma_start3A_781 : memref<1x1x128xi32, #tpu.memory_space<vmem>> -> memref<128xi32, #tpu.memory_space<vmem>>
        %dma_start3A_783 = arith.constant 0 : i32
        %dma_start3A_784 = arith.constant 0 : i32
        %dma_start3A_785 = tpu.memref_slice %arg3[%dma_start3A_783, %dma_start3A_784] : memref<1000000x32xf32, #tpu.memory_space<hbm>> -> memref<1000000x32xf32, #tpu.memory_space<hbm>>
        tpu.enqueue_indirect_dma source(%dma_start3A_785 : memref<1000000x32xf32, #tpu.memory_space<hbm>>) target(%dma_start3A_779 : memref<128x32xf32, #tpu.memory_space<vmem>>) offsets(%dma_start3A_782 : memref<128xi32, #tpu.memory_space<vmem>>) semaphore(%arg8 : memref<!tpu.dma_semaphore, #tpu.memory_space<semaphore_mem>>)
        %dma_start3A_786 = arith.constant 0 : i32
        %dma_start3A_787 = arith.constant 3 : i32
        %dma_start3A_788 = arith.constant 0 : i32
        %dma_start3A_789 = arith.constant 384 : i32
        %dma_start3A_790 = arith.constant 0 : i32
        %dma_start3A_791 = tpu.memref_slice %arg6[%dma_start3A_788, %dma_start3A_789, %dma_start3A_790] : memref<2x640x32xf32, #tpu.memory_space<vmem>> -> memref<1x128x32xf32, #tpu.memory_space<vmem>>
        %dma_start3A_792 = tpu.memref_squeeze %dma_start3A_791 : memref<1x128x32xf32, #tpu.memory_space<vmem>> -> memref<128x32xf32, #tpu.memory_space<vmem>>
        %dma_start3A_793 = arith.constant 0 : i32
        %dma_start3A_794 = tpu.memref_slice %arg5[%dma_start3A_786, %dma_start3A_787, %dma_start3A_793] : memref<2x5x128xi32, #tpu.memory_space<vmem>> -> memref<1x1x128xi32, #tpu.memory_space<vmem>>
        %dma_start3A_795 = tpu.memref_squeeze %dma_start3A_794 : memref<1x1x128xi32, #tpu.memory_space<vmem>> -> memref<128xi32, #tpu.memory_space<vmem>>
        %dma_start3A_796 = arith.constant 0 : i32
        %dma_start3A_797 = arith.constant 0 : i32
        %dma_start3A_798 = tpu.memref_slice %arg3[%dma_start3A_796, %dma_start3A_797] : memref<1000000x32xf32, #tpu.memory_space<hbm>> -> memref<1000000x32xf32, #tpu.memory_space<hbm>>
        tpu.enqueue_indirect_dma source(%dma_start3A_798 : memref<1000000x32xf32, #tpu.memory_space<hbm>>) target(%dma_start3A_792 : memref<128x32xf32, #tpu.memory_space<vmem>>) offsets(%dma_start3A_795 : memref<128xi32, #tpu.memory_space<vmem>>) semaphore(%arg8 : memref<!tpu.dma_semaphore, #tpu.memory_space<semaphore_mem>>)
        %dma_start3A_799 = arith.constant 0 : i32
        %dma_start3A_800 = arith.constant 4 : i32
        %dma_start3A_801 = arith.constant 0 : i32
        %dma_start3A_802 = arith.constant 512 : i32
        %dma_start3A_803 = arith.constant 0 : i32
        %dma_start3A_804 = tpu.memref_slice %arg6[%dma_start3A_801, %dma_start3A_802, %dma_start3A_803] : memref<2x640x32xf32, #tpu.memory_space<vmem>> -> memref<1x128x32xf32, #tpu.memory_space<vmem>>
        %dma_start3A_805 = tpu.memref_squeeze %dma_start3A_804 : memref<1x128x32xf32, #tpu.memory_space<vmem>> -> memref<128x32xf32, #tpu.memory_space<vmem>>
        %dma_start3A_806 = arith.constant 0 : i32
        %dma_start3A_807 = tpu.memref_slice %arg5[%dma_start3A_799, %dma_start3A_800, %dma_start3A_806] : memref<2x5x128xi32, #tpu.memory_space<vmem>> -> memref<1x1x128xi32, #tpu.memory_space<vmem>>
        %dma_start3A_808 = tpu.memref_squeeze %dma_start3A_807 : memref<1x1x128xi32, #tpu.memory_space<vmem>> -> memref<128xi32, #tpu.memory_space<vmem>>
        %dma_start3A_809 = arith.constant 0 : i32
        %dma_start3A_810 = arith.constant 0 : i32
        %dma_start3A_811 = tpu.memref_slice %arg3[%dma_start3A_809, %dma_start3A_810] : memref<1000000x32xf32, #tpu.memory_space<hbm>> -> memref<1000000x32xf32, #tpu.memory_space<hbm>>
        tpu.enqueue_indirect_dma source(%dma_start3A_811 : memref<1000000x32xf32, #tpu.memory_space<hbm>>) target(%dma_start3A_805 : memref<128x32xf32, #tpu.memory_space<vmem>>) offsets(%dma_start3A_808 : memref<128xi32, #tpu.memory_space<vmem>>) semaphore(%arg8 : memref<!tpu.dma_semaphore, #tpu.memory_space<semaphore_mem>>)
      } else {
      }
      %mul3A_459 = arith.constant 2 : i32
      %mul3A_460 = arith.muli %mul3A_459, %scan3A_183 : i32
      %add3A_461 = arith.constant 1 : i32
      %add3A_462 = arith.addi %mul3A_460, %add3A_461 : i32
      %dma_wait3A_463 = arith.constant 1 : i32
      %dma_wait3A_464 = arith.constant 0 : i32
      %dma_wait3A_465 = arith.constant 0 : i32
      %dma_wait3A_466 = tpu.memref_slice %arg6[%dma_wait3A_463, %dma_wait3A_464, %dma_wait3A_465] : memref<2x640x32xf32, #tpu.memory_space<vmem>> -> memref<1x640x32xf32, #tpu.memory_space<vmem>>
      %dma_wait3A_467 = tpu.memref_squeeze %dma_wait3A_466 : memref<1x640x32xf32, #tpu.memory_space<vmem>> -> memref<640x32xf32, #tpu.memory_space<vmem>>
      %dma_wait3A_468 = arith.constant 0 : i32
      %dma_wait3A_469 = arith.constant 0 : i32
      %dma_wait3A_470 = tpu.memref_slice %arg3[%dma_wait3A_468, %dma_wait3A_469] : memref<1000000x32xf32, #tpu.memory_space<hbm>> -> memref<640x32xf32, #tpu.memory_space<hbm>>
      %dma_wait3A_471 = arith.constant 0 : i32
      %dma_wait3A_472 = arith.constant 0 : i32
      %dma_wait3A_473 = tpu.memref_slice %arg6[%dma_wait3A_463, %dma_wait3A_471, %dma_wait3A_472] : memref<2x640x32xf32, #tpu.memory_space<vmem>> -> memref<1x640x32xf32, #tpu.memory_space<vmem>>
      %dma_wait3A_474 = tpu.memref_squeeze %dma_wait3A_473 : memref<1x640x32xf32, #tpu.memory_space<vmem>> -> memref<640x32xf32, #tpu.memory_space<vmem>>
      %dma_wait3A_475 = arith.constant 0 : i32
      %dma_wait3A_476 = arith.constant 0 : i32
      %dma_wait3A_477 = tpu.memref_slice %arg3[%dma_wait3A_475, %dma_wait3A_476] : memref<1000000x32xf32, #tpu.memory_space<hbm>> -> memref<640x32xf32, #tpu.memory_space<hbm>>
      tpu.wait_dma2 semaphore(%arg9 : memref<!tpu.dma_semaphore, #tpu.memory_space<semaphore_mem>>) src(%dma_wait3A_477 : memref<640x32xf32, #tpu.memory_space<hbm>>) dst(%dma_wait3A_474 : memref<640x32xf32, #tpu.memory_space<vmem>>)
      %ge3A_478 = arith.constant 1 : i32
      %ge3A_479 = arith.cmpi sge, %scan3A_183, %ge3A_478 : i32
      %convert_element_type3A_480 = arith.extui %ge3A_479 : i1 to i32
      %cond3A_481 = arith.constant 0 : i32
      %cond3A_482 = arith.cmpi ne, %convert_element_type3A_480, %cond3A_481 : i32
      scf.if %cond3A_482 {
        %dma_wait3A_742 = arith.constant 0 : i32
        %dma_wait3A_743 = arith.constant 0 : i32
        %dma_wait3A_744 = arith.constant 1 : i32
        %dma_wait3A_745 = arith.constant 0 : i32
        %dma_wait3A_746 = arith.constant 0 : i32
        %dma_wait3A_747 = arith.constant 0 : i32
        %dma_wait3A_748 = tpu.memref_slice %arg7[%dma_wait3A_744, %dma_wait3A_745, %dma_wait3A_746, %dma_wait3A_747] : memref<2x20x8x128xf32, #tpu.memory_space<vmem>> -> memref<1x20x8x128xf32, #tpu.memory_space<vmem>>
        %dma_wait3A_749 = tpu.memref_squeeze %dma_wait3A_748 : memref<1x20x8x128xf32, #tpu.memory_space<vmem>> -> memref<20x8x128xf32, #tpu.memory_space<vmem>>
        %dma_wait3A_750 = arith.constant 0 : i32
        %dma_wait3A_751 = arith.constant 0 : i32
        %dma_wait3A_752 = arith.constant 0 : i32
        %dma_wait3A_753 = tpu.memref_slice %arg4[%dma_wait3A_750, %dma_wait3A_742, %dma_wait3A_743, %dma_wait3A_751, %dma_wait3A_752] : memref<200x4x32x8x128xf32, #tpu.memory_space<hbm>> -> memref<20x1x1x8x128xf32, #tpu.memory_space<hbm>>
        %dma_wait3A_754 = tpu.memref_squeeze %dma_wait3A_753 : memref<20x1x1x8x128xf32, #tpu.memory_space<hbm>> -> memref<20x8x128xf32, #tpu.memory_space<hbm>>
        %dma_wait3A_755 = arith.constant 0 : i32
        %dma_wait3A_756 = arith.constant 0 : i32
        %dma_wait3A_757 = arith.constant 0 : i32
        %dma_wait3A_758 = tpu.memref_slice %arg7[%dma_wait3A_744, %dma_wait3A_755, %dma_wait3A_756, %dma_wait3A_757] : memref<2x20x8x128xf32, #tpu.memory_space<vmem>> -> memref<1x20x8x128xf32, #tpu.memory_space<vmem>>
        %dma_wait3A_759 = tpu.memref_squeeze %dma_wait3A_758 : memref<1x20x8x128xf32, #tpu.memory_space<vmem>> -> memref<20x8x128xf32, #tpu.memory_space<vmem>>
        %dma_wait3A_760 = arith.constant 0 : i32
        %dma_wait3A_761 = arith.constant 0 : i32
        %dma_wait3A_762 = arith.constant 0 : i32
        %dma_wait3A_763 = tpu.memref_slice %arg4[%dma_wait3A_760, %dma_wait3A_742, %dma_wait3A_743, %dma_wait3A_761, %dma_wait3A_762] : memref<200x4x32x8x128xf32, #tpu.memory_space<hbm>> -> memref<20x1x1x8x128xf32, #tpu.memory_space<hbm>>
        %dma_wait3A_764 = tpu.memref_squeeze %dma_wait3A_763 : memref<20x1x1x8x128xf32, #tpu.memory_space<hbm>> -> memref<20x8x128xf32, #tpu.memory_space<hbm>>
        tpu.wait_dma2 semaphore(%arg11 : memref<!tpu.dma_semaphore, #tpu.memory_space<semaphore_mem>>) src(%dma_wait3A_764 : memref<20x8x128xf32, #tpu.memory_space<hbm>>) dst(%dma_wait3A_759 : memref<20x8x128xf32, #tpu.memory_space<vmem>>)
      } else {
      }
      %iota3A_483 = tpu.iota {dimensions = array<i32: 0>} : vector<16xi32>
      %add3A_484 = arith.constant 0 : i32
      %add3A_485 = vector.broadcast %add3A_484 : i32 to vector<16xi32>
      %add3A_486 = arith.addi %iota3A_483, %add3A_485 : vector<16xi32>
      %iota3A_487 = tpu.iota {dimensions = array<i32: 0>} : vector<16xi32>
      %add3A_488 = arith.constant 16 : i32
      %add3A_489 = vector.broadcast %add3A_488 : i32 to vector<16xi32>
      %add3A_490 = arith.addi %iota3A_487, %add3A_489 : vector<16xi32>
      %iota3A_491 = tpu.iota {dimensions = array<i32: 0>} : vector<16xi32>
      %add3A_492 = arith.constant 32 : i32
      %add3A_493 = vector.broadcast %add3A_492 : i32 to vector<16xi32>
      %add3A_494 = arith.addi %iota3A_491, %add3A_493 : vector<16xi32>
      %iota3A_495 = tpu.iota {dimensions = array<i32: 0>} : vector<16xi32>
      %add3A_496 = arith.constant 48 : i32
      %add3A_497 = vector.broadcast %add3A_496 : i32 to vector<16xi32>
      %add3A_498 = arith.addi %iota3A_495, %add3A_497 : vector<16xi32>
      %iota3A_499 = tpu.iota {dimensions = array<i32: 0>} : vector<16xi32>
      %add3A_500 = arith.constant 64 : i32
      %add3A_501 = vector.broadcast %add3A_500 : i32 to vector<16xi32>
      %add3A_502 = arith.addi %iota3A_499, %add3A_501 : vector<16xi32>
      %iota3A_503 = tpu.iota {dimensions = array<i32: 0>} : vector<16xi32>
      %add3A_504 = arith.constant 80 : i32
      %add3A_505 = vector.broadcast %add3A_504 : i32 to vector<16xi32>
      %add3A_506 = arith.addi %iota3A_503, %add3A_505 : vector<16xi32>
      %iota3A_507 = tpu.iota {dimensions = array<i32: 0>} : vector<16xi32>
      %add3A_508 = arith.constant 96 : i32
      %add3A_509 = vector.broadcast %add3A_508 : i32 to vector<16xi32>
      %add3A_510 = arith.addi %iota3A_507, %add3A_509 : vector<16xi32>
      %iota3A_511 = tpu.iota {dimensions = array<i32: 0>} : vector<16xi32>
      %add3A_512 = arith.constant 112 : i32
      %add3A_513 = vector.broadcast %add3A_512 : i32 to vector<16xi32>
      %add3A_514 = arith.addi %iota3A_511, %add3A_513 : vector<16xi32>
      %iota3A_515 = tpu.iota {dimensions = array<i32: 0>} : vector<16xi32>
      %add3A_516 = arith.constant 128 : i32
      %add3A_517 = vector.broadcast %add3A_516 : i32 to vector<16xi32>
      %add3A_518 = arith.addi %iota3A_515, %add3A_517 : vector<16xi32>
      %iota3A_519 = tpu.iota {dimensions = array<i32: 0>} : vector<16xi32>
      %add3A_520 = arith.constant 144 : i32
      %add3A_521 = vector.broadcast %add3A_520 : i32 to vector<16xi32>
      %add3A_522 = arith.addi %iota3A_519, %add3A_521 : vector<16xi32>
      %iota3A_523 = tpu.iota {dimensions = array<i32: 0>} : vector<16xi32>
      %add3A_524 = arith.constant 160 : i32
      %add3A_525 = vector.broadcast %add3A_524 : i32 to vector<16xi32>
      %add3A_526 = arith.addi %iota3A_523, %add3A_525 : vector<16xi32>
      %iota3A_527 = tpu.iota {dimensions = array<i32: 0>} : vector<16xi32>
      %add3A_528 = arith.constant 176 : i32
      %add3A_529 = vector.broadcast %add3A_528 : i32 to vector<16xi32>
      %add3A_530 = arith.addi %iota3A_527, %add3A_529 : vector<16xi32>
      %iota3A_531 = tpu.iota {dimensions = array<i32: 0>} : vector<16xi32>
      %add3A_532 = arith.constant 192 : i32
      %add3A_533 = vector.broadcast %add3A_532 : i32 to vector<16xi32>
      %add3A_534 = arith.addi %iota3A_531, %add3A_533 : vector<16xi32>
      %iota3A_535 = tpu.iota {dimensions = array<i32: 0>} : vector<16xi32>
      %add3A_536 = arith.constant 208 : i32
      %add3A_537 = vector.broadcast %add3A_536 : i32 to vector<16xi32>
      %add3A_538 = arith.addi %iota3A_535, %add3A_537 : vector<16xi32>
      %iota3A_539 = tpu.iota {dimensions = array<i32: 0>} : vector<16xi32>
      %add3A_540 = arith.constant 224 : i32
      %add3A_541 = vector.broadcast %add3A_540 : i32 to vector<16xi32>
      %add3A_542 = arith.addi %iota3A_539, %add3A_541 : vector<16xi32>
      %iota3A_543 = tpu.iota {dimensions = array<i32: 0>} : vector<16xi32>
      %add3A_544 = arith.constant 240 : i32
      %add3A_545 = vector.broadcast %add3A_544 : i32 to vector<16xi32>
      %add3A_546 = arith.addi %iota3A_543, %add3A_545 : vector<16xi32>
      %iota3A_547 = tpu.iota {dimensions = array<i32: 0>} : vector<16xi32>
      %add3A_548 = arith.constant 256 : i32
      %add3A_549 = vector.broadcast %add3A_548 : i32 to vector<16xi32>
      %add3A_550 = arith.addi %iota3A_547, %add3A_549 : vector<16xi32>
      %iota3A_551 = tpu.iota {dimensions = array<i32: 0>} : vector<16xi32>
      %add3A_552 = arith.constant 272 : i32
      %add3A_553 = vector.broadcast %add3A_552 : i32 to vector<16xi32>
      %add3A_554 = arith.addi %iota3A_551, %add3A_553 : vector<16xi32>
      %iota3A_555 = tpu.iota {dimensions = array<i32: 0>} : vector<16xi32>
      %add3A_556 = arith.constant 288 : i32
      %add3A_557 = vector.broadcast %add3A_556 : i32 to vector<16xi32>
      %add3A_558 = arith.addi %iota3A_555, %add3A_557 : vector<16xi32>
      %iota3A_559 = tpu.iota {dimensions = array<i32: 0>} : vector<16xi32>
      %add3A_560 = arith.constant 304 : i32
      %add3A_561 = vector.broadcast %add3A_560 : i32 to vector<16xi32>
      %add3A_562 = arith.addi %iota3A_559, %add3A_561 : vector<16xi32>
      %iota3A_563 = tpu.iota {dimensions = array<i32: 0>} : vector<16xi32>
      %add3A_564 = arith.constant 320 : i32
      %add3A_565 = vector.broadcast %add3A_564 : i32 to vector<16xi32>
      %add3A_566 = arith.addi %iota3A_563, %add3A_565 : vector<16xi32>
      %iota3A_567 = tpu.iota {dimensions = array<i32: 0>} : vector<16xi32>
      %add3A_568 = arith.constant 336 : i32
      %add3A_569 = vector.broadcast %add3A_568 : i32 to vector<16xi32>
      %add3A_570 = arith.addi %iota3A_567, %add3A_569 : vector<16xi32>
      %iota3A_571 = tpu.iota {dimensions = array<i32: 0>} : vector<16xi32>
      %add3A_572 = arith.constant 352 : i32
      %add3A_573 = vector.broadcast %add3A_572 : i32 to vector<16xi32>
      %add3A_574 = arith.addi %iota3A_571, %add3A_573 : vector<16xi32>
      %iota3A_575 = tpu.iota {dimensions = array<i32: 0>} : vector<16xi32>
      %add3A_576 = arith.constant 368 : i32
      %add3A_577 = vector.broadcast %add3A_576 : i32 to vector<16xi32>
      %add3A_578 = arith.addi %iota3A_575, %add3A_577 : vector<16xi32>
      %iota3A_579 = tpu.iota {dimensions = array<i32: 0>} : vector<16xi32>
      %add3A_580 = arith.constant 384 : i32
      %add3A_581 = vector.broadcast %add3A_580 : i32 to vector<16xi32>
      %add3A_582 = arith.addi %iota3A_579, %add3A_581 : vector<16xi32>
      %iota3A_583 = tpu.iota {dimensions = array<i32: 0>} : vector<16xi32>
      %add3A_584 = arith.constant 400 : i32
      %add3A_585 = vector.broadcast %add3A_584 : i32 to vector<16xi32>
      %add3A_586 = arith.addi %iota3A_583, %add3A_585 : vector<16xi32>
      %iota3A_587 = tpu.iota {dimensions = array<i32: 0>} : vector<16xi32>
      %add3A_588 = arith.constant 416 : i32
      %add3A_589 = vector.broadcast %add3A_588 : i32 to vector<16xi32>
      %add3A_590 = arith.addi %iota3A_587, %add3A_589 : vector<16xi32>
      %iota3A_591 = tpu.iota {dimensions = array<i32: 0>} : vector<16xi32>
      %add3A_592 = arith.constant 432 : i32
      %add3A_593 = vector.broadcast %add3A_592 : i32 to vector<16xi32>
      %add3A_594 = arith.addi %iota3A_591, %add3A_593 : vector<16xi32>
      %iota3A_595 = tpu.iota {dimensions = array<i32: 0>} : vector<16xi32>
      %add3A_596 = arith.constant 448 : i32
      %add3A_597 = vector.broadcast %add3A_596 : i32 to vector<16xi32>
      %add3A_598 = arith.addi %iota3A_595, %add3A_597 : vector<16xi32>
      %iota3A_599 = tpu.iota {dimensions = array<i32: 0>} : vector<16xi32>
      %add3A_600 = arith.constant 464 : i32
      %add3A_601 = vector.broadcast %add3A_600 : i32 to vector<16xi32>
      %add3A_602 = arith.addi %iota3A_599, %add3A_601 : vector<16xi32>
      %iota3A_603 = tpu.iota {dimensions = array<i32: 0>} : vector<16xi32>
      %add3A_604 = arith.constant 480 : i32
      %add3A_605 = vector.broadcast %add3A_604 : i32 to vector<16xi32>
      %add3A_606 = arith.addi %iota3A_603, %add3A_605 : vector<16xi32>
      %iota3A_607 = tpu.iota {dimensions = array<i32: 0>} : vector<16xi32>
      %add3A_608 = arith.constant 496 : i32
      %add3A_609 = vector.broadcast %add3A_608 : i32 to vector<16xi32>
      %add3A_610 = arith.addi %iota3A_607, %add3A_609 : vector<16xi32>
      %iota3A_611 = tpu.iota {dimensions = array<i32: 0>} : vector<16xi32>
      %add3A_612 = arith.constant 512 : i32
      %add3A_613 = vector.broadcast %add3A_612 : i32 to vector<16xi32>
      %add3A_614 = arith.addi %iota3A_611, %add3A_613 : vector<16xi32>
      %iota3A_615 = tpu.iota {dimensions = array<i32: 0>} : vector<16xi32>
      %add3A_616 = arith.constant 528 : i32
      %add3A_617 = vector.broadcast %add3A_616 : i32 to vector<16xi32>
      %add3A_618 = arith.addi %iota3A_615, %add3A_617 : vector<16xi32>
      %iota3A_619 = tpu.iota {dimensions = array<i32: 0>} : vector<16xi32>
      %add3A_620 = arith.constant 544 : i32
      %add3A_621 = vector.broadcast %add3A_620 : i32 to vector<16xi32>
      %add3A_622 = arith.addi %iota3A_619, %add3A_621 : vector<16xi32>
      %iota3A_623 = tpu.iota {dimensions = array<i32: 0>} : vector<16xi32>
      %add3A_624 = arith.constant 560 : i32
      %add3A_625 = vector.broadcast %add3A_624 : i32 to vector<16xi32>
      %add3A_626 = arith.addi %iota3A_623, %add3A_625 : vector<16xi32>
      %iota3A_627 = tpu.iota {dimensions = array<i32: 0>} : vector<16xi32>
      %add3A_628 = arith.constant 576 : i32
      %add3A_629 = vector.broadcast %add3A_628 : i32 to vector<16xi32>
      %add3A_630 = arith.addi %iota3A_627, %add3A_629 : vector<16xi32>
      %iota3A_631 = tpu.iota {dimensions = array<i32: 0>} : vector<16xi32>
      %add3A_632 = arith.constant 592 : i32
      %add3A_633 = vector.broadcast %add3A_632 : i32 to vector<16xi32>
      %add3A_634 = arith.addi %iota3A_631, %add3A_633 : vector<16xi32>
      %iota3A_635 = tpu.iota {dimensions = array<i32: 0>} : vector<16xi32>
      %add3A_636 = arith.constant 608 : i32
      %add3A_637 = vector.broadcast %add3A_636 : i32 to vector<16xi32>
      %add3A_638 = arith.addi %iota3A_635, %add3A_637 : vector<16xi32>
      %iota3A_639 = tpu.iota {dimensions = array<i32: 0>} : vector<16xi32>
      %add3A_640 = arith.constant 624 : i32
      %add3A_641 = vector.broadcast %add3A_640 : i32 to vector<16xi32>
      %add3A_642 = arith.addi %iota3A_639, %add3A_641 : vector<16xi32>
      %parallel_loop3A_643 = arith.constant 0 : i32
      %parallel_loop3A_644 = arith.constant 32 : i32
      %parallel_loop3A_645 = arith.constant 1 : i32
      %parallel_loop3A_646 = arith.constant 1 : i32
      scf.for %parallel_loop3A_742 = %parallel_loop3A_643 to %parallel_loop3A_644 step %parallel_loop3A_645  : i32 {
        %parallel_loop3A_743 = arith.constant 8 : i32
        %parallel_loop3A_744 = arith.divsi %parallel_loop3A_742, %parallel_loop3A_743 : i32
        %parallel_loop3A_745 = arith.constant 0 : i32
        %parallel_loop3A_746 = arith.cmpi sgt, %parallel_loop3A_742, %parallel_loop3A_745 : i32
        %parallel_loop3A_747 = arith.extui %parallel_loop3A_746 : i1 to i32
        %parallel_loop3A_748 = arith.constant 0 : i32
        %parallel_loop3A_749 = arith.cmpi slt, %parallel_loop3A_742, %parallel_loop3A_748 : i32
        %parallel_loop3A_750 = arith.extui %parallel_loop3A_749 : i1 to i32
        %parallel_loop3A_751 = arith.subi %parallel_loop3A_747, %parallel_loop3A_750 : i32
        %parallel_loop3A_752 = arith.constant 0 : i32
        %parallel_loop3A_753 = arith.cmpi sgt, %parallel_loop3A_743, %parallel_loop3A_752 : i32
        %parallel_loop3A_754 = arith.extui %parallel_loop3A_753 : i1 to i32
        %parallel_loop3A_755 = arith.constant 0 : i32
        %parallel_loop3A_756 = arith.cmpi slt, %parallel_loop3A_743, %parallel_loop3A_755 : i32
        %parallel_loop3A_757 = arith.extui %parallel_loop3A_756 : i1 to i32
        %parallel_loop3A_758 = arith.subi %parallel_loop3A_754, %parallel_loop3A_757 : i32
        %parallel_loop3A_759 = arith.cmpi ne, %parallel_loop3A_751, %parallel_loop3A_758 : i32
        %parallel_loop3A_760 = arith.remsi %parallel_loop3A_742, %parallel_loop3A_743 : i32
        %parallel_loop3A_761 = arith.constant 0 : i32
        %parallel_loop3A_762 = arith.cmpi ne, %parallel_loop3A_760, %parallel_loop3A_761 : i32
        %parallel_loop3A_763 = arith.andi %parallel_loop3A_759, %parallel_loop3A_762 : i1
        %parallel_loop3A_764 = arith.constant 1 : i32
        %parallel_loop3A_765 = arith.subi %parallel_loop3A_744, %parallel_loop3A_764 : i32
        %parallel_loop3A_766 = arith.select %parallel_loop3A_763, %parallel_loop3A_765, %parallel_loop3A_744 : i32
        %parallel_loop3A_767 = arith.constant 8 : i32
        %parallel_loop3A_768 = arith.constant 0 : i32
        %parallel_loop3A_769 = arith.cmpi eq, %parallel_loop3A_767, %parallel_loop3A_768 : i32
        %parallel_loop3A_770 = arith.constant 1 : i32
        %parallel_loop3A_771 = arith.select %parallel_loop3A_769, %parallel_loop3A_770, %parallel_loop3A_767 : i32
        %parallel_loop3A_772 = arith.remsi %parallel_loop3A_742, %parallel_loop3A_771 : i32
        %parallel_loop3A_773 = arith.constant 0 : i32
        %parallel_loop3A_774 = arith.cmpi ne, %parallel_loop3A_772, %parallel_loop3A_773 : i32
        %parallel_loop3A_775 = arith.constant 0 : i32
        %parallel_loop3A_776 = arith.cmpi slt, %parallel_loop3A_772, %parallel_loop3A_775 : i32
        %parallel_loop3A_777 = arith.constant 0 : i32
        %parallel_loop3A_778 = arith.cmpi slt, %parallel_loop3A_771, %parallel_loop3A_777 : i32
        %parallel_loop3A_779 = arith.xori %parallel_loop3A_776, %parallel_loop3A_778 : i1
        %parallel_loop3A_780 = arith.andi %parallel_loop3A_779, %parallel_loop3A_774 : i1
        %parallel_loop3A_781 = arith.addi %parallel_loop3A_772, %parallel_loop3A_771 : i32
        %parallel_loop3A_782 = arith.select %parallel_loop3A_780, %parallel_loop3A_781, %parallel_loop3A_772 : i32
        %parallel_loop3A_783 = arith.constant 0 : i32
        %parallel_loop3A_784 = vector.broadcast %parallel_loop3A_783 : i32 to vector<16xi32>
        %parallel_loop3A_785 = vector.broadcast %parallel_loop3A_742 : i32 to vector<16xi32>
        %parallel_loop3A_786 = arith.addi %parallel_loop3A_784, %parallel_loop3A_785 : vector<16xi32>
        %parallel_loop3A_787 = arith.constant 5 : i32
        %parallel_loop3A_788 = arith.muli %parallel_loop3A_766, %parallel_loop3A_787 : i32
        %parallel_loop3A_789 = arith.constant 0 : i32
        %parallel_loop3A_790 = arith.constant 0 : i32
        %parallel_loop3A_791 = tpu.memref_slice %arg6[%parallel_loop3A_646, %parallel_loop3A_789, %parallel_loop3A_790] : memref<2x640x32xf32, #tpu.memory_space<vmem>> -> memref<1x640x32xf32, #tpu.memory_space<vmem>>
        %parallel_loop3A_792 = tpu.memref_squeeze %parallel_loop3A_791 : memref<1x640x32xf32, #tpu.memory_space<vmem>> -> memref<640x32xf32, #tpu.memory_space<vmem>>
        %parallel_loop3A_793 = tpu.vector_load_idx %parallel_loop3A_792[%add3A_486, %parallel_loop3A_786] : memref<640x32xf32, #tpu.memory_space<vmem>>[vector<16xi32>, vector<16xi32>], vector<16xf32>,
        %parallel_loop3A_794 = arith.constant 0 : i32
        %parallel_loop3A_795 = arith.addi %parallel_loop3A_788, %parallel_loop3A_794 : i32
        %parallel_loop3A_796 = arith.constant 1 : i32
        %parallel_loop3A_797 = arith.index_cast %parallel_loop3A_796 : i32 to index
        %parallel_loop3A_798 = arith.index_cast %parallel_loop3A_795 : i32 to index
        %parallel_loop3A_799 = arith.index_cast %parallel_loop3A_782 : i32 to index
        %parallel_loop3A_800 = arith.constant 0 : index
        %parallel_loop3A_801 = tpu.vector_load %arg7[%parallel_loop3A_797, %parallel_loop3A_798, %parallel_loop3A_799, %parallel_loop3A_800] {strides = array<i32>} : memref<2x20x8x128xf32, #tpu.memory_space<vmem>>, vector<16xf32>,
        tpu.vector_store %arg7[%parallel_loop3A_797, %parallel_loop3A_798, %parallel_loop3A_799, %parallel_loop3A_800], %parallel_loop3A_793 {strides = array<i32>} : memref<2x20x8x128xf32, #tpu.memory_space<vmem>>, vector<16xf32>,
        %parallel_loop3A_802 = arith.constant 0 : i32
        %parallel_loop3A_803 = arith.constant 0 : i32
        %parallel_loop3A_804 = tpu.memref_slice %arg6[%parallel_loop3A_646, %parallel_loop3A_802, %parallel_loop3A_803] : memref<2x640x32xf32, #tpu.memory_space<vmem>> -> memref<1x640x32xf32, #tpu.memory_space<vmem>>
        %parallel_loop3A_805 = tpu.memref_squeeze %parallel_loop3A_804 : memref<1x640x32xf32, #tpu.memory_space<vmem>> -> memref<640x32xf32, #tpu.memory_space<vmem>>
        %parallel_loop3A_806 = tpu.vector_load_idx %parallel_loop3A_805[%add3A_490, %parallel_loop3A_786] : memref<640x32xf32, #tpu.memory_space<vmem>>[vector<16xi32>, vector<16xi32>], vector<16xf32>,
        %parallel_loop3A_807 = arith.constant 0 : i32
        %parallel_loop3A_808 = arith.addi %parallel_loop3A_788, %parallel_loop3A_807 : i32
        %parallel_loop3A_809 = arith.constant 1 : i32
        %parallel_loop3A_810 = arith.index_cast %parallel_loop3A_809 : i32 to index
        %parallel_loop3A_811 = arith.index_cast %parallel_loop3A_808 : i32 to index
        %parallel_loop3A_812 = arith.index_cast %parallel_loop3A_782 : i32 to index
        %parallel_loop3A_813 = arith.constant 16 : index
        %parallel_loop3A_814 = tpu.vector_load %arg7[%parallel_loop3A_810, %parallel_loop3A_811, %parallel_loop3A_812, %parallel_loop3A_813] {strides = array<i32>} : memref<2x20x8x128xf32, #tpu.memory_space<vmem>>, vector<16xf32>,
        tpu.vector_store %arg7[%parallel_loop3A_810, %parallel_loop3A_811, %parallel_loop3A_812, %parallel_loop3A_813], %parallel_loop3A_806 {strides = array<i32>} : memref<2x20x8x128xf32, #tpu.memory_space<vmem>>, vector<16xf32>,
        %parallel_loop3A_815 = arith.constant 0 : i32
        %parallel_loop3A_816 = arith.constant 0 : i32
        %parallel_loop3A_817 = tpu.memref_slice %arg6[%parallel_loop3A_646, %parallel_loop3A_815, %parallel_loop3A_816] : memref<2x640x32xf32, #tpu.memory_space<vmem>> -> memref<1x640x32xf32, #tpu.memory_space<vmem>>
        %parallel_loop3A_818 = tpu.memref_squeeze %parallel_loop3A_817 : memref<1x640x32xf32, #tpu.memory_space<vmem>> -> memref<640x32xf32, #tpu.memory_space<vmem>>
        %parallel_loop3A_819 = tpu.vector_load_idx %parallel_loop3A_818[%add3A_494, %parallel_loop3A_786] : memref<640x32xf32, #tpu.memory_space<vmem>>[vector<16xi32>, vector<16xi32>], vector<16xf32>,
        %parallel_loop3A_820 = arith.constant 0 : i32
        %parallel_loop3A_821 = arith.addi %parallel_loop3A_788, %parallel_loop3A_820 : i32
        %parallel_loop3A_822 = arith.constant 1 : i32
        %parallel_loop3A_823 = arith.index_cast %parallel_loop3A_822 : i32 to index
        %parallel_loop3A_824 = arith.index_cast %parallel_loop3A_821 : i32 to index
        %parallel_loop3A_825 = arith.index_cast %parallel_loop3A_782 : i32 to index
        %parallel_loop3A_826 = arith.constant 32 : index
        %parallel_loop3A_827 = tpu.vector_load %arg7[%parallel_loop3A_823, %parallel_loop3A_824, %parallel_loop3A_825, %parallel_loop3A_826] {strides = array<i32>} : memref<2x20x8x128xf32, #tpu.memory_space<vmem>>, vector<16xf32>,
        tpu.vector_store %arg7[%parallel_loop3A_823, %parallel_loop3A_824, %parallel_loop3A_825, %parallel_loop3A_826], %parallel_loop3A_819 {strides = array<i32>} : memref<2x20x8x128xf32, #tpu.memory_space<vmem>>, vector<16xf32>,
        %parallel_loop3A_828 = arith.constant 0 : i32
        %parallel_loop3A_829 = arith.constant 0 : i32
        %parallel_loop3A_830 = tpu.memref_slice %arg6[%parallel_loop3A_646, %parallel_loop3A_828, %parallel_loop3A_829] : memref<2x640x32xf32, #tpu.memory_space<vmem>> -> memref<1x640x32xf32, #tpu.memory_space<vmem>>
        %parallel_loop3A_831 = tpu.memref_squeeze %parallel_loop3A_830 : memref<1x640x32xf32, #tpu.memory_space<vmem>> -> memref<640x32xf32, #tpu.memory_space<vmem>>
        %parallel_loop3A_832 = tpu.vector_load_idx %parallel_loop3A_831[%add3A_498, %parallel_loop3A_786] : memref<640x32xf32, #tpu.memory_space<vmem>>[vector<16xi32>, vector<16xi32>], vector<16xf32>,
        %parallel_loop3A_833 = arith.constant 0 : i32
        %parallel_loop3A_834 = arith.addi %parallel_loop3A_788, %parallel_loop3A_833 : i32
        %parallel_loop3A_835 = arith.constant 1 : i32
        %parallel_loop3A_836 = arith.index_cast %parallel_loop3A_835 : i32 to index
        %parallel_loop3A_837 = arith.index_cast %parallel_loop3A_834 : i32 to index
        %parallel_loop3A_838 = arith.index_cast %parallel_loop3A_782 : i32 to index
        %parallel_loop3A_839 = arith.constant 48 : index
        %parallel_loop3A_840 = tpu.vector_load %arg7[%parallel_loop3A_836, %parallel_loop3A_837, %parallel_loop3A_838, %parallel_loop3A_839] {strides = array<i32>} : memref<2x20x8x128xf32, #tpu.memory_space<vmem>>, vector<16xf32>,
        tpu.vector_store %arg7[%parallel_loop3A_836, %parallel_loop3A_837, %parallel_loop3A_838, %parallel_loop3A_839], %parallel_loop3A_832 {strides = array<i32>} : memref<2x20x8x128xf32, #tpu.memory_space<vmem>>, vector<16xf32>,
        %parallel_loop3A_841 = arith.constant 0 : i32
        %parallel_loop3A_842 = arith.constant 0 : i32
        %parallel_loop3A_843 = tpu.memref_slice %arg6[%parallel_loop3A_646, %parallel_loop3A_841, %parallel_loop3A_842] : memref<2x640x32xf32, #tpu.memory_space<vmem>> -> memref<1x640x32xf32, #tpu.memory_space<vmem>>
        %parallel_loop3A_844 = tpu.memref_squeeze %parallel_loop3A_843 : memref<1x640x32xf32, #tpu.memory_space<vmem>> -> memref<640x32xf32, #tpu.memory_space<vmem>>
        %parallel_loop3A_845 = tpu.vector_load_idx %parallel_loop3A_844[%add3A_502, %parallel_loop3A_786] : memref<640x32xf32, #tpu.memory_space<vmem>>[vector<16xi32>, vector<16xi32>], vector<16xf32>,
        %parallel_loop3A_846 = arith.constant 0 : i32
        %parallel_loop3A_847 = arith.addi %parallel_loop3A_788, %parallel_loop3A_846 : i32
        %parallel_loop3A_848 = arith.constant 1 : i32
        %parallel_loop3A_849 = arith.index_cast %parallel_loop3A_848 : i32 to index
        %parallel_loop3A_850 = arith.index_cast %parallel_loop3A_847 : i32 to index
        %parallel_loop3A_851 = arith.index_cast %parallel_loop3A_782 : i32 to index
        %parallel_loop3A_852 = arith.constant 64 : index
        %parallel_loop3A_853 = tpu.vector_load %arg7[%parallel_loop3A_849, %parallel_loop3A_850, %parallel_loop3A_851, %parallel_loop3A_852] {strides = array<i32>} : memref<2x20x8x128xf32, #tpu.memory_space<vmem>>, vector<16xf32>,
        tpu.vector_store %arg7[%parallel_loop3A_849, %parallel_loop3A_850, %parallel_loop3A_851, %parallel_loop3A_852], %parallel_loop3A_845 {strides = array<i32>} : memref<2x20x8x128xf32, #tpu.memory_space<vmem>>, vector<16xf32>,
        %parallel_loop3A_854 = arith.constant 0 : i32
        %parallel_loop3A_855 = arith.constant 0 : i32
        %parallel_loop3A_856 = tpu.memref_slice %arg6[%parallel_loop3A_646, %parallel_loop3A_854, %parallel_loop3A_855] : memref<2x640x32xf32, #tpu.memory_space<vmem>> -> memref<1x640x32xf32, #tpu.memory_space<vmem>>
        %parallel_loop3A_857 = tpu.memref_squeeze %parallel_loop3A_856 : memref<1x640x32xf32, #tpu.memory_space<vmem>> -> memref<640x32xf32, #tpu.memory_space<vmem>>
        %parallel_loop3A_858 = tpu.vector_load_idx %parallel_loop3A_857[%add3A_506, %parallel_loop3A_786] : memref<640x32xf32, #tpu.memory_space<vmem>>[vector<16xi32>, vector<16xi32>], vector<16xf32>,
        %parallel_loop3A_859 = arith.constant 0 : i32
        %parallel_loop3A_860 = arith.addi %parallel_loop3A_788, %parallel_loop3A_859 : i32
        %parallel_loop3A_861 = arith.constant 1 : i32
        %parallel_loop3A_862 = arith.index_cast %parallel_loop3A_861 : i32 to index
        %parallel_loop3A_863 = arith.index_cast %parallel_loop3A_860 : i32 to index
        %parallel_loop3A_864 = arith.index_cast %parallel_loop3A_782 : i32 to index
        %parallel_loop3A_865 = arith.constant 80 : index
        %parallel_loop3A_866 = tpu.vector_load %arg7[%parallel_loop3A_862, %parallel_loop3A_863, %parallel_loop3A_864, %parallel_loop3A_865] {strides = array<i32>} : memref<2x20x8x128xf32, #tpu.memory_space<vmem>>, vector<16xf32>,
        tpu.vector_store %arg7[%parallel_loop3A_862, %parallel_loop3A_863, %parallel_loop3A_864, %parallel_loop3A_865], %parallel_loop3A_858 {strides = array<i32>} : memref<2x20x8x128xf32, #tpu.memory_space<vmem>>, vector<16xf32>,
        %parallel_loop3A_867 = arith.constant 0 : i32
        %parallel_loop3A_868 = arith.constant 0 : i32
        %parallel_loop3A_869 = tpu.memref_slice %arg6[%parallel_loop3A_646, %parallel_loop3A_867, %parallel_loop3A_868] : memref<2x640x32xf32, #tpu.memory_space<vmem>> -> memref<1x640x32xf32, #tpu.memory_space<vmem>>
        %parallel_loop3A_870 = tpu.memref_squeeze %parallel_loop3A_869 : memref<1x640x32xf32, #tpu.memory_space<vmem>> -> memref<640x32xf32, #tpu.memory_space<vmem>>
        %parallel_loop3A_871 = tpu.vector_load_idx %parallel_loop3A_870[%add3A_510, %parallel_loop3A_786] : memref<640x32xf32, #tpu.memory_space<vmem>>[vector<16xi32>, vector<16xi32>], vector<16xf32>,
        %parallel_loop3A_872 = arith.constant 0 : i32
        %parallel_loop3A_873 = arith.addi %parallel_loop3A_788, %parallel_loop3A_872 : i32
        %parallel_loop3A_874 = arith.constant 1 : i32
        %parallel_loop3A_875 = arith.index_cast %parallel_loop3A_874 : i32 to index
        %parallel_loop3A_876 = arith.index_cast %parallel_loop3A_873 : i32 to index
        %parallel_loop3A_877 = arith.index_cast %parallel_loop3A_782 : i32 to index
        %parallel_loop3A_878 = arith.constant 96 : index
        %parallel_loop3A_879 = tpu.vector_load %arg7[%parallel_loop3A_875, %parallel_loop3A_876, %parallel_loop3A_877, %parallel_loop3A_878] {strides = array<i32>} : memref<2x20x8x128xf32, #tpu.memory_space<vmem>>, vector<16xf32>,
        tpu.vector_store %arg7[%parallel_loop3A_875, %parallel_loop3A_876, %parallel_loop3A_877, %parallel_loop3A_878], %parallel_loop3A_871 {strides = array<i32>} : memref<2x20x8x128xf32, #tpu.memory_space<vmem>>, vector<16xf32>,
        %parallel_loop3A_880 = arith.constant 0 : i32
        %parallel_loop3A_881 = arith.constant 0 : i32
        %parallel_loop3A_882 = tpu.memref_slice %arg6[%parallel_loop3A_646, %parallel_loop3A_880, %parallel_loop3A_881] : memref<2x640x32xf32, #tpu.memory_space<vmem>> -> memref<1x640x32xf32, #tpu.memory_space<vmem>>
        %parallel_loop3A_883 = tpu.memref_squeeze %parallel_loop3A_882 : memref<1x640x32xf32, #tpu.memory_space<vmem>> -> memref<640x32xf32, #tpu.memory_space<vmem>>
        %parallel_loop3A_884 = tpu.vector_load_idx %parallel_loop3A_883[%add3A_514, %parallel_loop3A_786] : memref<640x32xf32, #tpu.memory_space<vmem>>[vector<16xi32>, vector<16xi32>], vector<16xf32>,
        %parallel_loop3A_885 = arith.constant 0 : i32
        %parallel_loop3A_886 = arith.addi %parallel_loop3A_788, %parallel_loop3A_885 : i32
        %parallel_loop3A_887 = arith.constant 1 : i32
        %parallel_loop3A_888 = arith.index_cast %parallel_loop3A_887 : i32 to index
        %parallel_loop3A_889 = arith.index_cast %parallel_loop3A_886 : i32 to index
        %parallel_loop3A_890 = arith.index_cast %parallel_loop3A_782 : i32 to index
        %parallel_loop3A_891 = arith.constant 112 : index
        %parallel_loop3A_892 = tpu.vector_load %arg7[%parallel_loop3A_888, %parallel_loop3A_889, %parallel_loop3A_890, %parallel_loop3A_891] {strides = array<i32>} : memref<2x20x8x128xf32, #tpu.memory_space<vmem>>, vector<16xf32>,
        tpu.vector_store %arg7[%parallel_loop3A_888, %parallel_loop3A_889, %parallel_loop3A_890, %parallel_loop3A_891], %parallel_loop3A_884 {strides = array<i32>} : memref<2x20x8x128xf32, #tpu.memory_space<vmem>>, vector<16xf32>,
        %parallel_loop3A_893 = arith.constant 0 : i32
        %parallel_loop3A_894 = arith.constant 0 : i32
        %parallel_loop3A_895 = tpu.memref_slice %arg6[%parallel_loop3A_646, %parallel_loop3A_893, %parallel_loop3A_894] : memref<2x640x32xf32, #tpu.memory_space<vmem>> -> memref<1x640x32xf32, #tpu.memory_space<vmem>>
        %parallel_loop3A_896 = tpu.memref_squeeze %parallel_loop3A_895 : memref<1x640x32xf32, #tpu.memory_space<vmem>> -> memref<640x32xf32, #tpu.memory_space<vmem>>
        %parallel_loop3A_897 = tpu.vector_load_idx %parallel_loop3A_896[%add3A_518, %parallel_loop3A_786] : memref<640x32xf32, #tpu.memory_space<vmem>>[vector<16xi32>, vector<16xi32>], vector<16xf32>,
        %parallel_loop3A_898 = arith.constant 1 : i32
        %parallel_loop3A_899 = arith.addi %parallel_loop3A_788, %parallel_loop3A_898 : i32
        %parallel_loop3A_900 = arith.constant 1 : i32
        %parallel_loop3A_901 = arith.index_cast %parallel_loop3A_900 : i32 to index
        %parallel_loop3A_902 = arith.index_cast %parallel_loop3A_899 : i32 to index
        %parallel_loop3A_903 = arith.index_cast %parallel_loop3A_782 : i32 to index
        %parallel_loop3A_904 = arith.constant 0 : index
        %parallel_loop3A_905 = tpu.vector_load %arg7[%parallel_loop3A_901, %parallel_loop3A_902, %parallel_loop3A_903, %parallel_loop3A_904] {strides = array<i32>} : memref<2x20x8x128xf32, #tpu.memory_space<vmem>>, vector<16xf32>,
        tpu.vector_store %arg7[%parallel_loop3A_901, %parallel_loop3A_902, %parallel_loop3A_903, %parallel_loop3A_904], %parallel_loop3A_897 {strides = array<i32>} : memref<2x20x8x128xf32, #tpu.memory_space<vmem>>, vector<16xf32>,
        %parallel_loop3A_906 = arith.constant 0 : i32
        %parallel_loop3A_907 = arith.constant 0 : i32
        %parallel_loop3A_908 = tpu.memref_slice %arg6[%parallel_loop3A_646, %parallel_loop3A_906, %parallel_loop3A_907] : memref<2x640x32xf32, #tpu.memory_space<vmem>> -> memref<1x640x32xf32, #tpu.memory_space<vmem>>
        %parallel_loop3A_909 = tpu.memref_squeeze %parallel_loop3A_908 : memref<1x640x32xf32, #tpu.memory_space<vmem>> -> memref<640x32xf32, #tpu.memory_space<vmem>>
        %parallel_loop3A_910 = tpu.vector_load_idx %parallel_loop3A_909[%add3A_522, %parallel_loop3A_786] : memref<640x32xf32, #tpu.memory_space<vmem>>[vector<16xi32>, vector<16xi32>], vector<16xf32>,
        %parallel_loop3A_911 = arith.constant 1 : i32
        %parallel_loop3A_912 = arith.addi %parallel_loop3A_788, %parallel_loop3A_911 : i32
        %parallel_loop3A_913 = arith.constant 1 : i32
        %parallel_loop3A_914 = arith.index_cast %parallel_loop3A_913 : i32 to index
        %parallel_loop3A_915 = arith.index_cast %parallel_loop3A_912 : i32 to index
        %parallel_loop3A_916 = arith.index_cast %parallel_loop3A_782 : i32 to index
        %parallel_loop3A_917 = arith.constant 16 : index
        %parallel_loop3A_918 = tpu.vector_load %arg7[%parallel_loop3A_914, %parallel_loop3A_915, %parallel_loop3A_916, %parallel_loop3A_917] {strides = array<i32>} : memref<2x20x8x128xf32, #tpu.memory_space<vmem>>, vector<16xf32>,
        tpu.vector_store %arg7[%parallel_loop3A_914, %parallel_loop3A_915, %parallel_loop3A_916, %parallel_loop3A_917], %parallel_loop3A_910 {strides = array<i32>} : memref<2x20x8x128xf32, #tpu.memory_space<vmem>>, vector<16xf32>,
        %parallel_loop3A_919 = arith.constant 0 : i32
        %parallel_loop3A_920 = arith.constant 0 : i32
        %parallel_loop3A_921 = tpu.memref_slice %arg6[%parallel_loop3A_646, %parallel_loop3A_919, %parallel_loop3A_920] : memref<2x640x32xf32, #tpu.memory_space<vmem>> -> memref<1x640x32xf32, #tpu.memory_space<vmem>>
        %parallel_loop3A_922 = tpu.memref_squeeze %parallel_loop3A_921 : memref<1x640x32xf32, #tpu.memory_space<vmem>> -> memref<640x32xf32, #tpu.memory_space<vmem>>
        %parallel_loop3A_923 = tpu.vector_load_idx %parallel_loop3A_922[%add3A_526, %parallel_loop3A_786] : memref<640x32xf32, #tpu.memory_space<vmem>>[vector<16xi32>, vector<16xi32>], vector<16xf32>,
        %parallel_loop3A_924 = arith.constant 1 : i32
        %parallel_loop3A_925 = arith.addi %parallel_loop3A_788, %parallel_loop3A_924 : i32
        %parallel_loop3A_926 = arith.constant 1 : i32
        %parallel_loop3A_927 = arith.index_cast %parallel_loop3A_926 : i32 to index
        %parallel_loop3A_928 = arith.index_cast %parallel_loop3A_925 : i32 to index
        %parallel_loop3A_929 = arith.index_cast %parallel_loop3A_782 : i32 to index
        %parallel_loop3A_930 = arith.constant 32 : index
        %parallel_loop3A_931 = tpu.vector_load %arg7[%parallel_loop3A_927, %parallel_loop3A_928, %parallel_loop3A_929, %parallel_loop3A_930] {strides = array<i32>} : memref<2x20x8x128xf32, #tpu.memory_space<vmem>>, vector<16xf32>,
        tpu.vector_store %arg7[%parallel_loop3A_927, %parallel_loop3A_928, %parallel_loop3A_929, %parallel_loop3A_930], %parallel_loop3A_923 {strides = array<i32>} : memref<2x20x8x128xf32, #tpu.memory_space<vmem>>, vector<16xf32>,
        %parallel_loop3A_932 = arith.constant 0 : i32
        %parallel_loop3A_933 = arith.constant 0 : i32
        %parallel_loop3A_934 = tpu.memref_slice %arg6[%parallel_loop3A_646, %parallel_loop3A_932, %parallel_loop3A_933] : memref<2x640x32xf32, #tpu.memory_space<vmem>> -> memref<1x640x32xf32, #tpu.memory_space<vmem>>
        %parallel_loop3A_935 = tpu.memref_squeeze %parallel_loop3A_934 : memref<1x640x32xf32, #tpu.memory_space<vmem>> -> memref<640x32xf32, #tpu.memory_space<vmem>>
        %parallel_loop3A_936 = tpu.vector_load_idx %parallel_loop3A_935[%add3A_530, %parallel_loop3A_786] : memref<640x32xf32, #tpu.memory_space<vmem>>[vector<16xi32>, vector<16xi32>], vector<16xf32>,
        %parallel_loop3A_937 = arith.constant 1 : i32
        %parallel_loop3A_938 = arith.addi %parallel_loop3A_788, %parallel_loop3A_937 : i32
        %parallel_loop3A_939 = arith.constant 1 : i32
        %parallel_loop3A_940 = arith.index_cast %parallel_loop3A_939 : i32 to index
        %parallel_loop3A_941 = arith.index_cast %parallel_loop3A_938 : i32 to index
        %parallel_loop3A_942 = arith.index_cast %parallel_loop3A_782 : i32 to index
        %parallel_loop3A_943 = arith.constant 48 : index
        %parallel_loop3A_944 = tpu.vector_load %arg7[%parallel_loop3A_940, %parallel_loop3A_941, %parallel_loop3A_942, %parallel_loop3A_943] {strides = array<i32>} : memref<2x20x8x128xf32, #tpu.memory_space<vmem>>, vector<16xf32>,
        tpu.vector_store %arg7[%parallel_loop3A_940, %parallel_loop3A_941, %parallel_loop3A_942, %parallel_loop3A_943], %parallel_loop3A_936 {strides = array<i32>} : memref<2x20x8x128xf32, #tpu.memory_space<vmem>>, vector<16xf32>,
        %parallel_loop3A_945 = arith.constant 0 : i32
        %parallel_loop3A_946 = arith.constant 0 : i32
        %parallel_loop3A_947 = tpu.memref_slice %arg6[%parallel_loop3A_646, %parallel_loop3A_945, %parallel_loop3A_946] : memref<2x640x32xf32, #tpu.memory_space<vmem>> -> memref<1x640x32xf32, #tpu.memory_space<vmem>>
        %parallel_loop3A_948 = tpu.memref_squeeze %parallel_loop3A_947 : memref<1x640x32xf32, #tpu.memory_space<vmem>> -> memref<640x32xf32, #tpu.memory_space<vmem>>
        %parallel_loop3A_949 = tpu.vector_load_idx %parallel_loop3A_948[%add3A_534, %parallel_loop3A_786] : memref<640x32xf32, #tpu.memory_space<vmem>>[vector<16xi32>, vector<16xi32>], vector<16xf32>,
        %parallel_loop3A_950 = arith.constant 1 : i32
        %parallel_loop3A_951 = arith.addi %parallel_loop3A_788, %parallel_loop3A_950 : i32
        %parallel_loop3A_952 = arith.constant 1 : i32
        %parallel_loop3A_953 = arith.index_cast %parallel_loop3A_952 : i32 to index
        %parallel_loop3A_954 = arith.index_cast %parallel_loop3A_951 : i32 to index
        %parallel_loop3A_955 = arith.index_cast %parallel_loop3A_782 : i32 to index
        %parallel_loop3A_956 = arith.constant 64 : index
        %parallel_loop3A_957 = tpu.vector_load %arg7[%parallel_loop3A_953, %parallel_loop3A_954, %parallel_loop3A_955, %parallel_loop3A_956] {strides = array<i32>} : memref<2x20x8x128xf32, #tpu.memory_space<vmem>>, vector<16xf32>,
        tpu.vector_store %arg7[%parallel_loop3A_953, %parallel_loop3A_954, %parallel_loop3A_955, %parallel_loop3A_956], %parallel_loop3A_949 {strides = array<i32>} : memref<2x20x8x128xf32, #tpu.memory_space<vmem>>, vector<16xf32>,
        %parallel_loop3A_958 = arith.constant 0 : i32
        %parallel_loop3A_959 = arith.constant 0 : i32
        %parallel_loop3A_960 = tpu.memref_slice %arg6[%parallel_loop3A_646, %parallel_loop3A_958, %parallel_loop3A_959] : memref<2x640x32xf32, #tpu.memory_space<vmem>> -> memref<1x640x32xf32, #tpu.memory_space<vmem>>
        %parallel_loop3A_961 = tpu.memref_squeeze %parallel_loop3A_960 : memref<1x640x32xf32, #tpu.memory_space<vmem>> -> memref<640x32xf32, #tpu.memory_space<vmem>>
        %parallel_loop3A_962 = tpu.vector_load_idx %parallel_loop3A_961[%add3A_538, %parallel_loop3A_786] : memref<640x32xf32, #tpu.memory_space<vmem>>[vector<16xi32>, vector<16xi32>], vector<16xf32>,
        %parallel_loop3A_963 = arith.constant 1 : i32
        %parallel_loop3A_964 = arith.addi %parallel_loop3A_788, %parallel_loop3A_963 : i32
        %parallel_loop3A_965 = arith.constant 1 : i32
        %parallel_loop3A_966 = arith.index_cast %parallel_loop3A_965 : i32 to index
        %parallel_loop3A_967 = arith.index_cast %parallel_loop3A_964 : i32 to index
        %parallel_loop3A_968 = arith.index_cast %parallel_loop3A_782 : i32 to index
        %parallel_loop3A_969 = arith.constant 80 : index
        %parallel_loop3A_970 = tpu.vector_load %arg7[%parallel_loop3A_966, %parallel_loop3A_967, %parallel_loop3A_968, %parallel_loop3A_969] {strides = array<i32>} : memref<2x20x8x128xf32, #tpu.memory_space<vmem>>, vector<16xf32>,
        tpu.vector_store %arg7[%parallel_loop3A_966, %parallel_loop3A_967, %parallel_loop3A_968, %parallel_loop3A_969], %parallel_loop3A_962 {strides = array<i32>} : memref<2x20x8x128xf32, #tpu.memory_space<vmem>>, vector<16xf32>,
        %parallel_loop3A_971 = arith.constant 0 : i32
        %parallel_loop3A_972 = arith.constant 0 : i32
        %parallel_loop3A_973 = tpu.memref_slice %arg6[%parallel_loop3A_646, %parallel_loop3A_971, %parallel_loop3A_972] : memref<2x640x32xf32, #tpu.memory_space<vmem>> -> memref<1x640x32xf32, #tpu.memory_space<vmem>>
        %parallel_loop3A_974 = tpu.memref_squeeze %parallel_loop3A_973 : memref<1x640x32xf32, #tpu.memory_space<vmem>> -> memref<640x32xf32, #tpu.memory_space<vmem>>
        %parallel_loop3A_975 = tpu.vector_load_idx %parallel_loop3A_974[%add3A_542, %parallel_loop3A_786] : memref<640x32xf32, #tpu.memory_space<vmem>>[vector<16xi32>, vector<16xi32>], vector<16xf32>,
        %parallel_loop3A_976 = arith.constant 1 : i32
        %parallel_loop3A_977 = arith.addi %parallel_loop3A_788, %parallel_loop3A_976 : i32
        %parallel_loop3A_978 = arith.constant 1 : i32
        %parallel_loop3A_979 = arith.index_cast %parallel_loop3A_978 : i32 to index
        %parallel_loop3A_980 = arith.index_cast %parallel_loop3A_977 : i32 to index
        %parallel_loop3A_981 = arith.index_cast %parallel_loop3A_782 : i32 to index
        %parallel_loop3A_982 = arith.constant 96 : index
        %parallel_loop3A_983 = tpu.vector_load %arg7[%parallel_loop3A_979, %parallel_loop3A_980, %parallel_loop3A_981, %parallel_loop3A_982] {strides = array<i32>} : memref<2x20x8x128xf32, #tpu.memory_space<vmem>>, vector<16xf32>,
        tpu.vector_store %arg7[%parallel_loop3A_979, %parallel_loop3A_980, %parallel_loop3A_981, %parallel_loop3A_982], %parallel_loop3A_975 {strides = array<i32>} : memref<2x20x8x128xf32, #tpu.memory_space<vmem>>, vector<16xf32>,
        %parallel_loop3A_984 = arith.constant 0 : i32
        %parallel_loop3A_985 = arith.constant 0 : i32
        %parallel_loop3A_986 = tpu.memref_slice %arg6[%parallel_loop3A_646, %parallel_loop3A_984, %parallel_loop3A_985] : memref<2x640x32xf32, #tpu.memory_space<vmem>> -> memref<1x640x32xf32, #tpu.memory_space<vmem>>
        %parallel_loop3A_987 = tpu.memref_squeeze %parallel_loop3A_986 : memref<1x640x32xf32, #tpu.memory_space<vmem>> -> memref<640x32xf32, #tpu.memory_space<vmem>>
        %parallel_loop3A_988 = tpu.vector_load_idx %parallel_loop3A_987[%add3A_546, %parallel_loop3A_786] : memref<640x32xf32, #tpu.memory_space<vmem>>[vector<16xi32>, vector<16xi32>], vector<16xf32>,
        %parallel_loop3A_989 = arith.constant 1 : i32
        %parallel_loop3A_990 = arith.addi %parallel_loop3A_788, %parallel_loop3A_989 : i32
        %parallel_loop3A_991 = arith.constant 1 : i32
        %parallel_loop3A_992 = arith.index_cast %parallel_loop3A_991 : i32 to index
        %parallel_loop3A_993 = arith.index_cast %parallel_loop3A_990 : i32 to index
        %parallel_loop3A_994 = arith.index_cast %parallel_loop3A_782 : i32 to index
        %parallel_loop3A_995 = arith.constant 112 : index
        %parallel_loop3A_996 = tpu.vector_load %arg7[%parallel_loop3A_992, %parallel_loop3A_993, %parallel_loop3A_994, %parallel_loop3A_995] {strides = array<i32>} : memref<2x20x8x128xf32, #tpu.memory_space<vmem>>, vector<16xf32>,
        tpu.vector_store %arg7[%parallel_loop3A_992, %parallel_loop3A_993, %parallel_loop3A_994, %parallel_loop3A_995], %parallel_loop3A_988 {strides = array<i32>} : memref<2x20x8x128xf32, #tpu.memory_space<vmem>>, vector<16xf32>,
        %parallel_loop3A_997 = arith.constant 0 : i32
        %parallel_loop3A_998 = arith.constant 0 : i32
        %parallel_loop3A_999 = tpu.memref_slice %arg6[%parallel_loop3A_646, %parallel_loop3A_997, %parallel_loop3A_998] : memref<2x640x32xf32, #tpu.memory_space<vmem>> -> memref<1x640x32xf32, #tpu.memory_space<vmem>>
        %parallel_loop3A_1000 = tpu.memref_squeeze %parallel_loop3A_999 : memref<1x640x32xf32, #tpu.memory_space<vmem>> -> memref<640x32xf32, #tpu.memory_space<vmem>>
        %parallel_loop3A_1001 = tpu.vector_load_idx %parallel_loop3A_1000[%add3A_550, %parallel_loop3A_786] : memref<640x32xf32, #tpu.memory_space<vmem>>[vector<16xi32>, vector<16xi32>], vector<16xf32>,
        %parallel_loop3A_1002 = arith.constant 2 : i32
        %parallel_loop3A_1003 = arith.addi %parallel_loop3A_788, %parallel_loop3A_1002 : i32
        %parallel_loop3A_1004 = arith.constant 1 : i32
        %parallel_loop3A_1005 = arith.index_cast %parallel_loop3A_1004 : i32 to index
        %parallel_loop3A_1006 = arith.index_cast %parallel_loop3A_1003 : i32 to index
        %parallel_loop3A_1007 = arith.index_cast %parallel_loop3A_782 : i32 to index
        %parallel_loop3A_1008 = arith.constant 0 : index
        %parallel_loop3A_1009 = tpu.vector_load %arg7[%parallel_loop3A_1005, %parallel_loop3A_1006, %parallel_loop3A_1007, %parallel_loop3A_1008] {strides = array<i32>} : memref<2x20x8x128xf32, #tpu.memory_space<vmem>>, vector<16xf32>,
        tpu.vector_store %arg7[%parallel_loop3A_1005, %parallel_loop3A_1006, %parallel_loop3A_1007, %parallel_loop3A_1008], %parallel_loop3A_1001 {strides = array<i32>} : memref<2x20x8x128xf32, #tpu.memory_space<vmem>>, vector<16xf32>,
        %parallel_loop3A_1010 = arith.constant 0 : i32
        %parallel_loop3A_1011 = arith.constant 0 : i32
        %parallel_loop3A_1012 = tpu.memref_slice %arg6[%parallel_loop3A_646, %parallel_loop3A_1010, %parallel_loop3A_1011] : memref<2x640x32xf32, #tpu.memory_space<vmem>> -> memref<1x640x32xf32, #tpu.memory_space<vmem>>
        %parallel_loop3A_1013 = tpu.memref_squeeze %parallel_loop3A_1012 : memref<1x640x32xf32, #tpu.memory_space<vmem>> -> memref<640x32xf32, #tpu.memory_space<vmem>>
        %parallel_loop3A_1014 = tpu.vector_load_idx %parallel_loop3A_1013[%add3A_554, %parallel_loop3A_786] : memref<640x32xf32, #tpu.memory_space<vmem>>[vector<16xi32>, vector<16xi32>], vector<16xf32>,
        %parallel_loop3A_1015 = arith.constant 2 : i32
        %parallel_loop3A_1016 = arith.addi %parallel_loop3A_788, %parallel_loop3A_1015 : i32
        %parallel_loop3A_1017 = arith.constant 1 : i32
        %parallel_loop3A_1018 = arith.index_cast %parallel_loop3A_1017 : i32 to index
        %parallel_loop3A_1019 = arith.index_cast %parallel_loop3A_1016 : i32 to index
        %parallel_loop3A_1020 = arith.index_cast %parallel_loop3A_782 : i32 to index
        %parallel_loop3A_1021 = arith.constant 16 : index
        %parallel_loop3A_1022 = tpu.vector_load %arg7[%parallel_loop3A_1018, %parallel_loop3A_1019, %parallel_loop3A_1020, %parallel_loop3A_1021] {strides = array<i32>} : memref<2x20x8x128xf32, #tpu.memory_space<vmem>>, vector<16xf32>,
        tpu.vector_store %arg7[%parallel_loop3A_1018, %parallel_loop3A_1019, %parallel_loop3A_1020, %parallel_loop3A_1021], %parallel_loop3A_1014 {strides = array<i32>} : memref<2x20x8x128xf32, #tpu.memory_space<vmem>>, vector<16xf32>,
        %parallel_loop3A_1023 = arith.constant 0 : i32
        %parallel_loop3A_1024 = arith.constant 0 : i32
        %parallel_loop3A_1025 = tpu.memref_slice %arg6[%parallel_loop3A_646, %parallel_loop3A_1023, %parallel_loop3A_1024] : memref<2x640x32xf32, #tpu.memory_space<vmem>> -> memref<1x640x32xf32, #tpu.memory_space<vmem>>
        %parallel_loop3A_1026 = tpu.memref_squeeze %parallel_loop3A_1025 : memref<1x640x32xf32, #tpu.memory_space<vmem>> -> memref<640x32xf32, #tpu.memory_space<vmem>>
        %parallel_loop3A_1027 = tpu.vector_load_idx %parallel_loop3A_1026[%add3A_558, %parallel_loop3A_786] : memref<640x32xf32, #tpu.memory_space<vmem>>[vector<16xi32>, vector<16xi32>], vector<16xf32>,
        %parallel_loop3A_1028 = arith.constant 2 : i32
        %parallel_loop3A_1029 = arith.addi %parallel_loop3A_788, %parallel_loop3A_1028 : i32
        %parallel_loop3A_1030 = arith.constant 1 : i32
        %parallel_loop3A_1031 = arith.index_cast %parallel_loop3A_1030 : i32 to index
        %parallel_loop3A_1032 = arith.index_cast %parallel_loop3A_1029 : i32 to index
        %parallel_loop3A_1033 = arith.index_cast %parallel_loop3A_782 : i32 to index
        %parallel_loop3A_1034 = arith.constant 32 : index
        %parallel_loop3A_1035 = tpu.vector_load %arg7[%parallel_loop3A_1031, %parallel_loop3A_1032, %parallel_loop3A_1033, %parallel_loop3A_1034] {strides = array<i32>} : memref<2x20x8x128xf32, #tpu.memory_space<vmem>>, vector<16xf32>,
        tpu.vector_store %arg7[%parallel_loop3A_1031, %parallel_loop3A_1032, %parallel_loop3A_1033, %parallel_loop3A_1034], %parallel_loop3A_1027 {strides = array<i32>} : memref<2x20x8x128xf32, #tpu.memory_space<vmem>>, vector<16xf32>,
        %parallel_loop3A_1036 = arith.constant 0 : i32
        %parallel_loop3A_1037 = arith.constant 0 : i32
        %parallel_loop3A_1038 = tpu.memref_slice %arg6[%parallel_loop3A_646, %parallel_loop3A_1036, %parallel_loop3A_1037] : memref<2x640x32xf32, #tpu.memory_space<vmem>> -> memref<1x640x32xf32, #tpu.memory_space<vmem>>
        %parallel_loop3A_1039 = tpu.memref_squeeze %parallel_loop3A_1038 : memref<1x640x32xf32, #tpu.memory_space<vmem>> -> memref<640x32xf32, #tpu.memory_space<vmem>>
        %parallel_loop3A_1040 = tpu.vector_load_idx %parallel_loop3A_1039[%add3A_562, %parallel_loop3A_786] : memref<640x32xf32, #tpu.memory_space<vmem>>[vector<16xi32>, vector<16xi32>], vector<16xf32>,
        %parallel_loop3A_1041 = arith.constant 2 : i32
        %parallel_loop3A_1042 = arith.addi %parallel_loop3A_788, %parallel_loop3A_1041 : i32
        %parallel_loop3A_1043 = arith.constant 1 : i32
        %parallel_loop3A_1044 = arith.index_cast %parallel_loop3A_1043 : i32 to index
        %parallel_loop3A_1045 = arith.index_cast %parallel_loop3A_1042 : i32 to index
        %parallel_loop3A_1046 = arith.index_cast %parallel_loop3A_782 : i32 to index
        %parallel_loop3A_1047 = arith.constant 48 : index
        %parallel_loop3A_1048 = tpu.vector_load %arg7[%parallel_loop3A_1044, %parallel_loop3A_1045, %parallel_loop3A_1046, %parallel_loop3A_1047] {strides = array<i32>} : memref<2x20x8x128xf32, #tpu.memory_space<vmem>>, vector<16xf32>,
        tpu.vector_store %arg7[%parallel_loop3A_1044, %parallel_loop3A_1045, %parallel_loop3A_1046, %parallel_loop3A_1047], %parallel_loop3A_1040 {strides = array<i32>} : memref<2x20x8x128xf32, #tpu.memory_space<vmem>>, vector<16xf32>,
        %parallel_loop3A_1049 = arith.constant 0 : i32
        %parallel_loop3A_1050 = arith.constant 0 : i32
        %parallel_loop3A_1051 = tpu.memref_slice %arg6[%parallel_loop3A_646, %parallel_loop3A_1049, %parallel_loop3A_1050] : memref<2x640x32xf32, #tpu.memory_space<vmem>> -> memref<1x640x32xf32, #tpu.memory_space<vmem>>
        %parallel_loop3A_1052 = tpu.memref_squeeze %parallel_loop3A_1051 : memref<1x640x32xf32, #tpu.memory_space<vmem>> -> memref<640x32xf32, #tpu.memory_space<vmem>>
        %parallel_loop3A_1053 = tpu.vector_load_idx %parallel_loop3A_1052[%add3A_566, %parallel_loop3A_786] : memref<640x32xf32, #tpu.memory_space<vmem>>[vector<16xi32>, vector<16xi32>], vector<16xf32>,
        %parallel_loop3A_1054 = arith.constant 2 : i32
        %parallel_loop3A_1055 = arith.addi %parallel_loop3A_788, %parallel_loop3A_1054 : i32
        %parallel_loop3A_1056 = arith.constant 1 : i32
        %parallel_loop3A_1057 = arith.index_cast %parallel_loop3A_1056 : i32 to index
        %parallel_loop3A_1058 = arith.index_cast %parallel_loop3A_1055 : i32 to index
        %parallel_loop3A_1059 = arith.index_cast %parallel_loop3A_782 : i32 to index
        %parallel_loop3A_1060 = arith.constant 64 : index
        %parallel_loop3A_1061 = tpu.vector_load %arg7[%parallel_loop3A_1057, %parallel_loop3A_1058, %parallel_loop3A_1059, %parallel_loop3A_1060] {strides = array<i32>} : memref<2x20x8x128xf32, #tpu.memory_space<vmem>>, vector<16xf32>,
        tpu.vector_store %arg7[%parallel_loop3A_1057, %parallel_loop3A_1058, %parallel_loop3A_1059, %parallel_loop3A_1060], %parallel_loop3A_1053 {strides = array<i32>} : memref<2x20x8x128xf32, #tpu.memory_space<vmem>>, vector<16xf32>,
        %parallel_loop3A_1062 = arith.constant 0 : i32
        %parallel_loop3A_1063 = arith.constant 0 : i32
        %parallel_loop3A_1064 = tpu.memref_slice %arg6[%parallel_loop3A_646, %parallel_loop3A_1062, %parallel_loop3A_1063] : memref<2x640x32xf32, #tpu.memory_space<vmem>> -> memref<1x640x32xf32, #tpu.memory_space<vmem>>
        %parallel_loop3A_1065 = tpu.memref_squeeze %parallel_loop3A_1064 : memref<1x640x32xf32, #tpu.memory_space<vmem>> -> memref<640x32xf32, #tpu.memory_space<vmem>>
        %parallel_loop3A_1066 = tpu.vector_load_idx %parallel_loop3A_1065[%add3A_570, %parallel_loop3A_786] : memref<640x32xf32, #tpu.memory_space<vmem>>[vector<16xi32>, vector<16xi32>], vector<16xf32>,
        %parallel_loop3A_1067 = arith.constant 2 : i32
        %parallel_loop3A_1068 = arith.addi %parallel_loop3A_788, %parallel_loop3A_1067 : i32
        %parallel_loop3A_1069 = arith.constant 1 : i32
        %parallel_loop3A_1070 = arith.index_cast %parallel_loop3A_1069 : i32 to index
        %parallel_loop3A_1071 = arith.index_cast %parallel_loop3A_1068 : i32 to index
        %parallel_loop3A_1072 = arith.index_cast %parallel_loop3A_782 : i32 to index
        %parallel_loop3A_1073 = arith.constant 80 : index
        %parallel_loop3A_1074 = tpu.vector_load %arg7[%parallel_loop3A_1070, %parallel_loop3A_1071, %parallel_loop3A_1072, %parallel_loop3A_1073] {strides = array<i32>} : memref<2x20x8x128xf32, #tpu.memory_space<vmem>>, vector<16xf32>,
        tpu.vector_store %arg7[%parallel_loop3A_1070, %parallel_loop3A_1071, %parallel_loop3A_1072, %parallel_loop3A_1073], %parallel_loop3A_1066 {strides = array<i32>} : memref<2x20x8x128xf32, #tpu.memory_space<vmem>>, vector<16xf32>,
        %parallel_loop3A_1075 = arith.constant 0 : i32
        %parallel_loop3A_1076 = arith.constant 0 : i32
        %parallel_loop3A_1077 = tpu.memref_slice %arg6[%parallel_loop3A_646, %parallel_loop3A_1075, %parallel_loop3A_1076] : memref<2x640x32xf32, #tpu.memory_space<vmem>> -> memref<1x640x32xf32, #tpu.memory_space<vmem>>
        %parallel_loop3A_1078 = tpu.memref_squeeze %parallel_loop3A_1077 : memref<1x640x32xf32, #tpu.memory_space<vmem>> -> memref<640x32xf32, #tpu.memory_space<vmem>>
        %parallel_loop3A_1079 = tpu.vector_load_idx %parallel_loop3A_1078[%add3A_574, %parallel_loop3A_786] : memref<640x32xf32, #tpu.memory_space<vmem>>[vector<16xi32>, vector<16xi32>], vector<16xf32>,
        %parallel_loop3A_1080 = arith.constant 2 : i32
        %parallel_loop3A_1081 = arith.addi %parallel_loop3A_788, %parallel_loop3A_1080 : i32
        %parallel_loop3A_1082 = arith.constant 1 : i32
        %parallel_loop3A_1083 = arith.index_cast %parallel_loop3A_1082 : i32 to index
        %parallel_loop3A_1084 = arith.index_cast %parallel_loop3A_1081 : i32 to index
        %parallel_loop3A_1085 = arith.index_cast %parallel_loop3A_782 : i32 to index
        %parallel_loop3A_1086 = arith.constant 96 : index
        %parallel_loop3A_1087 = tpu.vector_load %arg7[%parallel_loop3A_1083, %parallel_loop3A_1084, %parallel_loop3A_1085, %parallel_loop3A_1086] {strides = array<i32>} : memref<2x20x8x128xf32, #tpu.memory_space<vmem>>, vector<16xf32>,
        tpu.vector_store %arg7[%parallel_loop3A_1083, %parallel_loop3A_1084, %parallel_loop3A_1085, %parallel_loop3A_1086], %parallel_loop3A_1079 {strides = array<i32>} : memref<2x20x8x128xf32, #tpu.memory_space<vmem>>, vector<16xf32>,
        %parallel_loop3A_1088 = arith.constant 0 : i32
        %parallel_loop3A_1089 = arith.constant 0 : i32
        %parallel_loop3A_1090 = tpu.memref_slice %arg6[%parallel_loop3A_646, %parallel_loop3A_1088, %parallel_loop3A_1089] : memref<2x640x32xf32, #tpu.memory_space<vmem>> -> memref<1x640x32xf32, #tpu.memory_space<vmem>>
        %parallel_loop3A_1091 = tpu.memref_squeeze %parallel_loop3A_1090 : memref<1x640x32xf32, #tpu.memory_space<vmem>> -> memref<640x32xf32, #tpu.memory_space<vmem>>
        %parallel_loop3A_1092 = tpu.vector_load_idx %parallel_loop3A_1091[%add3A_578, %parallel_loop3A_786] : memref<640x32xf32, #tpu.memory_space<vmem>>[vector<16xi32>, vector<16xi32>], vector<16xf32>,
        %parallel_loop3A_1093 = arith.constant 2 : i32
        %parallel_loop3A_1094 = arith.addi %parallel_loop3A_788, %parallel_loop3A_1093 : i32
        %parallel_loop3A_1095 = arith.constant 1 : i32
        %parallel_loop3A_1096 = arith.index_cast %parallel_loop3A_1095 : i32 to index
        %parallel_loop3A_1097 = arith.index_cast %parallel_loop3A_1094 : i32 to index
        %parallel_loop3A_1098 = arith.index_cast %parallel_loop3A_782 : i32 to index
        %parallel_loop3A_1099 = arith.constant 112 : index
        %parallel_loop3A_1100 = tpu.vector_load %arg7[%parallel_loop3A_1096, %parallel_loop3A_1097, %parallel_loop3A_1098, %parallel_loop3A_1099] {strides = array<i32>} : memref<2x20x8x128xf32, #tpu.memory_space<vmem>>, vector<16xf32>,
        tpu.vector_store %arg7[%parallel_loop3A_1096, %parallel_loop3A_1097, %parallel_loop3A_1098, %parallel_loop3A_1099], %parallel_loop3A_1092 {strides = array<i32>} : memref<2x20x8x128xf32, #tpu.memory_space<vmem>>, vector<16xf32>,
        %parallel_loop3A_1101 = arith.constant 0 : i32
        %parallel_loop3A_1102 = arith.constant 0 : i32
        %parallel_loop3A_1103 = tpu.memref_slice %arg6[%parallel_loop3A_646, %parallel_loop3A_1101, %parallel_loop3A_1102] : memref<2x640x32xf32, #tpu.memory_space<vmem>> -> memref<1x640x32xf32, #tpu.memory_space<vmem>>
        %parallel_loop3A_1104 = tpu.memref_squeeze %parallel_loop3A_1103 : memref<1x640x32xf32, #tpu.memory_space<vmem>> -> memref<640x32xf32, #tpu.memory_space<vmem>>
        %parallel_loop3A_1105 = tpu.vector_load_idx %parallel_loop3A_1104[%add3A_582, %parallel_loop3A_786] : memref<640x32xf32, #tpu.memory_space<vmem>>[vector<16xi32>, vector<16xi32>], vector<16xf32>,
        %parallel_loop3A_1106 = arith.constant 3 : i32
        %parallel_loop3A_1107 = arith.addi %parallel_loop3A_788, %parallel_loop3A_1106 : i32
        %parallel_loop3A_1108 = arith.constant 1 : i32
        %parallel_loop3A_1109 = arith.index_cast %parallel_loop3A_1108 : i32 to index
        %parallel_loop3A_1110 = arith.index_cast %parallel_loop3A_1107 : i32 to index
        %parallel_loop3A_1111 = arith.index_cast %parallel_loop3A_782 : i32 to index
        %parallel_loop3A_1112 = arith.constant 0 : index
        %parallel_loop3A_1113 = tpu.vector_load %arg7[%parallel_loop3A_1109, %parallel_loop3A_1110, %parallel_loop3A_1111, %parallel_loop3A_1112] {strides = array<i32>} : memref<2x20x8x128xf32, #tpu.memory_space<vmem>>, vector<16xf32>,
        tpu.vector_store %arg7[%parallel_loop3A_1109, %parallel_loop3A_1110, %parallel_loop3A_1111, %parallel_loop3A_1112], %parallel_loop3A_1105 {strides = array<i32>} : memref<2x20x8x128xf32, #tpu.memory_space<vmem>>, vector<16xf32>,
        %parallel_loop3A_1114 = arith.constant 0 : i32
        %parallel_loop3A_1115 = arith.constant 0 : i32
        %parallel_loop3A_1116 = tpu.memref_slice %arg6[%parallel_loop3A_646, %parallel_loop3A_1114, %parallel_loop3A_1115] : memref<2x640x32xf32, #tpu.memory_space<vmem>> -> memref<1x640x32xf32, #tpu.memory_space<vmem>>
        %parallel_loop3A_1117 = tpu.memref_squeeze %parallel_loop3A_1116 : memref<1x640x32xf32, #tpu.memory_space<vmem>> -> memref<640x32xf32, #tpu.memory_space<vmem>>
        %parallel_loop3A_1118 = tpu.vector_load_idx %parallel_loop3A_1117[%add3A_586, %parallel_loop3A_786] : memref<640x32xf32, #tpu.memory_space<vmem>>[vector<16xi32>, vector<16xi32>], vector<16xf32>,
        %parallel_loop3A_1119 = arith.constant 3 : i32
        %parallel_loop3A_1120 = arith.addi %parallel_loop3A_788, %parallel_loop3A_1119 : i32
        %parallel_loop3A_1121 = arith.constant 1 : i32
        %parallel_loop3A_1122 = arith.index_cast %parallel_loop3A_1121 : i32 to index
        %parallel_loop3A_1123 = arith.index_cast %parallel_loop3A_1120 : i32 to index
        %parallel_loop3A_1124 = arith.index_cast %parallel_loop3A_782 : i32 to index
        %parallel_loop3A_1125 = arith.constant 16 : index
        %parallel_loop3A_1126 = tpu.vector_load %arg7[%parallel_loop3A_1122, %parallel_loop3A_1123, %parallel_loop3A_1124, %parallel_loop3A_1125] {strides = array<i32>} : memref<2x20x8x128xf32, #tpu.memory_space<vmem>>, vector<16xf32>,
        tpu.vector_store %arg7[%parallel_loop3A_1122, %parallel_loop3A_1123, %parallel_loop3A_1124, %parallel_loop3A_1125], %parallel_loop3A_1118 {strides = array<i32>} : memref<2x20x8x128xf32, #tpu.memory_space<vmem>>, vector<16xf32>,
        %parallel_loop3A_1127 = arith.constant 0 : i32
        %parallel_loop3A_1128 = arith.constant 0 : i32
        %parallel_loop3A_1129 = tpu.memref_slice %arg6[%parallel_loop3A_646, %parallel_loop3A_1127, %parallel_loop3A_1128] : memref<2x640x32xf32, #tpu.memory_space<vmem>> -> memref<1x640x32xf32, #tpu.memory_space<vmem>>
        %parallel_loop3A_1130 = tpu.memref_squeeze %parallel_loop3A_1129 : memref<1x640x32xf32, #tpu.memory_space<vmem>> -> memref<640x32xf32, #tpu.memory_space<vmem>>
        %parallel_loop3A_1131 = tpu.vector_load_idx %parallel_loop3A_1130[%add3A_590, %parallel_loop3A_786] : memref<640x32xf32, #tpu.memory_space<vmem>>[vector<16xi32>, vector<16xi32>], vector<16xf32>,
        %parallel_loop3A_1132 = arith.constant 3 : i32
        %parallel_loop3A_1133 = arith.addi %parallel_loop3A_788, %parallel_loop3A_1132 : i32
        %parallel_loop3A_1134 = arith.constant 1 : i32
        %parallel_loop3A_1135 = arith.index_cast %parallel_loop3A_1134 : i32 to index
        %parallel_loop3A_1136 = arith.index_cast %parallel_loop3A_1133 : i32 to index
        %parallel_loop3A_1137 = arith.index_cast %parallel_loop3A_782 : i32 to index
        %parallel_loop3A_1138 = arith.constant 32 : index
        %parallel_loop3A_1139 = tpu.vector_load %arg7[%parallel_loop3A_1135, %parallel_loop3A_1136, %parallel_loop3A_1137, %parallel_loop3A_1138] {strides = array<i32>} : memref<2x20x8x128xf32, #tpu.memory_space<vmem>>, vector<16xf32>,
        tpu.vector_store %arg7[%parallel_loop3A_1135, %parallel_loop3A_1136, %parallel_loop3A_1137, %parallel_loop3A_1138], %parallel_loop3A_1131 {strides = array<i32>} : memref<2x20x8x128xf32, #tpu.memory_space<vmem>>, vector<16xf32>,
        %parallel_loop3A_1140 = arith.constant 0 : i32
        %parallel_loop3A_1141 = arith.constant 0 : i32
        %parallel_loop3A_1142 = tpu.memref_slice %arg6[%parallel_loop3A_646, %parallel_loop3A_1140, %parallel_loop3A_1141] : memref<2x640x32xf32, #tpu.memory_space<vmem>> -> memref<1x640x32xf32, #tpu.memory_space<vmem>>
        %parallel_loop3A_1143 = tpu.memref_squeeze %parallel_loop3A_1142 : memref<1x640x32xf32, #tpu.memory_space<vmem>> -> memref<640x32xf32, #tpu.memory_space<vmem>>
        %parallel_loop3A_1144 = tpu.vector_load_idx %parallel_loop3A_1143[%add3A_594, %parallel_loop3A_786] : memref<640x32xf32, #tpu.memory_space<vmem>>[vector<16xi32>, vector<16xi32>], vector<16xf32>,
        %parallel_loop3A_1145 = arith.constant 3 : i32
        %parallel_loop3A_1146 = arith.addi %parallel_loop3A_788, %parallel_loop3A_1145 : i32
        %parallel_loop3A_1147 = arith.constant 1 : i32
        %parallel_loop3A_1148 = arith.index_cast %parallel_loop3A_1147 : i32 to index
        %parallel_loop3A_1149 = arith.index_cast %parallel_loop3A_1146 : i32 to index
        %parallel_loop3A_1150 = arith.index_cast %parallel_loop3A_782 : i32 to index
        %parallel_loop3A_1151 = arith.constant 48 : index
        %parallel_loop3A_1152 = tpu.vector_load %arg7[%parallel_loop3A_1148, %parallel_loop3A_1149, %parallel_loop3A_1150, %parallel_loop3A_1151] {strides = array<i32>} : memref<2x20x8x128xf32, #tpu.memory_space<vmem>>, vector<16xf32>,
        tpu.vector_store %arg7[%parallel_loop3A_1148, %parallel_loop3A_1149, %parallel_loop3A_1150, %parallel_loop3A_1151], %parallel_loop3A_1144 {strides = array<i32>} : memref<2x20x8x128xf32, #tpu.memory_space<vmem>>, vector<16xf32>,
        %parallel_loop3A_1153 = arith.constant 0 : i32
        %parallel_loop3A_1154 = arith.constant 0 : i32
        %parallel_loop3A_1155 = tpu.memref_slice %arg6[%parallel_loop3A_646, %parallel_loop3A_1153, %parallel_loop3A_1154] : memref<2x640x32xf32, #tpu.memory_space<vmem>> -> memref<1x640x32xf32, #tpu.memory_space<vmem>>
        %parallel_loop3A_1156 = tpu.memref_squeeze %parallel_loop3A_1155 : memref<1x640x32xf32, #tpu.memory_space<vmem>> -> memref<640x32xf32, #tpu.memory_space<vmem>>
        %parallel_loop3A_1157 = tpu.vector_load_idx %parallel_loop3A_1156[%add3A_598, %parallel_loop3A_786] : memref<640x32xf32, #tpu.memory_space<vmem>>[vector<16xi32>, vector<16xi32>], vector<16xf32>,
        %parallel_loop3A_1158 = arith.constant 3 : i32
        %parallel_loop3A_1159 = arith.addi %parallel_loop3A_788, %parallel_loop3A_1158 : i32
        %parallel_loop3A_1160 = arith.constant 1 : i32
        %parallel_loop3A_1161 = arith.index_cast %parallel_loop3A_1160 : i32 to index
        %parallel_loop3A_1162 = arith.index_cast %parallel_loop3A_1159 : i32 to index
        %parallel_loop3A_1163 = arith.index_cast %parallel_loop3A_782 : i32 to index
        %parallel_loop3A_1164 = arith.constant 64 : index
        %parallel_loop3A_1165 = tpu.vector_load %arg7[%parallel_loop3A_1161, %parallel_loop3A_1162, %parallel_loop3A_1163, %parallel_loop3A_1164] {strides = array<i32>} : memref<2x20x8x128xf32, #tpu.memory_space<vmem>>, vector<16xf32>,
        tpu.vector_store %arg7[%parallel_loop3A_1161, %parallel_loop3A_1162, %parallel_loop3A_1163, %parallel_loop3A_1164], %parallel_loop3A_1157 {strides = array<i32>} : memref<2x20x8x128xf32, #tpu.memory_space<vmem>>, vector<16xf32>,
        %parallel_loop3A_1166 = arith.constant 0 : i32
        %parallel_loop3A_1167 = arith.constant 0 : i32
        %parallel_loop3A_1168 = tpu.memref_slice %arg6[%parallel_loop3A_646, %parallel_loop3A_1166, %parallel_loop3A_1167] : memref<2x640x32xf32, #tpu.memory_space<vmem>> -> memref<1x640x32xf32, #tpu.memory_space<vmem>>
        %parallel_loop3A_1169 = tpu.memref_squeeze %parallel_loop3A_1168 : memref<1x640x32xf32, #tpu.memory_space<vmem>> -> memref<640x32xf32, #tpu.memory_space<vmem>>
        %parallel_loop3A_1170 = tpu.vector_load_idx %parallel_loop3A_1169[%add3A_602, %parallel_loop3A_786] : memref<640x32xf32, #tpu.memory_space<vmem>>[vector<16xi32>, vector<16xi32>], vector<16xf32>,
        %parallel_loop3A_1171 = arith.constant 3 : i32
        %parallel_loop3A_1172 = arith.addi %parallel_loop3A_788, %parallel_loop3A_1171 : i32
        %parallel_loop3A_1173 = arith.constant 1 : i32
        %parallel_loop3A_1174 = arith.index_cast %parallel_loop3A_1173 : i32 to index
        %parallel_loop3A_1175 = arith.index_cast %parallel_loop3A_1172 : i32 to index
        %parallel_loop3A_1176 = arith.index_cast %parallel_loop3A_782 : i32 to index
        %parallel_loop3A_1177 = arith.constant 80 : index
        %parallel_loop3A_1178 = tpu.vector_load %arg7[%parallel_loop3A_1174, %parallel_loop3A_1175, %parallel_loop3A_1176, %parallel_loop3A_1177] {strides = array<i32>} : memref<2x20x8x128xf32, #tpu.memory_space<vmem>>, vector<16xf32>,
        tpu.vector_store %arg7[%parallel_loop3A_1174, %parallel_loop3A_1175, %parallel_loop3A_1176, %parallel_loop3A_1177], %parallel_loop3A_1170 {strides = array<i32>} : memref<2x20x8x128xf32, #tpu.memory_space<vmem>>, vector<16xf32>,
        %parallel_loop3A_1179 = arith.constant 0 : i32
        %parallel_loop3A_1180 = arith.constant 0 : i32
        %parallel_loop3A_1181 = tpu.memref_slice %arg6[%parallel_loop3A_646, %parallel_loop3A_1179, %parallel_loop3A_1180] : memref<2x640x32xf32, #tpu.memory_space<vmem>> -> memref<1x640x32xf32, #tpu.memory_space<vmem>>
        %parallel_loop3A_1182 = tpu.memref_squeeze %parallel_loop3A_1181 : memref<1x640x32xf32, #tpu.memory_space<vmem>> -> memref<640x32xf32, #tpu.memory_space<vmem>>
        %parallel_loop3A_1183 = tpu.vector_load_idx %parallel_loop3A_1182[%add3A_606, %parallel_loop3A_786] : memref<640x32xf32, #tpu.memory_space<vmem>>[vector<16xi32>, vector<16xi32>], vector<16xf32>,
        %parallel_loop3A_1184 = arith.constant 3 : i32
        %parallel_loop3A_1185 = arith.addi %parallel_loop3A_788, %parallel_loop3A_1184 : i32
        %parallel_loop3A_1186 = arith.constant 1 : i32
        %parallel_loop3A_1187 = arith.index_cast %parallel_loop3A_1186 : i32 to index
        %parallel_loop3A_1188 = arith.index_cast %parallel_loop3A_1185 : i32 to index
        %parallel_loop3A_1189 = arith.index_cast %parallel_loop3A_782 : i32 to index
        %parallel_loop3A_1190 = arith.constant 96 : index
        %parallel_loop3A_1191 = tpu.vector_load %arg7[%parallel_loop3A_1187, %parallel_loop3A_1188, %parallel_loop3A_1189, %parallel_loop3A_1190] {strides = array<i32>} : memref<2x20x8x128xf32, #tpu.memory_space<vmem>>, vector<16xf32>,
        tpu.vector_store %arg7[%parallel_loop3A_1187, %parallel_loop3A_1188, %parallel_loop3A_1189, %parallel_loop3A_1190], %parallel_loop3A_1183 {strides = array<i32>} : memref<2x20x8x128xf32, #tpu.memory_space<vmem>>, vector<16xf32>,
        %parallel_loop3A_1192 = arith.constant 0 : i32
        %parallel_loop3A_1193 = arith.constant 0 : i32
        %parallel_loop3A_1194 = tpu.memref_slice %arg6[%parallel_loop3A_646, %parallel_loop3A_1192, %parallel_loop3A_1193] : memref<2x640x32xf32, #tpu.memory_space<vmem>> -> memref<1x640x32xf32, #tpu.memory_space<vmem>>
        %parallel_loop3A_1195 = tpu.memref_squeeze %parallel_loop3A_1194 : memref<1x640x32xf32, #tpu.memory_space<vmem>> -> memref<640x32xf32, #tpu.memory_space<vmem>>
        %parallel_loop3A_1196 = tpu.vector_load_idx %parallel_loop3A_1195[%add3A_610, %parallel_loop3A_786] : memref<640x32xf32, #tpu.memory_space<vmem>>[vector<16xi32>, vector<16xi32>], vector<16xf32>,
        %parallel_loop3A_1197 = arith.constant 3 : i32
        %parallel_loop3A_1198 = arith.addi %parallel_loop3A_788, %parallel_loop3A_1197 : i32
        %parallel_loop3A_1199 = arith.constant 1 : i32
        %parallel_loop3A_1200 = arith.index_cast %parallel_loop3A_1199 : i32 to index
        %parallel_loop3A_1201 = arith.index_cast %parallel_loop3A_1198 : i32 to index
        %parallel_loop3A_1202 = arith.index_cast %parallel_loop3A_782 : i32 to index
        %parallel_loop3A_1203 = arith.constant 112 : index
        %parallel_loop3A_1204 = tpu.vector_load %arg7[%parallel_loop3A_1200, %parallel_loop3A_1201, %parallel_loop3A_1202, %parallel_loop3A_1203] {strides = array<i32>} : memref<2x20x8x128xf32, #tpu.memory_space<vmem>>, vector<16xf32>,
        tpu.vector_store %arg7[%parallel_loop3A_1200, %parallel_loop3A_1201, %parallel_loop3A_1202, %parallel_loop3A_1203], %parallel_loop3A_1196 {strides = array<i32>} : memref<2x20x8x128xf32, #tpu.memory_space<vmem>>, vector<16xf32>,
        %parallel_loop3A_1205 = arith.constant 0 : i32
        %parallel_loop3A_1206 = arith.constant 0 : i32
        %parallel_loop3A_1207 = tpu.memref_slice %arg6[%parallel_loop3A_646, %parallel_loop3A_1205, %parallel_loop3A_1206] : memref<2x640x32xf32, #tpu.memory_space<vmem>> -> memref<1x640x32xf32, #tpu.memory_space<vmem>>
        %parallel_loop3A_1208 = tpu.memref_squeeze %parallel_loop3A_1207 : memref<1x640x32xf32, #tpu.memory_space<vmem>> -> memref<640x32xf32, #tpu.memory_space<vmem>>
        %parallel_loop3A_1209 = tpu.vector_load_idx %parallel_loop3A_1208[%add3A_614, %parallel_loop3A_786] : memref<640x32xf32, #tpu.memory_space<vmem>>[vector<16xi32>, vector<16xi32>], vector<16xf32>,
        %parallel_loop3A_1210 = arith.constant 4 : i32
        %parallel_loop3A_1211 = arith.addi %parallel_loop3A_788, %parallel_loop3A_1210 : i32
        %parallel_loop3A_1212 = arith.constant 1 : i32
        %parallel_loop3A_1213 = arith.index_cast %parallel_loop3A_1212 : i32 to index
        %parallel_loop3A_1214 = arith.index_cast %parallel_loop3A_1211 : i32 to index
        %parallel_loop3A_1215 = arith.index_cast %parallel_loop3A_782 : i32 to index
        %parallel_loop3A_1216 = arith.constant 0 : index
        %parallel_loop3A_1217 = tpu.vector_load %arg7[%parallel_loop3A_1213, %parallel_loop3A_1214, %parallel_loop3A_1215, %parallel_loop3A_1216] {strides = array<i32>} : memref<2x20x8x128xf32, #tpu.memory_space<vmem>>, vector<16xf32>,
        tpu.vector_store %arg7[%parallel_loop3A_1213, %parallel_loop3A_1214, %parallel_loop3A_1215, %parallel_loop3A_1216], %parallel_loop3A_1209 {strides = array<i32>} : memref<2x20x8x128xf32, #tpu.memory_space<vmem>>, vector<16xf32>,
        %parallel_loop3A_1218 = arith.constant 0 : i32
        %parallel_loop3A_1219 = arith.constant 0 : i32
        %parallel_loop3A_1220 = tpu.memref_slice %arg6[%parallel_loop3A_646, %parallel_loop3A_1218, %parallel_loop3A_1219] : memref<2x640x32xf32, #tpu.memory_space<vmem>> -> memref<1x640x32xf32, #tpu.memory_space<vmem>>
        %parallel_loop3A_1221 = tpu.memref_squeeze %parallel_loop3A_1220 : memref<1x640x32xf32, #tpu.memory_space<vmem>> -> memref<640x32xf32, #tpu.memory_space<vmem>>
        %parallel_loop3A_1222 = tpu.vector_load_idx %parallel_loop3A_1221[%add3A_618, %parallel_loop3A_786] : memref<640x32xf32, #tpu.memory_space<vmem>>[vector<16xi32>, vector<16xi32>], vector<16xf32>,
        %parallel_loop3A_1223 = arith.constant 4 : i32
        %parallel_loop3A_1224 = arith.addi %parallel_loop3A_788, %parallel_loop3A_1223 : i32
        %parallel_loop3A_1225 = arith.constant 1 : i32
        %parallel_loop3A_1226 = arith.index_cast %parallel_loop3A_1225 : i32 to index
        %parallel_loop3A_1227 = arith.index_cast %parallel_loop3A_1224 : i32 to index
        %parallel_loop3A_1228 = arith.index_cast %parallel_loop3A_782 : i32 to index
        %parallel_loop3A_1229 = arith.constant 16 : index
        %parallel_loop3A_1230 = tpu.vector_load %arg7[%parallel_loop3A_1226, %parallel_loop3A_1227, %parallel_loop3A_1228, %parallel_loop3A_1229] {strides = array<i32>} : memref<2x20x8x128xf32, #tpu.memory_space<vmem>>, vector<16xf32>,
        tpu.vector_store %arg7[%parallel_loop3A_1226, %parallel_loop3A_1227, %parallel_loop3A_1228, %parallel_loop3A_1229], %parallel_loop3A_1222 {strides = array<i32>} : memref<2x20x8x128xf32, #tpu.memory_space<vmem>>, vector<16xf32>,
        %parallel_loop3A_1231 = arith.constant 0 : i32
        %parallel_loop3A_1232 = arith.constant 0 : i32
        %parallel_loop3A_1233 = tpu.memref_slice %arg6[%parallel_loop3A_646, %parallel_loop3A_1231, %parallel_loop3A_1232] : memref<2x640x32xf32, #tpu.memory_space<vmem>> -> memref<1x640x32xf32, #tpu.memory_space<vmem>>
        %parallel_loop3A_1234 = tpu.memref_squeeze %parallel_loop3A_1233 : memref<1x640x32xf32, #tpu.memory_space<vmem>> -> memref<640x32xf32, #tpu.memory_space<vmem>>
        %parallel_loop3A_1235 = tpu.vector_load_idx %parallel_loop3A_1234[%add3A_622, %parallel_loop3A_786] : memref<640x32xf32, #tpu.memory_space<vmem>>[vector<16xi32>, vector<16xi32>], vector<16xf32>,
        %parallel_loop3A_1236 = arith.constant 4 : i32
        %parallel_loop3A_1237 = arith.addi %parallel_loop3A_788, %parallel_loop3A_1236 : i32
        %parallel_loop3A_1238 = arith.constant 1 : i32
        %parallel_loop3A_1239 = arith.index_cast %parallel_loop3A_1238 : i32 to index
        %parallel_loop3A_1240 = arith.index_cast %parallel_loop3A_1237 : i32 to index
        %parallel_loop3A_1241 = arith.index_cast %parallel_loop3A_782 : i32 to index
        %parallel_loop3A_1242 = arith.constant 32 : index
        %parallel_loop3A_1243 = tpu.vector_load %arg7[%parallel_loop3A_1239, %parallel_loop3A_1240, %parallel_loop3A_1241, %parallel_loop3A_1242] {strides = array<i32>} : memref<2x20x8x128xf32, #tpu.memory_space<vmem>>, vector<16xf32>,
        tpu.vector_store %arg7[%parallel_loop3A_1239, %parallel_loop3A_1240, %parallel_loop3A_1241, %parallel_loop3A_1242], %parallel_loop3A_1235 {strides = array<i32>} : memref<2x20x8x128xf32, #tpu.memory_space<vmem>>, vector<16xf32>,
        %parallel_loop3A_1244 = arith.constant 0 : i32
        %parallel_loop3A_1245 = arith.constant 0 : i32
        %parallel_loop3A_1246 = tpu.memref_slice %arg6[%parallel_loop3A_646, %parallel_loop3A_1244, %parallel_loop3A_1245] : memref<2x640x32xf32, #tpu.memory_space<vmem>> -> memref<1x640x32xf32, #tpu.memory_space<vmem>>
        %parallel_loop3A_1247 = tpu.memref_squeeze %parallel_loop3A_1246 : memref<1x640x32xf32, #tpu.memory_space<vmem>> -> memref<640x32xf32, #tpu.memory_space<vmem>>
        %parallel_loop3A_1248 = tpu.vector_load_idx %parallel_loop3A_1247[%add3A_626, %parallel_loop3A_786] : memref<640x32xf32, #tpu.memory_space<vmem>>[vector<16xi32>, vector<16xi32>], vector<16xf32>,
        %parallel_loop3A_1249 = arith.constant 4 : i32
        %parallel_loop3A_1250 = arith.addi %parallel_loop3A_788, %parallel_loop3A_1249 : i32
        %parallel_loop3A_1251 = arith.constant 1 : i32
        %parallel_loop3A_1252 = arith.index_cast %parallel_loop3A_1251 : i32 to index
        %parallel_loop3A_1253 = arith.index_cast %parallel_loop3A_1250 : i32 to index
        %parallel_loop3A_1254 = arith.index_cast %parallel_loop3A_782 : i32 to index
        %parallel_loop3A_1255 = arith.constant 48 : index
        %parallel_loop3A_1256 = tpu.vector_load %arg7[%parallel_loop3A_1252, %parallel_loop3A_1253, %parallel_loop3A_1254, %parallel_loop3A_1255] {strides = array<i32>} : memref<2x20x8x128xf32, #tpu.memory_space<vmem>>, vector<16xf32>,
        tpu.vector_store %arg7[%parallel_loop3A_1252, %parallel_loop3A_1253, %parallel_loop3A_1254, %parallel_loop3A_1255], %parallel_loop3A_1248 {strides = array<i32>} : memref<2x20x8x128xf32, #tpu.memory_space<vmem>>, vector<16xf32>,
        %parallel_loop3A_1257 = arith.constant 0 : i32
        %parallel_loop3A_1258 = arith.constant 0 : i32
        %parallel_loop3A_1259 = tpu.memref_slice %arg6[%parallel_loop3A_646, %parallel_loop3A_1257, %parallel_loop3A_1258] : memref<2x640x32xf32, #tpu.memory_space<vmem>> -> memref<1x640x32xf32, #tpu.memory_space<vmem>>
        %parallel_loop3A_1260 = tpu.memref_squeeze %parallel_loop3A_1259 : memref<1x640x32xf32, #tpu.memory_space<vmem>> -> memref<640x32xf32, #tpu.memory_space<vmem>>
        %parallel_loop3A_1261 = tpu.vector_load_idx %parallel_loop3A_1260[%add3A_630, %parallel_loop3A_786] : memref<640x32xf32, #tpu.memory_space<vmem>>[vector<16xi32>, vector<16xi32>], vector<16xf32>,
        %parallel_loop3A_1262 = arith.constant 4 : i32
        %parallel_loop3A_1263 = arith.addi %parallel_loop3A_788, %parallel_loop3A_1262 : i32
        %parallel_loop3A_1264 = arith.constant 1 : i32
        %parallel_loop3A_1265 = arith.index_cast %parallel_loop3A_1264 : i32 to index
        %parallel_loop3A_1266 = arith.index_cast %parallel_loop3A_1263 : i32 to index
        %parallel_loop3A_1267 = arith.index_cast %parallel_loop3A_782 : i32 to index
        %parallel_loop3A_1268 = arith.constant 64 : index
        %parallel_loop3A_1269 = tpu.vector_load %arg7[%parallel_loop3A_1265, %parallel_loop3A_1266, %parallel_loop3A_1267, %parallel_loop3A_1268] {strides = array<i32>} : memref<2x20x8x128xf32, #tpu.memory_space<vmem>>, vector<16xf32>,
        tpu.vector_store %arg7[%parallel_loop3A_1265, %parallel_loop3A_1266, %parallel_loop3A_1267, %parallel_loop3A_1268], %parallel_loop3A_1261 {strides = array<i32>} : memref<2x20x8x128xf32, #tpu.memory_space<vmem>>, vector<16xf32>,
        %parallel_loop3A_1270 = arith.constant 0 : i32
        %parallel_loop3A_1271 = arith.constant 0 : i32
        %parallel_loop3A_1272 = tpu.memref_slice %arg6[%parallel_loop3A_646, %parallel_loop3A_1270, %parallel_loop3A_1271] : memref<2x640x32xf32, #tpu.memory_space<vmem>> -> memref<1x640x32xf32, #tpu.memory_space<vmem>>
        %parallel_loop3A_1273 = tpu.memref_squeeze %parallel_loop3A_1272 : memref<1x640x32xf32, #tpu.memory_space<vmem>> -> memref<640x32xf32, #tpu.memory_space<vmem>>
        %parallel_loop3A_1274 = tpu.vector_load_idx %parallel_loop3A_1273[%add3A_634, %parallel_loop3A_786] : memref<640x32xf32, #tpu.memory_space<vmem>>[vector<16xi32>, vector<16xi32>], vector<16xf32>,
        %parallel_loop3A_1275 = arith.constant 4 : i32
        %parallel_loop3A_1276 = arith.addi %parallel_loop3A_788, %parallel_loop3A_1275 : i32
        %parallel_loop3A_1277 = arith.constant 1 : i32
        %parallel_loop3A_1278 = arith.index_cast %parallel_loop3A_1277 : i32 to index
        %parallel_loop3A_1279 = arith.index_cast %parallel_loop3A_1276 : i32 to index
        %parallel_loop3A_1280 = arith.index_cast %parallel_loop3A_782 : i32 to index
        %parallel_loop3A_1281 = arith.constant 80 : index
        %parallel_loop3A_1282 = tpu.vector_load %arg7[%parallel_loop3A_1278, %parallel_loop3A_1279, %parallel_loop3A_1280, %parallel_loop3A_1281] {strides = array<i32>} : memref<2x20x8x128xf32, #tpu.memory_space<vmem>>, vector<16xf32>,
        tpu.vector_store %arg7[%parallel_loop3A_1278, %parallel_loop3A_1279, %parallel_loop3A_1280, %parallel_loop3A_1281], %parallel_loop3A_1274 {strides = array<i32>} : memref<2x20x8x128xf32, #tpu.memory_space<vmem>>, vector<16xf32>,
        %parallel_loop3A_1283 = arith.constant 0 : i32
        %parallel_loop3A_1284 = arith.constant 0 : i32
        %parallel_loop3A_1285 = tpu.memref_slice %arg6[%parallel_loop3A_646, %parallel_loop3A_1283, %parallel_loop3A_1284] : memref<2x640x32xf32, #tpu.memory_space<vmem>> -> memref<1x640x32xf32, #tpu.memory_space<vmem>>
        %parallel_loop3A_1286 = tpu.memref_squeeze %parallel_loop3A_1285 : memref<1x640x32xf32, #tpu.memory_space<vmem>> -> memref<640x32xf32, #tpu.memory_space<vmem>>
        %parallel_loop3A_1287 = tpu.vector_load_idx %parallel_loop3A_1286[%add3A_638, %parallel_loop3A_786] : memref<640x32xf32, #tpu.memory_space<vmem>>[vector<16xi32>, vector<16xi32>], vector<16xf32>,
        %parallel_loop3A_1288 = arith.constant 4 : i32
        %parallel_loop3A_1289 = arith.addi %parallel_loop3A_788, %parallel_loop3A_1288 : i32
        %parallel_loop3A_1290 = arith.constant 1 : i32
        %parallel_loop3A_1291 = arith.index_cast %parallel_loop3A_1290 : i32 to index
        %parallel_loop3A_1292 = arith.index_cast %parallel_loop3A_1289 : i32 to index
        %parallel_loop3A_1293 = arith.index_cast %parallel_loop3A_782 : i32 to index
        %parallel_loop3A_1294 = arith.constant 96 : index
        %parallel_loop3A_1295 = tpu.vector_load %arg7[%parallel_loop3A_1291, %parallel_loop3A_1292, %parallel_loop3A_1293, %parallel_loop3A_1294] {strides = array<i32>} : memref<2x20x8x128xf32, #tpu.memory_space<vmem>>, vector<16xf32>,
        tpu.vector_store %arg7[%parallel_loop3A_1291, %parallel_loop3A_1292, %parallel_loop3A_1293, %parallel_loop3A_1294], %parallel_loop3A_1287 {strides = array<i32>} : memref<2x20x8x128xf32, #tpu.memory_space<vmem>>, vector<16xf32>,
        %parallel_loop3A_1296 = arith.constant 0 : i32
        %parallel_loop3A_1297 = arith.constant 0 : i32
        %parallel_loop3A_1298 = tpu.memref_slice %arg6[%parallel_loop3A_646, %parallel_loop3A_1296, %parallel_loop3A_1297] : memref<2x640x32xf32, #tpu.memory_space<vmem>> -> memref<1x640x32xf32, #tpu.memory_space<vmem>>
        %parallel_loop3A_1299 = tpu.memref_squeeze %parallel_loop3A_1298 : memref<1x640x32xf32, #tpu.memory_space<vmem>> -> memref<640x32xf32, #tpu.memory_space<vmem>>
        %parallel_loop3A_1300 = tpu.vector_load_idx %parallel_loop3A_1299[%add3A_642, %parallel_loop3A_786] : memref<640x32xf32, #tpu.memory_space<vmem>>[vector<16xi32>, vector<16xi32>], vector<16xf32>,
        %parallel_loop3A_1301 = arith.constant 4 : i32
        %parallel_loop3A_1302 = arith.addi %parallel_loop3A_788, %parallel_loop3A_1301 : i32
        %parallel_loop3A_1303 = arith.constant 1 : i32
        %parallel_loop3A_1304 = arith.index_cast %parallel_loop3A_1303 : i32 to index
        %parallel_loop3A_1305 = arith.index_cast %parallel_loop3A_1302 : i32 to index
        %parallel_loop3A_1306 = arith.index_cast %parallel_loop3A_782 : i32 to index
        %parallel_loop3A_1307 = arith.constant 112 : index
        %parallel_loop3A_1308 = tpu.vector_load %arg7[%parallel_loop3A_1304, %parallel_loop3A_1305, %parallel_loop3A_1306, %parallel_loop3A_1307] {strides = array<i32>} : memref<2x20x8x128xf32, #tpu.memory_space<vmem>>, vector<16xf32>,
        tpu.vector_store %arg7[%parallel_loop3A_1304, %parallel_loop3A_1305, %parallel_loop3A_1306, %parallel_loop3A_1307], %parallel_loop3A_1300 {strides = array<i32>} : memref<2x20x8x128xf32, #tpu.memory_space<vmem>>, vector<16xf32>,
      } {sc.loop_unroll_factor = 8 : i64, sc.parallel_access}
      %mul3A_647 = arith.constant 5 : i32
      %mul3A_648 = arith.muli %add3A_462, %mul3A_647 : i32
      %dma_start3A_649 = arith.constant 1 : i32
      %dma_start3A_650 = arith.constant 0 : i32
      %dma_start3A_651 = arith.constant 0 : i32
      %dma_start3A_652 = arith.constant 0 : i32
      %dma_start3A_653 = arith.constant 0 : i32
      %dma_start3A_654 = tpu.memref_slice %arg7[%dma_start3A_649, %dma_start3A_651, %dma_start3A_652, %dma_start3A_653] : memref<2x20x8x128xf32, #tpu.memory_space<vmem>> -> memref<1x5x8x128xf32, #tpu.memory_space<vmem>>
      %dma_start3A_655 = tpu.memref_squeeze %dma_start3A_654 : memref<1x5x8x128xf32, #tpu.memory_space<vmem>> -> memref<5x8x128xf32, #tpu.memory_space<vmem>>
      %dma_start3A_656 = arith.constant 0 : i32
      %dma_start3A_657 = arith.constant 0 : i32
      %dma_start3A_658 = tpu.memref_slice %arg4[%mul3A_648, %dma_start3A_650, %add3A, %dma_start3A_656, %dma_start3A_657] : memref<200x4x32x8x128xf32, #tpu.memory_space<hbm>> -> memref<5x1x1x8x128xf32, #tpu.memory_space<hbm>>
      %dma_start3A_659 = tpu.memref_squeeze %dma_start3A_658 : memref<5x1x1x8x128xf32, #tpu.memory_space<hbm>> -> memref<5x8x128xf32, #tpu.memory_space<hbm>>
      %dma_start3A_660 = arith.constant 0 : i32
      %dma_start3A_661 = arith.constant 0 : i32
      %dma_start3A_662 = tpu.memref_slice %arg4[%mul3A_648, %dma_start3A_650, %add3A, %dma_start3A_660, %dma_start3A_661] : memref<200x4x32x8x128xf32, #tpu.memory_space<hbm>> -> memref<5x1x1x8x128xf32, #tpu.memory_space<hbm>>
      %dma_start3A_663 = tpu.memref_squeeze %dma_start3A_662 : memref<5x1x1x8x128xf32, #tpu.memory_space<hbm>> -> memref<5x8x128xf32, #tpu.memory_space<hbm>>
      %dma_start3A_664 = arith.constant 0 : i32
      %dma_start3A_665 = arith.constant 0 : i32
      %dma_start3A_666 = arith.constant 0 : i32
      %dma_start3A_667 = tpu.memref_slice %arg7[%dma_start3A_649, %dma_start3A_664, %dma_start3A_665, %dma_start3A_666] : memref<2x20x8x128xf32, #tpu.memory_space<vmem>> -> memref<1x5x8x128xf32, #tpu.memory_space<vmem>>
      %dma_start3A_668 = tpu.memref_squeeze %dma_start3A_667 : memref<1x5x8x128xf32, #tpu.memory_space<vmem>> -> memref<5x8x128xf32, #tpu.memory_space<vmem>>
      tpu.enqueue_dma source(%dma_start3A_668 : memref<5x8x128xf32, #tpu.memory_space<vmem>>) target(%dma_start3A_663 : memref<5x8x128xf32, #tpu.memory_space<hbm>>) target_semaphore(%arg11 : memref<!tpu.dma_semaphore, #tpu.memory_space<semaphore_mem>>)
      %mul3A_669 = arith.constant 5 : i32
      %mul3A_670 = arith.muli %add3A_462, %mul3A_669 : i32
      %dma_start3A_671 = arith.constant 1 : i32
      %dma_start3A_672 = arith.constant 1 : i32
      %dma_start3A_673 = arith.constant 5 : i32
      %dma_start3A_674 = arith.constant 0 : i32
      %dma_start3A_675 = arith.constant 0 : i32
      %dma_start3A_676 = tpu.memref_slice %arg7[%dma_start3A_671, %dma_start3A_673, %dma_start3A_674, %dma_start3A_675] : memref<2x20x8x128xf32, #tpu.memory_space<vmem>> -> memref<1x5x8x128xf32, #tpu.memory_space<vmem>>
      %dma_start3A_677 = tpu.memref_squeeze %dma_start3A_676 : memref<1x5x8x128xf32, #tpu.memory_space<vmem>> -> memref<5x8x128xf32, #tpu.memory_space<vmem>>
      %dma_start3A_678 = arith.constant 0 : i32
      %dma_start3A_679 = arith.constant 0 : i32
      %dma_start3A_680 = tpu.memref_slice %arg4[%mul3A_670, %dma_start3A_672, %add3A, %dma_start3A_678, %dma_start3A_679] : memref<200x4x32x8x128xf32, #tpu.memory_space<hbm>> -> memref<5x1x1x8x128xf32, #tpu.memory_space<hbm>>
      %dma_start3A_681 = tpu.memref_squeeze %dma_start3A_680 : memref<5x1x1x8x128xf32, #tpu.memory_space<hbm>> -> memref<5x8x128xf32, #tpu.memory_space<hbm>>
      %dma_start3A_682 = arith.constant 0 : i32
      %dma_start3A_683 = arith.constant 0 : i32
      %dma_start3A_684 = tpu.memref_slice %arg4[%mul3A_670, %dma_start3A_672, %add3A, %dma_start3A_682, %dma_start3A_683] : memref<200x4x32x8x128xf32, #tpu.memory_space<hbm>> -> memref<5x1x1x8x128xf32, #tpu.memory_space<hbm>>
      %dma_start3A_685 = tpu.memref_squeeze %dma_start3A_684 : memref<5x1x1x8x128xf32, #tpu.memory_space<hbm>> -> memref<5x8x128xf32, #tpu.memory_space<hbm>>
      %dma_start3A_686 = arith.constant 5 : i32
      %dma_start3A_687 = arith.constant 0 : i32
      %dma_start3A_688 = arith.constant 0 : i32
      %dma_start3A_689 = tpu.memref_slice %arg7[%dma_start3A_671, %dma_start3A_686, %dma_start3A_687, %dma_start3A_688] : memref<2x20x8x128xf32, #tpu.memory_space<vmem>> -> memref<1x5x8x128xf32, #tpu.memory_space<vmem>>
      %dma_start3A_690 = tpu.memref_squeeze %dma_start3A_689 : memref<1x5x8x128xf32, #tpu.memory_space<vmem>> -> memref<5x8x128xf32, #tpu.memory_space<vmem>>
      tpu.enqueue_dma source(%dma_start3A_690 : memref<5x8x128xf32, #tpu.memory_space<vmem>>) target(%dma_start3A_685 : memref<5x8x128xf32, #tpu.memory_space<hbm>>) target_semaphore(%arg11 : memref<!tpu.dma_semaphore, #tpu.memory_space<semaphore_mem>>)
      %mul3A_691 = arith.constant 5 : i32
      %mul3A_692 = arith.muli %add3A_462, %mul3A_691 : i32
      %dma_start3A_693 = arith.constant 1 : i32
      %dma_start3A_694 = arith.constant 2 : i32
      %dma_start3A_695 = arith.constant 10 : i32
      %dma_start3A_696 = arith.constant 0 : i32
      %dma_start3A_697 = arith.constant 0 : i32
      %dma_start3A_698 = tpu.memref_slice %arg7[%dma_start3A_693, %dma_start3A_695, %dma_start3A_696, %dma_start3A_697] : memref<2x20x8x128xf32, #tpu.memory_space<vmem>> -> memref<1x5x8x128xf32, #tpu.memory_space<vmem>>
      %dma_start3A_699 = tpu.memref_squeeze %dma_start3A_698 : memref<1x5x8x128xf32, #tpu.memory_space<vmem>> -> memref<5x8x128xf32, #tpu.memory_space<vmem>>
      %dma_start3A_700 = arith.constant 0 : i32
      %dma_start3A_701 = arith.constant 0 : i32
      %dma_start3A_702 = tpu.memref_slice %arg4[%mul3A_692, %dma_start3A_694, %add3A, %dma_start3A_700, %dma_start3A_701] : memref<200x4x32x8x128xf32, #tpu.memory_space<hbm>> -> memref<5x1x1x8x128xf32, #tpu.memory_space<hbm>>
      %dma_start3A_703 = tpu.memref_squeeze %dma_start3A_702 : memref<5x1x1x8x128xf32, #tpu.memory_space<hbm>> -> memref<5x8x128xf32, #tpu.memory_space<hbm>>
      %dma_start3A_704 = arith.constant 0 : i32
      %dma_start3A_705 = arith.constant 0 : i32
      %dma_start3A_706 = tpu.memref_slice %arg4[%mul3A_692, %dma_start3A_694, %add3A, %dma_start3A_704, %dma_start3A_705] : memref<200x4x32x8x128xf32, #tpu.memory_space<hbm>> -> memref<5x1x1x8x128xf32, #tpu.memory_space<hbm>>
      %dma_start3A_707 = tpu.memref_squeeze %dma_start3A_706 : memref<5x1x1x8x128xf32, #tpu.memory_space<hbm>> -> memref<5x8x128xf32, #tpu.memory_space<hbm>>
      %dma_start3A_708 = arith.constant 10 : i32
      %dma_start3A_709 = arith.constant 0 : i32
      %dma_start3A_710 = arith.constant 0 : i32
      %dma_start3A_711 = tpu.memref_slice %arg7[%dma_start3A_693, %dma_start3A_708, %dma_start3A_709, %dma_start3A_710] : memref<2x20x8x128xf32, #tpu.memory_space<vmem>> -> memref<1x5x8x128xf32, #tpu.memory_space<vmem>>
      %dma_start3A_712 = tpu.memref_squeeze %dma_start3A_711 : memref<1x5x8x128xf32, #tpu.memory_space<vmem>> -> memref<5x8x128xf32, #tpu.memory_space<vmem>>
      tpu.enqueue_dma source(%dma_start3A_712 : memref<5x8x128xf32, #tpu.memory_space<vmem>>) target(%dma_start3A_707 : memref<5x8x128xf32, #tpu.memory_space<hbm>>) target_semaphore(%arg11 : memref<!tpu.dma_semaphore, #tpu.memory_space<semaphore_mem>>)
      %mul3A_713 = arith.constant 5 : i32
      %mul3A_714 = arith.muli %add3A_462, %mul3A_713 : i32
      %dma_start3A_715 = arith.constant 1 : i32
      %dma_start3A_716 = arith.constant 3 : i32
      %dma_start3A_717 = arith.constant 15 : i32
      %dma_start3A_718 = arith.constant 0 : i32
      %dma_start3A_719 = arith.constant 0 : i32
      %dma_start3A_720 = tpu.memref_slice %arg7[%dma_start3A_715, %dma_start3A_717, %dma_start3A_718, %dma_start3A_719] : memref<2x20x8x128xf32, #tpu.memory_space<vmem>> -> memref<1x5x8x128xf32, #tpu.memory_space<vmem>>
      %dma_start3A_721 = tpu.memref_squeeze %dma_start3A_720 : memref<1x5x8x128xf32, #tpu.memory_space<vmem>> -> memref<5x8x128xf32, #tpu.memory_space<vmem>>
      %dma_start3A_722 = arith.constant 0 : i32
      %dma_start3A_723 = arith.constant 0 : i32
      %dma_start3A_724 = tpu.memref_slice %arg4[%mul3A_714, %dma_start3A_716, %add3A, %dma_start3A_722, %dma_start3A_723] : memref<200x4x32x8x128xf32, #tpu.memory_space<hbm>> -> memref<5x1x1x8x128xf32, #tpu.memory_space<hbm>>
      %dma_start3A_725 = tpu.memref_squeeze %dma_start3A_724 : memref<5x1x1x8x128xf32, #tpu.memory_space<hbm>> -> memref<5x8x128xf32, #tpu.memory_space<hbm>>
      %dma_start3A_726 = arith.constant 0 : i32
      %dma_start3A_727 = arith.constant 0 : i32
      %dma_start3A_728 = tpu.memref_slice %arg4[%mul3A_714, %dma_start3A_716, %add3A, %dma_start3A_726, %dma_start3A_727] : memref<200x4x32x8x128xf32, #tpu.memory_space<hbm>> -> memref<5x1x1x8x128xf32, #tpu.memory_space<hbm>>
      %dma_start3A_729 = tpu.memref_squeeze %dma_start3A_728 : memref<5x1x1x8x128xf32, #tpu.memory_space<hbm>> -> memref<5x8x128xf32, #tpu.memory_space<hbm>>
      %dma_start3A_730 = arith.constant 15 : i32
      %dma_start3A_731 = arith.constant 0 : i32
      %dma_start3A_732 = arith.constant 0 : i32
      %dma_start3A_733 = tpu.memref_slice %arg7[%dma_start3A_715, %dma_start3A_730, %dma_start3A_731, %dma_start3A_732] : memref<2x20x8x128xf32, #tpu.memory_space<vmem>> -> memref<1x5x8x128xf32, #tpu.memory_space<vmem>>
      %dma_start3A_734 = tpu.memref_squeeze %dma_start3A_733 : memref<1x5x8x128xf32, #tpu.memory_space<vmem>> -> memref<5x8x128xf32, #tpu.memory_space<vmem>>
      tpu.enqueue_dma source(%dma_start3A_734 : memref<5x8x128xf32, #tpu.memory_space<vmem>>) target(%dma_start3A_729 : memref<5x8x128xf32, #tpu.memory_space<hbm>>) target_semaphore(%arg11 : memref<!tpu.dma_semaphore, #tpu.memory_space<semaphore_mem>>)
      %add3A_735 = arith.constant 2 : i32
      %add3A_736 = arith.addi %add3A_462, %add3A_735 : i32
      %lt3A_737 = arith.constant 40 : i32
      %lt3A_738 = arith.cmpi slt, %add3A_736, %lt3A_737 : i32
      %convert_element_type3A_739 = arith.extui %lt3A_738 : i1 to i32
      %cond3A_740 = arith.constant 0 : i32
      %cond3A_741 = arith.cmpi ne, %convert_element_type3A_739, %cond3A_740 : i32
      scf.if %cond3A_741 {
        %add3A_742 = arith.constant 2 : i32
        %add3A_743 = arith.addi %add3A_462, %add3A_742 : i32
        %mul3A_744 = arith.constant 5 : i32
        %mul3A_745 = arith.muli %add3A_743, %mul3A_744 : i32
        %run_scoped3A_746 = arith.constant 1 : i32
        "tpu.region"() ({
          %run_scoped3A_812 = tpu.sem_alloc : memref<!tpu.dma_semaphore, #tpu.memory_space<semaphore_mem>>
          %dma_start3A_813 = arith.constant 0 : i32
          %dma_start3A_814 = arith.constant 0 : i32
          %dma_start3A_815 = tpu.memref_slice %arg5[%run_scoped3A_746, %dma_start3A_813, %dma_start3A_814] : memref<2x5x128xi32, #tpu.memory_space<vmem>> -> memref<1x5x128xi32, #tpu.memory_space<vmem>>
          %dma_start3A_816 = tpu.memref_squeeze %dma_start3A_815 : memref<1x5x128xi32, #tpu.memory_space<vmem>> -> memref<5x128xi32, #tpu.memory_space<vmem>>
          %dma_start3A_817 = tpu.memref_slice %arg2[%mul3A_745, %mul3A_2] : memref<200x4096xi32, #tpu.memory_space<hbm>> -> memref<5x128xi32, #tpu.memory_space<hbm>>
          %dma_start3A_818 = arith.constant 0 : i32
          %dma_start3A_819 = arith.constant 0 : i32
          %dma_start3A_820 = tpu.memref_slice %arg5[%run_scoped3A_746, %dma_start3A_818, %dma_start3A_819] : memref<2x5x128xi32, #tpu.memory_space<vmem>> -> memref<1x5x128xi32, #tpu.memory_space<vmem>>
          %dma_start3A_821 = tpu.memref_squeeze %dma_start3A_820 : memref<1x5x128xi32, #tpu.memory_space<vmem>> -> memref<5x128xi32, #tpu.memory_space<vmem>>
          %dma_start3A_822 = tpu.memref_slice %arg2[%mul3A_745, %mul3A_2] : memref<200x4096xi32, #tpu.memory_space<hbm>> -> memref<5x128xi32, #tpu.memory_space<hbm>>
          tpu.enqueue_dma source(%dma_start3A_822 : memref<5x128xi32, #tpu.memory_space<hbm>>) target(%dma_start3A_821 : memref<5x128xi32, #tpu.memory_space<vmem>>) target_semaphore(%run_scoped3A_812 : memref<!tpu.dma_semaphore, #tpu.memory_space<semaphore_mem>>)
          %dma_wait3A_823 = arith.constant 0 : i32
          %dma_wait3A_824 = arith.constant 0 : i32
          %dma_wait3A_825 = tpu.memref_slice %arg5[%run_scoped3A_746, %dma_wait3A_823, %dma_wait3A_824] : memref<2x5x128xi32, #tpu.memory_space<vmem>> -> memref<1x5x128xi32, #tpu.memory_space<vmem>>
          %dma_wait3A_826 = tpu.memref_squeeze %dma_wait3A_825 : memref<1x5x128xi32, #tpu.memory_space<vmem>> -> memref<5x128xi32, #tpu.memory_space<vmem>>
          %dma_wait3A_827 = tpu.memref_slice %arg2[%mul3A_745, %mul3A_2] : memref<200x4096xi32, #tpu.memory_space<hbm>> -> memref<5x128xi32, #tpu.memory_space<hbm>>
          %dma_wait3A_828 = arith.constant 0 : i32
          %dma_wait3A_829 = arith.constant 0 : i32
          %dma_wait3A_830 = tpu.memref_slice %arg5[%run_scoped3A_746, %dma_wait3A_828, %dma_wait3A_829] : memref<2x5x128xi32, #tpu.memory_space<vmem>> -> memref<1x5x128xi32, #tpu.memory_space<vmem>>
          %dma_wait3A_831 = tpu.memref_squeeze %dma_wait3A_830 : memref<1x5x128xi32, #tpu.memory_space<vmem>> -> memref<5x128xi32, #tpu.memory_space<vmem>>
          %dma_wait3A_832 = tpu.memref_slice %arg2[%mul3A_745, %mul3A_2] : memref<200x4096xi32, #tpu.memory_space<hbm>> -> memref<5x128xi32, #tpu.memory_space<hbm>>
          tpu.wait_dma2 semaphore(%run_scoped3A_812 : memref<!tpu.dma_semaphore, #tpu.memory_space<semaphore_mem>>) src(%dma_wait3A_832 : memref<5x128xi32, #tpu.memory_space<hbm>>) dst(%dma_wait3A_831 : memref<5x128xi32, #tpu.memory_space<vmem>>)
          tpu.yield
        }) : () -> ()
        %dma_start3A_747 = arith.constant 1 : i32
        %dma_start3A_748 = arith.constant 0 : i32
        %dma_start3A_749 = arith.constant 1 : i32
        %dma_start3A_750 = arith.constant 0 : i32
        %dma_start3A_751 = arith.constant 0 : i32
        %dma_start3A_752 = tpu.memref_slice %arg6[%dma_start3A_749, %dma_start3A_750, %dma_start3A_751] : memref<2x640x32xf32, #tpu.memory_space<vmem>> -> memref<1x128x32xf32, #tpu.memory_space<vmem>>
        %dma_start3A_753 = tpu.memref_squeeze %dma_start3A_752 : memref<1x128x32xf32, #tpu.memory_space<vmem>> -> memref<128x32xf32, #tpu.memory_space<vmem>>
        %dma_start3A_754 = arith.constant 0 : i32
        %dma_start3A_755 = tpu.memref_slice %arg5[%dma_start3A_747, %dma_start3A_748, %dma_start3A_754] : memref<2x5x128xi32, #tpu.memory_space<vmem>> -> memref<1x1x128xi32, #tpu.memory_space<vmem>>
        %dma_start3A_756 = tpu.memref_squeeze %dma_start3A_755 : memref<1x1x128xi32, #tpu.memory_space<vmem>> -> memref<128xi32, #tpu.memory_space<vmem>>
        %dma_start3A_757 = arith.constant 0 : i32
        %dma_start3A_758 = arith.constant 0 : i32
        %dma_start3A_759 = tpu.memref_slice %arg3[%dma_start3A_757, %dma_start3A_758] : memref<1000000x32xf32, #tpu.memory_space<hbm>> -> memref<1000000x32xf32, #tpu.memory_space<hbm>>
        tpu.enqueue_indirect_dma source(%dma_start3A_759 : memref<1000000x32xf32, #tpu.memory_space<hbm>>) target(%dma_start3A_753 : memref<128x32xf32, #tpu.memory_space<vmem>>) offsets(%dma_start3A_756 : memref<128xi32, #tpu.memory_space<vmem>>) semaphore(%arg9 : memref<!tpu.dma_semaphore, #tpu.memory_space<semaphore_mem>>)
        %dma_start3A_760 = arith.constant 1 : i32
        %dma_start3A_761 = arith.constant 1 : i32
        %dma_start3A_762 = arith.constant 1 : i32
        %dma_start3A_763 = arith.constant 128 : i32
        %dma_start3A_764 = arith.constant 0 : i32
        %dma_start3A_765 = tpu.memref_slice %arg6[%dma_start3A_762, %dma_start3A_763, %dma_start3A_764] : memref<2x640x32xf32, #tpu.memory_space<vmem>> -> memref<1x128x32xf32, #tpu.memory_space<vmem>>
        %dma_start3A_766 = tpu.memref_squeeze %dma_start3A_765 : memref<1x128x32xf32, #tpu.memory_space<vmem>> -> memref<128x32xf32, #tpu.memory_space<vmem>>
        %dma_start3A_767 = arith.constant 0 : i32
        %dma_start3A_768 = tpu.memref_slice %arg5[%dma_start3A_760, %dma_start3A_761, %dma_start3A_767] : memref<2x5x128xi32, #tpu.memory_space<vmem>> -> memref<1x1x128xi32, #tpu.memory_space<vmem>>
        %dma_start3A_769 = tpu.memref_squeeze %dma_start3A_768 : memref<1x1x128xi32, #tpu.memory_space<vmem>> -> memref<128xi32, #tpu.memory_space<vmem>>
        %dma_start3A_770 = arith.constant 0 : i32
        %dma_start3A_771 = arith.constant 0 : i32
        %dma_start3A_772 = tpu.memref_slice %arg3[%dma_start3A_770, %dma_start3A_771] : memref<1000000x32xf32, #tpu.memory_space<hbm>> -> memref<1000000x32xf32, #tpu.memory_space<hbm>>
        tpu.enqueue_indirect_dma source(%dma_start3A_772 : memref<1000000x32xf32, #tpu.memory_space<hbm>>) target(%dma_start3A_766 : memref<128x32xf32, #tpu.memory_space<vmem>>) offsets(%dma_start3A_769 : memref<128xi32, #tpu.memory_space<vmem>>) semaphore(%arg9 : memref<!tpu.dma_semaphore, #tpu.memory_space<semaphore_mem>>)
        %dma_start3A_773 = arith.constant 1 : i32
        %dma_start3A_774 = arith.constant 2 : i32
        %dma_start3A_775 = arith.constant 1 : i32
        %dma_start3A_776 = arith.constant 256 : i32
        %dma_start3A_777 = arith.constant 0 : i32
        %dma_start3A_778 = tpu.memref_slice %arg6[%dma_start3A_775, %dma_start3A_776, %dma_start3A_777] : memref<2x640x32xf32, #tpu.memory_space<vmem>> -> memref<1x128x32xf32, #tpu.memory_space<vmem>>
        %dma_start3A_779 = tpu.memref_squeeze %dma_start3A_778 : memref<1x128x32xf32, #tpu.memory_space<vmem>> -> memref<128x32xf32, #tpu.memory_space<vmem>>
        %dma_start3A_780 = arith.constant 0 : i32
        %dma_start3A_781 = tpu.memref_slice %arg5[%dma_start3A_773, %dma_start3A_774, %dma_start3A_780] : memref<2x5x128xi32, #tpu.memory_space<vmem>> -> memref<1x1x128xi32, #tpu.memory_space<vmem>>
        %dma_start3A_782 = tpu.memref_squeeze %dma_start3A_781 : memref<1x1x128xi32, #tpu.memory_space<vmem>> -> memref<128xi32, #tpu.memory_space<vmem>>
        %dma_start3A_783 = arith.constant 0 : i32
        %dma_start3A_784 = arith.constant 0 : i32
        %dma_start3A_785 = tpu.memref_slice %arg3[%dma_start3A_783, %dma_start3A_784] : memref<1000000x32xf32, #tpu.memory_space<hbm>> -> memref<1000000x32xf32, #tpu.memory_space<hbm>>
        tpu.enqueue_indirect_dma source(%dma_start3A_785 : memref<1000000x32xf32, #tpu.memory_space<hbm>>) target(%dma_start3A_779 : memref<128x32xf32, #tpu.memory_space<vmem>>) offsets(%dma_start3A_782 : memref<128xi32, #tpu.memory_space<vmem>>) semaphore(%arg9 : memref<!tpu.dma_semaphore, #tpu.memory_space<semaphore_mem>>)
        %dma_start3A_786 = arith.constant 1 : i32
        %dma_start3A_787 = arith.constant 3 : i32
        %dma_start3A_788 = arith.constant 1 : i32
        %dma_start3A_789 = arith.constant 384 : i32
        %dma_start3A_790 = arith.constant 0 : i32
        %dma_start3A_791 = tpu.memref_slice %arg6[%dma_start3A_788, %dma_start3A_789, %dma_start3A_790] : memref<2x640x32xf32, #tpu.memory_space<vmem>> -> memref<1x128x32xf32, #tpu.memory_space<vmem>>
        %dma_start3A_792 = tpu.memref_squeeze %dma_start3A_791 : memref<1x128x32xf32, #tpu.memory_space<vmem>> -> memref<128x32xf32, #tpu.memory_space<vmem>>
        %dma_start3A_793 = arith.constant 0 : i32
        %dma_start3A_794 = tpu.memref_slice %arg5[%dma_start3A_786, %dma_start3A_787, %dma_start3A_793] : memref<2x5x128xi32, #tpu.memory_space<vmem>> -> memref<1x1x128xi32, #tpu.memory_space<vmem>>
        %dma_start3A_795 = tpu.memref_squeeze %dma_start3A_794 : memref<1x1x128xi32, #tpu.memory_space<vmem>> -> memref<128xi32, #tpu.memory_space<vmem>>
        %dma_start3A_796 = arith.constant 0 : i32
        %dma_start3A_797 = arith.constant 0 : i32
        %dma_start3A_798 = tpu.memref_slice %arg3[%dma_start3A_796, %dma_start3A_797] : memref<1000000x32xf32, #tpu.memory_space<hbm>> -> memref<1000000x32xf32, #tpu.memory_space<hbm>>
        tpu.enqueue_indirect_dma source(%dma_start3A_798 : memref<1000000x32xf32, #tpu.memory_space<hbm>>) target(%dma_start3A_792 : memref<128x32xf32, #tpu.memory_space<vmem>>) offsets(%dma_start3A_795 : memref<128xi32, #tpu.memory_space<vmem>>) semaphore(%arg9 : memref<!tpu.dma_semaphore, #tpu.memory_space<semaphore_mem>>)
        %dma_start3A_799 = arith.constant 1 : i32
        %dma_start3A_800 = arith.constant 4 : i32
        %dma_start3A_801 = arith.constant 1 : i32
        %dma_start3A_802 = arith.constant 512 : i32
        %dma_start3A_803 = arith.constant 0 : i32
        %dma_start3A_804 = tpu.memref_slice %arg6[%dma_start3A_801, %dma_start3A_802, %dma_start3A_803] : memref<2x640x32xf32, #tpu.memory_space<vmem>> -> memref<1x128x32xf32, #tpu.memory_space<vmem>>
        %dma_start3A_805 = tpu.memref_squeeze %dma_start3A_804 : memref<1x128x32xf32, #tpu.memory_space<vmem>> -> memref<128x32xf32, #tpu.memory_space<vmem>>
        %dma_start3A_806 = arith.constant 0 : i32
        %dma_start3A_807 = tpu.memref_slice %arg5[%dma_start3A_799, %dma_start3A_800, %dma_start3A_806] : memref<2x5x128xi32, #tpu.memory_space<vmem>> -> memref<1x1x128xi32, #tpu.memory_space<vmem>>
        %dma_start3A_808 = tpu.memref_squeeze %dma_start3A_807 : memref<1x1x128xi32, #tpu.memory_space<vmem>> -> memref<128xi32, #tpu.memory_space<vmem>>
        %dma_start3A_809 = arith.constant 0 : i32
        %dma_start3A_810 = arith.constant 0 : i32
        %dma_start3A_811 = tpu.memref_slice %arg3[%dma_start3A_809, %dma_start3A_810] : memref<1000000x32xf32, #tpu.memory_space<hbm>> -> memref<1000000x32xf32, #tpu.memory_space<hbm>>
        tpu.enqueue_indirect_dma source(%dma_start3A_811 : memref<1000000x32xf32, #tpu.memory_space<hbm>>) target(%dma_start3A_805 : memref<128x32xf32, #tpu.memory_space<vmem>>) offsets(%dma_start3A_808 : memref<128xi32, #tpu.memory_space<vmem>>) semaphore(%arg9 : memref<!tpu.dma_semaphore, #tpu.memory_space<semaphore_mem>>)
      } else {
      }
    }
    %scan3A_137 = arith.constant 20 : i32
    %dma_wait3A = arith.constant 0 : i32
    %dma_wait3A_138 = arith.constant 0 : i32
    %dma_wait3A_139 = arith.constant 0 : i32
    %dma_wait3A_140 = arith.constant 0 : i32
    %dma_wait3A_141 = arith.constant 0 : i32
    %dma_wait3A_142 = arith.constant 0 : i32
    %dma_wait3A_143 = tpu.memref_slice %arg7[%dma_wait3A_139, %dma_wait3A_140, %dma_wait3A_141, %dma_wait3A_142] : memref<2x20x8x128xf32, #tpu.memory_space<vmem>> -> memref<1x20x8x128xf32, #tpu.memory_space<vmem>>
    %dma_wait3A_144 = tpu.memref_squeeze %dma_wait3A_143 : memref<1x20x8x128xf32, #tpu.memory_space<vmem>> -> memref<20x8x128xf32, #tpu.memory_space<vmem>>
    %dma_wait3A_145 = arith.constant 0 : i32
    %dma_wait3A_146 = arith.constant 0 : i32
    %dma_wait3A_147 = arith.constant 0 : i32
    %dma_wait3A_148 = tpu.memref_slice %arg4[%dma_wait3A_145, %dma_wait3A, %dma_wait3A_138, %dma_wait3A_146, %dma_wait3A_147] : memref<200x4x32x8x128xf32, #tpu.memory_space<hbm>> -> memref<20x1x1x8x128xf32, #tpu.memory_space<hbm>>
    %dma_wait3A_149 = tpu.memref_squeeze %dma_wait3A_148 : memref<20x1x1x8x128xf32, #tpu.memory_space<hbm>> -> memref<20x8x128xf32, #tpu.memory_space<hbm>>
    %dma_wait3A_150 = arith.constant 0 : i32
    %dma_wait3A_151 = arith.constant 0 : i32
    %dma_wait3A_152 = arith.constant 0 : i32
    %dma_wait3A_153 = tpu.memref_slice %arg7[%dma_wait3A_139, %dma_wait3A_150, %dma_wait3A_151, %dma_wait3A_152] : memref<2x20x8x128xf32, #tpu.memory_space<vmem>> -> memref<1x20x8x128xf32, #tpu.memory_space<vmem>>
    %dma_wait3A_154 = tpu.memref_squeeze %dma_wait3A_153 : memref<1x20x8x128xf32, #tpu.memory_space<vmem>> -> memref<20x8x128xf32, #tpu.memory_space<vmem>>
    %dma_wait3A_155 = arith.constant 0 : i32
    %dma_wait3A_156 = arith.constant 0 : i32
    %dma_wait3A_157 = arith.constant 0 : i32
    %dma_wait3A_158 = tpu.memref_slice %arg4[%dma_wait3A_155, %dma_wait3A, %dma_wait3A_138, %dma_wait3A_156, %dma_wait3A_157] : memref<200x4x32x8x128xf32, #tpu.memory_space<hbm>> -> memref<20x1x1x8x128xf32, #tpu.memory_space<hbm>>
    %dma_wait3A_159 = tpu.memref_squeeze %dma_wait3A_158 : memref<20x1x1x8x128xf32, #tpu.memory_space<hbm>> -> memref<20x8x128xf32, #tpu.memory_space<hbm>>
    tpu.wait_dma2 semaphore(%arg10 : memref<!tpu.dma_semaphore, #tpu.memory_space<semaphore_mem>>) src(%dma_wait3A_159 : memref<20x8x128xf32, #tpu.memory_space<hbm>>) dst(%dma_wait3A_154 : memref<20x8x128xf32, #tpu.memory_space<vmem>>)
    %dma_wait3A_160 = arith.constant 0 : i32
    %dma_wait3A_161 = arith.constant 0 : i32
    %dma_wait3A_162 = arith.constant 1 : i32
    %dma_wait3A_163 = arith.constant 0 : i32
    %dma_wait3A_164 = arith.constant 0 : i32
    %dma_wait3A_165 = arith.constant 0 : i32
    %dma_wait3A_166 = tpu.memref_slice %arg7[%dma_wait3A_162, %dma_wait3A_163, %dma_wait3A_164, %dma_wait3A_165] : memref<2x20x8x128xf32, #tpu.memory_space<vmem>> -> memref<1x20x8x128xf32, #tpu.memory_space<vmem>>
    %dma_wait3A_167 = tpu.memref_squeeze %dma_wait3A_166 : memref<1x20x8x128xf32, #tpu.memory_space<vmem>> -> memref<20x8x128xf32, #tpu.memory_space<vmem>>
    %dma_wait3A_168 = arith.constant 0 : i32
    %dma_wait3A_169 = arith.constant 0 : i32
    %dma_wait3A_170 = arith.constant 0 : i32
    %dma_wait3A_171 = tpu.memref_slice %arg4[%dma_wait3A_168, %dma_wait3A_160, %dma_wait3A_161, %dma_wait3A_169, %dma_wait3A_170] : memref<200x4x32x8x128xf32, #tpu.memory_space<hbm>> -> memref<20x1x1x8x128xf32, #tpu.memory_space<hbm>>
    %dma_wait3A_172 = tpu.memref_squeeze %dma_wait3A_171 : memref<20x1x1x8x128xf32, #tpu.memory_space<hbm>> -> memref<20x8x128xf32, #tpu.memory_space<hbm>>
    %dma_wait3A_173 = arith.constant 0 : i32
    %dma_wait3A_174 = arith.constant 0 : i32
    %dma_wait3A_175 = arith.constant 0 : i32
    %dma_wait3A_176 = tpu.memref_slice %arg7[%dma_wait3A_162, %dma_wait3A_173, %dma_wait3A_174, %dma_wait3A_175] : memref<2x20x8x128xf32, #tpu.memory_space<vmem>> -> memref<1x20x8x128xf32, #tpu.memory_space<vmem>>
    %dma_wait3A_177 = tpu.memref_squeeze %dma_wait3A_176 : memref<1x20x8x128xf32, #tpu.memory_space<vmem>> -> memref<20x8x128xf32, #tpu.memory_space<vmem>>
    %dma_wait3A_178 = arith.constant 0 : i32
    %dma_wait3A_179 = arith.constant 0 : i32
    %dma_wait3A_180 = arith.constant 0 : i32
    %dma_wait3A_181 = tpu.memref_slice %arg4[%dma_wait3A_178, %dma_wait3A_160, %dma_wait3A_161, %dma_wait3A_179, %dma_wait3A_180] : memref<200x4x32x8x128xf32, #tpu.memory_space<hbm>> -> memref<20x1x1x8x128xf32, #tpu.memory_space<hbm>>
    %dma_wait3A_182 = tpu.memref_squeeze %dma_wait3A_181 : memref<20x1x1x8x128xf32, #tpu.memory_space<hbm>> -> memref<20x8x128xf32, #tpu.memory_space<hbm>>
    tpu.wait_dma2 semaphore(%arg11 : memref<!tpu.dma_semaphore, #tpu.memory_space<semaphore_mem>>) src(%dma_wait3A_182 : memref<20x8x128xf32, #tpu.memory_space<hbm>>) dst(%dma_wait3A_177 : memref<20x8x128xf32, #tpu.memory_space<vmem>>)
    return
  }
}

</mosaic_0001>

<sc_bundles>
// kernel: kernel.3.cloned.1.call-start
scs
__scs_entry_jumppad:
0x0: {  	(pc) =	sbr.rel $0x88, $3  }
0x1: {  	(tag) =	ssettag $0x0;
	lr =	simm.s32 $0x1  }
0x2: {  	[smem:$0x3F9F] =	sst lr;
	_ =	strace $0xD0000000  }
0x3: {  	_ = 	snop  }
0x4: {  	_ = 	snop  }
0x5: {  	_ = 	snop  }
0x6: {  	_ = 	snop  }
0x7: {  	_ = 	snop  }
__scs_overlays_trampoline_lowered:
0x8: {  	[smem:$0x3FAE] =	sst s0  }
0x9: {  	[smem:$0x3FAF] =	sst s1  }
0xa: {  	[smem:$0x3FB0] =	sst s2  }
0xb: {  	[smem:$0x3FB1] =	sst s3  }
0xc: {  	[smem:$0x3FB2] =	sst s4  }
0xd: {  	[smem:$0x3FB3] =	sst s5  }
0xe: {  	[smem:$0x3FB4] =	sst s6  }
0xf: {  	[smem:$0x3FB5] =	sst s7  }
0x10: {  	[smem:$0x3FB6] =	sst s8  }
0x11: {  	[smem:$0x3FB7] =	sst s9;
	s0 =	simm.s32 @!p0 $0x0  }
0x12: {  	s1 =	sld [smem:$0x3F9D];
	s0 =	simm.s32 @p0 $0x1  }
0x13: {  	[smem:$0x3FB8] =	sst s0;
	s0 =	simm.s32 @!p1 $0x0  }
0x14: {  	s2 =	sld [smem:$0x3F9C];
	s0 =	simm.s32 @p1 $0x1  }
0x15: {  	[smem:$0x3FB9] =	sst s0;
	s0 =	simm.s32 @!p2 $0x0  }
0x16: {  	s3 =	sld [smem:$0x3FDB];
	s0 =	simm.s32 @p2 $0x1  }
0x17: {  	s4 =	simm.s32 $0x1BF5;
	[smem:$0x3FBB] =	sst s0  }
0x18: {  	s0 =	sld [smem:$0x3F9E];
	_ =	swait.ge [sflag:s4], $0x0  }
0x19: {  	s7 =	sld [smem:$0x3F9F]  }
0x1a: {  	s8 =	sadd.s32 $0xFFFFE003, lr  }
0x1b: {  	s9 =	sadd.s32 $0xFFFFFEF7, lr;
	s5 =	simm.s32 $0xFFFFFFFF;
	p2 =	slt.u32 s8, $0xFFFFF086  }
0x1c: {  	p1 =	slt.u32 s9, $0xF7A;
	s5 =	simm.s32 @!p2 $0x0  }
0x1d: {  	s5 =	simm.s32 @p1 $0x1;
	p0 =	seq.s32 s7, s2  }
0x1e: {  	s7 =	smul.u32 @!p0 $0xF7A, s2;
	p2 =	seq.s32 @!p0 s5, $0x0  }
0x1f: {  	s9 =	smul.u32 $0xF7A, s1;
	s8 =	simm.s32 @!p0 $0x1BF5;
	p2 =	por !p2, p0  }
0x20: {  	[sflag:s8] =	ssyncset.s32 @!p0 $0xFFFFF086;
	s6 =	sadd.s32 @!p0 s3, s7;
	s7 =	simm.s32 @!p0 $0x108  }
0x21: {  	s3 =	sadd.s32 s3, s9;
	s6 =	sadd.s32 @!p0 $0x88, s6;
	s7 =	simm.s32 @p2 $0x1082  }
0x22: {  	[simem:s7], [sflag:s8] =	dma.local @!p0 [hbm:s6], $0xF7A  }
0x23: {  	s9 =	sor.u32 $0xD0000000, s2;
	s6 =	simm.s32 $0x108;
	_ =	swait.ge @!p0 [sflag:s8], $0x0  }
0x24: {  	s3 =	sadd.s32 $0x88, s3;
	s6 =	simm.s32 @!p1 $0x1082;
	[sflag:s4] =	ssyncset.s32 $0xFFFFF086  }
0x25: {  	[simem:s6], [sflag:s4] =	dma.local [hbm:s3], $0xF7A  }
0x26: {  	[smem:$0x3F9F] =	sst s1;
	(tag) =	ssettag s2;
	_ =	strace s9  }
0x27: {  	s1 =	sld [smem:$0x3FAF]  }
0x28: {  	s2 =	sld [smem:$0x3FB0]  }
0x29: {  	s4 =	sld [smem:$0x3FB2]  }
0x2a: {  	p0 =	seq.s32 s5, $0x0;
	s5 =	sld [smem:$0x3FB3]  }
0x2b: {  	s6 =	sld [smem:$0x3FB4]  }
0x2c: {  	s7 =	sld [smem:$0x3FB5]  }
0x2d: {  	s3 =	simm.s32 $0x108;
	s8 =	sld [smem:$0x3FB6]  }
0x2e: {  	s3 =	simm.s32 @!p0 $0x1082;
	s9 =	sld [smem:$0x3FB7]  }
0x2f: {  	lr =	sadd.s32 s0, s3;
	s0 =	sld [smem:$0x3FAE]  }
0x30: {  	s3 =	sld [smem:$0x3FB1]  }
0x31: {  	[smem:$0x3FBA] =	sst s10  }
0x32: {  	s10 =	sld [smem:$0x3FB8];
	_ =	sdelay $0x3  }
0x33: {  	p0 =	seq.s32 s10, $0x1;
	s10 =	sld [smem:$0x3FBA];
	_ =	sdelay $0x3  }
0x34: {  	[smem:$0x3FBA] =	sst s10  }
0x35: {  	s10 =	sld [smem:$0x3FB9];
	_ =	sdelay $0x3  }
0x36: {  	p1 =	seq.s32 s10, $0x1;
	s10 =	sld [smem:$0x3FBA];
	_ =	sdelay $0x3  }
0x37: {  	[smem:$0x3FBA] =	sst s10  }
0x38: {  	s10 =	sld [smem:$0x3FBB]  }
0x39: {  	_ = 	snop;
	(pc) =	sbr.ind lr, $3  }
0x3a: {  	_ = 	snop  }
0x3b: {  	_ = 	snop  }
0x3c: {  	p2 =	seq.s32 s10, $0x1;
	s10 =	sld [smem:$0x3FBA]  }
0x3d: {  	_ =	shalt  }
0x3e: {  	_ =	shalt  }
0x3f: {  	_ =	shalt  }
0x40: {  	_ =	shalt  }
0x41: {  	_ =	shalt  }
0x42: {  	_ =	shalt  }
0x43: {  	_ =	shalt  }
0x44: {  	_ =	shalt  }
0x45: {  	_ =	shalt  }
0x46: {  	_ =	shalt  }
0x47: {  	_ =	shalt  }
0x48: {  	_ =	shalt  }
0x49: {  	_ =	shalt  }
0x4a: {  	_ =	shalt  }
0x4b: {  	_ =	shalt  }
0x4c: {  	_ =	shalt  }
0x4d: {  	_ =	shalt  }
0x4e: {  	_ =	shalt  }
0x4f: {  	_ =	shalt  }
0x50: {  	_ =	shalt  }
0x51: {  	_ =	shalt  }
0x52: {  	_ =	shalt  }
0x53: {  	_ =	shalt  }
0x54: {  	_ =	shalt  }
0x55: {  	_ =	shalt  }
0x56: {  	_ =	shalt  }
0x57: {  	_ =	shalt  }
0x58: {  	_ =	shalt  }
0x59: {  	_ =	shalt  }
0x5a: {  	_ =	shalt  }
0x5b: {  	_ =	shalt  }
0x5c: {  	_ =	shalt  }
0x5d: {  	_ =	shalt  }
0x5e: {  	_ =	shalt  }
0x5f: {  	_ =	shalt  }
0x60: {  	_ =	shalt  }
0x61: {  	_ =	shalt  }
0x62: {  	_ =	shalt  }
0x63: {  	_ =	shalt  }
0x64: {  	_ =	shalt  }
0x65: {  	_ =	shalt  }
0x66: {  	_ =	shalt  }
0x67: {  	_ =	shalt  }
0x68: {  	_ =	shalt  }
0x69: {  	_ =	shalt  }
0x6a: {  	_ =	shalt  }
0x6b: {  	_ =	shalt  }
0x6c: {  	_ =	shalt  }
0x6d: {  	_ =	shalt  }
0x6e: {  	_ =	shalt  }
0x6f: {  	_ =	shalt  }
0x70: {  	_ =	shalt  }
0x71: {  	_ =	shalt  }
0x72: {  	_ =	shalt  }
0x73: {  	_ =	shalt  }
0x74: {  	_ =	shalt  }
0x75: {  	_ =	shalt  }
0x76: {  	_ =	shalt  }
0x77: {  	_ =	shalt  }
0x78: {  	_ =	shalt  }
0x79: {  	_ =	shalt  }
0x7a: {  	_ =	shalt  }
0x7b: {  	_ =	shalt  }
0x7c: {  	_ =	shalt  }
0x7d: {  	_ =	shalt  }
0x7e: {  	_ =	shalt  }
0x7f: {  	_ =	shalt  }
0x80: {  	_ =	shalt  }
0x81: {  	_ =	shalt  }
0x82: {  	_ =	shalt  }
0x83: {  	_ =	shalt  }
0x84: {  	_ =	shalt  }
0x85: {  	_ =	shalt  }
0x86: {  	_ =	shalt  }
0x87: {  	_ =	shalt  }
.Lfunc_end0:
.L_simem_size_0:
called_computation_lowered:
.L_overlay_start_0:
0x88: {  	s2 =	sld [smem:$0x3FD9]  }
0x89: {  	s3 =	sld [smem:$0x3FFE];
	_ =	sdelay $0x1  }
0x8a: {  	s1 =	srdreg.scid  }
0x8b: {  	s0 =	sand.u32 $0x1, s1  }
0x8c: {  	s17 =	sshll.u32 s0, $0xA;
	s2 =	sadd.s32 s3, s2  }
0x8d: {  	s2 =	sadd.s32 s2, s17  }
0x8e: {  	[smem:$0x3FC6] =	sst s2  }
0x8f: {  	_ = 	snop  }
0x90: {  	s2 =	sld [smem:$0x3FD0];
	(tm) =	ssettm $0x1  }
0x91: {  	s18 =	sld [smem:$0x3FFB];
	_ =	sdelay $0x3  }
0x92: {  	_ =	strace s18  }
0x93: {  	s3 =	sld [smem:$0x3FFC];
	_ =	sdelay $0x3  }
0x94: {  	_ =	strace s3  }
0x95: {  	s3 =	sld [smem:$0x3FFD];
	_ =	sdelay $0x3  }
0x96: {  	_ =	strace s3  }
0x97: {  	_ =	strace $0x8FFFFFFF  }
0x98: {  	s19 =	sld [smem:$0x3FDB];
	_ =	sdelay $0x1  }
0x99: {  	s4 =	simm.s32 $_scs_section_size  }
0x9a: {  	s5 =	simm.s32 $_size__tile_overlayer_lowered;
	s6 =	simm.s32 $_tile_overlayer_lowered  }
0x9b: {  	s22 =	simm.s32 $0x1BFF;
	s21 =	sshll.u32 s6, $0x1;
	s3 =	sadd.s32 s4, s19  }
0x9c: {  	s7 =	simm.s32 $0x0;
	s20 =	sshll.u32 s5, $0x1;
	s5 =	sadd.s32 s21, s3  }
0x9d: {  	[timem:s7], [sflag:s22] =	dma.local [hbm:s5], s20  }
0x9e: {  	_ =	swait.ge [sflag:s22], s20  }
0x9f: {  	s4 =	ssub.s32 $0x0, s20;
	[sflag:s22] =	ssyncset.done $0x0  }
0xa0: {  	[sflag:s22] =	ssyncadd.s32 s4;
	_ =	sdelay $0x1  }
0xa1: {  	s23 =	simm.s32 $0x1B8B  }
0xa2: {  	_ =	swait.ge [sflag:s23], $0x1  }
0xa3: {  	[sflag:s23] =	ssyncset.done $0x0  }
0xa4: {  	s25 =	simm.s32 $0x1B8E;
	s24 =	sld [smem:$0x3FFE];
	[sflag:s23] =	ssyncadd.s32 $0xFFFFFFFF  }
0xa5: {  	s26 =	simm.s32 $execute0_lowered;
	[smem:$0x3FD2] =	sst s25  }
0xa6: {  	s5 =	sshll.u32 s26, $0x1;
	_ =	strace $0x80000046;
	[dreg:$0x1] =	wrdreg $0xFFFFFFFF  }
0xa7: {  	s28 =	simm.s32 $_size_execute0_lowered;
	s3 =	sadd.s32 s3, s5;
	[dreg:$0x0] =	wrdreg $0x0  }
0xa8: {  	s5 =	sshll.u32 s28, $0x1;
	[dreg:$0x2] =	wrdreg s3  }
0xa9: {  	[dreg:$0x3] =	wrdreg s5  }
0xaa: {  	[dreg:$0x4] =	wrdreg $0xC0  }
0xab: {  	_ =	task [dreg:s7], $0x5FFFF  }
0xac: {  	[dreg:$0x1] =	wrdreg $0xFFFFFFFF  }
0xad: {  	[dreg:$0x0] =	wrdreg $0x60  }
0xae: {  	[dreg:$0x2] =	wrdreg s24  }
0xaf: {  	[dreg:$0x3] =	wrdreg s2  }
0xb0: {  	[dreg:$0x4] =	wrdreg $0x9  }
0xb1: {  	_ =	task.clear_ibuf [dreg:s7], $0x5FFFF;
	_ =	strace $0x90000046  }
0xb2: {  	s29 =	simm.s32 $0x9;
	_ =	strace $0x80000048  }
0xb3: {  	_ =	swait.ge [sflag:s29], $0x1  }
0xb4: {  	[sflag:s29] =	ssyncadd.s32 $0xFFFFFFFF  }
0xb5: {  	_ =	strace $0x90000048  }
0xb6: {  	_ =	sfence  }
0xb7: {  	s30 =	sld [smem:$0x0];
	_ =	sdelay $0x2  }
0xb8: {  	s31 =	sshll.u32 s1, $0xD;
	s1 =	sshrl.u32 s1, $0x2  }
0xb9: {  	s3 =	sand.u32 $0x4000, s31;
	s1 =	sadd.s32 s1, s30  }
0xba: {  	s0 =	sor.u32 s3, s0;
	s1 =	sshll.u32 s1, $0x11  }
0xbb: {  	s0 =	sor.u32 s1, s0  }
0xbc: {  	s0 =	sadd.s32 $0x8F2B, s0  }
0xbd: {  	[sflag:s0] =	ssyncadd.remote.s32 $0x1  }
0xbe: {  	_ =	sfence.sel $0xFFFF  }
0xbf: {  	[dreg:$0x0] =	wrdreg $0xFFFFFFFF;
	(pc) =	sbr.abs _section_cstart, $3  }
0xc0: {  	[dreg:$0x1] =	wrdreg $0xFFFFFFFF  }
0xc1: {  	_ =	task.clear_ibuf [dreg:s7], $0x2FFFF;
	_ =	strace $0x9FFFFFFF  }
0xc2: {  	(tm) =	ssettm $0x7FFFFFFF  }
0xc3: {  	_ =	shalt  }
tec
execute0_lowered:
.L_overlay_start_1:
0x0: {  	(tag) =	ssettag $0x1  }
0x1: {  	v0 =	vlaneseq.u32  }
0x2: {  	v0 =	vmul.u32 $0x20, v0  }
0x3: {  	s0 =	rddreg [dreg:$0x0];
	s3 =	simm.s32 $0x0  }
0x4: {  	[smem:$0x7FF] =	sst s3;
	v1 =	vor.u32 $0x1600, v0  }
0x5: {  	s1 =	rddreg [dreg:$0x1];
	_ =	strace $0x80000047;
	v6 =	vor.u32 $0x200, v0;
	[tilespmem:$0x1FC10] =	vst v1  }
0x6: {  	v8 =	vor.u32 $0x400, v0;
	[tilespmem:$0x1FF60] =	vst v6  }
0x7: {  	v9 =	vor.u32 $0x600, v0;
	[tilespmem:$0x1FF70] =	vst v8  }
0x8: {  	v10 =	vor.u32 $0x800, v0;
	[tilespmem:$0x1FF80] =	vst v9  }
0x9: {  	v11 =	vor.u32 $0xA00, v0;
	[tilespmem:$0x1FF90] =	vst v10  }
0xa: {  	v12 =	vor.u32 $0xC00, v0;
	[tilespmem:$0x1FFA0] =	vst v11  }
0xb: {  	v13 =	vor.u32 $0xE00, v0;
	[tilespmem:$0x1FFB0] =	vst v12  }
0xc: {  	v14 =	vor.u32 $0x1000, v0;
	[tilespmem:$0x1FFC0] =	vst v13  }
0xd: {  	v15 =	vor.u32 $0x1200, v0;
	[tilespmem:$0x1FFD0] =	vst v14  }
0xe: {  	v7 =	vor.u32 $0x1400, v0;
	[tilespmem:$0x1FFE0] =	vst v15  }
0xf: {  	v1 =	vor.u32 $0x1800, v0;
	[tilespmem:$0x1FFF0] =	vst v7  }
0x10: {  	[tilespmem:$0x1FC20] =	vst v1;
	v1 =	vor.u32 $0x1A00, v0  }
0x11: {  	[tilespmem:$0x1FC30] =	vst v1;
	v1 =	vor.u32 $0x1C00, v0  }
0x12: {  	[tilespmem:$0x1FC40] =	vst v1;
	v1 =	vor.u32 $0x1E00, v0  }
0x13: {  	[tilespmem:$0x1FC50] =	vst v1;
	v1 =	vor.u32 $0x2000, v0  }
0x14: {  	[tilespmem:$0x1FC60] =	vst v1;
	v1 =	vor.u32 $0x2200, v0  }
0x15: {  	[tilespmem:$0x1FC70] =	vst v1;
	v1 =	vor.u32 $0x2400, v0  }
0x16: {  	[tilespmem:$0x1FC80] =	vst v1;
	v1 =	vor.u32 $0x2600, v0  }
0x17: {  	[tilespmem:$0x1FC90] =	vst v1;
	v1 =	vor.u32 $0x2800, v0  }
0x18: {  	[tilespmem:$0x1FCA0] =	vst v1;
	v1 =	vor.u32 $0x2A00, v0  }
0x19: {  	[tilespmem:$0x1FCB0] =	vst v1;
	v1 =	vor.u32 $0x2C00, v0  }
0x1a: {  	[tilespmem:$0x1FCC0] =	vst v1;
	v1 =	vor.u32 $0x2E00, v0  }
0x1b: {  	[tilespmem:$0x1FCD0] =	vst v1;
	v1 =	vor.u32 $0x3000, v0  }
0x1c: {  	[tilespmem:$0x1FCE0] =	vst v1;
	v1 =	vor.u32 $0x3200, v0  }
0x1d: {  	[tilespmem:$0x1FCF0] =	vst v1;
	v1 =	vor.u32 $0x3400, v0  }
0x1e: {  	[tilespmem:$0x1FD00] =	vst v1;
	v1 =	vor.u32 $0x3600, v0  }
0x1f: {  	[tilespmem:$0x1FD10] =	vst v1;
	v1 =	vor.u32 $0x3800, v0  }
0x20: {  	[tilespmem:$0x1FD20] =	vst v1;
	v1 =	vor.u32 $0x3A00, v0  }
0x21: {  	[tilespmem:$0x1FD30] =	vst v1;
	v1 =	vor.u32 $0x3C00, v0  }
0x22: {  	[tilespmem:$0x1FD40] =	vst v1;
	v1 =	vor.u32 $0x3E00, v0  }
0x23: {  	[tilespmem:$0x1FD50] =	vst v1;
	v1 =	vor.u32 $0x4000, v0  }
0x24: {  	[tilespmem:$0x1FD60] =	vst v1;
	v1 =	vor.u32 $0x4200, v0  }
0x25: {  	[tilespmem:$0x1FD70] =	vst v1;
	v1 =	vor.u32 $0x4400, v0  }
0x26: {  	[tilespmem:$0x1FD80] =	vst v1;
	v1 =	vor.u32 $0x4600, v0  }
0x27: {  	[tilespmem:$0x1FD90] =	vst v1;
	v1 =	vor.u32 $0x4800, v0  }
0x28: {  	[tilespmem:$0x1FDA0] =	vst v1;
	v1 =	vor.u32 $0x4A00, v0  }
0x29: {  	[tilespmem:$0x1FDB0] =	vst v1;
	v1 =	vor.u32 $0x4C00, v0  }
0x2a: {  	[tilespmem:$0x1FDC0] =	vst v1;
	v1 =	vor.u32 $0x4E00, v0  }
0x2b: {  	[tilespmem:$0x1FDD0] =	vst v1;
	v1 =	vor.u32 $0x1, v0  }
0x2c: {  	[tilespmem:$0x1FDE0] =	vst v1;
	v1 =	vor.u32 $0x201, v0  }
0x2d: {  	[tilespmem:$0x1FDF0] =	vst v1;
	v1 =	vor.u32 $0x401, v0  }
0x2e: {  	[tilespmem:$0x1FE00] =	vst v1;
	v1 =	vor.u32 $0x601, v0  }
0x2f: {  	[tilespmem:$0x1FE10] =	vst v1;
	v1 =	vor.u32 $0x801, v0  }
0x30: {  	[tilespmem:$0x1FE20] =	vst v1;
	v1 =	vor.u32 $0xA01, v0  }
0x31: {  	[tilespmem:$0x1FE30] =	vst v1;
	v1 =	vor.u32 $0xC01, v0  }
0x32: {  	[tilespmem:$0x1FE40] =	vst v1;
	v1 =	vor.u32 $0xE01, v0  }
0x33: {  	[tilespmem:$0x1FE50] =	vst v1;
	v1 =	vor.u32 $0x1001, v0  }
0x34: {  	[tilespmem:$0x1FE60] =	vst v1;
	v1 =	vor.u32 $0x1201, v0  }
0x35: {  	s2 =	srdreg.scid;
	s4 =	stileid.u32;
	[tilespmem:$0x1FE70] =	vst v1;
	v1 =	vor.u32 $0x1401, v0  }
0x36: {  	s16 =	simm.s32 $0x80;
	s17 =	simm.s32 $0x1000;
	s18 =	simm.s32 $0x5;
	[tilespmem:$0x1FE80] =	vst v1;
	v1 =	vor.u32 $0x1601, v0  }
0x37: {  	s19 =	simm.s32 $0x500;
	s28 =	simm.s32 $0x280;
	s29 =	simm.s32 $0x5500;
	[tilespmem:$0x1FE90] =	vst v1;
	v1 =	vor.u32 $0x1801, v0  }
0x38: {  	s21 =	simm.s32 $0x1;
	s22 =	simm.s32 $0x20000;
	s30 =	simm.s32 $0x4;
	[tilespmem:$0x1FEA0] =	vst v1;
	v1 =	vor.u32 $0x1A01, v0  }
0x39: {  	s31 =	simm.s32 $0xF500;
	s15 =	simm.s32 $0x13100;
	s20 =	simm.s32 $0x0;
	[tilespmem:$0x1FEB0] =	vst v1;
	v1 =	vor.u32 $0x1C01, v0  }
0x3a: {  	s2 =	sand.u32 $0x1, s2;
	s5 =	sshll.u32 s4, $0x1;
	s4 =	sadd.s32 $0x600, s0;
	[tilespmem:$0x1FEC0] =	vst v1;
	v1 =	vor.u32 $0x1E01, v0  }
0x3b: {  	s11 =	sadd.s32 $0x1000, s1;
	s12 =	sadd.s32 $0x2000, s1;
	s13 =	sadd.s32 $0x3000, s1;
	[tilespmem:$0x1FED0] =	vst v1;
	v1 =	vor.u32 $0x2001, v0  }
0x3c: {  	s6 =	sor.u32 s2, s5;
	s5 =	sadd.s32 $0xF42A00, s0;
	s24 =	ssub.s32 $0x2, s2;
	[tilespmem:$0x1FEE0] =	vst v1;
	v1 =	vor.u32 $0x2201, v0  }
0x3d: {  	s25 =	sshll.u32 s6, $0x4;
	s7 =	sshrl.u32 s24, $0x1;
	s8 =	sshll.u32 s6, $0x7;
	[tilespmem:$0x1FEF0] =	vst v1;
	v1 =	vor.u32 $0x2401, v0  }
0x3e: {  	s10 =	sshll.u32 s6, $0xA;
	s2 =	sadd.s32 s4, s25;
	s0 =	ssub.s32 s24, s7;
	[tilespmem:$0x1FF00] =	vst v1;
	v1 =	vor.u32 $0x2601, v0  }
.Ltmp0:
0x3f: {  	s26 =	sor.u32 $0xA000, s8;
	s9 =	sor.u32 $0xF000, s8;
	[tilespmem:$0x1FF10] =	vst v1;
	v1 =	vor.u32 $0x2801, v0;
	(pc) =	sbr.rel .LBB2_1-.Ltmp0, $4  }
0x40: {  	s14 =	sor.u32 $0xA0000, s10;
	s7 =	simm.s32 $0x400;
	[dreg:$0x3] =	wrdreg s2;
	[tilespmem:$0x1FF20] =	vst v1;
	v1 =	vor.u32 $0x2A01, v0  }
0x41: {  	s8 =	simm.s32 $0x2;
	s2 =	sadd.s32 $0xA00, s2;
	[dreg:$0x5] =	wrdreg s26;
	[tilespmem:$0x1FF30] =	vst v1;
	v1 =	vor.u32 $0x2C01, v0  }
0x42: {  	s0 =	smax.u32 s0, $0x1;
	s26 =	simm.s32 $0xE100;
	[dreg:$0x4] =	wrdreg s2;
	[tilespmem:$0x1FF40] =	vst v1;
	v1 =	vor.u32 $0x2E01, v0  }
0x43: {  	[dreg:$0x6] =	wrdreg s0;
	s0 =	simm.s32 $0x10900;
	s2 =	simm.s32 $0x11D00;
	[tilespmem:$0x1FF50] =	vst v1  }
.LBB2_12:
0x44: {  	s6 =	simm.s32 $0x3  }
0x45: {  	_ =	swait.ge [sflag:s6], $0x5000  }
0x46: {  	[sflag:s6] =	ssyncset.done $0x0  }
0x47: {  	[sflag:s6] =	ssyncadd.s32 $0xFFFFB000  }
0x48: {  	_ =	swait.ge [sflag:s30], $0x5000  }
0x49: {  	s20 =	rddreg [dreg:$0x7]  }
0x4a: {  	s25 =	rddreg [dreg:$0x6];
	s20 =	sadd.s32 $0x1, s20  }
0x4b: {  	p0 =	sne.s32 s20, s25  }
.Ltmp1:
0x4c: {  	_ = 	snop;
	(pc) =	sbr.rel @!p0 .LBB2_13-.Ltmp1, $3  }
0x4d: {  	_ =	sdelay $0x1  }
0x4e: {  	[sflag:s30] =	ssyncset.done $0x0  }
0x4f: {  	v7 =	vld [tilespmem:$0x1FFF0];
	[sflag:s30] =	ssyncadd.s32 $0xFFFFB000  }
.LBB2_1:
0x50: {  	[dreg:$0x7] =	wrdreg s20  }
0x51: {  	s6 =	rddreg [dreg:$0x3]  }
0x52: {  	[tilespmem:s3], [sflag:$0x5] =	stream.strided.gather [hbm4b:s6+s16], $0x280, s17, s16, $0x38;
	[tilespmem:$0x14500] =	vst v63  }
0x53: {  	_ =	swait.ge [sflag:s18], $0x280  }
0x54: {  	[sflag:s18] =	ssyncset.done $0x0  }
0x55: {  	[sflag:s18] =	ssyncadd.s32 $0xFFFFFD80  }
0x56: {  	[tilespmem:s19], [sflag:$0x1] =	stream.indirect.gather [hbm4b:s5+s16], $0x20, s3, s16, $0xb8;
	[tilespmem:$0x14500] =	vst v63  }
0x57: {  	s25 =	simm.s32 $0x1500  }
0x58: {  	[tilespmem:s25], [sflag:$0x1] =	stream.indirect.gather [hbm4b:s5+s16], $0x20, s16, s16, $0xb8;
	[tilespmem:$0x14500] =	vst v63  }
0x59: {  	s20 =	simm.s32 $0x100;
	s23 =	simm.s32 $0x2500  }
0x5a: {  	[tilespmem:s23], [sflag:$0x1] =	stream.indirect.gather [hbm4b:s5+s16], $0x20, s20, s16, $0xb8;
	[tilespmem:$0x14500] =	vst v63  }
0x5b: {  	s24 =	simm.s32 $0x180;
	s25 =	simm.s32 $0x3500  }
0x5c: {  	[tilespmem:s25], [sflag:$0x1] =	stream.indirect.gather [hbm4b:s5+s16], $0x20, s24, s16, $0xb8;
	[tilespmem:$0x14500] =	vst v63  }
0x5d: {  	s23 =	simm.s32 $0x200;
	s24 =	simm.s32 $0x4500  }
0x5e: {  	[tilespmem:s24], [sflag:$0x1] =	stream.indirect.gather [hbm4b:s5+s16], $0x20, s23, s16, $0xb8;
	[tilespmem:$0x14500] =	vst v63  }
0x5f: {  	s25 =	rddreg [dreg:$0x4]  }
0x60: {  	[tilespmem:s28], [sflag:$0x5] =	stream.strided.gather [hbm4b:s25+s16], $0x280, s17, s16, $0x38;
	[tilespmem:$0x14500] =	vst v63  }
0x61: {  	_ =	swait.ge [sflag:s18], $0x280  }
0x62: {  	[sflag:s18] =	ssyncset.done $0x0  }
0x63: {  	[sflag:s18] =	ssyncadd.s32 $0xFFFFFD80  }
0x64: {  	[tilespmem:s29], [sflag:$0x2] =	stream.indirect.gather [hbm4b:s5+s16], $0x20, s28, s16, $0xb8;
	[tilespmem:$0x14500] =	vst v63  }
0x65: {  	s20 =	simm.s32 $0x300;
	s23 =	simm.s32 $0x6500  }
0x66: {  	[tilespmem:s23], [sflag:$0x2] =	stream.indirect.gather [hbm4b:s5+s16], $0x20, s20, s16, $0xb8;
	[tilespmem:$0x14500] =	vst v63  }
0x67: {  	s24 =	simm.s32 $0x380;
	s25 =	simm.s32 $0x7500  }
0x68: {  	[tilespmem:s25], [sflag:$0x2] =	stream.indirect.gather [hbm4b:s5+s16], $0x20, s24, s16, $0xb8;
	[tilespmem:$0x14500] =	vst v63  }
0x69: {  	s23 =	simm.s32 $0x8500  }
0x6a: {  	[tilespmem:s23], [sflag:$0x2] =	stream.indirect.gather [hbm4b:s5+s16], $0x20, s7, s16, $0xb8;
	[tilespmem:$0x14500] =	vst v63  }
0x6b: {  	s6 =	simm.s32 $0x0;
	s24 =	simm.s32 $0x480;
	s25 =	simm.s32 $0x9500  }
0x6c: {  	[tilespmem:s25], [sflag:$0x2] =	stream.indirect.gather [hbm4b:s5+s16], $0x20, s24, s16, $0xb8;
	[tilespmem:$0x14500] =	vst v63  }
.LBB2_2:
0x6d: {  	_ =	swait.ge [sflag:s21], $0x5000  }
0x6e: {  	p0 =	seq.s32 s6, $0x0;
	[sflag:s21] =	ssyncset.done $0x0  }
0x6f: {  	s20 =	simm.s32 @!p0 $0x3;
	[sflag:s21] =	ssyncadd.s32 $0xFFFFB000  }
0x70: {  	_ =	swait.ge @!p0 [sflag:s20], $0x5000  }
0x71: {  	[sflag:s20] =	ssyncset.done @!p0 $0x0  }
0x72: {  	[sflag:s20] =	ssyncadd.s32 @!p0 $0xFFFFB000;
	s20 =	simm.s32 $0x0  }
.LBB2_3:
0x73: {  	v1 =	vmov s20  }
0x74: {  	v1 =	vshrl.u32 v1, $0x3  }
0x75: {  	v1 =	vshll.u32 v1, $0x3  }
0x76: {  	v27 =	vbroadcast v1, $0x0;
	_ =	sdelay $0x1  }
0x77: {  	v1 =	vor.u32 v0, v27;
	_ =	sdelay $0x4  }
0x78: {  	v1 =	vld.idx.msk [tilespmem:v1+s19+$0x0], $0xffff  }
0x79: {  	s23 =	sshrl.u32 s20, $0x3;
	v2 =	vor.u32 v6, v27  }
0x7a: {  	s23 =	smul.u32 $0x5000, s23;
	_ =	sdelay $0x1  }
0x7b: {  	s23 =	sshra.s32 s23, $0x2  }
0x7c: {  	[tilespmem:s23+$0xA500] =	vst v1  }
0x7d: {  	v1 =	vld.idx.msk [tilespmem:v2+s19+$0x0], $0xffff  }
0x7e: {  	v2 =	vor.u32 v8, v27;
	_ =	sdelay $0x3  }
0x7f: {  	[tilespmem:s23+$0xA510] =	vst v1  }
0x80: {  	v1 =	vld.idx.msk [tilespmem:v2+s19+$0x0], $0xffff  }
0x81: {  	v2 =	vor.u32 v9, v27;
	_ =	sdelay $0x3  }
0x82: {  	[tilespmem:s23+$0xA520] =	vst v1  }
0x83: {  	v1 =	vld.idx.msk [tilespmem:v2+s19+$0x0], $0xffff  }
0x84: {  	v2 =	vor.u32 v10, v27;
	_ =	sdelay $0x3  }
0x85: {  	[tilespmem:s23+$0xA530] =	vst v1  }
0x86: {  	v1 =	vld.idx.msk [tilespmem:v2+s19+$0x0], $0xffff  }
0x87: {  	v2 =	vor.u32 v11, v27;
	_ =	sdelay $0x3  }
0x88: {  	[tilespmem:s23+$0xA540] =	vst v1  }
0x89: {  	v1 =	vld.idx.msk [tilespmem:v2+s19+$0x0], $0xffff  }
0x8a: {  	v2 =	vor.u32 v12, v27;
	_ =	sdelay $0x3  }
0x8b: {  	[tilespmem:s23+$0xA550] =	vst v1  }
0x8c: {  	v1 =	vld.idx.msk [tilespmem:v2+s19+$0x0], $0xffff  }
0x8d: {  	v2 =	vor.u32 v13, v27;
	_ =	sdelay $0x3  }
0x8e: {  	[tilespmem:s23+$0xA560] =	vst v1  }
0x8f: {  	v1 =	vld.idx.msk [tilespmem:v2+s19+$0x0], $0xffff  }
0x90: {  	v2 =	vor.u32 v14, v27;
	_ =	sdelay $0x3  }
0x91: {  	[tilespmem:s23+$0xA570] =	vst v1  }
0x92: {  	v1 =	vld.idx.msk [tilespmem:v2+s19+$0x0], $0xffff  }
0x93: {  	v2 =	vor.u32 v15, v27;
	_ =	sdelay $0x3  }
0x94: {  	[tilespmem:s23+$0xA900] =	vst v1  }
0x95: {  	v1 =	vld.idx.msk [tilespmem:v2+s19+$0x0], $0xffff  }
0x96: {  	v2 =	vor.u32 v7, v27;
	_ =	sdelay $0x3  }
0x97: {  	[tilespmem:s23+$0xA910] =	vst v1  }
0x98: {  	v1 =	vld.idx.msk [tilespmem:v2+s19+$0x0], $0xffff  }
0x99: {  	v2 =	vld [tilespmem:$0x1FC10];
	_ =	sdelay $0x4  }
0x9a: {  	v2 =	vor.u32 v2, v27;
	_ =	sdelay $0x3  }
0x9b: {  	[tilespmem:s23+$0xA920] =	vst v1  }
0x9c: {  	v1 =	vld.idx.msk [tilespmem:v2+s19+$0x0], $0xffff  }
0x9d: {  	v2 =	vld [tilespmem:$0x1FC20];
	_ =	sdelay $0x4  }
0x9e: {  	v2 =	vor.u32 v2, v27;
	_ =	sdelay $0x3  }
0x9f: {  	v3 =	vld [tilespmem:$0x1FDE0];
	[tilespmem:s23+$0xA930] =	vst v1  }
0xa0: {  	v1 =	vld.idx.msk [tilespmem:v2+s19+$0x0], $0xffff  }
0xa1: {  	v2 =	vld [tilespmem:$0x1FC30];
	_ =	sdelay $0x3  }
0xa2: {  	v3 =	vor.u32 v3, v27  }
0xa3: {  	v2 =	vor.u32 v2, v27;
	_ =	sdelay $0x1  }
0xa4: {  	v4 =	vld [tilespmem:$0x1FDF0];
	_ =	sdelay $0x1  }
0xa5: {  	v3 =	vld.idx.msk [tilespmem:v3+s19+$0x0], $0xffff;
	[tilespmem:s23+$0xA940] =	vst v1  }
0xa6: {  	v1 =	vld.idx.msk [tilespmem:v2+s19+$0x0], $0xffff  }
0xa7: {  	v2 =	vld [tilespmem:$0x1FC40]  }
0xa8: {  	v4 =	vor.u32 v4, v27;
	_ =	sdelay $0x3  }
0xa9: {  	[tilespmem:s23+$0xA580] =	vst v3;
	v2 =	vor.u32 v2, v27  }
0xaa: {  	v3 =	vld.idx.msk [tilespmem:v4+s19+$0x0], $0xffff  }
0xab: {  	v4 =	vld [tilespmem:$0x1FE00];
	_ =	sdelay $0x1  }
0xac: {  	[tilespmem:s23+$0xA950] =	vst v1  }
0xad: {  	v1 =	vld.idx.msk [tilespmem:v2+s19+$0x0], $0xffff  }
0xae: {  	v2 =	vld [tilespmem:$0x1FC50]  }
0xaf: {  	v4 =	vor.u32 v4, v27;
	_ =	sdelay $0x3  }
0xb0: {  	[tilespmem:s23+$0xA590] =	vst v3;
	v2 =	vor.u32 v2, v27  }
0xb1: {  	v3 =	vld.idx.msk [tilespmem:v4+s19+$0x0], $0xffff  }
0xb2: {  	v4 =	vld [tilespmem:$0x1FE10];
	_ =	sdelay $0x1  }
0xb3: {  	[tilespmem:s23+$0xA960] =	vst v1  }
0xb4: {  	v1 =	vld.idx.msk [tilespmem:v2+s19+$0x0], $0xffff  }
0xb5: {  	v2 =	vld [tilespmem:$0x1FC60]  }
0xb6: {  	v4 =	vor.u32 v4, v27;
	_ =	sdelay $0x3  }
0xb7: {  	[tilespmem:s23+$0xA5A0] =	vst v3;
	v2 =	vor.u32 v2, v27  }
0xb8: {  	v3 =	vld.idx.msk [tilespmem:v4+s19+$0x0], $0xffff  }
0xb9: {  	v4 =	vld [tilespmem:$0x1FE20];
	_ =	sdelay $0x1  }
0xba: {  	[tilespmem:s23+$0xA970] =	vst v1  }
0xbb: {  	v1 =	vld.idx.msk [tilespmem:v2+s19+$0x0], $0xffff  }
0xbc: {  	v2 =	vld [tilespmem:$0x1FC70]  }
0xbd: {  	v4 =	vor.u32 v4, v27;
	_ =	sdelay $0x3  }
0xbe: {  	[tilespmem:s23+$0xA5B0] =	vst v3;
	v2 =	vor.u32 v2, v27  }
0xbf: {  	v3 =	vld.idx.msk [tilespmem:v4+s19+$0x0], $0xffff  }
0xc0: {  	v4 =	vld [tilespmem:$0x1FE30];
	_ =	sdelay $0x1  }
0xc1: {  	[tilespmem:s23+$0xAD00] =	vst v1  }
0xc2: {  	v1 =	vld.idx.msk [tilespmem:v2+s19+$0x0], $0xffff  }
0xc3: {  	v2 =	vld [tilespmem:$0x1FC80]  }
0xc4: {  	v4 =	vor.u32 v4, v27;
	_ =	sdelay $0x3  }
0xc5: {  	[tilespmem:s23+$0xA5C0] =	vst v3;
	v2 =	vor.u32 v2, v27  }
0xc6: {  	v3 =	vld.idx.msk [tilespmem:v4+s19+$0x0], $0xffff  }
0xc7: {  	v4 =	vld [tilespmem:$0x1FE40];
	_ =	sdelay $0x1  }
0xc8: {  	[tilespmem:s23+$0xAD10] =	vst v1  }
0xc9: {  	v1 =	vld.idx.msk [tilespmem:v2+s19+$0x0], $0xffff  }
0xca: {  	v2 =	vld [tilespmem:$0x1FC90]  }
0xcb: {  	v4 =	vor.u32 v4, v27;
	_ =	sdelay $0x3  }
0xcc: {  	[tilespmem:s23+$0xA5D0] =	vst v3;
	v2 =	vor.u32 v2, v27  }
0xcd: {  	v3 =	vld.idx.msk [tilespmem:v4+s19+$0x0], $0xffff  }
0xce: {  	v4 =	vld [tilespmem:$0x1FE50];
	_ =	sdelay $0x1  }
0xcf: {  	[tilespmem:s23+$0xAD20] =	vst v1  }
0xd0: {  	v1 =	vld.idx.msk [tilespmem:v2+s19+$0x0], $0xffff  }
0xd1: {  	v2 =	vld [tilespmem:$0x1FCA0]  }
0xd2: {  	v4 =	vor.u32 v4, v27;
	_ =	sdelay $0x3  }
0xd3: {  	[tilespmem:s23+$0xA5E0] =	vst v3;
	v2 =	vor.u32 v2, v27  }
0xd4: {  	v3 =	vld.idx.msk [tilespmem:v4+s19+$0x0], $0xffff  }
0xd5: {  	v4 =	vld [tilespmem:$0x1FE60];
	_ =	sdelay $0x1  }
0xd6: {  	[tilespmem:s23+$0xAD30] =	vst v1  }
0xd7: {  	v1 =	vld.idx.msk [tilespmem:v2+s19+$0x0], $0xffff  }
0xd8: {  	v2 =	vld [tilespmem:$0x1FCB0]  }
0xd9: {  	v4 =	vor.u32 v4, v27;
	_ =	sdelay $0x3  }
0xda: {  	[tilespmem:s23+$0xA5F0] =	vst v3;
	v2 =	vor.u32 v2, v27  }
0xdb: {  	v3 =	vld.idx.msk [tilespmem:v4+s19+$0x0], $0xffff  }
0xdc: {  	v4 =	vld [tilespmem:$0x1FE70];
	_ =	sdelay $0x1  }
0xdd: {  	[tilespmem:s23+$0xAD40] =	vst v1  }
0xde: {  	v1 =	vld.idx.msk [tilespmem:v2+s19+$0x0], $0xffff  }
0xdf: {  	v2 =	vld [tilespmem:$0x1FCC0]  }
0xe0: {  	v4 =	vor.u32 v4, v27;
	_ =	sdelay $0x3  }
0xe1: {  	[tilespmem:s23+$0xA980] =	vst v3;
	v2 =	vor.u32 v2, v27  }
0xe2: {  	v3 =	vld.idx.msk [tilespmem:v4+s19+$0x0], $0xffff  }
0xe3: {  	v4 =	vld [tilespmem:$0x1FE80];
	_ =	sdelay $0x1  }
0xe4: {  	[tilespmem:s23+$0xAD50] =	vst v1  }
0xe5: {  	v1 =	vld.idx.msk [tilespmem:v2+s19+$0x0], $0xffff  }
0xe6: {  	v2 =	vld [tilespmem:$0x1FCD0]  }
0xe7: {  	v4 =	vor.u32 v4, v27;
	_ =	sdelay $0x3  }
0xe8: {  	[tilespmem:s23+$0xA990] =	vst v3;
	v2 =	vor.u32 v2, v27  }
0xe9: {  	v3 =	vld.idx.msk [tilespmem:v4+s19+$0x0], $0xffff  }
0xea: {  	v4 =	vld [tilespmem:$0x1FE90];
	_ =	sdelay $0x1  }
0xeb: {  	[tilespmem:s23+$0xAD60] =	vst v1  }
0xec: {  	v1 =	vld.idx.msk [tilespmem:v2+s19+$0x0], $0xffff  }
0xed: {  	v2 =	vld [tilespmem:$0x1FCE0]  }
0xee: {  	v4 =	vor.u32 v4, v27;
	_ =	sdelay $0x3  }
0xef: {  	[tilespmem:s23+$0xA9A0] =	vst v3;
	v2 =	vor.u32 v2, v27  }
0xf0: {  	v3 =	vld.idx.msk [tilespmem:v4+s19+$0x0], $0xffff  }
0xf1: {  	v4 =	vld [tilespmem:$0x1FEA0];
	_ =	sdelay $0x1  }
0xf2: {  	[tilespmem:s23+$0xAD70] =	vst v1  }
0xf3: {  	v1 =	vld.idx.msk [tilespmem:v2+s19+$0x0], $0xffff  }
0xf4: {  	v2 =	vld [tilespmem:$0x1FCF0]  }
0xf5: {  	v4 =	vor.u32 v4, v27;
	_ =	sdelay $0x3  }
0xf6: {  	[tilespmem:s23+$0xA9B0] =	vst v3;
	v2 =	vor.u32 v2, v27  }
0xf7: {  	v3 =	vld.idx.msk [tilespmem:v4+s19+$0x0], $0xffff  }
0xf8: {  	v4 =	vld [tilespmem:$0x1FEB0];
	_ =	sdelay $0x1  }
0xf9: {  	[tilespmem:s23+$0xB100] =	vst v1  }
0xfa: {  	v1 =	vld.idx.msk [tilespmem:v2+s19+$0x0], $0xffff  }
0xfb: {  	v2 =	vld [tilespmem:$0x1FD00]  }
0xfc: {  	v4 =	vor.u32 v4, v27;
	_ =	sdelay $0x3  }
0xfd: {  	[tilespmem:s23+$0xA9C0] =	vst v3;
	v2 =	vor.u32 v2, v27  }
0xfe: {  	v3 =	vld.idx.msk [tilespmem:v4+s19+$0x0], $0xffff  }
0xff: {  	v4 =	vld [tilespmem:$0x1FEC0];
	_ =	sdelay $0x1  }
0x100: {  	[tilespmem:s23+$0xB110] =	vst v1  }
0x101: {  	v1 =	vld.idx.msk [tilespmem:v2+s19+$0x0], $0xffff  }
0x102: {  	v2 =	vld [tilespmem:$0x1FD10]  }
0x103: {  	v4 =	vor.u32 v4, v27;
	_ =	sdelay $0x3  }
0x104: {  	[tilespmem:s23+$0xA9D0] =	vst v3;
	v2 =	vor.u32 v2, v27  }
0x105: {  	v3 =	vld.idx.msk [tilespmem:v4+s19+$0x0], $0xffff  }
0x106: {  	v4 =	vld [tilespmem:$0x1FED0];
	_ =	sdelay $0x1  }
0x107: {  	[tilespmem:s23+$0xB120] =	vst v1  }
0x108: {  	v1 =	vld.idx.msk [tilespmem:v2+s19+$0x0], $0xffff  }
0x109: {  	v2 =	vld [tilespmem:$0x1FD20]  }
0x10a: {  	v4 =	vor.u32 v4, v27;
	_ =	sdelay $0x3  }
0x10b: {  	[tilespmem:s23+$0xA9E0] =	vst v3;
	v2 =	vor.u32 v2, v27  }
0x10c: {  	v3 =	vld.idx.msk [tilespmem:v4+s19+$0x0], $0xffff  }
0x10d: {  	v4 =	vld [tilespmem:$0x1FEE0];
	_ =	sdelay $0x1  }
0x10e: {  	[tilespmem:s23+$0xB130] =	vst v1  }
0x10f: {  	v1 =	vld.idx.msk [tilespmem:v2+s19+$0x0], $0xffff  }
0x110: {  	v2 =	vld [tilespmem:$0x1FD30]  }
0x111: {  	v4 =	vor.u32 v4, v27;
	_ =	sdelay $0x3  }
0x112: {  	[tilespmem:s23+$0xA9F0] =	vst v3;
	v2 =	vor.u32 v2, v27  }
0x113: {  	v3 =	vld.idx.msk [tilespmem:v4+s19+$0x0], $0xffff  }
0x114: {  	v4 =	vld [tilespmem:$0x1FEF0];
	_ =	sdelay $0x1  }
0x115: {  	[tilespmem:s23+$0xB140] =	vst v1  }
0x116: {  	v1 =	vld.idx.msk [tilespmem:v2+s19+$0x0], $0xffff  }
0x117: {  	v2 =	vld [tilespmem:$0x1FD40]  }
0x118: {  	v4 =	vor.u32 v4, v27;
	_ =	sdelay $0x3  }
0x119: {  	[tilespmem:s23+$0xAD80] =	vst v3;
	v2 =	vor.u32 v2, v27  }
0x11a: {  	v3 =	vld.idx.msk [tilespmem:v4+s19+$0x0], $0xffff  }
0x11b: {  	v4 =	vld [tilespmem:$0x1FF00];
	_ =	sdelay $0x1  }
0x11c: {  	[tilespmem:s23+$0xB150] =	vst v1  }
0x11d: {  	v1 =	vld.idx.msk [tilespmem:v2+s19+$0x0], $0xffff  }
0x11e: {  	v2 =	vld [tilespmem:$0x1FD50]  }
0x11f: {  	v4 =	vor.u32 v4, v27;
	_ =	sdelay $0x3  }
0x120: {  	[tilespmem:s23+$0xAD90] =	vst v3;
	v2 =	vor.u32 v2, v27  }
0x121: {  	v3 =	vld.idx.msk [tilespmem:v4+s19+$0x0], $0xffff  }
0x122: {  	v4 =	vld [tilespmem:$0x1FF10];
	_ =	sdelay $0x1  }
0x123: {  	[tilespmem:s23+$0xB160] =	vst v1  }
0x124: {  	v1 =	vld.idx.msk [tilespmem:v2+s19+$0x0], $0xffff  }
0x125: {  	v2 =	vld [tilespmem:$0x1FD60]  }
0x126: {  	v4 =	vor.u32 v4, v27;
	_ =	sdelay $0x3  }
0x127: {  	[tilespmem:s23+$0xADA0] =	vst v3;
	v2 =	vor.u32 v2, v27  }
0x128: {  	v3 =	vld.idx.msk [tilespmem:v4+s19+$0x0], $0xffff  }
0x129: {  	v4 =	vld [tilespmem:$0x1FF20];
	_ =	sdelay $0x1  }
0x12a: {  	[tilespmem:s23+$0xB170] =	vst v1  }
0x12b: {  	v1 =	vld.idx.msk [tilespmem:v2+s19+$0x0], $0xffff  }
0x12c: {  	v2 =	vld [tilespmem:$0x1FD70]  }
0x12d: {  	v4 =	vor.u32 v4, v27;
	_ =	sdelay $0x3  }
0x12e: {  	[tilespmem:s23+$0xADB0] =	vst v3;
	v2 =	vor.u32 v2, v27  }
0x12f: {  	v3 =	vld.idx.msk [tilespmem:v4+s19+$0x0], $0xffff  }
0x130: {  	v4 =	vld [tilespmem:$0x1FF30];
	_ =	sdelay $0x1  }
0x131: {  	[tilespmem:s23+$0xB500] =	vst v1  }
0x132: {  	v1 =	vld.idx.msk [tilespmem:v2+s19+$0x0], $0xffff  }
0x133: {  	v2 =	vld [tilespmem:$0x1FD80]  }
0x134: {  	v4 =	vor.u32 v4, v27;
	_ =	sdelay $0x3  }
0x135: {  	[tilespmem:s23+$0xADC0] =	vst v3;
	v2 =	vor.u32 v2, v27  }
0x136: {  	v3 =	vld.idx.msk [tilespmem:v4+s19+$0x0], $0xffff  }
0x137: {  	v4 =	vld [tilespmem:$0x1FF40];
	_ =	sdelay $0x1  }
0x138: {  	[tilespmem:s23+$0xB510] =	vst v1  }
0x139: {  	v1 =	vld.idx.msk [tilespmem:v2+s19+$0x0], $0xffff  }
0x13a: {  	v2 =	vld [tilespmem:$0x1FD90]  }
0x13b: {  	v4 =	vor.u32 v4, v27;
	_ =	sdelay $0x3  }
0x13c: {  	[tilespmem:s23+$0xADD0] =	vst v3;
	v2 =	vor.u32 v2, v27  }
0x13d: {  	v3 =	vld.idx.msk [tilespmem:v4+s19+$0x0], $0xffff  }
0x13e: {  	v4 =	vld [tilespmem:$0x1FF50];
	_ =	sdelay $0x1  }
0x13f: {  	[tilespmem:s23+$0xB520] =	vst v1  }
0x140: {  	v1 =	vld.idx.msk [tilespmem:v2+s19+$0x0], $0xffff  }
0x141: {  	v2 =	vld [tilespmem:$0x1FDA0]  }
0x142: {  	v4 =	vor.u32 v4, v27;
	_ =	sdelay $0x3  }
0x143: {  	[tilespmem:s23+$0xADE0] =	vst v3;
	v2 =	vor.u32 v2, v27  }
0x144: {  	v3 =	vld.idx.msk [tilespmem:v4+s19+$0x0], $0xffff;
	v4 =	vor.u32 $0x3001, v0  }
0x145: {  	[tilespmem:$0x1EF50] =	vst v4;
	v4 =	vor.u32 v4, v27;
	_ =	sdelay $0x1  }
0x146: {  	[tilespmem:s23+$0xB530] =	vst v1  }
0x147: {  	v1 =	vld.idx.msk [tilespmem:v2+s19+$0x0], $0xffff  }
0x148: {  	[tilespmem:s23+$0xADF0] =	vst v3;
	v2 =	vld [tilespmem:$0x1FDB0]  }
0x149: {  	v3 =	vld.idx.msk [tilespmem:v4+s19+$0x0], $0xffff;
	v4 =	vor.u32 $0x3201, v0  }
0x14a: {  	[tilespmem:$0x1EF60] =	vst v4;
	v4 =	vor.u32 v4, v27;
	_ =	sdelay $0x2  }
0x14b: {  	v2 =	vor.u32 v2, v27  }
0x14c: {  	[tilespmem:s23+$0xB180] =	vst v3  }
0x14d: {  	v3 =	vld.idx.msk [tilespmem:v4+s19+$0x0], $0xffff;
	v4 =	vor.u32 $0x3401, v0  }
0x14e: {  	[tilespmem:$0x1EF70] =	vst v4  }
0x14f: {  	v4 =	vor.u32 v4, v27;
	[tilespmem:s23+$0xB540] =	vst v1  }
0x150: {  	v1 =	vld.idx.msk [tilespmem:v2+s19+$0x0], $0xffff  }
0x151: {  	v2 =	vld [tilespmem:$0x1FDC0];
	_ =	sdelay $0x1  }
0x152: {  	[tilespmem:s23+$0xB190] =	vst v3  }
0x153: {  	v3 =	vld.idx.msk [tilespmem:v4+s19+$0x0], $0xffff;
	v4 =	vor.u32 $0x3601, v0  }
0x154: {  	[tilespmem:$0x1EF80] =	vst v4;
	v4 =	vor.u32 v4, v27  }
0x155: {  	v2 =	vor.u32 v2, v27;
	_ =	sdelay $0x2  }
0x156: {  	[tilespmem:s23+$0xB1A0] =	vst v3  }
0x157: {  	v3 =	vld.idx.msk [tilespmem:v4+s19+$0x0], $0xffff;
	[tilespmem:s23+$0xB550] =	vst v1  }
0x158: {  	v4 =	vor.u32 $0x3801, v0;
	v1 =	vld.idx.msk [tilespmem:v2+s19+$0x0], $0xffff  }
0x159: {  	[tilespmem:$0x1EF90] =	vst v4;
	v4 =	vor.u32 v4, v27;
	v2 =	vld [tilespmem:$0x1FDD0];
	_ =	sdelay $0x3  }
0x15a: {  	[tilespmem:s23+$0xB1B0] =	vst v3  }
0x15b: {  	v3 =	vld.idx.msk [tilespmem:v4+s19+$0x0], $0xffff;
	v4 =	vor.u32 $0x3A01, v0;
	v2 =	vor.u32 v2, v27  }
0x15c: {  	[tilespmem:$0x1EFA0] =	vst v4;
	v4 =	vor.u32 v4, v27;
	_ =	sdelay $0x2  }
0x15d: {  	[tilespmem:s23+$0xB560] =	vst v1  }
0x15e: {  	[tilespmem:s23+$0xB1C0] =	vst v3;
	v1 =	vld.idx.msk [tilespmem:v2+s19+$0x0], $0xffff  }
0x15f: {  	v3 =	vor.u32 $0x3C01, v0;
	v2 =	vld.idx.msk [tilespmem:v4+s19+$0x0], $0xffff  }
0x160: {  	[tilespmem:$0x1EFB0] =	vst v3;
	v3 =	vor.u32 v3, v27;
	_ =	sdelay $0x3  }
0x161: {  	[tilespmem:s23+$0xB1D0] =	vst v2  }
0x162: {  	[tilespmem:s23+$0xB570] =	vst v1;
	v2 =	vor.u32 $0x3E01, v0;
	v1 =	vld.idx.msk [tilespmem:v3+s19+$0x0], $0xffff  }
0x163: {  	[tilespmem:$0x1EFC0] =	vst v2;
	v2 =	vor.u32 v2, v27;
	_ =	sdelay $0x3  }
0x164: {  	[tilespmem:s23+$0xB1E0] =	vst v1  }
0x165: {  	v1 =	vld.idx.msk [tilespmem:v2+s19+$0x0], $0xffff;
	v2 =	vor.u32 $0x4001, v0  }
0x166: {  	[tilespmem:$0x1EFD0] =	vst v2;
	v2 =	vor.u32 v2, v27;
	_ =	sdelay $0x3  }
0x167: {  	[tilespmem:s23+$0xB1F0] =	vst v1  }
0x168: {  	v1 =	vld.idx.msk [tilespmem:v2+s19+$0x0], $0xffff;
	v2 =	vor.u32 $0x4201, v0  }
0x169: {  	[tilespmem:$0x1EFE0] =	vst v2;
	v2 =	vor.u32 v2, v27;
	_ =	sdelay $0x3  }
0x16a: {  	[tilespmem:s23+$0xB580] =	vst v1  }
0x16b: {  	v1 =	vld.idx.msk [tilespmem:v2+s19+$0x0], $0xffff;
	v2 =	vor.u32 $0x4401, v0  }
0x16c: {  	[tilespmem:$0x1EFF0] =	vst v2;
	v2 =	vor.u32 v2, v27;
	_ =	sdelay $0x3  }
0x16d: {  	[tilespmem:s23+$0xB590] =	vst v1  }
0x16e: {  	v1 =	vld.idx.msk [tilespmem:v2+s19+$0x0], $0xffff;
	v2 =	vor.u32 $0x4601, v0  }
0x16f: {  	[tilespmem:$0x1F000] =	vst v2;
	v2 =	vor.u32 v2, v27;
	_ =	sdelay $0x1  }
0x170: {  	v5 =	vor.u32 $0x4, v0  }
0x171: {  	[tilespmem:$0x1F070] =	vst v5;
	v5 =	vor.u32 v5, v27  }
0x172: {  	[tilespmem:s23+$0xB5A0] =	vst v1  }
0x173: {  	v1 =	vld.idx.msk [tilespmem:v2+s19+$0x0], $0xffff;
	v2 =	vor.u32 $0x4801, v0  }
0x174: {  	[tilespmem:$0x1F010] =	vst v2;
	v2 =	vor.u32 v2, v27;
	_ =	sdelay $0x1  }
0x175: {  	v5 =	vld.idx.msk [tilespmem:v5+s19+$0x0], $0xffff;
	_ =	sdelay $0x1  }
0x176: {  	v6 =	vor.u32 $0x5, v0;
	[tilespmem:s23+$0xB5B0] =	vst v1  }
0x177: {  	[tilespmem:$0x1F080] =	vst v6;
	v1 =	vld.idx.msk [tilespmem:v2+s19+$0x0], $0xffff;
	v2 =	vor.u32 $0x4A01, v0  }
0x178: {  	[tilespmem:$0x1F020] =	vst v2;
	v2 =	vor.u32 v2, v27  }
0x179: {  	[tilespmem:s23+$0xA700] =	vst v5;
	v10 =	vor.u32 $0x204, v0  }
0x17a: {  	[tilespmem:$0x1F0D0] =	vst v10;
	v4 =	vor.u32 $0x3, v0  }
0x17b: {  	v10 =	vor.u32 v10, v27;
	[tilespmem:$0x1F060] =	vst v4  }
0x17c: {  	v4 =	vor.u32 v4, v27;
	v3 =	vor.u32 $0x2, v0;
	[tilespmem:s23+$0xB5C0] =	vst v1  }
0x17d: {  	[tilespmem:$0x1F050] =	vst v3;
	v3 =	vor.u32 v3, v27;
	v1 =	vld.idx.msk [tilespmem:v2+s19+$0x0], $0xffff;
	v2 =	vor.u32 $0x4C01, v0  }
0x17e: {  	v8 =	vor.u32 $0x202, v0;
	[tilespmem:$0x1F030] =	vst v2;
	v2 =	vor.u32 v2, v27  }
0x17f: {  	[tilespmem:$0x1F0B0] =	vst v8;
	v9 =	vor.u32 $0x203, v0  }
0x180: {  	[tilespmem:$0x1F0C0] =	vst v9;
	v10 =	vld.idx.msk [tilespmem:v10+s19+$0x0], $0xffff;
	v7 =	vor.u32 $0x7, v0  }
0x181: {  	[tilespmem:$0x1F0A0] =	vst v7;
	v7 =	vor.u32 v7, v27;
	v4 =	vld.idx.msk [tilespmem:v4+s19+$0x0], $0xffff  }
0x182: {  	v9 =	vor.u32 v9, v27;
	v11 =	vor.u32 $0x205, v0;
	v3 =	vld.idx.msk [tilespmem:v3+s19+$0x0], $0xffff;
	[tilespmem:s23+$0xB5D0] =	vst v1  }
0x183: {  	v8 =	vor.u32 v8, v27;
	[tilespmem:$0x1F0E0] =	vst v11;
	v1 =	vld.idx.msk [tilespmem:v2+s19+$0x0], $0xffff;
	v2 =	vor.u32 $0x4E01, v0  }
0x184: {  	[tilespmem:$0x1F040] =	vst v2;
	v2 =	vor.u32 v2, v27  }
0x185: {  	[tilespmem:s23+$0xA710] =	vst v10  }
0x186: {  	v7 =	vld.idx.msk [tilespmem:v7+s19+$0x0], $0xffff;
	[tilespmem:s23+$0xA680] =	vst v4  }
0x187: {  	v9 =	vld.idx.msk [tilespmem:v9+s19+$0x0], $0xffff;
	[tilespmem:s23+$0xA600] =	vst v3  }
0x188: {  	v12 =	vor.u32 $0x402, v0;
	v8 =	vld.idx.msk [tilespmem:v8+s19+$0x0], $0xffff;
	[tilespmem:s23+$0xB5E0] =	vst v1;
	v1 =	vor.u32 v6, v27  }
0x189: {  	[tilespmem:$0x1F110] =	vst v12;
	v6 =	vor.u32 $0x6, v0;
	v2 =	vld.idx.msk [tilespmem:v2+s19+$0x0], $0xffff  }
0x18a: {  	[tilespmem:$0x1F090] =	vst v6;
	v6 =	vor.u32 v6, v27  }
0x18b: {  	[tilespmem:s23+$0xA880] =	vst v7  }
0x18c: {  	[tilespmem:s23+$0xA690] =	vst v9  }
0x18d: {  	[tilespmem:s23+$0xA610] =	vst v8;
	v1 =	vld.idx.msk [tilespmem:v1+s19+$0x0], $0xffff  }
0x18e: {  	[tilespmem:s23+$0xB5F0] =	vst v2;
	v2 =	vor.u32 v11, v27;
	v11 =	vor.u32 $0x206, v0  }
0x18f: {  	v6 =	vld.idx.msk [tilespmem:v6+s19+$0x0], $0xffff;
	[tilespmem:$0x1F0F0] =	vst v11;
	v3 =	vor.u32 v11, v27;
	v11 =	vor.u32 $0x207, v0  }
0x190: {  	[tilespmem:$0x1F100] =	vst v11;
	v4 =	vor.u32 v11, v27;
	v11 =	vor.u32 v12, v27;
	v12 =	vor.u32 $0x403, v0  }
0x191: {  	[tilespmem:$0x1F120] =	vst v12  }
0x192: {  	v5 =	vor.u32 v12, v27;
	v12 =	vor.u32 $0x404, v0;
	[tilespmem:s23+$0xA780] =	vst v1  }
0x193: {  	[tilespmem:$0x1F130] =	vst v12  }
0x194: {  	v1 =	vor.u32 v12, v27;
	v12 =	vor.u32 $0x405, v0;
	[tilespmem:s23+$0xA800] =	vst v6  }
0x195: {  	v2 =	vld.idx.msk [tilespmem:v2+s19+$0x0], $0xffff;
	[tilespmem:$0x1F140] =	vst v12;
	v6 =	vor.u32 v12, v27;
	v12 =	vor.u32 $0x406, v0  }
0x196: {  	v3 =	vld.idx.msk [tilespmem:v3+s19+$0x0], $0xffff;
	[tilespmem:$0x1F150] =	vst v12;
	v7 =	vor.u32 v12, v27;
	v12 =	vor.u32 $0x407, v0  }
0x197: {  	v8 =	vld.idx.msk [tilespmem:v11+s19+$0x0], $0xffff;
	v11 =	vor.u32 $0x602, v0;
	[tilespmem:$0x1F160] =	vst v12  }
0x198: {  	v9 =	vor.u32 v12, v27;
	v12 =	vor.u32 $0x603, v0;
	[tilespmem:$0x1F170] =	vst v11  }
0x199: {  	v4 =	vld.idx.msk [tilespmem:v4+s19+$0x0], $0xffff;
	[tilespmem:$0x1F180] =	vst v12;
	v10 =	vor.u32 v12, v27;
	v12 =	vor.u32 $0x604, v0  }
0x19a: {  	[tilespmem:$0x1F190] =	vst v12  }
0x19b: {  	[tilespmem:s23+$0xA790] =	vst v2  }
0x19c: {  	v5 =	vld.idx.msk [tilespmem:v5+s19+$0x0], $0xffff;
	v2 =	vor.u32 v12, v27;
	v12 =	vor.u32 $0x605, v0;
	[tilespmem:s23+$0xA810] =	vst v3  }
0x19d: {  	v11 =	vor.u32 v11, v27;
	[tilespmem:$0x1F1A0] =	vst v12  }
0x19e: {  	[tilespmem:s23+$0xA890] =	vst v4  }
0x19f: {  	v1 =	vld.idx.msk [tilespmem:v1+s19+$0x0], $0xffff;
	v3 =	vor.u32 v12, v27;
	v12 =	vor.u32 $0x606, v0;
	[tilespmem:s23+$0xA620] =	vst v8  }
0x1a0: {  	v6 =	vld.idx.msk [tilespmem:v6+s19+$0x0], $0xffff;
	[tilespmem:$0x1F1B0] =	vst v12  }
0x1a1: {  	v4 =	vor.u32 v12, v27;
	v12 =	vor.u32 $0x607, v0;
	v8 =	vld.idx.msk [tilespmem:v9+s19+$0x0], $0xffff;
	[tilespmem:s23+$0xA6A0] =	vst v5  }
0x1a2: {  	v9 =	vld.idx.msk [tilespmem:v11+s19+$0x0], $0xffff;
	v11 =	vor.u32 $0x802, v0;
	[tilespmem:$0x1F1C0] =	vst v12  }
0x1a3: {  	v7 =	vld.idx.msk [tilespmem:v7+s19+$0x0], $0xffff;
	[tilespmem:$0x1F1D0] =	vst v11  }
0x1a4: {  	v5 =	vor.u32 v12, v27;
	v12 =	vor.u32 $0x803, v0;
	[tilespmem:s23+$0xA720] =	vst v1  }
0x1a5: {  	[tilespmem:$0x1F1E0] =	vst v12;
	v1 =	vor.u32 v12, v27;
	v12 =	vor.u32 $0x804, v0  }
0x1a6: {  	[tilespmem:$0x1F1F0] =	vst v12  }
0x1a7: {  	[tilespmem:s23+$0xA7A0] =	vst v6  }
0x1a8: {  	v10 =	vld.idx.msk [tilespmem:v10+s19+$0x0], $0xffff;
	v6 =	vor.u32 v12, v27;
	v12 =	vor.u32 $0x805, v0;
	[tilespmem:s23+$0xA820] =	vst v7  }
0x1a9: {  	v11 =	vor.u32 v11, v27;
	[tilespmem:$0x1F200] =	vst v12  }
0x1aa: {  	[tilespmem:s23+$0xA8A0] =	vst v8  }
0x1ab: {  	v2 =	vld.idx.msk [tilespmem:v2+s19+$0x0], $0xffff;
	v7 =	vor.u32 v12, v27;
	v12 =	vor.u32 $0x806, v0;
	[tilespmem:s23+$0xA630] =	vst v9  }
0x1ac: {  	[tilespmem:$0x1F210] =	vst v12  }
0x1ad: {  	v3 =	vld.idx.msk [tilespmem:v3+s19+$0x0], $0xffff;
	v8 =	vor.u32 v12, v27;
	v12 =	vor.u32 $0x807, v0;
	[tilespmem:s23+$0xA6B0] =	vst v10  }
0x1ae: {  	v9 =	vld.idx.msk [tilespmem:v11+s19+$0x0], $0xffff;
	v11 =	vor.u32 $0xA02, v0;
	[tilespmem:$0x1F220] =	vst v12  }
0x1af: {  	v4 =	vld.idx.msk [tilespmem:v4+s19+$0x0], $0xffff;
	[tilespmem:$0x1F230] =	vst v11  }
0x1b0: {  	v10 =	vor.u32 v12, v27;
	v12 =	vor.u32 $0xA03, v0;
	[tilespmem:s23+$0xA730] =	vst v2  }
0x1b1: {  	v5 =	vld.idx.msk [tilespmem:v5+s19+$0x0], $0xffff;
	[tilespmem:$0x1F240] =	vst v12;
	v2 =	vor.u32 v12, v27;
	v12 =	vor.u32 $0xA04, v0  }
0x1b2: {  	[tilespmem:$0x1F250] =	vst v12  }
0x1b3: {  	[tilespmem:s23+$0xA7B0] =	vst v3  }
0x1b4: {  	v1 =	vld.idx.msk [tilespmem:v1+s19+$0x0], $0xffff;
	v3 =	vor.u32 v12, v27;
	v12 =	vor.u32 $0xA05, v0;
	[tilespmem:s23+$0xA830] =	vst v4  }
0x1b5: {  	[tilespmem:$0x1F260] =	vst v12  }
0x1b6: {  	v11 =	vor.u32 v11, v27;
	v6 =	vld.idx.msk [tilespmem:v6+s19+$0x0], $0xffff;
	[tilespmem:s23+$0xA8B0] =	vst v5  }
0x1b7: {  	v4 =	vor.u32 v12, v27;
	v12 =	vor.u32 $0xA06, v0;
	[tilespmem:s23+$0xA640] =	vst v9  }
0x1b8: {  	v7 =	vld.idx.msk [tilespmem:v7+s19+$0x0], $0xffff;
	[tilespmem:$0x1F270] =	vst v12  }
0x1b9: {  	v8 =	vld.idx.msk [tilespmem:v8+s19+$0x0], $0xffff;
	v5 =	vor.u32 v12, v27;
	v12 =	vor.u32 $0xA07, v0;
	[tilespmem:s23+$0xA6C0] =	vst v1  }
0x1ba: {  	v9 =	vld.idx.msk [tilespmem:v10+s19+$0x0], $0xffff;
	[tilespmem:$0x1F280] =	vst v12  }
0x1bb: {  	v10 =	vld.idx.msk [tilespmem:v11+s19+$0x0], $0xffff;
	v11 =	vor.u32 $0xC02, v0;
	[tilespmem:s23+$0xA740] =	vst v6  }
0x1bc: {  	v1 =	vor.u32 v12, v27;
	v12 =	vor.u32 $0xE02, v0;
	[tilespmem:$0x1F290] =	vst v11  }
0x1bd: {  	v6 =	vor.u32 v11, v27;
	v11 =	vor.u32 $0xC03, v0;
	[tilespmem:$0x1F2F0] =	vst v12  }
0x1be: {  	[tilespmem:$0x1F2A0] =	vst v11  }
0x1bf: {  	[tilespmem:s23+$0xA7C0] =	vst v7  }
0x1c0: {  	v7 =	vor.u32 v11, v27;
	v11 =	vor.u32 $0xC04, v0;
	[tilespmem:s23+$0xA840] =	vst v8  }
0x1c1: {  	v2 =	vld.idx.msk [tilespmem:v2+s19+$0x0], $0xffff;
	[tilespmem:$0x1F2B0] =	vst v11  }
0x1c2: {  	v8 =	vor.u32 v11, v27;
	v11 =	vor.u32 $0xC05, v0;
	[tilespmem:s23+$0xA8C0] =	vst v9  }
0x1c3: {  	v3 =	vld.idx.msk [tilespmem:v3+s19+$0x0], $0xffff;
	[tilespmem:$0x1F2C0] =	vst v11  }
0x1c4: {  	v9 =	vor.u32 v11, v27;
	v11 =	vor.u32 $0xC06, v0;
	[tilespmem:s23+$0xA650] =	vst v10  }
0x1c5: {  	v4 =	vld.idx.msk [tilespmem:v4+s19+$0x0], $0xffff;
	[tilespmem:$0x1F2D0] =	vst v11  }
0x1c6: {  	v10 =	vor.u32 v11, v27;
	v11 =	vor.u32 $0xC07, v0;
	[tilespmem:s23+$0xA6D0] =	vst v2  }
0x1c7: {  	v5 =	vld.idx.msk [tilespmem:v5+s19+$0x0], $0xffff;
	[tilespmem:$0x1F2E0] =	vst v11  }
0x1c8: {  	v2 =	vld.idx.msk [tilespmem:v6+s19+$0x0], $0xffff;
	v6 =	vor.u32 v11, v27;
	[tilespmem:s23+$0xA750] =	vst v3;
	v11 =	vor.u32 $0xE03, v0  }
0x1c9: {  	v1 =	vld.idx.msk [tilespmem:v1+s19+$0x0], $0xffff;
	[tilespmem:$0x1F300] =	vst v11  }
0x1ca: {  	v3 =	vld.idx.msk [tilespmem:v7+s19+$0x0], $0xffff;
	v7 =	vor.u32 v12, v27;
	v12 =	vor.u32 $0x1002, v0;
	[tilespmem:s23+$0xA7D0] =	vst v4  }
0x1cb: {  	[tilespmem:$0x1F350] =	vst v12  }
0x1cc: {  	v4 =	vld.idx.msk [tilespmem:v8+s19+$0x0], $0xffff;
	v8 =	vor.u32 v11, v27;
	v11 =	vor.u32 $0xE04, v0;
	[tilespmem:s23+$0xA850] =	vst v5  }
0x1cd: {  	[tilespmem:$0x1F310] =	vst v11  }
0x1ce: {  	v5 =	vld.idx.msk [tilespmem:v9+s19+$0x0], $0xffff;
	v9 =	vor.u32 v11, v27;
	v11 =	vor.u32 $0xE05, v0;
	[tilespmem:s23+$0xA8D0] =	vst v1  }
0x1cf: {  	[tilespmem:$0x1F320] =	vst v11  }
0x1d0: {  	v1 =	vld.idx.msk [tilespmem:v10+s19+$0x0], $0xffff;
	v10 =	vor.u32 v11, v27;
	v11 =	vor.u32 $0xE06, v0;
	[tilespmem:s23+$0xA660] =	vst v2  }
0x1d1: {  	[tilespmem:$0x1F330] =	vst v11  }
0x1d2: {  	v2 =	vld.idx.msk [tilespmem:v6+s19+$0x0], $0xffff;
	v6 =	vor.u32 v11, v27;
	v11 =	vor.u32 $0xE07, v0;
	[tilespmem:s23+$0xA6E0] =	vst v3  }
0x1d3: {  	[tilespmem:$0x1F340] =	vst v11  }
0x1d4: {  	v3 =	vld.idx.msk [tilespmem:v7+s19+$0x0], $0xffff;
	v7 =	vor.u32 v11, v27;
	v11 =	vor.u32 $0x1003, v0;
	[tilespmem:s23+$0xA760] =	vst v4  }
0x1d5: {  	[tilespmem:$0x1F360] =	vst v11  }
0x1d6: {  	v4 =	vld.idx.msk [tilespmem:v8+s19+$0x0], $0xffff;
	v8 =	vor.u32 v12, v27;
	v12 =	vor.u32 $0x1202, v0;
	[tilespmem:s23+$0xA7E0] =	vst v5  }
0x1d7: {  	[tilespmem:$0x1F3B0] =	vst v12  }
0x1d8: {  	v5 =	vld.idx.msk [tilespmem:v9+s19+$0x0], $0xffff;
	v9 =	vor.u32 v11, v27;
	v11 =	vor.u32 $0x1004, v0;
	[tilespmem:s23+$0xA860] =	vst v1  }
0x1d9: {  	[tilespmem:$0x1F370] =	vst v11  }
0x1da: {  	v1 =	vld.idx.msk [tilespmem:v10+s19+$0x0], $0xffff;
	v10 =	vor.u32 v11, v27;
	v11 =	vor.u32 $0x1005, v0;
	[tilespmem:s23+$0xA8E0] =	vst v2  }
0x1db: {  	[tilespmem:$0x1F380] =	vst v11  }
0x1dc: {  	v2 =	vld.idx.msk [tilespmem:v6+s19+$0x0], $0xffff;
	v6 =	vor.u32 v11, v27;
	v11 =	vor.u32 $0x1006, v0;
	[tilespmem:s23+$0xA670] =	vst v3  }
0x1dd: {  	[tilespmem:$0x1F390] =	vst v11  }
0x1de: {  	v3 =	vld.idx.msk [tilespmem:v7+s19+$0x0], $0xffff;
	v7 =	vor.u32 v11, v27;
	v11 =	vor.u32 $0x1007, v0;
	[tilespmem:s23+$0xA6F0] =	vst v4  }
0x1df: {  	[tilespmem:$0x1F3A0] =	vst v11  }
0x1e0: {  	v4 =	vld.idx.msk [tilespmem:v8+s19+$0x0], $0xffff;
	v8 =	vor.u32 v11, v27;
	v11 =	vor.u32 $0x1203, v0;
	[tilespmem:s23+$0xA770] =	vst v5  }
0x1e1: {  	[tilespmem:$0x1F3C0] =	vst v11  }
0x1e2: {  	v5 =	vld.idx.msk [tilespmem:v9+s19+$0x0], $0xffff;
	v9 =	vor.u32 v12, v27;
	v12 =	vor.u32 $0x1402, v0;
	[tilespmem:s23+$0xA7F0] =	vst v1  }
0x1e3: {  	[tilespmem:$0x1F410] =	vst v12  }
0x1e4: {  	v1 =	vld.idx.msk [tilespmem:v10+s19+$0x0], $0xffff;
	v10 =	vor.u32 v11, v27;
	v11 =	vor.u32 $0x1204, v0;
	[tilespmem:s23+$0xA870] =	vst v2  }
0x1e5: {  	[tilespmem:$0x1F3D0] =	vst v11  }
0x1e6: {  	v2 =	vld.idx.msk [tilespmem:v6+s19+$0x0], $0xffff;
	v6 =	vor.u32 v11, v27;
	v11 =	vor.u32 $0x1205, v0;
	[tilespmem:s23+$0xA8F0] =	vst v3  }
0x1e7: {  	[tilespmem:$0x1F3E0] =	vst v11  }
0x1e8: {  	v3 =	vld.idx.msk [tilespmem:v7+s19+$0x0], $0xffff;
	v7 =	vor.u32 v11, v27;
	v11 =	vor.u32 $0x1206, v0;
	[tilespmem:s23+$0xAA00] =	vst v4  }
0x1e9: {  	[tilespmem:$0x1F3F0] =	vst v11  }
0x1ea: {  	v4 =	vld.idx.msk [tilespmem:v8+s19+$0x0], $0xffff;
	v8 =	vor.u32 v11, v27;
	v11 =	vor.u32 $0x1207, v0;
	[tilespmem:s23+$0xAA80] =	vst v5  }
0x1eb: {  	[tilespmem:$0x1F400] =	vst v11  }
0x1ec: {  	v5 =	vld.idx.msk [tilespmem:v9+s19+$0x0], $0xffff;
	v9 =	vor.u32 v11, v27;
	v11 =	vor.u32 $0x1403, v0;
	[tilespmem:s23+$0xAB00] =	vst v1  }
0x1ed: {  	[tilespmem:$0x1F420] =	vst v11  }
0x1ee: {  	[tilespmem:s23+$0xAB80] =	vst v2  }
0x1ef: {  	v2 =	vld.idx.msk [tilespmem:v6+s19+$0x0], $0xffff;
	v6 =	vor.u32 v11, v27;
	v11 =	vor.u32 $0x1404, v0;
	[tilespmem:s23+$0xAC00] =	vst v3  }
0x1f0: {  	v1 =	vld.idx.msk [tilespmem:v10+s19+$0x0], $0xffff;
	[tilespmem:$0x1F430] =	vst v11  }
0x1f1: {  	v3 =	vld.idx.msk [tilespmem:v7+s19+$0x0], $0xffff;
	v7 =	vor.u32 v11, v27;
	v11 =	vor.u32 $0x1405, v0;
	[tilespmem:s23+$0xAC80] =	vst v4  }
0x1f2: {  	[tilespmem:$0x1F440] =	vst v11  }
0x1f3: {  	v4 =	vld.idx.msk [tilespmem:v8+s19+$0x0], $0xffff;
	v8 =	vor.u32 v11, v27;
	v11 =	vor.u32 $0x1406, v0;
	[tilespmem:s23+$0xAA10] =	vst v5  }
0x1f4: {  	v10 =	vor.u32 v12, v27;
	v5 =	vld.idx.msk [tilespmem:v9+s19+$0x0], $0xffff;
	[tilespmem:$0x1F450] =	vst v11  }
0x1f5: {  	v12 =	vor.u32 $0x1602, v0;
	[tilespmem:s23+$0xAA90] =	vst v1  }
0x1f6: {  	v9 =	vor.u32 v11, v27;
	v11 =	vor.u32 $0x1407, v0;
	[tilespmem:$0x1F470] =	vst v12  }
0x1f7: {  	[tilespmem:$0x1F460] =	vst v11  }
0x1f8: {  	[tilespmem:s23+$0xAB10] =	vst v2  }
0x1f9: {  	v1 =	vld.idx.msk [tilespmem:v10+s19+$0x0], $0xffff;
	v10 =	vor.u32 v11, v27;
	v11 =	vor.u32 $0x1603, v0;
	[tilespmem:s23+$0xAB90] =	vst v3  }
0x1fa: {  	v2 =	vld.idx.msk [tilespmem:v6+s19+$0x0], $0xffff;
	v6 =	vor.u32 v12, v27;
	v12 =	vor.u32 $0x1802, v0;
	[tilespmem:$0x1F480] =	vst v11  }
0x1fb: {  	[tilespmem:$0x1F4D0] =	vst v12  }
0x1fc: {  	v3 =	vld.idx.msk [tilespmem:v7+s19+$0x0], $0xffff;
	v7 =	vor.u32 v11, v27;
	v11 =	vor.u32 $0x1604, v0;
	[tilespmem:s23+$0xAC10] =	vst v4  }
0x1fd: {  	v4 =	vld.idx.msk [tilespmem:v8+s19+$0x0], $0xffff;
	[tilespmem:$0x1F490] =	vst v11;
	v8 =	vor.u32 v11, v27;
	v11 =	vor.u32 $0x1605, v0  }
0x1fe: {  	[tilespmem:$0x1F4A0] =	vst v11  }
0x1ff: {  	[tilespmem:s23+$0xAC90] =	vst v5  }
0x200: {  	v5 =	vld.idx.msk [tilespmem:v9+s19+$0x0], $0xffff;
	v9 =	vor.u32 v11, v27;
	v11 =	vor.u32 $0x1606, v0;
	[tilespmem:s23+$0xAA20] =	vst v1  }
0x201: {  	[tilespmem:$0x1F4B0] =	vst v11  }
0x202: {  	v1 =	vld.idx.msk [tilespmem:v10+s19+$0x0], $0xffff;
	v10 =	vor.u32 v11, v27;
	v11 =	vor.u32 $0x1607, v0;
	[tilespmem:s23+$0xAAA0] =	vst v2  }
0x203: {  	[tilespmem:$0x1F4C0] =	vst v11  }
0x204: {  	[tilespmem:s23+$0xAB20] =	vst v3  }
0x205: {  	v2 =	vld.idx.msk [tilespmem:v6+s19+$0x0], $0xffff;
	v6 =	vor.u32 v11, v27;
	v11 =	vor.u32 $0x1803, v0;
	[tilespmem:s23+$0xABA0] =	vst v4  }
0x206: {  	v3 =	vld.idx.msk [tilespmem:v7+s19+$0x0], $0xffff;
	v7 =	vor.u32 v12, v27;
	v12 =	vor.u32 $0x1A02, v0;
	[tilespmem:$0x1F4E0] =	vst v11  }
0x207: {  	v4 =	vld.idx.msk [tilespmem:v8+s19+$0x0], $0xffff;
	v8 =	vor.u32 v11, v27;
	v11 =	vor.u32 $0x1804, v0;
	[tilespmem:$0x1F530] =	vst v12  }
0x208: {  	[tilespmem:$0x1F4F0] =	vst v11  }
0x209: {  	[tilespmem:s23+$0xAC20] =	vst v5  }
0x20a: {  	v5 =	vld.idx.msk [tilespmem:v9+s19+$0x0], $0xffff;
	v9 =	vor.u32 v11, v27;
	v11 =	vor.u32 $0x1805, v0;
	[tilespmem:s23+$0xACA0] =	vst v1  }
0x20b: {  	[tilespmem:$0x1F500] =	vst v11  }
0x20c: {  	v1 =	vld.idx.msk [tilespmem:v10+s19+$0x0], $0xffff;
	v10 =	vor.u32 v11, v27;
	v11 =	vor.u32 $0x1806, v0;
	[tilespmem:s23+$0xAA30] =	vst v2  }
0x20d: {  	[tilespmem:$0x1F510] =	vst v11  }
0x20e: {  	v2 =	vld.idx.msk [tilespmem:v6+s19+$0x0], $0xffff;
	v6 =	vor.u32 v11, v27;
	v11 =	vor.u32 $0x1807, v0;
	[tilespmem:s23+$0xAAB0] =	vst v3  }
0x20f: {  	[tilespmem:$0x1F520] =	vst v11  }
0x210: {  	v3 =	vld.idx.msk [tilespmem:v7+s19+$0x0], $0xffff;
	v7 =	vor.u32 v11, v27;
	[tilespmem:s23+$0xAB30] =	vst v4;
	v11 =	vor.u32 $0x1A03, v0  }
0x211: {  	v4 =	vld.idx.msk [tilespmem:v8+s19+$0x0], $0xffff;
	v8 =	vor.u32 v12, v27;
	v12 =	vor.u32 $0x1C02, v0;
	[tilespmem:$0x1F540] =	vst v11  }
0x212: {  	[tilespmem:$0x1F590] =	vst v12  }
0x213: {  	[tilespmem:s23+$0xABB0] =	vst v5  }
0x214: {  	v5 =	vld.idx.msk [tilespmem:v9+s19+$0x0], $0xffff;
	v9 =	vor.u32 v11, v27;
	v11 =	vor.u32 $0x1A04, v0;
	[tilespmem:s23+$0xAC30] =	vst v1  }
0x215: {  	[tilespmem:$0x1F550] =	vst v11  }
0x216: {  	v1 =	vld.idx.msk [tilespmem:v10+s19+$0x0], $0xffff;
	v10 =	vor.u32 v11, v27;
	v11 =	vor.u32 $0x1A05, v0;
	[tilespmem:s23+$0xACB0] =	vst v2  }
0x217: {  	[tilespmem:$0x1F560] =	vst v11  }
0x218: {  	v2 =	vld.idx.msk [tilespmem:v6+s19+$0x0], $0xffff;
	v6 =	vor.u32 v11, v27;
	v11 =	vor.u32 $0x1A06, v0;
	[tilespmem:s23+$0xAA40] =	vst v3  }
0x219: {  	[tilespmem:$0x1F570] =	vst v11  }
0x21a: {  	v3 =	vld.idx.msk [tilespmem:v7+s19+$0x0], $0xffff;
	v7 =	vor.u32 v11, v27;
	v11 =	vor.u32 $0x1A07, v0;
	[tilespmem:s23+$0xAAC0] =	vst v4  }
0x21b: {  	[tilespmem:$0x1F580] =	vst v11  }
0x21c: {  	v4 =	vld.idx.msk [tilespmem:v8+s19+$0x0], $0xffff;
	v8 =	vor.u32 v11, v27;
	v11 =	vor.u32 $0x1C03, v0;
	[tilespmem:s23+$0xAB40] =	vst v5  }
0x21d: {  	[tilespmem:$0x1F5A0] =	vst v11  }
0x21e: {  	v5 =	vld.idx.msk [tilespmem:v9+s19+$0x0], $0xffff;
	v9 =	vor.u32 v12, v27;
	v12 =	vor.u32 $0x1E02, v0;
	[tilespmem:s23+$0xABC0] =	vst v1  }
0x21f: {  	[tilespmem:$0x1F5F0] =	vst v12  }
0x220: {  	v1 =	vld.idx.msk [tilespmem:v10+s19+$0x0], $0xffff;
	v10 =	vor.u32 v11, v27;
	v11 =	vor.u32 $0x1C04, v0;
	[tilespmem:s23+$0xAC40] =	vst v2  }
0x221: {  	[tilespmem:$0x1F5B0] =	vst v11  }
0x222: {  	v2 =	vld.idx.msk [tilespmem:v6+s19+$0x0], $0xffff;
	v6 =	vor.u32 v11, v27;
	v11 =	vor.u32 $0x1C05, v0;
	[tilespmem:s23+$0xACC0] =	vst v3  }
0x223: {  	[tilespmem:$0x1F5C0] =	vst v11  }
0x224: {  	v3 =	vld.idx.msk [tilespmem:v7+s19+$0x0], $0xffff;
	v7 =	vor.u32 v11, v27;
	v11 =	vor.u32 $0x1C06, v0;
	[tilespmem:s23+$0xAA50] =	vst v4  }
0x225: {  	[tilespmem:$0x1F5D0] =	vst v11  }
0x226: {  	v4 =	vld.idx.msk [tilespmem:v8+s19+$0x0], $0xffff;
	v8 =	vor.u32 v11, v27;
	v11 =	vor.u32 $0x1C07, v0;
	[tilespmem:s23+$0xAAD0] =	vst v5  }
0x227: {  	[tilespmem:$0x1F5E0] =	vst v11  }
0x228: {  	v5 =	vld.idx.msk [tilespmem:v9+s19+$0x0], $0xffff;
	v9 =	vor.u32 v11, v27;
	v11 =	vor.u32 $0x1E03, v0;
	[tilespmem:s23+$0xAB50] =	vst v1  }
0x229: {  	[tilespmem:$0x1F600] =	vst v11  }
0x22a: {  	v1 =	vld.idx.msk [tilespmem:v10+s19+$0x0], $0xffff;
	v10 =	vor.u32 v12, v27;
	v12 =	vor.u32 $0x2002, v0;
	[tilespmem:s23+$0xABD0] =	vst v2  }
0x22b: {  	[tilespmem:$0x1F650] =	vst v12  }
0x22c: {  	v2 =	vld.idx.msk [tilespmem:v6+s19+$0x0], $0xffff;
	v6 =	vor.u32 v11, v27;
	v11 =	vor.u32 $0x1E04, v0;
	[tilespmem:s23+$0xAC50] =	vst v3  }
0x22d: {  	[tilespmem:$0x1F610] =	vst v11  }
0x22e: {  	v3 =	vld.idx.msk [tilespmem:v7+s19+$0x0], $0xffff;
	v7 =	vor.u32 v11, v27;
	v11 =	vor.u32 $0x1E05, v0;
	[tilespmem:s23+$0xACD0] =	vst v4  }
0x22f: {  	[tilespmem:$0x1F620] =	vst v11  }
0x230: {  	v4 =	vld.idx.msk [tilespmem:v8+s19+$0x0], $0xffff;
	v8 =	vor.u32 v11, v27;
	v11 =	vor.u32 $0x1E06, v0;
	[tilespmem:s23+$0xAA60] =	vst v5  }
0x231: {  	[tilespmem:$0x1F630] =	vst v11  }
0x232: {  	v5 =	vld.idx.msk [tilespmem:v9+s19+$0x0], $0xffff;
	v9 =	vor.u32 v11, v27;
	v11 =	vor.u32 $0x1E07, v0;
	[tilespmem:s23+$0xAAE0] =	vst v1  }
0x233: {  	[tilespmem:$0x1F640] =	vst v11  }
0x234: {  	v1 =	vld.idx.msk [tilespmem:v10+s19+$0x0], $0xffff;
	v10 =	vor.u32 v11, v27;
	v11 =	vor.u32 $0x2003, v0;
	[tilespmem:s23+$0xAB60] =	vst v2  }
0x235: {  	[tilespmem:$0x1F660] =	vst v11  }
0x236: {  	v2 =	vld.idx.msk [tilespmem:v6+s19+$0x0], $0xffff;
	v6 =	vor.u32 v12, v27;
	v12 =	vor.u32 $0x2202, v0;
	[tilespmem:s23+$0xABE0] =	vst v3  }
0x237: {  	[tilespmem:$0x1F6B0] =	vst v12  }
0x238: {  	v3 =	vld.idx.msk [tilespmem:v7+s19+$0x0], $0xffff;
	v7 =	vor.u32 v11, v27;
	v11 =	vor.u32 $0x2004, v0;
	[tilespmem:s23+$0xAC60] =	vst v4  }
0x239: {  	[tilespmem:$0x1F670] =	vst v11  }
0x23a: {  	v4 =	vld.idx.msk [tilespmem:v8+s19+$0x0], $0xffff;
	v8 =	vor.u32 v11, v27;
	v11 =	vor.u32 $0x2005, v0;
	[tilespmem:s23+$0xACE0] =	vst v5  }
0x23b: {  	[tilespmem:$0x1F680] =	vst v11  }
0x23c: {  	v5 =	vld.idx.msk [tilespmem:v9+s19+$0x0], $0xffff;
	v9 =	vor.u32 v11, v27;
	v11 =	vor.u32 $0x2006, v0;
	[tilespmem:s23+$0xAA70] =	vst v1  }
0x23d: {  	[tilespmem:$0x1F690] =	vst v11  }
0x23e: {  	v1 =	vld.idx.msk [tilespmem:v10+s19+$0x0], $0xffff;
	v10 =	vor.u32 v11, v27;
	v11 =	vor.u32 $0x2007, v0;
	[tilespmem:s23+$0xAAF0] =	vst v2  }
0x23f: {  	[tilespmem:$0x1F6A0] =	vst v11  }
0x240: {  	v2 =	vld.idx.msk [tilespmem:v6+s19+$0x0], $0xffff;
	v6 =	vor.u32 v11, v27;
	v11 =	vor.u32 $0x2203, v0;
	[tilespmem:s23+$0xAB70] =	vst v3  }
0x241: {  	[tilespmem:$0x1F6C0] =	vst v11  }
0x242: {  	v3 =	vld.idx.msk [tilespmem:v7+s19+$0x0], $0xffff;
	v7 =	vor.u32 v12, v27;
	v12 =	vor.u32 $0x2402, v0;
	[tilespmem:s23+$0xABF0] =	vst v4  }
0x243: {  	[tilespmem:$0x1F710] =	vst v12  }
0x244: {  	v4 =	vld.idx.msk [tilespmem:v8+s19+$0x0], $0xffff;
	v8 =	vor.u32 v11, v27;
	v11 =	vor.u32 $0x2204, v0;
	[tilespmem:s23+$0xAC70] =	vst v5  }
0x245: {  	[tilespmem:$0x1F6D0] =	vst v11  }
0x246: {  	v5 =	vld.idx.msk [tilespmem:v9+s19+$0x0], $0xffff;
	v9 =	vor.u32 v11, v27;
	v11 =	vor.u32 $0x2205, v0;
	[tilespmem:s23+$0xACF0] =	vst v1  }
0x247: {  	[tilespmem:$0x1F6E0] =	vst v11  }
0x248: {  	v1 =	vld.idx.msk [tilespmem:v10+s19+$0x0], $0xffff;
	v10 =	vor.u32 v11, v27;
	v11 =	vor.u32 $0x2206, v0;
	[tilespmem:s23+$0xAE00] =	vst v2  }
0x249: {  	[tilespmem:$0x1F6F0] =	vst v11  }
0x24a: {  	v2 =	vld.idx.msk [tilespmem:v6+s19+$0x0], $0xffff;
	v6 =	vor.u32 v11, v27;
	v11 =	vor.u32 $0x2207, v0;
	[tilespmem:s23+$0xAE80] =	vst v3  }
0x24b: {  	[tilespmem:$0x1F700] =	vst v11  }
0x24c: {  	v3 =	vld.idx.msk [tilespmem:v7+s19+$0x0], $0xffff;
	v7 =	vor.u32 v11, v27;
	v11 =	vor.u32 $0x2403, v0;
	[tilespmem:s23+$0xAF00] =	vst v4  }
0x24d: {  	[tilespmem:$0x1F720] =	vst v11  }
0x24e: {  	v4 =	vld.idx.msk [tilespmem:v8+s19+$0x0], $0xffff;
	v8 =	vor.u32 v12, v27;
	v12 =	vor.u32 $0x2602, v0;
	[tilespmem:s23+$0xAF80] =	vst v5  }
0x24f: {  	[tilespmem:$0x1F770] =	vst v12  }
0x250: {  	v5 =	vld.idx.msk [tilespmem:v9+s19+$0x0], $0xffff;
	v9 =	vor.u32 v11, v27;
	v11 =	vor.u32 $0x2404, v0;
	[tilespmem:s23+$0xB000] =	vst v1  }
0x251: {  	[tilespmem:$0x1F730] =	vst v11  }
0x252: {  	v1 =	vld.idx.msk [tilespmem:v10+s19+$0x0], $0xffff;
	v10 =	vor.u32 v11, v27;
	v11 =	vor.u32 $0x2405, v0;
	[tilespmem:s23+$0xB080] =	vst v2  }
0x253: {  	[tilespmem:$0x1F740] =	vst v11  }
0x254: {  	v2 =	vld.idx.msk [tilespmem:v6+s19+$0x0], $0xffff;
	v6 =	vor.u32 v11, v27;
	v11 =	vor.u32 $0x2406, v0;
	[tilespmem:s23+$0xAE10] =	vst v3  }
0x255: {  	[tilespmem:$0x1F750] =	vst v11  }
0x256: {  	v3 =	vld.idx.msk [tilespmem:v7+s19+$0x0], $0xffff;
	v7 =	vor.u32 v11, v27;
	v11 =	vor.u32 $0x2407, v0;
	[tilespmem:s23+$0xAE90] =	vst v4  }
0x257: {  	[tilespmem:$0x1F760] =	vst v11  }
0x258: {  	v4 =	vld.idx.msk [tilespmem:v8+s19+$0x0], $0xffff;
	v8 =	vor.u32 v11, v27;
	v11 =	vor.u32 $0x2603, v0;
	[tilespmem:s23+$0xAF10] =	vst v5  }
0x259: {  	[tilespmem:$0x1F780] =	vst v11  }
0x25a: {  	v5 =	vld.idx.msk [tilespmem:v9+s19+$0x0], $0xffff;
	v9 =	vor.u32 v12, v27;
	v12 =	vor.u32 $0x2802, v0;
	[tilespmem:s23+$0xAF90] =	vst v1  }
0x25b: {  	[tilespmem:$0x1F7D0] =	vst v12  }
0x25c: {  	v1 =	vld.idx.msk [tilespmem:v10+s19+$0x0], $0xffff;
	v10 =	vor.u32 v11, v27;
	v11 =	vor.u32 $0x2604, v0;
	[tilespmem:s23+$0xB010] =	vst v2  }
0x25d: {  	[tilespmem:$0x1F790] =	vst v11  }
0x25e: {  	v2 =	vld.idx.msk [tilespmem:v6+s19+$0x0], $0xffff;
	v6 =	vor.u32 v11, v27;
	v11 =	vor.u32 $0x2605, v0;
	[tilespmem:s23+$0xB090] =	vst v3  }
0x25f: {  	[tilespmem:$0x1F7A0] =	vst v11  }
0x260: {  	v3 =	vld.idx.msk [tilespmem:v7+s19+$0x0], $0xffff;
	v7 =	vor.u32 v11, v27;
	v11 =	vor.u32 $0x2606, v0;
	[tilespmem:s23+$0xAE20] =	vst v4  }
0x261: {  	[tilespmem:$0x1F7B0] =	vst v11  }
0x262: {  	v4 =	vld.idx.msk [tilespmem:v8+s19+$0x0], $0xffff;
	v8 =	vor.u32 v11, v27;
	v11 =	vor.u32 $0x2607, v0;
	[tilespmem:s23+$0xAEA0] =	vst v5  }
0x263: {  	[tilespmem:$0x1F7C0] =	vst v11  }
0x264: {  	v5 =	vld.idx.msk [tilespmem:v9+s19+$0x0], $0xffff;
	v9 =	vor.u32 v11, v27;
	v11 =	vor.u32 $0x2803, v0;
	[tilespmem:s23+$0xAF20] =	vst v1  }
0x265: {  	[tilespmem:$0x1F7E0] =	vst v11  }
0x266: {  	v1 =	vld.idx.msk [tilespmem:v10+s19+$0x0], $0xffff;
	v10 =	vor.u32 v12, v27;
	v12 =	vor.u32 $0x2A02, v0;
	[tilespmem:s23+$0xAFA0] =	vst v2  }
0x267: {  	[tilespmem:$0x1F830] =	vst v12  }
0x268: {  	v2 =	vld.idx.msk [tilespmem:v6+s19+$0x0], $0xffff;
	v6 =	vor.u32 v11, v27;
	v11 =	vor.u32 $0x2804, v0;
	[tilespmem:s23+$0xB020] =	vst v3  }
0x269: {  	[tilespmem:$0x1F7F0] =	vst v11  }
0x26a: {  	v3 =	vld.idx.msk [tilespmem:v7+s19+$0x0], $0xffff;
	v7 =	vor.u32 v11, v27;
	v11 =	vor.u32 $0x2805, v0;
	[tilespmem:s23+$0xB0A0] =	vst v4  }
0x26b: {  	[tilespmem:$0x1F800] =	vst v11  }
0x26c: {  	v4 =	vld.idx.msk [tilespmem:v8+s19+$0x0], $0xffff;
	v8 =	vor.u32 v11, v27;
	v11 =	vor.u32 $0x2806, v0;
	[tilespmem:s23+$0xAE30] =	vst v5  }
0x26d: {  	[tilespmem:$0x1F810] =	vst v11  }
0x26e: {  	v5 =	vld.idx.msk [tilespmem:v9+s19+$0x0], $0xffff;
	v9 =	vor.u32 v11, v27;
	v11 =	vor.u32 $0x2807, v0;
	[tilespmem:s23+$0xAEB0] =	vst v1  }
0x26f: {  	[tilespmem:$0x1F820] =	vst v11  }
0x270: {  	v1 =	vld.idx.msk [tilespmem:v10+s19+$0x0], $0xffff;
	v10 =	vor.u32 v11, v27;
	v11 =	vor.u32 $0x2A03, v0;
	[tilespmem:s23+$0xAF30] =	vst v2  }
0x271: {  	[tilespmem:$0x1F840] =	vst v11  }
0x272: {  	v2 =	vld.idx.msk [tilespmem:v6+s19+$0x0], $0xffff;
	v6 =	vor.u32 v12, v27;
	v12 =	vor.u32 $0x2C02, v0;
	[tilespmem:s23+$0xAFB0] =	vst v3  }
0x273: {  	[tilespmem:$0x1F890] =	vst v12  }
0x274: {  	v3 =	vld.idx.msk [tilespmem:v7+s19+$0x0], $0xffff;
	v7 =	vor.u32 v11, v27;
	v11 =	vor.u32 $0x2A04, v0;
	[tilespmem:s23+$0xB030] =	vst v4  }
0x275: {  	[tilespmem:$0x1F850] =	vst v11  }
0x276: {  	v4 =	vld.idx.msk [tilespmem:v8+s19+$0x0], $0xffff;
	v8 =	vor.u32 v11, v27;
	v11 =	vor.u32 $0x2A05, v0;
	[tilespmem:s23+$0xB0B0] =	vst v5  }
0x277: {  	[tilespmem:$0x1F860] =	vst v11  }
0x278: {  	v5 =	vld.idx.msk [tilespmem:v9+s19+$0x0], $0xffff;
	v9 =	vor.u32 v11, v27;
	v11 =	vor.u32 $0x2A06, v0;
	[tilespmem:s23+$0xAE40] =	vst v1  }
0x279: {  	[tilespmem:$0x1F870] =	vst v11  }
0x27a: {  	v1 =	vld.idx.msk [tilespmem:v10+s19+$0x0], $0xffff;
	v10 =	vor.u32 v11, v27;
	v11 =	vor.u32 $0x2A07, v0;
	[tilespmem:s23+$0xAEC0] =	vst v2  }
0x27b: {  	[tilespmem:$0x1F880] =	vst v11  }
0x27c: {  	v2 =	vld.idx.msk [tilespmem:v6+s19+$0x0], $0xffff;
	v6 =	vor.u32 v11, v27;
	v11 =	vor.u32 $0x2C03, v0;
	[tilespmem:s23+$0xAF40] =	vst v3  }
0x27d: {  	[tilespmem:$0x1F8A0] =	vst v11  }
0x27e: {  	v3 =	vld.idx.msk [tilespmem:v7+s19+$0x0], $0xffff;
	v7 =	vor.u32 v12, v27;
	v12 =	vor.u32 $0x2E02, v0;
	[tilespmem:s23+$0xAFC0] =	vst v4  }
0x27f: {  	[tilespmem:$0x1F8F0] =	vst v12  }
0x280: {  	v4 =	vld.idx.msk [tilespmem:v8+s19+$0x0], $0xffff;
	v8 =	vor.u32 v11, v27;
	v11 =	vor.u32 $0x2C04, v0;
	[tilespmem:s23+$0xB040] =	vst v5  }
0x281: {  	[tilespmem:$0x1F8B0] =	vst v11  }
0x282: {  	v5 =	vld.idx.msk [tilespmem:v9+s19+$0x0], $0xffff;
	v9 =	vor.u32 v11, v27;
	v11 =	vor.u32 $0x2C05, v0;
	[tilespmem:s23+$0xB0C0] =	vst v1  }
0x283: {  	[tilespmem:$0x1F8C0] =	vst v11  }
0x284: {  	v1 =	vld.idx.msk [tilespmem:v10+s19+$0x0], $0xffff;
	v10 =	vor.u32 v11, v27;
	v11 =	vor.u32 $0x2C06, v0;
	[tilespmem:s23+$0xAE50] =	vst v2  }
0x285: {  	[tilespmem:$0x1F8D0] =	vst v11  }
0x286: {  	v2 =	vld.idx.msk [tilespmem:v6+s19+$0x0], $0xffff;
	v6 =	vor.u32 v11, v27;
	v11 =	vor.u32 $0x2C07, v0;
	[tilespmem:s23+$0xAED0] =	vst v3  }
0x287: {  	[tilespmem:$0x1F8E0] =	vst v11  }
0x288: {  	v3 =	vld.idx.msk [tilespmem:v7+s19+$0x0], $0xffff;
	v7 =	vor.u32 v11, v27;
	v11 =	vor.u32 $0x2E03, v0;
	[tilespmem:s23+$0xAF50] =	vst v4  }
0x289: {  	[tilespmem:$0x1F900] =	vst v11  }
0x28a: {  	v4 =	vld.idx.msk [tilespmem:v8+s19+$0x0], $0xffff;
	v8 =	vor.u32 v12, v27;
	v12 =	vor.u32 $0x3002, v0;
	[tilespmem:s23+$0xAFD0] =	vst v5  }
0x28b: {  	[tilespmem:$0x1F950] =	vst v12  }
0x28c: {  	v5 =	vld.idx.msk [tilespmem:v9+s19+$0x0], $0xffff;
	v9 =	vor.u32 v11, v27;
	v11 =	vor.u32 $0x2E04, v0;
	[tilespmem:s23+$0xB050] =	vst v1  }
0x28d: {  	[tilespmem:$0x1F910] =	vst v11  }
0x28e: {  	v1 =	vld.idx.msk [tilespmem:v10+s19+$0x0], $0xffff;
	v10 =	vor.u32 v11, v27;
	v11 =	vor.u32 $0x2E05, v0;
	[tilespmem:s23+$0xB0D0] =	vst v2  }
0x28f: {  	[tilespmem:$0x1F920] =	vst v11  }
0x290: {  	v2 =	vld.idx.msk [tilespmem:v6+s19+$0x0], $0xffff;
	v6 =	vor.u32 v11, v27;
	v11 =	vor.u32 $0x2E06, v0;
	[tilespmem:s23+$0xAE60] =	vst v3  }
0x291: {  	[tilespmem:$0x1F930] =	vst v11  }
0x292: {  	v3 =	vld.idx.msk [tilespmem:v7+s19+$0x0], $0xffff;
	v7 =	vor.u32 v11, v27;
	v11 =	vor.u32 $0x2E07, v0;
	[tilespmem:s23+$0xAEE0] =	vst v4  }
0x293: {  	[tilespmem:$0x1F940] =	vst v11  }
0x294: {  	v4 =	vld.idx.msk [tilespmem:v8+s19+$0x0], $0xffff;
	v8 =	vor.u32 v11, v27;
	v11 =	vor.u32 $0x3003, v0;
	[tilespmem:s23+$0xAF60] =	vst v5  }
0x295: {  	[tilespmem:$0x1F960] =	vst v11  }
0x296: {  	v5 =	vld.idx.msk [tilespmem:v9+s19+$0x0], $0xffff;
	v9 =	vor.u32 v12, v27;
	v12 =	vor.u32 $0x3202, v0;
	[tilespmem:s23+$0xAFE0] =	vst v1  }
0x297: {  	[tilespmem:$0x1F9B0] =	vst v12  }
0x298: {  	v1 =	vld.idx.msk [tilespmem:v10+s19+$0x0], $0xffff;
	v10 =	vor.u32 v11, v27;
	v11 =	vor.u32 $0x3004, v0;
	[tilespmem:s23+$0xB060] =	vst v2  }
0x299: {  	[tilespmem:$0x1F970] =	vst v11  }
0x29a: {  	v2 =	vld.idx.msk [tilespmem:v6+s19+$0x0], $0xffff;
	v6 =	vor.u32 v11, v27;
	v11 =	vor.u32 $0x3005, v0;
	[tilespmem:s23+$0xB0E0] =	vst v3  }
0x29b: {  	[tilespmem:$0x1F980] =	vst v11  }
0x29c: {  	v3 =	vld.idx.msk [tilespmem:v7+s19+$0x0], $0xffff;
	v7 =	vor.u32 v11, v27;
	v11 =	vor.u32 $0x3006, v0;
	[tilespmem:s23+$0xAE70] =	vst v4  }
0x29d: {  	[tilespmem:$0x1F990] =	vst v11  }
0x29e: {  	v4 =	vld.idx.msk [tilespmem:v8+s19+$0x0], $0xffff;
	v8 =	vor.u32 v11, v27;
	v11 =	vor.u32 $0x3007, v0;
	[tilespmem:s23+$0xAEF0] =	vst v5  }
0x29f: {  	[tilespmem:$0x1F9A0] =	vst v11  }
0x2a0: {  	v5 =	vld.idx.msk [tilespmem:v9+s19+$0x0], $0xffff;
	v9 =	vor.u32 v11, v27;
	v11 =	vor.u32 $0x3203, v0;
	[tilespmem:s23+$0xAF70] =	vst v1  }
0x2a1: {  	[tilespmem:$0x1F9C0] =	vst v11  }
0x2a2: {  	v1 =	vld.idx.msk [tilespmem:v10+s19+$0x0], $0xffff;
	v10 =	vor.u32 v12, v27;
	v12 =	vor.u32 $0x3402, v0;
	[tilespmem:s23+$0xAFF0] =	vst v2  }
0x2a3: {  	[tilespmem:$0x1FA10] =	vst v12  }
0x2a4: {  	v2 =	vld.idx.msk [tilespmem:v6+s19+$0x0], $0xffff;
	v6 =	vor.u32 v11, v27;
	v11 =	vor.u32 $0x3204, v0;
	[tilespmem:s23+$0xB070] =	vst v3  }
0x2a5: {  	[tilespmem:$0x1F9D0] =	vst v11  }
0x2a6: {  	v3 =	vld.idx.msk [tilespmem:v7+s19+$0x0], $0xffff;
	v7 =	vor.u32 v11, v27;
	v11 =	vor.u32 $0x3205, v0;
	[tilespmem:s23+$0xB0F0] =	vst v4  }
0x2a7: {  	[tilespmem:$0x1F9E0] =	vst v11  }
0x2a8: {  	v4 =	vld.idx.msk [tilespmem:v8+s19+$0x0], $0xffff;
	v8 =	vor.u32 v11, v27;
	v11 =	vor.u32 $0x3206, v0;
	[tilespmem:s23+$0xB200] =	vst v5  }
0x2a9: {  	[tilespmem:$0x1F9F0] =	vst v11  }
0x2aa: {  	v5 =	vld.idx.msk [tilespmem:v9+s19+$0x0], $0xffff;
	v9 =	vor.u32 v11, v27;
	v11 =	vor.u32 $0x3207, v0;
	[tilespmem:s23+$0xB280] =	vst v1  }
0x2ab: {  	[tilespmem:$0x1FA00] =	vst v11  }
0x2ac: {  	v1 =	vld.idx.msk [tilespmem:v10+s19+$0x0], $0xffff;
	v10 =	vor.u32 v11, v27;
	v11 =	vor.u32 $0x3403, v0;
	[tilespmem:s23+$0xB300] =	vst v2  }
0x2ad: {  	[tilespmem:$0x1FA20] =	vst v11  }
0x2ae: {  	v2 =	vld.idx.msk [tilespmem:v6+s19+$0x0], $0xffff;
	v6 =	vor.u32 v12, v27;
	v12 =	vor.u32 $0x3602, v0;
	[tilespmem:s23+$0xB380] =	vst v3  }
0x2af: {  	[tilespmem:$0x1FA70] =	vst v12  }
0x2b0: {  	v3 =	vld.idx.msk [tilespmem:v7+s19+$0x0], $0xffff;
	v7 =	vor.u32 v11, v27;
	v11 =	vor.u32 $0x3404, v0;
	[tilespmem:s23+$0xB400] =	vst v4  }
0x2b1: {  	[tilespmem:$0x1FA30] =	vst v11  }
0x2b2: {  	v4 =	vld.idx.msk [tilespmem:v8+s19+$0x0], $0xffff;
	v8 =	vor.u32 v11, v27;
	v11 =	vor.u32 $0x3405, v0;
	[tilespmem:s23+$0xB480] =	vst v5  }
0x2b3: {  	[tilespmem:$0x1FA40] =	vst v11  }
0x2b4: {  	v5 =	vld.idx.msk [tilespmem:v9+s19+$0x0], $0xffff;
	v9 =	vor.u32 v11, v27;
	v11 =	vor.u32 $0x3406, v0;
	[tilespmem:s23+$0xB210] =	vst v1  }
0x2b5: {  	[tilespmem:$0x1FA50] =	vst v11  }
0x2b6: {  	v1 =	vld.idx.msk [tilespmem:v10+s19+$0x0], $0xffff;
	v10 =	vor.u32 v11, v27;
	v11 =	vor.u32 $0x3407, v0;
	[tilespmem:s23+$0xB290] =	vst v2  }
0x2b7: {  	[tilespmem:$0x1FA60] =	vst v11  }
0x2b8: {  	v2 =	vld.idx.msk [tilespmem:v6+s19+$0x0], $0xffff;
	v6 =	vor.u32 v11, v27;
	v11 =	vor.u32 $0x3603, v0;
	[tilespmem:s23+$0xB310] =	vst v3  }
0x2b9: {  	[tilespmem:$0x1FA80] =	vst v11  }
0x2ba: {  	v3 =	vld.idx.msk [tilespmem:v7+s19+$0x0], $0xffff;
	v7 =	vor.u32 v12, v27;
	v12 =	vor.u32 $0x3802, v0;
	[tilespmem:s23+$0xB390] =	vst v4  }
0x2bb: {  	[tilespmem:$0x1FAD0] =	vst v12  }
0x2bc: {  	v4 =	vld.idx.msk [tilespmem:v8+s19+$0x0], $0xffff;
	v8 =	vor.u32 v11, v27;
	v11 =	vor.u32 $0x3604, v0;
	[tilespmem:s23+$0xB410] =	vst v5  }
0x2bd: {  	[tilespmem:$0x1FA90] =	vst v11  }
0x2be: {  	v5 =	vld.idx.msk [tilespmem:v9+s19+$0x0], $0xffff;
	v9 =	vor.u32 v11, v27;
	v11 =	vor.u32 $0x3605, v0;
	[tilespmem:s23+$0xB490] =	vst v1  }
0x2bf: {  	[tilespmem:$0x1FAA0] =	vst v11  }
0x2c0: {  	v1 =	vld.idx.msk [tilespmem:v10+s19+$0x0], $0xffff;
	v10 =	vor.u32 v11, v27;
	v11 =	vor.u32 $0x3606, v0;
	[tilespmem:s23+$0xB220] =	vst v2  }
0x2c1: {  	[tilespmem:$0x1FAB0] =	vst v11  }
0x2c2: {  	v2 =	vld.idx.msk [tilespmem:v6+s19+$0x0], $0xffff;
	v6 =	vor.u32 v11, v27;
	v11 =	vor.u32 $0x3607, v0;
	[tilespmem:s23+$0xB2A0] =	vst v3  }
0x2c3: {  	[tilespmem:$0x1FAC0] =	vst v11  }
0x2c4: {  	v3 =	vld.idx.msk [tilespmem:v7+s19+$0x0], $0xffff;
	v7 =	vor.u32 v11, v27;
	v11 =	vor.u32 $0x3803, v0;
	[tilespmem:s23+$0xB320] =	vst v4  }
0x2c5: {  	[tilespmem:$0x1FAE0] =	vst v11  }
0x2c6: {  	v4 =	vld.idx.msk [tilespmem:v8+s19+$0x0], $0xffff;
	v8 =	vor.u32 v12, v27;
	v12 =	vor.u32 $0x3A02, v0;
	[tilespmem:s23+$0xB3A0] =	vst v5  }
0x2c7: {  	[tilespmem:$0x1FB30] =	vst v12  }
0x2c8: {  	v5 =	vld.idx.msk [tilespmem:v9+s19+$0x0], $0xffff;
	v9 =	vor.u32 v11, v27;
	v11 =	vor.u32 $0x3804, v0;
	[tilespmem:s23+$0xB420] =	vst v1  }
0x2c9: {  	[tilespmem:$0x1FAF0] =	vst v11  }
0x2ca: {  	v1 =	vld.idx.msk [tilespmem:v10+s19+$0x0], $0xffff;
	v10 =	vor.u32 v11, v27;
	v11 =	vor.u32 $0x3805, v0;
	[tilespmem:s23+$0xB4A0] =	vst v2  }
0x2cb: {  	[tilespmem:$0x1FB00] =	vst v11  }
0x2cc: {  	v2 =	vld.idx.msk [tilespmem:v6+s19+$0x0], $0xffff;
	v6 =	vor.u32 v11, v27;
	v11 =	vor.u32 $0x3806, v0;
	[tilespmem:s23+$0xB230] =	vst v3  }
0x2cd: {  	[tilespmem:$0x1FB10] =	vst v11  }
0x2ce: {  	v3 =	vld.idx.msk [tilespmem:v7+s19+$0x0], $0xffff;
	v7 =	vor.u32 v11, v27;
	v11 =	vor.u32 $0x3807, v0;
	[tilespmem:s23+$0xB2B0] =	vst v4  }
0x2cf: {  	[tilespmem:$0x1FB20] =	vst v11  }
0x2d0: {  	v4 =	vld.idx.msk [tilespmem:v8+s19+$0x0], $0xffff;
	v8 =	vor.u32 v11, v27;
	v11 =	vor.u32 $0x3A03, v0;
	[tilespmem:s23+$0xB330] =	vst v5  }
0x2d1: {  	[tilespmem:$0x1FB40] =	vst v11  }
0x2d2: {  	[tilespmem:s23+$0xB3B0] =	vst v1  }
0x2d3: {  	v1 =	vld.idx.msk [tilespmem:v10+s19+$0x0], $0xffff;
	v10 =	vor.u32 v11, v27;
	v11 =	vor.u32 $0x3A04, v0;
	[tilespmem:s23+$0xB430] =	vst v2  }
0x2d4: {  	v5 =	vld.idx.msk [tilespmem:v9+s19+$0x0], $0xffff;
	[tilespmem:$0x1FB50] =	vst v11  }
0x2d5: {  	v2 =	vld.idx.msk [tilespmem:v6+s19+$0x0], $0xffff;
	v6 =	vor.u32 $0x3A05, v0;
	[tilespmem:s23+$0xB4B0] =	vst v3  }
0x2d6: {  	[tilespmem:$0x1FB60] =	vst v6  }
0x2d7: {  	v9 =	vor.u32 v12, v27;
	v12 =	vor.u32 v6, v27;
	v6 =	vor.u32 $0x3A06, v0;
	[tilespmem:s23+$0xB240] =	vst v4  }
0x2d8: {  	v3 =	vld.idx.msk [tilespmem:v7+s19+$0x0], $0xffff;
	v7 =	vor.u32 $0x3C02, v0;
	[tilespmem:$0x1FB70] =	vst v6  }
0x2d9: {  	[tilespmem:$0x1FB90] =	vst v7  }
0x2da: {  	v13 =	vor.u32 v6, v27;
	v6 =	vor.u32 $0x3A07, v0;
	[tilespmem:s23+$0xB2C0] =	vst v5  }
0x2db: {  	v15 =	vor.u32 v7, v27;
	v7 =	vor.u32 $0x3E02, v0;
	[tilespmem:$0x1FB80] =	vst v6  }
0x2dc: {  	[tilespmem:$0x1FBF0] =	vst v7  }
0x2dd: {  	v14 =	vor.u32 v6, v27;
	v6 =	vor.u32 $0x3C03, v0;
	[tilespmem:s23+$0xB340] =	vst v1  }
0x2de: {  	v4 =	vld.idx.msk [tilespmem:v8+s19+$0x0], $0xffff;
	[tilespmem:$0x1FBA0] =	vst v6  }
0x2df: {  	v11 =	vor.u32 v11, v27;
	v16 =	vor.u32 v6, v27;
	v6 =	vor.u32 $0x3C04, v0;
	[tilespmem:s23+$0xB3C0] =	vst v2  }
0x2e0: {  	v5 =	vld.idx.msk [tilespmem:v9+s19+$0x0], $0xffff;
	[tilespmem:$0x1FBB0] =	vst v6  }
0x2e1: {  	v17 =	vor.u32 v6, v27;
	v6 =	vor.u32 $0x3C05, v0;
	[tilespmem:s23+$0xB440] =	vst v3  }
0x2e2: {  	v1 =	vld.idx.msk [tilespmem:v10+s19+$0x0], $0xffff;
	[tilespmem:$0x1FBC0] =	vst v6  }
0x2e3: {  	v18 =	vor.u32 v6, v27;
	v6 =	vor.u32 $0x3C06, v0;
	[tilespmem:s23+$0xB4C0] =	vst v4  }
0x2e4: {  	v2 =	vld.idx.msk [tilespmem:v11+s19+$0x0], $0xffff;
	[tilespmem:$0x1FBD0] =	vst v6  }
0x2e5: {  	v3 =	vld.idx.msk [tilespmem:v12+s19+$0x0], $0xffff;
	v19 =	vor.u32 v6, v27;
	v6 =	vor.u32 $0x3C07, v0;
	[tilespmem:s23+$0xB250] =	vst v5  }
0x2e6: {  	v4 =	vld.idx.msk [tilespmem:v13+s19+$0x0], $0xffff;
	[tilespmem:$0x1FBE0] =	vst v6  }
0x2e7: {  	v5 =	vld.idx.msk [tilespmem:v14+s19+$0x0], $0xffff;
	v20 =	vor.u32 v6, v27;
	v6 =	vor.u32 $0x3E03, v0;
	[tilespmem:s23+$0xB2D0] =	vst v1  }
0x2e8: {  	v1 =	vld.idx.msk [tilespmem:v15+s19+$0x0], $0xffff;
	[tilespmem:$0x1FC00] =	vst v6  }
0x2e9: {  	v21 =	vor.u32 v7, v27;
	[tilespmem:s23+$0xB350] =	vst v2;
	v2 =	vld.idx.msk [tilespmem:v16+s19+$0x0], $0xffff  }
0x2ea: {  	v22 =	vor.u32 v6, v27;
	[tilespmem:s23+$0xB3D0] =	vst v3;
	v3 =	vld.idx.msk [tilespmem:v17+s19+$0x0], $0xffff;
	v17 =	vor.u32 $0x3E04, v0  }
0x2eb: {  	[tilespmem:s23+$0xB450] =	vst v4;
	v4 =	vld.idx.msk [tilespmem:v18+s19+$0x0], $0xffff;
	v23 =	vor.u32 v17, v27;
	v18 =	vor.u32 $0x3E05, v0  }
0x2ec: {  	[tilespmem:s23+$0xB4D0] =	vst v5;
	v5 =	vld.idx.msk [tilespmem:v19+s19+$0x0], $0xffff;
	v24 =	vor.u32 v18, v27;
	v19 =	vor.u32 $0x3E06, v0  }
0x2ed: {  	[tilespmem:s23+$0xB260] =	vst v1;
	v1 =	vld.idx.msk [tilespmem:v20+s19+$0x0], $0xffff;
	v25 =	vor.u32 v19, v27;
	v20 =	vor.u32 $0x3E07, v0  }
0x2ee: {  	[tilespmem:s23+$0xB2E0] =	vst v2;
	v2 =	vld.idx.msk [tilespmem:v21+s19+$0x0], $0xffff;
	v21 =	vor.u32 $0x4002, v0;
	v26 =	vor.u32 v20, v27  }
0x2ef: {  	[tilespmem:s23+$0xB360] =	vst v3;
	v3 =	vld.idx.msk [tilespmem:v22+s19+$0x0], $0xffff;
	v28 =	vor.u32 v21, v27;
	v22 =	vor.u32 $0x4003, v0  }
0x2f0: {  	[tilespmem:s23+$0xB3E0] =	vst v4;
	v4 =	vld.idx.msk [tilespmem:v23+s19+$0x0], $0xffff;
	v29 =	vor.u32 v22, v27;
	v23 =	vor.u32 $0x4004, v0  }
0x2f1: {  	[tilespmem:s23+$0xB460] =	vst v5;
	v5 =	vld.idx.msk [tilespmem:v24+s19+$0x0], $0xffff;
	v30 =	vor.u32 v23, v27;
	v24 =	vor.u32 $0x4005, v0  }
0x2f2: {  	[tilespmem:s23+$0xB4E0] =	vst v1;
	v1 =	vld.idx.msk [tilespmem:v25+s19+$0x0], $0xffff;
	v31 =	vor.u32 v24, v27;
	v25 =	vor.u32 $0x4006, v0  }
0x2f3: {  	[tilespmem:s23+$0xB270] =	vst v2;
	v2 =	vld.idx.msk [tilespmem:v26+s19+$0x0], $0xffff;
	v32 =	vor.u32 v25, v27;
	v26 =	vor.u32 $0x4007, v0  }
0x2f4: {  	[tilespmem:s23+$0xB2F0] =	vst v3;
	v3 =	vld.idx.msk [tilespmem:v28+s19+$0x0], $0xffff;
	v28 =	vor.u32 $0x4202, v0;
	v33 =	vor.u32 v26, v27  }
0x2f5: {  	[tilespmem:s23+$0xB370] =	vst v4;
	v4 =	vld.idx.msk [tilespmem:v29+s19+$0x0], $0xffff;
	v34 =	vor.u32 v28, v27;
	v29 =	vor.u32 $0x4203, v0  }
0x2f6: {  	[tilespmem:s23+$0xB3F0] =	vst v5;
	v5 =	vld.idx.msk [tilespmem:v30+s19+$0x0], $0xffff;
	v35 =	vor.u32 v29, v27;
	v30 =	vor.u32 $0x4204, v0  }
0x2f7: {  	[tilespmem:s23+$0xB470] =	vst v1;
	v1 =	vld.idx.msk [tilespmem:v31+s19+$0x0], $0xffff;
	v36 =	vor.u32 v30, v27;
	v31 =	vor.u32 $0x4205, v0  }
0x2f8: {  	[tilespmem:s23+$0xB4F0] =	vst v2;
	v2 =	vld.idx.msk [tilespmem:v32+s19+$0x0], $0xffff;
	v37 =	vor.u32 v31, v27;
	v32 =	vor.u32 $0x4206, v0  }
0x2f9: {  	[tilespmem:s23+$0xB600] =	vst v3;
	v3 =	vld.idx.msk [tilespmem:v33+s19+$0x0], $0xffff;
	v38 =	vor.u32 v32, v27;
	v33 =	vor.u32 $0x4207, v0  }
0x2fa: {  	[tilespmem:s23+$0xB680] =	vst v4;
	v4 =	vld.idx.msk [tilespmem:v34+s19+$0x0], $0xffff;
	v34 =	vor.u32 $0x4402, v0;
	v39 =	vor.u32 v33, v27  }
0x2fb: {  	[tilespmem:s23+$0xB700] =	vst v5;
	v5 =	vld.idx.msk [tilespmem:v35+s19+$0x0], $0xffff;
	v40 =	vor.u32 v34, v27;
	v35 =	vor.u32 $0x4403, v0  }
0x2fc: {  	[tilespmem:s23+$0xB780] =	vst v1;
	v1 =	vld.idx.msk [tilespmem:v36+s19+$0x0], $0xffff;
	v41 =	vor.u32 v35, v27;
	v36 =	vor.u32 $0x4404, v0  }
0x2fd: {  	[tilespmem:s23+$0xB800] =	vst v2;
	v2 =	vld.idx.msk [tilespmem:v37+s19+$0x0], $0xffff;
	v42 =	vor.u32 v36, v27;
	v37 =	vor.u32 $0x4405, v0  }
0x2fe: {  	[tilespmem:s23+$0xB880] =	vst v3;
	v3 =	vld.idx.msk [tilespmem:v38+s19+$0x0], $0xffff;
	v43 =	vor.u32 v37, v27;
	v38 =	vor.u32 $0x4406, v0  }
0x2ff: {  	[tilespmem:s23+$0xB610] =	vst v4;
	v4 =	vld.idx.msk [tilespmem:v39+s19+$0x0], $0xffff;
	v44 =	vor.u32 v38, v27;
	v39 =	vor.u32 $0x4407, v0  }
0x300: {  	[tilespmem:s23+$0xB690] =	vst v5;
	v5 =	vld.idx.msk [tilespmem:v40+s19+$0x0], $0xffff;
	v40 =	vor.u32 $0x4602, v0;
	v45 =	vor.u32 v39, v27  }
0x301: {  	[tilespmem:s23+$0xB710] =	vst v1;
	v1 =	vld.idx.msk [tilespmem:v41+s19+$0x0], $0xffff;
	v46 =	vor.u32 v40, v27;
	v41 =	vor.u32 $0x4603, v0  }
0x302: {  	[tilespmem:s23+$0xB790] =	vst v2;
	v2 =	vld.idx.msk [tilespmem:v42+s19+$0x0], $0xffff;
	v47 =	vor.u32 v41, v27;
	v42 =	vor.u32 $0x4604, v0  }
0x303: {  	[tilespmem:s23+$0xB810] =	vst v3;
	v3 =	vld.idx.msk [tilespmem:v43+s19+$0x0], $0xffff;
	v48 =	vor.u32 v42, v27;
	v43 =	vor.u32 $0x4605, v0  }
0x304: {  	[tilespmem:s23+$0xB890] =	vst v4;
	v4 =	vld.idx.msk [tilespmem:v44+s19+$0x0], $0xffff;
	v49 =	vor.u32 v43, v27;
	v44 =	vor.u32 $0x4606, v0  }
0x305: {  	[tilespmem:s23+$0xB620] =	vst v5;
	v5 =	vld.idx.msk [tilespmem:v45+s19+$0x0], $0xffff;
	v50 =	vor.u32 v44, v27;
	v45 =	vor.u32 $0x4607, v0  }
0x306: {  	[tilespmem:s23+$0xB6A0] =	vst v1;
	v1 =	vld.idx.msk [tilespmem:v46+s19+$0x0], $0xffff;
	v46 =	vor.u32 $0x4802, v0;
	v51 =	vor.u32 v45, v27  }
0x307: {  	[tilespmem:s23+$0xB720] =	vst v2;
	v2 =	vld.idx.msk [tilespmem:v47+s19+$0x0], $0xffff;
	v52 =	vor.u32 v46, v27;
	v47 =	vor.u32 $0x4803, v0  }
0x308: {  	[tilespmem:s23+$0xB7A0] =	vst v3;
	v3 =	vld.idx.msk [tilespmem:v48+s19+$0x0], $0xffff;
	v53 =	vor.u32 v47, v27;
	v48 =	vor.u32 $0x4804, v0  }
0x309: {  	[tilespmem:s23+$0xB820] =	vst v4;
	v4 =	vld.idx.msk [tilespmem:v49+s19+$0x0], $0xffff;
	v54 =	vor.u32 v48, v27;
	v49 =	vor.u32 $0x4805, v0  }
0x30a: {  	[tilespmem:s23+$0xB8A0] =	vst v5;
	v5 =	vld.idx.msk [tilespmem:v50+s19+$0x0], $0xffff;
	v55 =	vor.u32 v49, v27;
	v50 =	vor.u32 $0x4806, v0  }
0x30b: {  	[tilespmem:s23+$0xB630] =	vst v1;
	v1 =	vld.idx.msk [tilespmem:v51+s19+$0x0], $0xffff;
	v56 =	vor.u32 v50, v27;
	v51 =	vor.u32 $0x4807, v0  }
0x30c: {  	[tilespmem:s23+$0xB6B0] =	vst v2;
	v2 =	vld.idx.msk [tilespmem:v52+s19+$0x0], $0xffff;
	v52 =	vor.u32 $0x4A02, v0;
	v57 =	vor.u32 v51, v27  }
0x30d: {  	[tilespmem:s23+$0xB730] =	vst v3;
	v3 =	vld.idx.msk [tilespmem:v53+s19+$0x0], $0xffff;
	v58 =	vor.u32 v52, v27;
	v53 =	vor.u32 $0x4A03, v0  }
0x30e: {  	[tilespmem:s23+$0xB7B0] =	vst v4;
	v4 =	vld.idx.msk [tilespmem:v54+s19+$0x0], $0xffff;
	v59 =	vor.u32 v53, v27;
	v54 =	vor.u32 $0x4A04, v0  }
0x30f: {  	[tilespmem:s23+$0xB830] =	vst v5;
	v5 =	vld.idx.msk [tilespmem:v55+s19+$0x0], $0xffff;
	v60 =	vor.u32 v54, v27;
	v55 =	vor.u32 $0x4A05, v0  }
0x310: {  	[tilespmem:s23+$0xB8B0] =	vst v1;
	v1 =	vld.idx.msk [tilespmem:v56+s19+$0x0], $0xffff;
	v61 =	vor.u32 v55, v27;
	v56 =	vor.u32 $0x4A06, v0  }
0x311: {  	[tilespmem:s23+$0xB640] =	vst v2;
	v2 =	vld.idx.msk [tilespmem:v57+s19+$0x0], $0xffff;
	v62 =	vor.u32 v56, v27;
	v57 =	vor.u32 $0x4A07, v0  }
0x312: {  	[tilespmem:s23+$0xB6C0] =	vst v3;
	v3 =	vld.idx.msk [tilespmem:v58+s19+$0x0], $0xffff;
	v58 =	vor.u32 $0x4C02, v0;
	v63 =	vor.u32 v57, v27  }
0x313: {  	[tilespmem:s23+$0xB740] =	vst v4;
	v4 =	vld.idx.msk [tilespmem:v59+s19+$0x0], $0xffff;
	v6 =	vor.u32 v58, v27;
	v59 =	vor.u32 $0x4C03, v0  }
0x314: {  	[tilespmem:s23+$0xB7C0] =	vst v5;
	v5 =	vld.idx.msk [tilespmem:v60+s19+$0x0], $0xffff;
	v7 =	vor.u32 v59, v27;
	v60 =	vor.u32 $0x4C04, v0  }
0x315: {  	[tilespmem:s23+$0xB840] =	vst v1;
	v8 =	vld.idx.msk [tilespmem:v61+s19+$0x0], $0xffff;
	v9 =	vor.u32 v60, v27;
	v61 =	vor.u32 $0x4C05, v0  }
0x316: {  	[tilespmem:s23+$0xB8C0] =	vst v2;
	v10 =	vld.idx.msk [tilespmem:v62+s19+$0x0], $0xffff;
	v11 =	vor.u32 v61, v27;
	v62 =	vor.u32 $0x4C06, v0  }
0x317: {  	[tilespmem:s23+$0xB650] =	vst v3;
	v12 =	vld.idx.msk [tilespmem:v63+s19+$0x0], $0xffff;
	v13 =	vor.u32 v62, v27;
	v63 =	vor.u32 $0x4C07, v0  }
0x318: {  	v1 =	vor.u32 $0x4E02, v0;
	[tilespmem:s23+$0xB6D0] =	vst v4;
	v6 =	vld.idx.msk [tilespmem:v6+s19+$0x0], $0xffff;
	v14 =	vor.u32 v63, v27  }
0x319: {  	v15 =	vor.u32 v1, v27;
	v2 =	vor.u32 $0x4E03, v0;
	[tilespmem:s23+$0xB750] =	vst v5;
	v7 =	vld.idx.msk [tilespmem:v7+s19+$0x0], $0xffff  }
0x31a: {  	v3 =	vor.u32 $0x4E04, v0;
	[tilespmem:s23+$0xB7D0] =	vst v8;
	v8 =	vld.idx.msk [tilespmem:v9+s19+$0x0], $0xffff;
	v9 =	vor.u32 v2, v27  }
0x31b: {  	[tilespmem:s23+$0xB850] =	vst v10;
	v10 =	vld.idx.msk [tilespmem:v11+s19+$0x0], $0xffff;
	v11 =	vor.u32 v3, v27  }
0x31c: {  	[tilespmem:s23+$0xB8D0] =	vst v12;
	v12 =	vld.idx.msk [tilespmem:v13+s19+$0x0], $0xffff  }
0x31d: {  	v4 =	vor.u32 $0x4E05, v0;
	[tilespmem:s23+$0xB660] =	vst v6;
	v6 =	vld.idx.msk [tilespmem:v14+s19+$0x0], $0xffff  }
0x31e: {  	v13 =	vor.u32 v4, v27;
	[tilespmem:s23+$0xB6E0] =	vst v7;
	v7 =	vld.idx.msk [tilespmem:v15+s19+$0x0], $0xffff  }
0x31f: {  	v5 =	vor.u32 $0x4E06, v0;
	[tilespmem:s23+$0xB760] =	vst v8;
	v8 =	vld.idx.msk [tilespmem:v9+s19+$0x0], $0xffff  }
0x320: {  	v14 =	vor.u32 v5, v27;
	v9 =	vld.idx.msk [tilespmem:v11+s19+$0x0], $0xffff  }
0x321: {  	v16 =	vor.u32 $0x4E07, v0;
	[tilespmem:s23+$0xB7E0] =	vst v10;
	v11 =	vld [tilespmem:$0x1FFA0]  }
0x322: {  	v15 =	vor.u32 v16, v27;
	[tilespmem:s23+$0xB860] =	vst v12;
	v12 =	vld [tilespmem:$0x1FFB0]  }
0x323: {  	v10 =	vld.idx.msk [tilespmem:v13+s19+$0x0], $0xffff  }
0x324: {  	v13 =	vld [tilespmem:$0x1FFC0]  }
0x325: {  	[tilespmem:s23+$0xB8E0] =	vst v6;
	v6 =	vld.idx.msk [tilespmem:v14+s19+$0x0], $0xffff  }
0x326: {  	v14 =	vld [tilespmem:$0x1FFD0]  }
0x327: {  	[tilespmem:s23+$0xB670] =	vst v7;
	v7 =	vld.idx.msk [tilespmem:v15+s19+$0x0], $0xffff  }
0x328: {  	p1 =	slt.u32 s20, $0x18;
	v15 =	vld [tilespmem:$0x1FFE0]  }
.Ltmp2:
0x329: {  	[tilespmem:s23+$0xB6F0] =	vst v8;
	v8 =	vld [tilespmem:$0x1FF70];
	(pc) =	sbr.rel @p1 .LBB2_3-.Ltmp2, $4  }
0x32a: {  	[tilespmem:s23+$0xB770] =	vst v9;
	v9 =	vld [tilespmem:$0x1FF80]  }
0x32b: {  	[tilespmem:s23+$0xB7F0] =	vst v10;
	v10 =	vld [tilespmem:$0x1FF90]  }
0x32c: {  	[tilespmem:s23+$0xB870] =	vst v6;
	v6 =	vld [tilespmem:$0x1FF60]  }
0x32d: {  	s20 =	sadd.s32 $0x8, s20;
	[tilespmem:s23+$0xB8F0] =	vst v7;
	v7 =	vld [tilespmem:$0x1FFF0]  }
0x32e: {  	[tilespmem:$0x1EC10] =	vst v16  }
0x32f: {  	[tilespmem:$0x1EC20] =	vst v5  }
0x330: {  	[tilespmem:$0x1EC30] =	vst v4  }
0x331: {  	[tilespmem:$0x1EC40] =	vst v3  }
0x332: {  	[tilespmem:$0x1EC50] =	vst v2  }
0x333: {  	[tilespmem:$0x1EC60] =	vst v1  }
0x334: {  	[tilespmem:$0x1EC70] =	vst v63  }
0x335: {  	[tilespmem:$0x1EC80] =	vst v62  }
0x336: {  	[tilespmem:$0x1EC90] =	vst v61  }
0x337: {  	[tilespmem:$0x1ECA0] =	vst v60  }
0x338: {  	[tilespmem:$0x1ECB0] =	vst v59  }
0x339: {  	[tilespmem:$0x1ECC0] =	vst v58  }
0x33a: {  	[tilespmem:$0x1ECD0] =	vst v57  }
0x33b: {  	[tilespmem:$0x1ECE0] =	vst v56  }
0x33c: {  	[tilespmem:$0x1ECF0] =	vst v55  }
0x33d: {  	[tilespmem:$0x1ED00] =	vst v54  }
0x33e: {  	[tilespmem:$0x1ED10] =	vst v53  }
0x33f: {  	[tilespmem:$0x1ED20] =	vst v52  }
0x340: {  	[tilespmem:$0x1ED30] =	vst v51  }
0x341: {  	[tilespmem:$0x1ED40] =	vst v50  }
0x342: {  	[tilespmem:$0x1ED50] =	vst v49  }
0x343: {  	[tilespmem:$0x1ED60] =	vst v48  }
0x344: {  	[tilespmem:$0x1ED70] =	vst v47  }
0x345: {  	[tilespmem:$0x1ED80] =	vst v46  }
0x346: {  	[tilespmem:$0x1ED90] =	vst v45  }
0x347: {  	[tilespmem:$0x1EDA0] =	vst v44  }
0x348: {  	[tilespmem:$0x1EDB0] =	vst v43  }
0x349: {  	[tilespmem:$0x1EDC0] =	vst v42  }
0x34a: {  	[tilespmem:$0x1EDD0] =	vst v41  }
0x34b: {  	[tilespmem:$0x1EDE0] =	vst v40  }
0x34c: {  	[tilespmem:$0x1EDF0] =	vst v39  }
0x34d: {  	[tilespmem:$0x1EE00] =	vst v38  }
0x34e: {  	[tilespmem:$0x1EE10] =	vst v37  }
0x34f: {  	[tilespmem:$0x1EE20] =	vst v36  }
0x350: {  	[tilespmem:$0x1EE30] =	vst v35  }
0x351: {  	[tilespmem:$0x1EE40] =	vst v34  }
0x352: {  	[tilespmem:$0x1EE50] =	vst v33  }
0x353: {  	[tilespmem:$0x1EE60] =	vst v32  }
0x354: {  	[tilespmem:$0x1EE70] =	vst v31  }
0x355: {  	[tilespmem:$0x1EE80] =	vst v30  }
0x356: {  	[tilespmem:$0x1EE90] =	vst v29  }
0x357: {  	[tilespmem:$0x1EEA0] =	vst v28  }
0x358: {  	[tilespmem:$0x1EEB0] =	vst v26  }
0x359: {  	[tilespmem:$0x1EEC0] =	vst v25;
	s20 =	smul.u32 $0x140000, s6  }
0x35a: {  	[tilespmem:$0x1EED0] =	vst v24  }
0x35b: {  	[tilespmem:$0x1EEE0] =	vst v23;
	s23 =	sor.u32 s10, s20  }
0x35c: {  	[tilespmem:$0x1EEF0] =	vst v22;
	s23 =	sshrl.u32 s23, $0x3  }
0x35d: {  	[tilespmem:$0x1EF00] =	vst v21;
	s25 =	simm.s32 $0xA500;
	s24 =	sadd.s32 s1, s23  }
0x35e: {  	[hbm4b:s24+s7] =	stream.strided.scatter [tilespmem:s25], [sflag:$0x3], $0x1400, s22, s7, $0x38;
	[tilespmem:$0x14500] =	vst v63  }
0x35f: {  	[tilespmem:$0x1EF10] =	vst v20;
	p1 =	sne.s32 s6, $0x13;
	s24 =	sadd.s32 s23, s11;
	s25 =	simm.s32 $0xB900  }
0x360: {  	[hbm4b:s24+s7] =	stream.strided.scatter [tilespmem:s25], [sflag:$0x3], $0x1400, s22, s7, $0x38;
	[tilespmem:$0x14500] =	vst v63  }
.Ltmp3:
0x361: {  	[tilespmem:$0x1EF20] =	vst v19;
	(pc) =	sbr.rel @p1 .LBB2_6-.Ltmp3, $4  }
0x362: {  	[tilespmem:$0x1EF30] =	vst v18;
	s24 =	sadd.s32 s23, s12;
	s25 =	simm.s32 $0xCD00  }
0x363: {  	[hbm4b:s24+s7] =	stream.strided.scatter [tilespmem:s25], [sflag:$0x3], $0x1400, s22, s7, $0x38;
	[tilespmem:$0x14500] =	vst v63  }
0x364: {  	[tilespmem:$0x1EF40] =	vst v17;
	s23 =	sadd.s32 s23, s13  }
0x365: {  	[hbm4b:s23+s7] =	stream.strided.scatter [tilespmem:s26], [sflag:$0x3], $0x1400, s22, s7, $0x38;
	[tilespmem:$0x14500] =	vst v63  }
0x366: {  	_ =	swait.ge [sflag:s8], $0x5000  }
0x367: {  	v16 =	vld [tilespmem:$0x1EF40]  }
0x368: {  	v17 =	vld [tilespmem:$0x1EF30]  }
0x369: {  	v18 =	vld [tilespmem:$0x1EF20]  }
0x36a: {  	v19 =	vld [tilespmem:$0x1EF10]  }
0x36b: {  	v20 =	vld [tilespmem:$0x1EF00]  }
0x36c: {  	v21 =	vld [tilespmem:$0x1EEF0]  }
0x36d: {  	v22 =	vld [tilespmem:$0x1EEE0]  }
0x36e: {  	v23 =	vld [tilespmem:$0x1EED0]  }
0x36f: {  	v24 =	vld [tilespmem:$0x1EEC0]  }
0x370: {  	v25 =	vld [tilespmem:$0x1EEB0]  }
0x371: {  	v26 =	vld [tilespmem:$0x1EEA0]  }
0x372: {  	v28 =	vld [tilespmem:$0x1EE90]  }
0x373: {  	v29 =	vld [tilespmem:$0x1EE80]  }
0x374: {  	v30 =	vld [tilespmem:$0x1EE70]  }
0x375: {  	v31 =	vld [tilespmem:$0x1EE60]  }
0x376: {  	v32 =	vld [tilespmem:$0x1EE50]  }
0x377: {  	v33 =	vld [tilespmem:$0x1EE40]  }
0x378: {  	v34 =	vld [tilespmem:$0x1EE30]  }
0x379: {  	v35 =	vld [tilespmem:$0x1EE20]  }
0x37a: {  	v36 =	vld [tilespmem:$0x1EE10]  }
0x37b: {  	v37 =	vld [tilespmem:$0x1EE00]  }
0x37c: {  	v38 =	vld [tilespmem:$0x1EDF0]  }
0x37d: {  	v39 =	vld [tilespmem:$0x1EDE0]  }
0x37e: {  	v40 =	vld [tilespmem:$0x1EDD0]  }
0x37f: {  	v41 =	vld [tilespmem:$0x1EDC0]  }
0x380: {  	v42 =	vld [tilespmem:$0x1EDB0]  }
0x381: {  	v43 =	vld [tilespmem:$0x1EDA0]  }
0x382: {  	v44 =	vld [tilespmem:$0x1ED90]  }
0x383: {  	v45 =	vld [tilespmem:$0x1ED80]  }
0x384: {  	v46 =	vld [tilespmem:$0x1ED70]  }
0x385: {  	v47 =	vld [tilespmem:$0x1ED60]  }
0x386: {  	v48 =	vld [tilespmem:$0x1ED50]  }
0x387: {  	v49 =	vld [tilespmem:$0x1ED40]  }
0x388: {  	v50 =	vld [tilespmem:$0x1ED30]  }
0x389: {  	v51 =	vld [tilespmem:$0x1ED20]  }
0x38a: {  	v52 =	vld [tilespmem:$0x1ED10]  }
0x38b: {  	v53 =	vld [tilespmem:$0x1ED00]  }
0x38c: {  	v54 =	vld [tilespmem:$0x1ECF0]  }
0x38d: {  	v55 =	vld [tilespmem:$0x1ECE0]  }
0x38e: {  	v56 =	vld [tilespmem:$0x1ECD0]  }
0x38f: {  	v57 =	vld [tilespmem:$0x1ECC0]  }
0x390: {  	v58 =	vld [tilespmem:$0x1ECB0]  }
0x391: {  	v59 =	vld [tilespmem:$0x1ECA0]  }
0x392: {  	v60 =	vld [tilespmem:$0x1EC90]  }
0x393: {  	v61 =	vld [tilespmem:$0x1EC80]  }
0x394: {  	v62 =	vld [tilespmem:$0x1EC70]  }
0x395: {  	v63 =	vld [tilespmem:$0x1EC60]  }
.Ltmp4:
0x396: {  	v1 =	vld [tilespmem:$0x1EC50];
	(pc) =	sbr.rel .LBB2_7-.Ltmp4, $4  }
0x397: {  	v2 =	vld [tilespmem:$0x1EC40]  }
0x398: {  	v3 =	vld [tilespmem:$0x1EC30]  }
0x399: {  	[sflag:s8] =	ssyncset.done $0x0;
	v4 =	vld [tilespmem:$0x1EC20]  }
0x39a: {  	v5 =	vld [tilespmem:$0x1EC10];
	[sflag:s8] =	ssyncadd.s32 $0xFFFFB000  }
.LBB2_6:
0x39b: {  	s23 =	smul.u32 $0xA000, s6  }
0x39c: {  	s24 =	rddreg [dreg:$0x5]  }
0x39d: {  	s23 =	sadd.s32 s24, s23  }
0x39e: {  	s23 =	sshrl.u32 s23, $0x3  }
0x39f: {  	s23 =	sadd.s32 s4, s23  }
0x3a0: {  	[tilespmem:s3], [sflag:$0x5] =	stream.strided.gather [hbm4b:s23+s16], $0x280, s17, s16, $0x38;
	[tilespmem:$0x14500] =	vst v63  }
0x3a1: {  	_ =	swait.ge [sflag:s18], $0x280  }
0x3a2: {  	[sflag:s18] =	ssyncset.done $0x0  }
0x3a3: {  	[sflag:s18] =	ssyncadd.s32 $0xFFFFFD80  }
0x3a4: {  	[tilespmem:s19], [sflag:$0x1] =	stream.indirect.gather [hbm4b:s5+s16], $0x20, s3, s16, $0xb8;
	[tilespmem:$0x14500] =	vst v63  }
0x3a5: {  	s25 =	simm.s32 $0x1500  }
0x3a6: {  	[tilespmem:s25], [sflag:$0x1] =	stream.indirect.gather [hbm4b:s5+s16], $0x20, s16, s16, $0xb8;
	[tilespmem:$0x14500] =	vst v63  }
0x3a7: {  	s24 =	simm.s32 $0x100;
	s25 =	simm.s32 $0x2500  }
0x3a8: {  	[tilespmem:s25], [sflag:$0x1] =	stream.indirect.gather [hbm4b:s5+s16], $0x20, s24, s16, $0xb8;
	[tilespmem:$0x14500] =	vst v63  }
0x3a9: {  	s24 =	simm.s32 $0x180;
	s25 =	simm.s32 $0x3500  }
0x3aa: {  	[tilespmem:s25], [sflag:$0x1] =	stream.indirect.gather [hbm4b:s5+s16], $0x20, s24, s16, $0xb8;
	[tilespmem:$0x14500] =	vst v63  }
0x3ab: {  	s24 =	simm.s32 $0x200;
	s25 =	simm.s32 $0x4500  }
0x3ac: {  	[tilespmem:s25], [sflag:$0x1] =	stream.indirect.gather [hbm4b:s5+s16], $0x20, s24, s16, $0xb8;
	[tilespmem:$0x14500] =	vst v63  }
0x3ad: {  	_ =	swait.ge [sflag:s8], $0x5000  }
0x3ae: {  	v16 =	vld [tilespmem:$0x1EF40]  }
0x3af: {  	v17 =	vld [tilespmem:$0x1EF30]  }
0x3b0: {  	v18 =	vld [tilespmem:$0x1EF20]  }
0x3b1: {  	v19 =	vld [tilespmem:$0x1EF10]  }
0x3b2: {  	v20 =	vld [tilespmem:$0x1EF00]  }
0x3b3: {  	v21 =	vld [tilespmem:$0x1EEF0]  }
0x3b4: {  	v22 =	vld [tilespmem:$0x1EEE0]  }
0x3b5: {  	v23 =	vld [tilespmem:$0x1EED0]  }
0x3b6: {  	v24 =	vld [tilespmem:$0x1EEC0]  }
0x3b7: {  	v25 =	vld [tilespmem:$0x1EEB0]  }
0x3b8: {  	v26 =	vld [tilespmem:$0x1EEA0]  }
0x3b9: {  	v28 =	vld [tilespmem:$0x1EE90]  }
0x3ba: {  	v29 =	vld [tilespmem:$0x1EE80]  }
0x3bb: {  	v30 =	vld [tilespmem:$0x1EE70]  }
0x3bc: {  	v31 =	vld [tilespmem:$0x1EE60]  }
0x3bd: {  	v32 =	vld [tilespmem:$0x1EE50]  }
0x3be: {  	v33 =	vld [tilespmem:$0x1EE40]  }
0x3bf: {  	v34 =	vld [tilespmem:$0x1EE30]  }
0x3c0: {  	v35 =	vld [tilespmem:$0x1EE20]  }
0x3c1: {  	v36 =	vld [tilespmem:$0x1EE10]  }
0x3c2: {  	v37 =	vld [tilespmem:$0x1EE00]  }
0x3c3: {  	v38 =	vld [tilespmem:$0x1EDF0]  }
0x3c4: {  	v39 =	vld [tilespmem:$0x1EDE0]  }
0x3c5: {  	v40 =	vld [tilespmem:$0x1EDD0]  }
0x3c6: {  	v41 =	vld [tilespmem:$0x1EDC0]  }
0x3c7: {  	v42 =	vld [tilespmem:$0x1EDB0]  }
0x3c8: {  	v43 =	vld [tilespmem:$0x1EDA0]  }
0x3c9: {  	v44 =	vld [tilespmem:$0x1ED90]  }
0x3ca: {  	v45 =	vld [tilespmem:$0x1ED80]  }
0x3cb: {  	v46 =	vld [tilespmem:$0x1ED70]  }
0x3cc: {  	v47 =	vld [tilespmem:$0x1ED60]  }
0x3cd: {  	v48 =	vld [tilespmem:$0x1ED50]  }
0x3ce: {  	v49 =	vld [tilespmem:$0x1ED40]  }
0x3cf: {  	v50 =	vld [tilespmem:$0x1ED30]  }
0x3d0: {  	v51 =	vld [tilespmem:$0x1ED20]  }
0x3d1: {  	v52 =	vld [tilespmem:$0x1ED10]  }
0x3d2: {  	v53 =	vld [tilespmem:$0x1ED00]  }
0x3d3: {  	v54 =	vld [tilespmem:$0x1ECF0]  }
0x3d4: {  	v55 =	vld [tilespmem:$0x1ECE0]  }
0x3d5: {  	v56 =	vld [tilespmem:$0x1ECD0]  }
0x3d6: {  	v57 =	vld [tilespmem:$0x1ECC0]  }
0x3d7: {  	v58 =	vld [tilespmem:$0x1ECB0]  }
0x3d8: {  	v59 =	vld [tilespmem:$0x1ECA0]  }
0x3d9: {  	v60 =	vld [tilespmem:$0x1EC90]  }
0x3da: {  	v61 =	vld [tilespmem:$0x1EC80]  }
0x3db: {  	v62 =	vld [tilespmem:$0x1EC70]  }
0x3dc: {  	v63 =	vld [tilespmem:$0x1EC60]  }
.Ltmp5:
0x3dd: {  	v1 =	vld [tilespmem:$0x1EC50];
	(pc) =	sbr.rel @p0 .LBB2_8-.Ltmp5, $4  }
0x3de: {  	v2 =	vld [tilespmem:$0x1EC40]  }
0x3df: {  	v3 =	vld [tilespmem:$0x1EC30]  }
0x3e0: {  	[sflag:s8] =	ssyncset.done $0x0;
	v4 =	vld [tilespmem:$0x1EC20]  }
0x3e1: {  	v5 =	vld [tilespmem:$0x1EC10];
	[sflag:s8] =	ssyncadd.s32 $0xFFFFB000  }
.LBB2_7:
0x3e2: {  	_ =	swait.ge [sflag:s30], $0x5000  }
0x3e3: {  	[sflag:s30] =	ssyncset.done $0x0  }
0x3e4: {  	[sflag:s30] =	ssyncadd.s32 $0xFFFFB000  }
.LBB2_8:
0x3e5: {  	s23 =	simm.s32 $0x0  }
.LBB2_9:
0x3e6: {  	v6 =	vmov s23  }
0x3e7: {  	v6 =	vshrl.u32 v6, $0x3  }
0x3e8: {  	v6 =	vshll.u32 v6, $0x3  }
0x3e9: {  	v27 =	vbroadcast v6, $0x0;
	_ =	sdelay $0x1  }
0x3ea: {  	v6 =	vor.u32 v0, v27  }
0x3eb: {  	v7 =	vld [tilespmem:$0x1FF60];
	_ =	sdelay $0x3  }
0x3ec: {  	v6 =	vld.idx.msk [tilespmem:v6+s29+$0x0], $0xffff  }
0x3ed: {  	s24 =	sshrl.u32 s23, $0x3;
	v7 =	vor.u32 v7, v27  }
0x3ee: {  	s24 =	smul.u32 $0x5000, s24;
	_ =	sdelay $0x1  }
0x3ef: {  	s24 =	sshra.s32 s24, $0x2  }
0x3f0: {  	[tilespmem:s24+$0xF500] =	vst v6  }
0x3f1: {  	v6 =	vld.idx.msk [tilespmem:v7+s29+$0x0], $0xffff  }
0x3f2: {  	v7 =	vor.u32 v8, v27;
	_ =	sdelay $0x3  }
0x3f3: {  	[tilespmem:s24+$0xF510] =	vst v6  }
0x3f4: {  	v6 =	vld.idx.msk [tilespmem:v7+s29+$0x0], $0xffff  }
0x3f5: {  	v7 =	vor.u32 v9, v27;
	_ =	sdelay $0x3  }
0x3f6: {  	[tilespmem:s24+$0xF520] =	vst v6  }
0x3f7: {  	v6 =	vld.idx.msk [tilespmem:v7+s29+$0x0], $0xffff  }
0x3f8: {  	v7 =	vor.u32 v10, v27;
	_ =	sdelay $0x3  }
0x3f9: {  	[tilespmem:s24+$0xF530] =	vst v6  }
0x3fa: {  	v6 =	vld.idx.msk [tilespmem:v7+s29+$0x0], $0xffff  }
0x3fb: {  	v7 =	vor.u32 v11, v27;
	_ =	sdelay $0x3  }
0x3fc: {  	[tilespmem:s24+$0xF540] =	vst v6  }
0x3fd: {  	v6 =	vld.idx.msk [tilespmem:v7+s29+$0x0], $0xffff  }
0x3fe: {  	v7 =	vor.u32 v12, v27;
	_ =	sdelay $0x3  }
0x3ff: {  	[tilespmem:s24+$0xF550] =	vst v6  }
0x400: {  	v6 =	vld.idx.msk [tilespmem:v7+s29+$0x0], $0xffff  }
0x401: {  	v7 =	vor.u32 v13, v27;
	_ =	sdelay $0x3  }
0x402: {  	[tilespmem:s24+$0xF560] =	vst v6  }
0x403: {  	v6 =	vld.idx.msk [tilespmem:v7+s29+$0x0], $0xffff  }
0x404: {  	v7 =	vor.u32 v14, v27;
	_ =	sdelay $0x3  }
0x405: {  	[tilespmem:s24+$0xF570] =	vst v6  }
0x406: {  	v6 =	vld.idx.msk [tilespmem:v7+s29+$0x0], $0xffff  }
0x407: {  	v7 =	vor.u32 v15, v27;
	_ =	sdelay $0x3  }
0x408: {  	[tilespmem:s24+$0xF900] =	vst v6  }
0x409: {  	v6 =	vld.idx.msk [tilespmem:v7+s29+$0x0], $0xffff  }
0x40a: {  	v7 =	vld [tilespmem:$0x1FFF0];
	_ =	sdelay $0x2  }
0x40b: {  	v8 =	vld [tilespmem:$0x1FDE0];
	_ =	sdelay $0x1  }
0x40c: {  	v7 =	vor.u32 v7, v27;
	_ =	sdelay $0x2  }
0x40d: {  	v8 =	vor.u32 v8, v27  }
0x40e: {  	v9 =	vld [tilespmem:$0x1FDF0];
	[tilespmem:s24+$0xF910] =	vst v6  }
0x40f: {  	v6 =	vld.idx.msk [tilespmem:v7+s29+$0x0], $0xffff  }
0x410: {  	v7 =	vld [tilespmem:$0x1FC10];
	_ =	sdelay $0x1  }
0x411: {  	v8 =	vld.idx.msk [tilespmem:v8+s29+$0x0], $0xffff  }
0x412: {  	v9 =	vor.u32 v9, v27;
	_ =	sdelay $0x1  }
0x413: {  	v7 =	vor.u32 v7, v27;
	_ =	sdelay $0x1  }
0x414: {  	[tilespmem:s24+$0xF580] =	vst v8  }
0x415: {  	v8 =	vld.idx.msk [tilespmem:v9+s29+$0x0], $0xffff  }
0x416: {  	v9 =	vld [tilespmem:$0x1FE00];
	[tilespmem:s24+$0xF920] =	vst v6  }
0x417: {  	v6 =	vld.idx.msk [tilespmem:v7+s29+$0x0], $0xffff  }
0x418: {  	v7 =	vld [tilespmem:$0x1FC20];
	_ =	sdelay $0x2  }
0x419: {  	v9 =	vor.u32 v9, v27;
	_ =	sdelay $0x1  }
0x41a: {  	v7 =	vor.u32 v7, v27;
	_ =	sdelay $0x1  }
0x41b: {  	[tilespmem:s24+$0xF590] =	vst v8  }
0x41c: {  	v8 =	vld.idx.msk [tilespmem:v9+s29+$0x0], $0xffff  }
0x41d: {  	v9 =	vld [tilespmem:$0x1FE10];
	[tilespmem:s24+$0xF930] =	vst v6  }
0x41e: {  	v6 =	vld.idx.msk [tilespmem:v7+s29+$0x0], $0xffff  }
0x41f: {  	v7 =	vld [tilespmem:$0x1FC30];
	_ =	sdelay $0x2  }
0x420: {  	v9 =	vor.u32 v9, v27;
	_ =	sdelay $0x1  }
0x421: {  	v7 =	vor.u32 v7, v27;
	_ =	sdelay $0x1  }
0x422: {  	[tilespmem:s24+$0xF5A0] =	vst v8  }
0x423: {  	v8 =	vld.idx.msk [tilespmem:v9+s29+$0x0], $0xffff  }
0x424: {  	v9 =	vld [tilespmem:$0x1FE20];
	[tilespmem:s24+$0xF940] =	vst v6  }
0x425: {  	v6 =	vld.idx.msk [tilespmem:v7+s29+$0x0], $0xffff  }
0x426: {  	v7 =	vld [tilespmem:$0x1FC40];
	_ =	sdelay $0x2  }
0x427: {  	v9 =	vor.u32 v9, v27;
	_ =	sdelay $0x1  }
0x428: {  	v7 =	vor.u32 v7, v27;
	_ =	sdelay $0x1  }
0x429: {  	[tilespmem:s24+$0xF5B0] =	vst v8  }
0x42a: {  	v8 =	vld.idx.msk [tilespmem:v9+s29+$0x0], $0xffff  }
0x42b: {  	v9 =	vld [tilespmem:$0x1FE30];
	[tilespmem:s24+$0xF950] =	vst v6  }
0x42c: {  	v6 =	vld.idx.msk [tilespmem:v7+s29+$0x0], $0xffff  }
0x42d: {  	v7 =	vld [tilespmem:$0x1FC50];
	_ =	sdelay $0x2  }
0x42e: {  	v9 =	vor.u32 v9, v27;
	_ =	sdelay $0x1  }
0x42f: {  	v7 =	vor.u32 v7, v27;
	_ =	sdelay $0x1  }
0x430: {  	[tilespmem:s24+$0xF5C0] =	vst v8  }
0x431: {  	v8 =	vld.idx.msk [tilespmem:v9+s29+$0x0], $0xffff  }
0x432: {  	v9 =	vld [tilespmem:$0x1FE40];
	[tilespmem:s24+$0xF960] =	vst v6  }
0x433: {  	v6 =	vld.idx.msk [tilespmem:v7+s29+$0x0], $0xffff  }
0x434: {  	v7 =	vld [tilespmem:$0x1FC60];
	_ =	sdelay $0x2  }
0x435: {  	v9 =	vor.u32 v9, v27;
	_ =	sdelay $0x1  }
0x436: {  	v7 =	vor.u32 v7, v27;
	_ =	sdelay $0x1  }
0x437: {  	[tilespmem:s24+$0xF5D0] =	vst v8  }
0x438: {  	v8 =	vld.idx.msk [tilespmem:v9+s29+$0x0], $0xffff  }
0x439: {  	v9 =	vld [tilespmem:$0x1FE50];
	[tilespmem:s24+$0xF970] =	vst v6  }
0x43a: {  	v6 =	vld.idx.msk [tilespmem:v7+s29+$0x0], $0xffff  }
0x43b: {  	v7 =	vld [tilespmem:$0x1FC70];
	_ =	sdelay $0x2  }
0x43c: {  	v9 =	vor.u32 v9, v27;
	_ =	sdelay $0x1  }
0x43d: {  	v7 =	vor.u32 v7, v27;
	_ =	sdelay $0x1  }
0x43e: {  	[tilespmem:s24+$0xF5E0] =	vst v8  }
0x43f: {  	v8 =	vld.idx.msk [tilespmem:v9+s29+$0x0], $0xffff  }
0x440: {  	v9 =	vld [tilespmem:$0x1FE60];
	[tilespmem:s24+$0xFD00] =	vst v6  }
0x441: {  	v6 =	vld.idx.msk [tilespmem:v7+s29+$0x0], $0xffff  }
0x442: {  	v7 =	vld [tilespmem:$0x1FC80];
	_ =	sdelay $0x2  }
0x443: {  	v9 =	vor.u32 v9, v27;
	_ =	sdelay $0x1  }
0x444: {  	v7 =	vor.u32 v7, v27;
	_ =	sdelay $0x1  }
0x445: {  	[tilespmem:s24+$0xF5F0] =	vst v8  }
0x446: {  	v8 =	vld.idx.msk [tilespmem:v9+s29+$0x0], $0xffff  }
0x447: {  	v9 =	vld [tilespmem:$0x1FE70];
	[tilespmem:s24+$0xFD10] =	vst v6  }
0x448: {  	v6 =	vld.idx.msk [tilespmem:v7+s29+$0x0], $0xffff  }
0x449: {  	v7 =	vld [tilespmem:$0x1FC90];
	_ =	sdelay $0x2  }
0x44a: {  	v9 =	vor.u32 v9, v27;
	_ =	sdelay $0x1  }
0x44b: {  	v7 =	vor.u32 v7, v27;
	_ =	sdelay $0x1  }
0x44c: {  	[tilespmem:s24+$0xF980] =	vst v8  }
0x44d: {  	v8 =	vld.idx.msk [tilespmem:v9+s29+$0x0], $0xffff  }
0x44e: {  	v9 =	vld [tilespmem:$0x1FE80];
	[tilespmem:s24+$0xFD20] =	vst v6  }
0x44f: {  	v6 =	vld.idx.msk [tilespmem:v7+s29+$0x0], $0xffff  }
0x450: {  	v7 =	vld [tilespmem:$0x1FCA0];
	_ =	sdelay $0x2  }
0x451: {  	v9 =	vor.u32 v9, v27;
	_ =	sdelay $0x1  }
0x452: {  	v7 =	vor.u32 v7, v27;
	_ =	sdelay $0x1  }
0x453: {  	[tilespmem:s24+$0xF990] =	vst v8  }
0x454: {  	v8 =	vld.idx.msk [tilespmem:v9+s29+$0x0], $0xffff  }
0x455: {  	v9 =	vld [tilespmem:$0x1FE90];
	[tilespmem:s24+$0xFD30] =	vst v6  }
0x456: {  	v6 =	vld.idx.msk [tilespmem:v7+s29+$0x0], $0xffff  }
0x457: {  	v7 =	vld [tilespmem:$0x1FCB0];
	_ =	sdelay $0x2  }
0x458: {  	v9 =	vor.u32 v9, v27;
	_ =	sdelay $0x1  }
0x459: {  	v7 =	vor.u32 v7, v27;
	_ =	sdelay $0x1  }
0x45a: {  	[tilespmem:s24+$0xF9A0] =	vst v8  }
0x45b: {  	v8 =	vld.idx.msk [tilespmem:v9+s29+$0x0], $0xffff  }
0x45c: {  	v9 =	vld [tilespmem:$0x1FEA0];
	[tilespmem:s24+$0xFD40] =	vst v6  }
0x45d: {  	v6 =	vld.idx.msk [tilespmem:v7+s29+$0x0], $0xffff  }
0x45e: {  	v7 =	vld [tilespmem:$0x1FCC0];
	_ =	sdelay $0x2  }
0x45f: {  	v9 =	vor.u32 v9, v27;
	_ =	sdelay $0x1  }
0x460: {  	v7 =	vor.u32 v7, v27;
	_ =	sdelay $0x1  }
0x461: {  	[tilespmem:s24+$0xF9B0] =	vst v8  }
0x462: {  	v8 =	vld.idx.msk [tilespmem:v9+s29+$0x0], $0xffff  }
0x463: {  	v9 =	vld [tilespmem:$0x1FEB0];
	[tilespmem:s24+$0xFD50] =	vst v6  }
0x464: {  	v6 =	vld.idx.msk [tilespmem:v7+s29+$0x0], $0xffff  }
0x465: {  	v7 =	vld [tilespmem:$0x1FCD0];
	_ =	sdelay $0x2  }
0x466: {  	v9 =	vor.u32 v9, v27;
	_ =	sdelay $0x1  }
0x467: {  	v7 =	vor.u32 v7, v27;
	_ =	sdelay $0x1  }
0x468: {  	[tilespmem:s24+$0xF9C0] =	vst v8  }
0x469: {  	v8 =	vld.idx.msk [tilespmem:v9+s29+$0x0], $0xffff  }
0x46a: {  	v9 =	vld [tilespmem:$0x1FEC0];
	[tilespmem:s24+$0xFD60] =	vst v6  }
0x46b: {  	v6 =	vld.idx.msk [tilespmem:v7+s29+$0x0], $0xffff  }
0x46c: {  	v7 =	vld [tilespmem:$0x1FCE0];
	_ =	sdelay $0x2  }
0x46d: {  	v9 =	vor.u32 v9, v27;
	_ =	sdelay $0x1  }
0x46e: {  	v7 =	vor.u32 v7, v27;
	_ =	sdelay $0x1  }
0x46f: {  	[tilespmem:s24+$0xF9D0] =	vst v8  }
0x470: {  	v8 =	vld.idx.msk [tilespmem:v9+s29+$0x0], $0xffff  }
0x471: {  	v9 =	vld [tilespmem:$0x1FED0];
	[tilespmem:s24+$0xFD70] =	vst v6  }
0x472: {  	v6 =	vld.idx.msk [tilespmem:v7+s29+$0x0], $0xffff  }
0x473: {  	v7 =	vld [tilespmem:$0x1FCF0];
	_ =	sdelay $0x2  }
0x474: {  	v9 =	vor.u32 v9, v27;
	_ =	sdelay $0x1  }
0x475: {  	v7 =	vor.u32 v7, v27;
	_ =	sdelay $0x1  }
0x476: {  	[tilespmem:s24+$0xF9E0] =	vst v8  }
0x477: {  	v8 =	vld.idx.msk [tilespmem:v9+s29+$0x0], $0xffff  }
0x478: {  	v9 =	vld [tilespmem:$0x1FEE0];
	[tilespmem:s24+$0x10100] =	vst v6  }
0x479: {  	v6 =	vld.idx.msk [tilespmem:v7+s29+$0x0], $0xffff  }
0x47a: {  	v7 =	vld [tilespmem:$0x1FD00];
	_ =	sdelay $0x2  }
0x47b: {  	v9 =	vor.u32 v9, v27;
	_ =	sdelay $0x1  }
0x47c: {  	v7 =	vor.u32 v7, v27;
	_ =	sdelay $0x1  }
0x47d: {  	[tilespmem:s24+$0xF9F0] =	vst v8  }
0x47e: {  	v8 =	vld.idx.msk [tilespmem:v9+s29+$0x0], $0xffff  }
0x47f: {  	v9 =	vld [tilespmem:$0x1FEF0];
	[tilespmem:s24+$0x10110] =	vst v6  }
0x480: {  	v6 =	vld.idx.msk [tilespmem:v7+s29+$0x0], $0xffff  }
0x481: {  	v7 =	vld [tilespmem:$0x1FD10];
	_ =	sdelay $0x2  }
0x482: {  	v9 =	vor.u32 v9, v27;
	_ =	sdelay $0x1  }
0x483: {  	v7 =	vor.u32 v7, v27;
	_ =	sdelay $0x1  }
0x484: {  	[tilespmem:s24+$0xFD80] =	vst v8  }
0x485: {  	v8 =	vld.idx.msk [tilespmem:v9+s29+$0x0], $0xffff  }
0x486: {  	v9 =	vld [tilespmem:$0x1FF00];
	[tilespmem:s24+$0x10120] =	vst v6  }
0x487: {  	v6 =	vld.idx.msk [tilespmem:v7+s29+$0x0], $0xffff  }
0x488: {  	v7 =	vld [tilespmem:$0x1FD20];
	_ =	sdelay $0x2  }
0x489: {  	v9 =	vor.u32 v9, v27;
	_ =	sdelay $0x1  }
0x48a: {  	v7 =	vor.u32 v7, v27;
	_ =	sdelay $0x1  }
0x48b: {  	[tilespmem:s24+$0xFD90] =	vst v8  }
0x48c: {  	v8 =	vld.idx.msk [tilespmem:v9+s29+$0x0], $0xffff  }
0x48d: {  	v9 =	vld [tilespmem:$0x1FF10];
	[tilespmem:s24+$0x10130] =	vst v6  }
0x48e: {  	v6 =	vld.idx.msk [tilespmem:v7+s29+$0x0], $0xffff  }
0x48f: {  	v7 =	vld [tilespmem:$0x1FD30];
	_ =	sdelay $0x2  }
0x490: {  	v9 =	vor.u32 v9, v27;
	_ =	sdelay $0x1  }
0x491: {  	v7 =	vor.u32 v7, v27;
	_ =	sdelay $0x1  }
0x492: {  	[tilespmem:s24+$0xFDA0] =	vst v8  }
0x493: {  	v8 =	vld.idx.msk [tilespmem:v9+s29+$0x0], $0xffff  }
0x494: {  	v9 =	vld [tilespmem:$0x1FF20];
	[tilespmem:s24+$0x10140] =	vst v6  }
0x495: {  	v6 =	vld.idx.msk [tilespmem:v7+s29+$0x0], $0xffff  }
0x496: {  	v7 =	vld [tilespmem:$0x1FD40];
	_ =	sdelay $0x2  }
0x497: {  	v9 =	vor.u32 v9, v27;
	_ =	sdelay $0x1  }
0x498: {  	v7 =	vor.u32 v7, v27;
	_ =	sdelay $0x1  }
0x499: {  	[tilespmem:s24+$0xFDB0] =	vst v8  }
0x49a: {  	v8 =	vld.idx.msk [tilespmem:v9+s29+$0x0], $0xffff  }
0x49b: {  	v9 =	vld [tilespmem:$0x1FF30];
	[tilespmem:s24+$0x10150] =	vst v6  }
0x49c: {  	v6 =	vld.idx.msk [tilespmem:v7+s29+$0x0], $0xffff  }
0x49d: {  	v7 =	vld [tilespmem:$0x1FD50];
	_ =	sdelay $0x2  }
0x49e: {  	v9 =	vor.u32 v9, v27;
	_ =	sdelay $0x1  }
0x49f: {  	v7 =	vor.u32 v7, v27;
	_ =	sdelay $0x1  }
0x4a0: {  	[tilespmem:s24+$0xFDC0] =	vst v8  }
0x4a1: {  	v8 =	vld.idx.msk [tilespmem:v9+s29+$0x0], $0xffff  }
0x4a2: {  	v9 =	vld [tilespmem:$0x1FF40];
	[tilespmem:s24+$0x10160] =	vst v6  }
0x4a3: {  	v6 =	vld.idx.msk [tilespmem:v7+s29+$0x0], $0xffff  }
0x4a4: {  	v7 =	vld [tilespmem:$0x1FD60];
	_ =	sdelay $0x2  }
0x4a5: {  	v9 =	vor.u32 v9, v27;
	_ =	sdelay $0x1  }
0x4a6: {  	v7 =	vor.u32 v7, v27;
	_ =	sdelay $0x1  }
0x4a7: {  	[tilespmem:s24+$0xFDD0] =	vst v8  }
0x4a8: {  	v8 =	vld.idx.msk [tilespmem:v9+s29+$0x0], $0xffff  }
0x4a9: {  	v9 =	vld [tilespmem:$0x1FF50];
	[tilespmem:s24+$0x10170] =	vst v6  }
0x4aa: {  	v6 =	vld.idx.msk [tilespmem:v7+s29+$0x0], $0xffff  }
0x4ab: {  	v7 =	vld [tilespmem:$0x1FD70];
	_ =	sdelay $0x2  }
0x4ac: {  	v9 =	vor.u32 v9, v27;
	_ =	sdelay $0x1  }
0x4ad: {  	v7 =	vor.u32 v7, v27;
	_ =	sdelay $0x1  }
0x4ae: {  	[tilespmem:s24+$0xFDE0] =	vst v8  }
0x4af: {  	v8 =	vld.idx.msk [tilespmem:v9+s29+$0x0], $0xffff  }
0x4b0: {  	v9 =	vld [tilespmem:$0x1EF50];
	[tilespmem:s24+$0x10500] =	vst v6  }
0x4b1: {  	v6 =	vld.idx.msk [tilespmem:v7+s29+$0x0], $0xffff  }
0x4b2: {  	v7 =	vld [tilespmem:$0x1FD80];
	_ =	sdelay $0x2  }
0x4b3: {  	v9 =	vor.u32 v9, v27;
	_ =	sdelay $0x1  }
0x4b4: {  	v7 =	vor.u32 v7, v27;
	_ =	sdelay $0x1  }
0x4b5: {  	[tilespmem:s24+$0xFDF0] =	vst v8  }
0x4b6: {  	v8 =	vld.idx.msk [tilespmem:v9+s29+$0x0], $0xffff  }
0x4b7: {  	v9 =	vld [tilespmem:$0x1EF60];
	[tilespmem:s24+$0x10510] =	vst v6  }
0x4b8: {  	v6 =	vld.idx.msk [tilespmem:v7+s29+$0x0], $0xffff  }
0x4b9: {  	v7 =	vld [tilespmem:$0x1FD90];
	_ =	sdelay $0x2  }
0x4ba: {  	v9 =	vor.u32 v9, v27;
	_ =	sdelay $0x1  }
0x4bb: {  	v7 =	vor.u32 v7, v27;
	_ =	sdelay $0x1  }
0x4bc: {  	[tilespmem:s24+$0x10180] =	vst v8  }
0x4bd: {  	v8 =	vld.idx.msk [tilespmem:v9+s29+$0x0], $0xffff  }
0x4be: {  	v9 =	vld [tilespmem:$0x1EF70];
	[tilespmem:s24+$0x10520] =	vst v6  }
0x4bf: {  	v6 =	vld.idx.msk [tilespmem:v7+s29+$0x0], $0xffff  }
0x4c0: {  	v7 =	vld [tilespmem:$0x1FDA0];
	_ =	sdelay $0x2  }
0x4c1: {  	v9 =	vor.u32 v9, v27;
	_ =	sdelay $0x1  }
0x4c2: {  	v7 =	vor.u32 v7, v27;
	_ =	sdelay $0x1  }
0x4c3: {  	[tilespmem:s24+$0x10190] =	vst v8  }
0x4c4: {  	v8 =	vld.idx.msk [tilespmem:v9+s29+$0x0], $0xffff  }
0x4c5: {  	v9 =	vld [tilespmem:$0x1EF80];
	[tilespmem:s24+$0x10530] =	vst v6  }
0x4c6: {  	v6 =	vld.idx.msk [tilespmem:v7+s29+$0x0], $0xffff  }
0x4c7: {  	v7 =	vld [tilespmem:$0x1FDB0];
	_ =	sdelay $0x2  }
0x4c8: {  	v9 =	vor.u32 v9, v27;
	_ =	sdelay $0x1  }
0x4c9: {  	v7 =	vor.u32 v7, v27;
	_ =	sdelay $0x1  }
0x4ca: {  	[tilespmem:s24+$0x101A0] =	vst v8  }
0x4cb: {  	v8 =	vld.idx.msk [tilespmem:v9+s29+$0x0], $0xffff  }
0x4cc: {  	v9 =	vld [tilespmem:$0x1EF90];
	[tilespmem:s24+$0x10540] =	vst v6  }
0x4cd: {  	v6 =	vld.idx.msk [tilespmem:v7+s29+$0x0], $0xffff  }
0x4ce: {  	v7 =	vld [tilespmem:$0x1FDC0];
	_ =	sdelay $0x3  }
0x4cf: {  	v9 =	vor.u32 v9, v27  }
0x4d0: {  	v7 =	vor.u32 v7, v27;
	_ =	sdelay $0x2  }
0x4d1: {  	[tilespmem:s24+$0x101B0] =	vst v8  }
0x4d2: {  	v8 =	vld.idx.msk [tilespmem:v9+s29+$0x0], $0xffff;
	[tilespmem:s24+$0x10550] =	vst v6  }
0x4d3: {  	v6 =	vld.idx.msk [tilespmem:v7+s29+$0x0], $0xffff  }
0x4d4: {  	v7 =	vld [tilespmem:$0x1FDD0]  }
0x4d5: {  	v9 =	vld [tilespmem:$0x1EFA0];
	_ =	sdelay $0x3  }
0x4d6: {  	v7 =	vor.u32 v7, v27  }
0x4d7: {  	v9 =	vor.u32 v9, v27;
	_ =	sdelay $0x1  }
0x4d8: {  	[tilespmem:s24+$0x101C0] =	vst v8  }
0x4d9: {  	v8 =	vld [tilespmem:$0x1EFB0];
	[tilespmem:s24+$0x10560] =	vst v6  }
0x4da: {  	v6 =	vld.idx.msk [tilespmem:v7+s29+$0x0], $0xffff  }
0x4db: {  	v7 =	vld.idx.msk [tilespmem:v9+s29+$0x0], $0xffff;
	_ =	sdelay $0x3  }
0x4dc: {  	v8 =	vor.u32 v8, v27  }
0x4dd: {  	[tilespmem:s24+$0x101D0] =	vst v7;
	v7 =	vld [tilespmem:$0x1EFC0];
	_ =	sdelay $0x3  }
0x4de: {  	[tilespmem:s24+$0x10570] =	vst v6;
	v6 =	vld.idx.msk [tilespmem:v8+s29+$0x0], $0xffff  }
0x4df: {  	v7 =	vor.u32 v7, v27;
	_ =	sdelay $0x3  }
0x4e0: {  	[tilespmem:s24+$0x101E0] =	vst v6  }
0x4e1: {  	v6 =	vld.idx.msk [tilespmem:v7+s29+$0x0], $0xffff  }
0x4e2: {  	v7 =	vld [tilespmem:$0x1EFD0];
	_ =	sdelay $0x4  }
0x4e3: {  	v7 =	vor.u32 v7, v27;
	_ =	sdelay $0x3  }
0x4e4: {  	[tilespmem:s24+$0x101F0] =	vst v6  }
0x4e5: {  	v6 =	vld.idx.msk [tilespmem:v7+s29+$0x0], $0xffff  }
0x4e6: {  	v7 =	vld [tilespmem:$0x1EFE0];
	_ =	sdelay $0x4  }
0x4e7: {  	v7 =	vor.u32 v7, v27;
	_ =	sdelay $0x3  }
0x4e8: {  	[tilespmem:s24+$0x10580] =	vst v6  }
0x4e9: {  	v6 =	vld.idx.msk [tilespmem:v7+s29+$0x0], $0xffff  }
0x4ea: {  	v7 =	vld [tilespmem:$0x1EFF0];
	_ =	sdelay $0x4  }
0x4eb: {  	v7 =	vor.u32 v7, v27;
	_ =	sdelay $0x3  }
0x4ec: {  	[tilespmem:s24+$0x10590] =	vst v6  }
0x4ed: {  	v6 =	vld.idx.msk [tilespmem:v7+s29+$0x0], $0xffff  }
0x4ee: {  	v7 =	vld [tilespmem:$0x1F000];
	_ =	sdelay $0x1  }
0x4ef: {  	v10 =	vld [tilespmem:$0x1F070]  }
0x4f0: {  	v11 =	vld [tilespmem:$0x1F090];
	_ =	sdelay $0x1  }
0x4f1: {  	v7 =	vor.u32 v7, v27;
	_ =	sdelay $0x1  }
0x4f2: {  	v10 =	vor.u32 v10, v27  }
0x4f3: {  	v11 =	vor.u32 v11, v27  }
0x4f4: {  	v15 =	vld [tilespmem:$0x1F0D0];
	[tilespmem:s24+$0x105A0] =	vst v6  }
0x4f5: {  	v6 =	vld.idx.msk [tilespmem:v7+s29+$0x0], $0xffff  }
0x4f6: {  	v7 =	vld [tilespmem:$0x1F010]  }
0x4f7: {  	v10 =	vld.idx.msk [tilespmem:v10+s29+$0x0], $0xffff  }
0x4f8: {  	v11 =	vld.idx.msk [tilespmem:v11+s29+$0x0], $0xffff  }
0x4f9: {  	v8 =	vld [tilespmem:$0x1F050]  }
0x4fa: {  	v15 =	vor.u32 v15, v27;
	v9 =	vld [tilespmem:$0x1F060]  }
0x4fb: {  	v7 =	vor.u32 v7, v27  }
0x4fc: {  	v12 =	vld [tilespmem:$0x1F0A0]  }
0x4fd: {  	[tilespmem:s24+$0xF800] =	vst v11;
	v11 =	vld [tilespmem:$0x1F130]  }
0x4fe: {  	[tilespmem:s24+$0xF700] =	vst v10;
	v13 =	vld [tilespmem:$0x1F0B0];
	v8 =	vor.u32 v8, v27  }
0x4ff: {  	v15 =	vld.idx.msk [tilespmem:v15+s29+$0x0], $0xffff;
	v9 =	vor.u32 v9, v27;
	[tilespmem:s24+$0x105B0] =	vst v6  }
0x500: {  	v6 =	vld.idx.msk [tilespmem:v7+s29+$0x0], $0xffff  }
0x501: {  	v7 =	vld [tilespmem:$0x1F020]  }
0x502: {  	v14 =	vld [tilespmem:$0x1F0C0];
	v11 =	vor.u32 v11, v27  }
0x503: {  	v8 =	vld.idx.msk [tilespmem:v8+s29+$0x0], $0xffff  }
0x504: {  	v13 =	vor.u32 v13, v27;
	v9 =	vld.idx.msk [tilespmem:v9+s29+$0x0], $0xffff  }
0x505: {  	v10 =	vld [tilespmem:$0x1F110]  }
0x506: {  	[tilespmem:s24+$0xF710] =	vst v15;
	v15 =	vld [tilespmem:$0x1F170];
	v7 =	vor.u32 v7, v27  }
0x507: {  	v11 =	vld.idx.msk [tilespmem:v11+s29+$0x0], $0xffff  }
0x508: {  	v14 =	vor.u32 v14, v27;
	[tilespmem:s24+$0xF600] =	vst v8;
	v8 =	vld [tilespmem:$0x1F0F0]  }
0x509: {  	v12 =	vor.u32 v12, v27;
	[tilespmem:s24+$0xF680] =	vst v9;
	v13 =	vld.idx.msk [tilespmem:v13+s29+$0x0], $0xffff  }
0x50a: {  	v10 =	vor.u32 v10, v27;
	v9 =	vld [tilespmem:$0x1F100];
	[tilespmem:s24+$0x105C0] =	vst v6  }
0x50b: {  	v6 =	vld.idx.msk [tilespmem:v7+s29+$0x0], $0xffff  }
0x50c: {  	v7 =	vld [tilespmem:$0x1F030]  }
0x50d: {  	v14 =	vld.idx.msk [tilespmem:v14+s29+$0x0], $0xffff  }
0x50e: {  	v12 =	vld.idx.msk [tilespmem:v12+s29+$0x0], $0xffff;
	v8 =	vor.u32 v8, v27;
	[tilespmem:s24+$0xF610] =	vst v13  }
0x50f: {  	v9 =	vor.u32 v9, v27;
	v10 =	vld.idx.msk [tilespmem:v10+s29+$0x0], $0xffff  }
0x510: {  	v13 =	vld [tilespmem:$0x1F150]  }
0x511: {  	[tilespmem:s24+$0xF720] =	vst v11;
	v11 =	vld [tilespmem:$0x1F1D0];
	v7 =	vor.u32 v7, v27  }
0x512: {  	v15 =	vor.u32 v15, v27;
	[tilespmem:s24+$0xF690] =	vst v14;
	v14 =	vld [tilespmem:$0x1F160]  }
0x513: {  	[tilespmem:s24+$0xF880] =	vst v12;
	v8 =	vld.idx.msk [tilespmem:v8+s29+$0x0], $0xffff  }
0x514: {  	v9 =	vld.idx.msk [tilespmem:v9+s29+$0x0], $0xffff;
	[tilespmem:s24+$0xF620] =	vst v10  }
0x515: {  	v13 =	vor.u32 v13, v27;
	v10 =	vld [tilespmem:$0x1F1B0];
	[tilespmem:s24+$0x105D0] =	vst v6  }
0x516: {  	v6 =	vld.idx.msk [tilespmem:v7+s29+$0x0], $0xffff  }
0x517: {  	v15 =	vld.idx.msk [tilespmem:v15+s29+$0x0], $0xffff  }
0x518: {  	[tilespmem:s24+$0xF810] =	vst v8;
	v8 =	vld [tilespmem:$0x1F190]  }
0x519: {  	v11 =	vor.u32 v11, v27;
	v7 =	vld [tilespmem:$0x1F040]  }
0x51a: {  	v13 =	vld.idx.msk [tilespmem:v13+s29+$0x0], $0xffff  }
0x51b: {  	v14 =	vor.u32 v14, v27;
	[tilespmem:s24+$0x105E0] =	vst v6;
	v6 =	vld [tilespmem:$0x1F080]  }
0x51c: {  	v12 =	vld [tilespmem:$0x1F140];
	v10 =	vor.u32 v10, v27  }
0x51d: {  	[tilespmem:s24+$0xF630] =	vst v15;
	v15 =	vld [tilespmem:$0x1F210];
	v8 =	vor.u32 v8, v27  }
0x51e: {  	[tilespmem:s24+$0xF890] =	vst v9;
	v11 =	vld.idx.msk [tilespmem:v11+s29+$0x0], $0xffff;
	v7 =	vor.u32 v7, v27  }
0x51f: {  	[tilespmem:s24+$0xF820] =	vst v13;
	v13 =	vld [tilespmem:$0x1F1F0]  }
0x520: {  	v14 =	vld.idx.msk [tilespmem:v14+s29+$0x0], $0xffff;
	v6 =	vor.u32 v6, v27  }
0x521: {  	v10 =	vld.idx.msk [tilespmem:v10+s29+$0x0], $0xffff  }
0x522: {  	v15 =	vor.u32 v15, v27;
	v8 =	vld.idx.msk [tilespmem:v8+s29+$0x0], $0xffff  }
0x523: {  	v7 =	vld.idx.msk [tilespmem:v7+s29+$0x0], $0xffff  }
0x524: {  	[tilespmem:s24+$0xF640] =	vst v11;
	v11 =	vld [tilespmem:$0x1F270];
	v13 =	vor.u32 v13, v27  }
0x525: {  	v6 =	vld.idx.msk [tilespmem:v6+s29+$0x0], $0xffff  }
0x526: {  	[tilespmem:s24+$0xF830] =	vst v10;
	v10 =	vld [tilespmem:$0x1F250]  }
0x527: {  	v15 =	vld.idx.msk [tilespmem:v15+s29+$0x0], $0xffff;
	[tilespmem:s24+$0xF730] =	vst v8  }
0x528: {  	[tilespmem:s24+$0x105F0] =	vst v7;
	v7 =	vld [tilespmem:$0x1F0E0]  }
0x529: {  	v11 =	vor.u32 v11, v27;
	v13 =	vld.idx.msk [tilespmem:v13+s29+$0x0], $0xffff  }
0x52a: {  	[tilespmem:s24+$0xF780] =	vst v6;
	v6 =	vld [tilespmem:$0x1F120]  }
0x52b: {  	v8 =	vld [tilespmem:$0x1F230];
	v10 =	vor.u32 v10, v27  }
0x52c: {  	[tilespmem:s24+$0xF840] =	vst v15;
	v15 =	vld [tilespmem:$0x1F2B0]  }
0x52d: {  	v9 =	vld [tilespmem:$0x1F1A0];
	v7 =	vor.u32 v7, v27  }
0x52e: {  	[tilespmem:s24+$0xF8A0] =	vst v14;
	v11 =	vld.idx.msk [tilespmem:v11+s29+$0x0], $0xffff  }
0x52f: {  	v14 =	vld [tilespmem:$0x1F200];
	[tilespmem:s24+$0xF740] =	vst v13;
	v6 =	vor.u32 v6, v27  }
0x530: {  	v8 =	vor.u32 v8, v27;
	v10 =	vld.idx.msk [tilespmem:v10+s29+$0x0], $0xffff  }
0x531: {  	v13 =	vld [tilespmem:$0x1F290];
	v15 =	vor.u32 v15, v27  }
0x532: {  	v7 =	vld.idx.msk [tilespmem:v7+s29+$0x0], $0xffff  }
0x533: {  	v12 =	vor.u32 v12, v27;
	[tilespmem:s24+$0xF850] =	vst v11;
	v11 =	vld [tilespmem:$0x1F310]  }
0x534: {  	v6 =	vld.idx.msk [tilespmem:v6+s29+$0x0], $0xffff  }
0x535: {  	v8 =	vld.idx.msk [tilespmem:v8+s29+$0x0], $0xffff;
	[tilespmem:s24+$0xF750] =	vst v10  }
0x536: {  	v15 =	vld.idx.msk [tilespmem:v15+s29+$0x0], $0xffff  }
0x537: {  	v13 =	vor.u32 v13, v27;
	[tilespmem:s24+$0xF790] =	vst v7;
	v7 =	vld [tilespmem:$0x1F180]  }
0x538: {  	v12 =	vld.idx.msk [tilespmem:v12+s29+$0x0], $0xffff  }
0x539: {  	[tilespmem:s24+$0xF6A0] =	vst v6;
	v6 =	vld [tilespmem:$0x1F1C0]  }
0x53a: {  	v9 =	vor.u32 v9, v27;
	v10 =	vld [tilespmem:$0x1F2F0]  }
0x53b: {  	v11 =	vor.u32 v11, v27;
	[tilespmem:s24+$0xF650] =	vst v8;
	v8 =	vld [tilespmem:$0x1F2D0]  }
0x53c: {  	v13 =	vld.idx.msk [tilespmem:v13+s29+$0x0], $0xffff;
	v7 =	vor.u32 v7, v27  }
0x53d: {  	[tilespmem:s24+$0xF7A0] =	vst v12;
	v12 =	vld [tilespmem:$0x1F1E0]  }
0x53e: {  	[tilespmem:s24+$0xF760] =	vst v15;
	v15 =	vld [tilespmem:$0x1F350];
	v6 =	vor.u32 v6, v27  }
0x53f: {  	v9 =	vld.idx.msk [tilespmem:v9+s29+$0x0], $0xffff  }
0x540: {  	v14 =	vor.u32 v14, v27;
	v11 =	vld.idx.msk [tilespmem:v11+s29+$0x0], $0xffff  }
0x541: {  	v7 =	vld.idx.msk [tilespmem:v7+s29+$0x0], $0xffff  }
0x542: {  	[tilespmem:s24+$0xF660] =	vst v13;
	v13 =	vld [tilespmem:$0x1F330];
	v12 =	vor.u32 v12, v27  }
0x543: {  	v6 =	vld.idx.msk [tilespmem:v6+s29+$0x0], $0xffff  }
0x544: {  	v10 =	vor.u32 v10, v27;
	[tilespmem:s24+$0xF7B0] =	vst v9;
	v9 =	vld [tilespmem:$0x1F240]  }
0x545: {  	v14 =	vld.idx.msk [tilespmem:v14+s29+$0x0], $0xffff  }
0x546: {  	[tilespmem:s24+$0xF6B0] =	vst v7;
	v7 =	vld [tilespmem:$0x1F220]  }
0x547: {  	v12 =	vld.idx.msk [tilespmem:v12+s29+$0x0], $0xffff  }
0x548: {  	v8 =	vor.u32 v8, v27;
	[tilespmem:s24+$0xF8B0] =	vst v6;
	v6 =	vld [tilespmem:$0x1F260]  }
0x549: {  	v10 =	vld.idx.msk [tilespmem:v10+s29+$0x0], $0xffff;
	v9 =	vor.u32 v9, v27  }
0x54a: {  	[tilespmem:s24+$0xF7C0] =	vst v14;
	v14 =	vld [tilespmem:$0x1F2A0]  }
0x54b: {  	[tilespmem:s24+$0xF770] =	vst v11;
	v11 =	vld [tilespmem:$0x1F3B0];
	v7 =	vor.u32 v7, v27  }
0x54c: {  	v15 =	vor.u32 v15, v27;
	[tilespmem:s24+$0xF6C0] =	vst v12;
	v12 =	vld [tilespmem:$0x1F280]  }
0x54d: {  	v8 =	vld.idx.msk [tilespmem:v8+s29+$0x0], $0xffff;
	v6 =	vor.u32 v6, v27  }
0x54e: {  	v9 =	vld.idx.msk [tilespmem:v9+s29+$0x0], $0xffff  }
0x54f: {  	[tilespmem:s24+$0xF670] =	vst v10;
	v10 =	vld [tilespmem:$0x1F390];
	v14 =	vor.u32 v14, v27  }
0x550: {  	v7 =	vld.idx.msk [tilespmem:v7+s29+$0x0], $0xffff  }
0x551: {  	v15 =	vld.idx.msk [tilespmem:v15+s29+$0x0], $0xffff;
	v12 =	vor.u32 v12, v27  }
0x552: {  	v6 =	vld.idx.msk [tilespmem:v6+s29+$0x0], $0xffff  }
0x553: {  	v13 =	vor.u32 v13, v27;
	[tilespmem:s24+$0xF6D0] =	vst v9;
	v9 =	vld [tilespmem:$0x1F2E0]  }
0x554: {  	v14 =	vld.idx.msk [tilespmem:v14+s29+$0x0], $0xffff  }
0x555: {  	[tilespmem:s24+$0xF8C0] =	vst v7;
	v7 =	vld [tilespmem:$0x1F2C0]  }
0x556: {  	[tilespmem:s24+$0xF860] =	vst v8;
	v12 =	vld.idx.msk [tilespmem:v12+s29+$0x0], $0xffff  }
0x557: {  	[tilespmem:s24+$0xF7D0] =	vst v6;
	v6 =	vld [tilespmem:$0x1F300]  }
0x558: {  	v13 =	vld.idx.msk [tilespmem:v13+s29+$0x0], $0xffff;
	v9 =	vor.u32 v9, v27  }
0x559: {  	[tilespmem:s24+$0xF6E0] =	vst v14;
	v14 =	vld [tilespmem:$0x1F340]  }
0x55a: {  	v8 =	vld [tilespmem:$0x1F370];
	v7 =	vor.u32 v7, v27  }
0x55b: {  	v10 =	vor.u32 v10, v27;
	[tilespmem:s24+$0xF8D0] =	vst v12;
	v12 =	vld [tilespmem:$0x1F320]  }
0x55c: {  	[tilespmem:s24+$0xFA00] =	vst v15;
	v15 =	vld [tilespmem:$0x1F3F0];
	v6 =	vor.u32 v6, v27  }
0x55d: {  	v9 =	vld.idx.msk [tilespmem:v9+s29+$0x0], $0xffff  }
0x55e: {  	[tilespmem:s24+$0xF870] =	vst v13;
	v13 =	vld [tilespmem:$0x1F3D0];
	v14 =	vor.u32 v14, v27  }
0x55f: {  	v7 =	vld.idx.msk [tilespmem:v7+s29+$0x0], $0xffff  }
0x560: {  	v10 =	vld.idx.msk [tilespmem:v10+s29+$0x0], $0xffff;
	v12 =	vor.u32 v12, v27  }
0x561: {  	v6 =	vld.idx.msk [tilespmem:v6+s29+$0x0], $0xffff  }
0x562: {  	v8 =	vor.u32 v8, v27;
	[tilespmem:s24+$0xF8E0] =	vst v9;
	v9 =	vld [tilespmem:$0x1F380]  }
0x563: {  	v11 =	vor.u32 v11, v27;
	v14 =	vld.idx.msk [tilespmem:v14+s29+$0x0], $0xffff  }
0x564: {  	[tilespmem:s24+$0xF7E0] =	vst v7;
	v7 =	vld [tilespmem:$0x1F360]  }
0x565: {  	v12 =	vld.idx.msk [tilespmem:v12+s29+$0x0], $0xffff  }
0x566: {  	[tilespmem:s24+$0xF6F0] =	vst v6;
	v6 =	vld [tilespmem:$0x1F3A0]  }
0x567: {  	v8 =	vld.idx.msk [tilespmem:v8+s29+$0x0], $0xffff  }
0x568: {  	v11 =	vld.idx.msk [tilespmem:v11+s29+$0x0], $0xffff;
	v9 =	vor.u32 v9, v27  }
0x569: {  	[tilespmem:s24+$0xF8F0] =	vst v14;
	v14 =	vld [tilespmem:$0x1F3E0];
	v7 =	vor.u32 v7, v27  }
0x56a: {  	v15 =	vor.u32 v15, v27;
	[tilespmem:s24+$0xF7F0] =	vst v12;
	v12 =	vld [tilespmem:$0x1F3C0]  }
0x56b: {  	[tilespmem:s24+$0xFC00] =	vst v10;
	v10 =	vld [tilespmem:$0x1F430];
	v6 =	vor.u32 v6, v27  }
0x56c: {  	v13 =	vor.u32 v13, v27;
	[tilespmem:s24+$0xFB00] =	vst v8;
	v8 =	vld [tilespmem:$0x1F410]  }
0x56d: {  	v9 =	vld.idx.msk [tilespmem:v9+s29+$0x0], $0xffff  }
0x56e: {  	v14 =	vor.u32 v14, v27;
	v7 =	vld.idx.msk [tilespmem:v7+s29+$0x0], $0xffff  }
0x56f: {  	v15 =	vld.idx.msk [tilespmem:v15+s29+$0x0], $0xffff;
	v12 =	vor.u32 v12, v27  }
0x570: {  	v6 =	vld.idx.msk [tilespmem:v6+s29+$0x0], $0xffff  }
0x571: {  	v13 =	vld.idx.msk [tilespmem:v13+s29+$0x0], $0xffff  }
0x572: {  	[tilespmem:s24+$0xFB80] =	vst v9;
	v9 =	vld [tilespmem:$0x1F420]  }
0x573: {  	v8 =	vor.u32 v8, v27;
	v14 =	vld.idx.msk [tilespmem:v14+s29+$0x0], $0xffff;
	[tilespmem:s24+$0xFA80] =	vst v7  }
0x574: {  	v12 =	vld.idx.msk [tilespmem:v12+s29+$0x0], $0xffff  }
0x575: {  	v7 =	vld [tilespmem:$0x1F400];
	[tilespmem:s24+$0xFC80] =	vst v6  }
0x576: {  	v6 =	vld [tilespmem:$0x1F440];
	[tilespmem:s24+$0xFA10] =	vst v11  }
0x577: {  	v10 =	vor.u32 v10, v27;
	v11 =	vld [tilespmem:$0x1F450]  }
0x578: {  	v9 =	vor.u32 v9, v27;
	v8 =	vld.idx.msk [tilespmem:v8+s29+$0x0], $0xffff  }
0x579: {  	[tilespmem:s24+$0xFA90] =	vst v12;
	v12 =	vld [tilespmem:$0x1F460]  }
0x57a: {  	v7 =	vor.u32 v7, v27;
	[tilespmem:s24+$0xFB10] =	vst v13;
	v13 =	vld [tilespmem:$0x1F470]  }
0x57b: {  	[tilespmem:s24+$0xFB90] =	vst v14;
	v14 =	vld [tilespmem:$0x1F480]  }
0x57c: {  	v10 =	vld.idx.msk [tilespmem:v10+s29+$0x0], $0xffff  }
0x57d: {  	v9 =	vld.idx.msk [tilespmem:v9+s29+$0x0], $0xffff  }
0x57e: {  	[tilespmem:s24+$0xFC10] =	vst v15;
	v15 =	vld [tilespmem:$0x1F490];
	v6 =	vor.u32 v6, v27  }
0x57f: {  	v7 =	vld.idx.msk [tilespmem:v7+s29+$0x0], $0xffff  }
0x580: {  	v11 =	vor.u32 v11, v27;
	[tilespmem:s24+$0xFA20] =	vst v8;
	v8 =	vld [tilespmem:$0x1F4B0]  }
0x581: {  	v12 =	vor.u32 v12, v27;
	[tilespmem:s24+$0xFB20] =	vst v10;
	v10 =	vld [tilespmem:$0x1F4D0]  }
0x582: {  	v13 =	vor.u32 v13, v27;
	[tilespmem:s24+$0xFAA0] =	vst v9;
	v9 =	vld [tilespmem:$0x1F4C0]  }
0x583: {  	v14 =	vor.u32 v14, v27;
	v6 =	vld.idx.msk [tilespmem:v6+s29+$0x0], $0xffff  }
0x584: {  	v15 =	vor.u32 v15, v27;
	[tilespmem:s24+$0xFC90] =	vst v7;
	v7 =	vld [tilespmem:$0x1F4A0]  }
0x585: {  	v11 =	vld.idx.msk [tilespmem:v11+s29+$0x0], $0xffff  }
0x586: {  	v12 =	vld.idx.msk [tilespmem:v12+s29+$0x0], $0xffff  }
0x587: {  	v13 =	vld.idx.msk [tilespmem:v13+s29+$0x0], $0xffff  }
0x588: {  	v14 =	vld.idx.msk [tilespmem:v14+s29+$0x0], $0xffff  }
0x589: {  	v15 =	vld.idx.msk [tilespmem:v15+s29+$0x0], $0xffff  }
0x58a: {  	v8 =	vor.u32 v8, v27;
	[tilespmem:s24+$0xFBA0] =	vst v6;
	v6 =	vld [tilespmem:$0x1F4E0]  }
0x58b: {  	v9 =	vor.u32 v9, v27;
	[tilespmem:s24+$0xFC20] =	vst v11;
	v11 =	vld [tilespmem:$0x1F4F0]  }
0x58c: {  	v10 =	vor.u32 v10, v27;
	[tilespmem:s24+$0xFCA0] =	vst v12;
	v12 =	vld [tilespmem:$0x1F500]  }
0x58d: {  	[tilespmem:s24+$0xFA30] =	vst v13;
	v13 =	vld [tilespmem:$0x1F510]  }
0x58e: {  	v7 =	vor.u32 v7, v27;
	[tilespmem:s24+$0xFAB0] =	vst v14;
	v14 =	vld [tilespmem:$0x1F520]  }
0x58f: {  	v8 =	vld.idx.msk [tilespmem:v8+s29+$0x0], $0xffff  }
0x590: {  	v9 =	vld.idx.msk [tilespmem:v9+s29+$0x0], $0xffff  }
0x591: {  	v10 =	vld.idx.msk [tilespmem:v10+s29+$0x0], $0xffff  }
0x592: {  	[tilespmem:s24+$0xFB30] =	vst v15;
	v15 =	vld [tilespmem:$0x1F530];
	v6 =	vor.u32 v6, v27  }
0x593: {  	v7 =	vld.idx.msk [tilespmem:v7+s29+$0x0], $0xffff  }
0x594: {  	v11 =	vor.u32 v11, v27;
	[tilespmem:s24+$0xFC30] =	vst v8;
	v8 =	vld [tilespmem:$0x1F550]  }
0x595: {  	v12 =	vor.u32 v12, v27;
	[tilespmem:s24+$0xFCB0] =	vst v9;
	v9 =	vld [tilespmem:$0x1F560]  }
0x596: {  	v13 =	vor.u32 v13, v27;
	[tilespmem:s24+$0xFA40] =	vst v10;
	v10 =	vld [tilespmem:$0x1F570]  }
0x597: {  	v14 =	vor.u32 v14, v27;
	v6 =	vld.idx.msk [tilespmem:v6+s29+$0x0], $0xffff  }
0x598: {  	v15 =	vor.u32 v15, v27;
	[tilespmem:s24+$0xFBB0] =	vst v7;
	v7 =	vld [tilespmem:$0x1F540]  }
0x599: {  	v11 =	vld.idx.msk [tilespmem:v11+s29+$0x0], $0xffff  }
0x59a: {  	v12 =	vld.idx.msk [tilespmem:v12+s29+$0x0], $0xffff  }
0x59b: {  	v13 =	vld.idx.msk [tilespmem:v13+s29+$0x0], $0xffff  }
0x59c: {  	v14 =	vld.idx.msk [tilespmem:v14+s29+$0x0], $0xffff  }
0x59d: {  	v15 =	vld.idx.msk [tilespmem:v15+s29+$0x0], $0xffff  }
0x59e: {  	v8 =	vor.u32 v8, v27;
	[tilespmem:s24+$0xFAC0] =	vst v6;
	v6 =	vld [tilespmem:$0x1F580]  }
0x59f: {  	v9 =	vor.u32 v9, v27;
	[tilespmem:s24+$0xFB40] =	vst v11;
	v11 =	vld [tilespmem:$0x1F590]  }
0x5a0: {  	v10 =	vor.u32 v10, v27;
	[tilespmem:s24+$0xFBC0] =	vst v12;
	v12 =	vld [tilespmem:$0x1F5A0]  }
0x5a1: {  	[tilespmem:s24+$0xFC40] =	vst v13;
	v13 =	vld [tilespmem:$0x1F5B0]  }
0x5a2: {  	v7 =	vor.u32 v7, v27;
	[tilespmem:s24+$0xFCC0] =	vst v14;
	v14 =	vld [tilespmem:$0x1F5C0]  }
0x5a3: {  	v8 =	vld.idx.msk [tilespmem:v8+s29+$0x0], $0xffff  }
0x5a4: {  	v9 =	vld.idx.msk [tilespmem:v9+s29+$0x0], $0xffff  }
0x5a5: {  	v10 =	vld.idx.msk [tilespmem:v10+s29+$0x0], $0xffff  }
0x5a6: {  	[tilespmem:s24+$0xFA50] =	vst v15;
	v15 =	vld [tilespmem:$0x1F5D0];
	v6 =	vor.u32 v6, v27  }
0x5a7: {  	v7 =	vld.idx.msk [tilespmem:v7+s29+$0x0], $0xffff  }
0x5a8: {  	v11 =	vor.u32 v11, v27;
	[tilespmem:s24+$0xFB50] =	vst v8;
	v8 =	vld [tilespmem:$0x1F5F0]  }
0x5a9: {  	v12 =	vor.u32 v12, v27;
	[tilespmem:s24+$0xFBD0] =	vst v9;
	v9 =	vld [tilespmem:$0x1F600]  }
0x5aa: {  	v13 =	vor.u32 v13, v27;
	[tilespmem:s24+$0xFC50] =	vst v10;
	v10 =	vld [tilespmem:$0x1F610]  }
0x5ab: {  	v14 =	vor.u32 v14, v27;
	v6 =	vld.idx.msk [tilespmem:v6+s29+$0x0], $0xffff  }
0x5ac: {  	v15 =	vor.u32 v15, v27;
	[tilespmem:s24+$0xFAD0] =	vst v7;
	v7 =	vld [tilespmem:$0x1F5E0]  }
0x5ad: {  	v11 =	vld.idx.msk [tilespmem:v11+s29+$0x0], $0xffff  }
0x5ae: {  	v12 =	vld.idx.msk [tilespmem:v12+s29+$0x0], $0xffff  }
0x5af: {  	v13 =	vld.idx.msk [tilespmem:v13+s29+$0x0], $0xffff  }
0x5b0: {  	v14 =	vld.idx.msk [tilespmem:v14+s29+$0x0], $0xffff  }
0x5b1: {  	v15 =	vld.idx.msk [tilespmem:v15+s29+$0x0], $0xffff  }
0x5b2: {  	v8 =	vor.u32 v8, v27;
	[tilespmem:s24+$0xFCD0] =	vst v6;
	v6 =	vld [tilespmem:$0x1F620]  }
0x5b3: {  	v9 =	vor.u32 v9, v27;
	[tilespmem:s24+$0xFA60] =	vst v11;
	v11 =	vld [tilespmem:$0x1F630]  }
0x5b4: {  	v10 =	vor.u32 v10, v27;
	[tilespmem:s24+$0xFAE0] =	vst v12;
	v12 =	vld [tilespmem:$0x1F640]  }
0x5b5: {  	[tilespmem:s24+$0xFB60] =	vst v13;
	v13 =	vld [tilespmem:$0x1F650]  }
0x5b6: {  	v7 =	vor.u32 v7, v27;
	[tilespmem:s24+$0xFBE0] =	vst v14;
	v14 =	vld [tilespmem:$0x1F660]  }
0x5b7: {  	v8 =	vld.idx.msk [tilespmem:v8+s29+$0x0], $0xffff  }
0x5b8: {  	v9 =	vld.idx.msk [tilespmem:v9+s29+$0x0], $0xffff  }
0x5b9: {  	v10 =	vld.idx.msk [tilespmem:v10+s29+$0x0], $0xffff  }
0x5ba: {  	[tilespmem:s24+$0xFC60] =	vst v15;
	v15 =	vld [tilespmem:$0x1F670];
	v6 =	vor.u32 v6, v27  }
0x5bb: {  	v7 =	vld.idx.msk [tilespmem:v7+s29+$0x0], $0xffff  }
0x5bc: {  	v11 =	vor.u32 v11, v27;
	[tilespmem:s24+$0xFA70] =	vst v8;
	v8 =	vld [tilespmem:$0x1F690]  }
0x5bd: {  	v12 =	vor.u32 v12, v27;
	[tilespmem:s24+$0xFAF0] =	vst v9;
	v9 =	vld [tilespmem:$0x1F6A0]  }
0x5be: {  	v13 =	vor.u32 v13, v27;
	[tilespmem:s24+$0xFB70] =	vst v10;
	v10 =	vld [tilespmem:$0x1F6B0]  }
0x5bf: {  	v14 =	vor.u32 v14, v27;
	v6 =	vld.idx.msk [tilespmem:v6+s29+$0x0], $0xffff  }
0x5c0: {  	v15 =	vor.u32 v15, v27;
	[tilespmem:s24+$0xFCE0] =	vst v7;
	v7 =	vld [tilespmem:$0x1F680]  }
0x5c1: {  	v11 =	vld.idx.msk [tilespmem:v11+s29+$0x0], $0xffff  }
0x5c2: {  	v12 =	vld.idx.msk [tilespmem:v12+s29+$0x0], $0xffff  }
0x5c3: {  	v13 =	vld.idx.msk [tilespmem:v13+s29+$0x0], $0xffff  }
0x5c4: {  	v14 =	vld.idx.msk [tilespmem:v14+s29+$0x0], $0xffff  }
0x5c5: {  	v15 =	vld.idx.msk [tilespmem:v15+s29+$0x0], $0xffff  }
0x5c6: {  	v8 =	vor.u32 v8, v27;
	[tilespmem:s24+$0xFBF0] =	vst v6;
	v6 =	vld [tilespmem:$0x1F6C0]  }
0x5c7: {  	v9 =	vor.u32 v9, v27;
	[tilespmem:s24+$0xFC70] =	vst v11;
	v11 =	vld [tilespmem:$0x1F6D0]  }
0x5c8: {  	v10 =	vor.u32 v10, v27;
	[tilespmem:s24+$0xFCF0] =	vst v12;
	v12 =	vld [tilespmem:$0x1F6E0]  }
0x5c9: {  	[tilespmem:s24+$0xFE00] =	vst v13;
	v13 =	vld [tilespmem:$0x1F6F0]  }
0x5ca: {  	v7 =	vor.u32 v7, v27;
	[tilespmem:s24+$0xFE80] =	vst v14;
	v14 =	vld [tilespmem:$0x1F700]  }
0x5cb: {  	v8 =	vld.idx.msk [tilespmem:v8+s29+$0x0], $0xffff  }
0x5cc: {  	v9 =	vld.idx.msk [tilespmem:v9+s29+$0x0], $0xffff  }
0x5cd: {  	v10 =	vld.idx.msk [tilespmem:v10+s29+$0x0], $0xffff  }
0x5ce: {  	[tilespmem:s24+$0xFF00] =	vst v15;
	v15 =	vld [tilespmem:$0x1F710];
	v6 =	vor.u32 v6, v27  }
0x5cf: {  	v7 =	vld.idx.msk [tilespmem:v7+s29+$0x0], $0xffff  }
0x5d0: {  	v11 =	vor.u32 v11, v27;
	[tilespmem:s24+$0x10000] =	vst v8;
	v8 =	vld [tilespmem:$0x1F730]  }
0x5d1: {  	v12 =	vor.u32 v12, v27;
	[tilespmem:s24+$0x10080] =	vst v9;
	v9 =	vld [tilespmem:$0x1F740]  }
0x5d2: {  	v13 =	vor.u32 v13, v27;
	[tilespmem:s24+$0xFE10] =	vst v10;
	v10 =	vld [tilespmem:$0x1F750]  }
0x5d3: {  	v14 =	vor.u32 v14, v27;
	v6 =	vld.idx.msk [tilespmem:v6+s29+$0x0], $0xffff  }
0x5d4: {  	v15 =	vor.u32 v15, v27;
	[tilespmem:s24+$0xFF80] =	vst v7;
	v7 =	vld [tilespmem:$0x1F720]  }
0x5d5: {  	v11 =	vld.idx.msk [tilespmem:v11+s29+$0x0], $0xffff  }
0x5d6: {  	v12 =	vld.idx.msk [tilespmem:v12+s29+$0x0], $0xffff  }
0x5d7: {  	v13 =	vld.idx.msk [tilespmem:v13+s29+$0x0], $0xffff  }
0x5d8: {  	v14 =	vld.idx.msk [tilespmem:v14+s29+$0x0], $0xffff  }
0x5d9: {  	v15 =	vld.idx.msk [tilespmem:v15+s29+$0x0], $0xffff  }
0x5da: {  	v8 =	vor.u32 v8, v27;
	[tilespmem:s24+$0xFE90] =	vst v6;
	v6 =	vld [tilespmem:$0x1F760]  }
0x5db: {  	v9 =	vor.u32 v9, v27;
	[tilespmem:s24+$0xFF10] =	vst v11;
	v11 =	vld [tilespmem:$0x1F770]  }
0x5dc: {  	v10 =	vor.u32 v10, v27;
	[tilespmem:s24+$0xFF90] =	vst v12;
	v12 =	vld [tilespmem:$0x1F780]  }
0x5dd: {  	[tilespmem:s24+$0x10010] =	vst v13;
	v13 =	vld [tilespmem:$0x1F790]  }
0x5de: {  	v7 =	vor.u32 v7, v27;
	[tilespmem:s24+$0x10090] =	vst v14;
	v14 =	vld [tilespmem:$0x1F7A0]  }
0x5df: {  	v8 =	vld.idx.msk [tilespmem:v8+s29+$0x0], $0xffff  }
0x5e0: {  	v9 =	vld.idx.msk [tilespmem:v9+s29+$0x0], $0xffff  }
0x5e1: {  	v10 =	vld.idx.msk [tilespmem:v10+s29+$0x0], $0xffff  }
0x5e2: {  	[tilespmem:s24+$0xFE20] =	vst v15;
	v15 =	vld [tilespmem:$0x1F7B0];
	v6 =	vor.u32 v6, v27  }
0x5e3: {  	v7 =	vld.idx.msk [tilespmem:v7+s29+$0x0], $0xffff  }
0x5e4: {  	v11 =	vor.u32 v11, v27;
	[tilespmem:s24+$0xFF20] =	vst v8;
	v8 =	vld [tilespmem:$0x1F7D0]  }
0x5e5: {  	v12 =	vor.u32 v12, v27;
	[tilespmem:s24+$0xFFA0] =	vst v9;
	v9 =	vld [tilespmem:$0x1F7E0]  }
0x5e6: {  	v13 =	vor.u32 v13, v27;
	[tilespmem:s24+$0x10020] =	vst v10;
	v10 =	vld [tilespmem:$0x1F7F0]  }
0x5e7: {  	v14 =	vor.u32 v14, v27;
	v6 =	vld.idx.msk [tilespmem:v6+s29+$0x0], $0xffff  }
0x5e8: {  	v15 =	vor.u32 v15, v27;
	[tilespmem:s24+$0xFEA0] =	vst v7;
	v7 =	vld [tilespmem:$0x1F7C0]  }
0x5e9: {  	v11 =	vld.idx.msk [tilespmem:v11+s29+$0x0], $0xffff  }
0x5ea: {  	v12 =	vld.idx.msk [tilespmem:v12+s29+$0x0], $0xffff  }
0x5eb: {  	v13 =	vld.idx.msk [tilespmem:v13+s29+$0x0], $0xffff  }
0x5ec: {  	v14 =	vld.idx.msk [tilespmem:v14+s29+$0x0], $0xffff  }
0x5ed: {  	v15 =	vld.idx.msk [tilespmem:v15+s29+$0x0], $0xffff  }
0x5ee: {  	v8 =	vor.u32 v8, v27;
	[tilespmem:s24+$0x100A0] =	vst v6;
	v6 =	vld [tilespmem:$0x1F800]  }
0x5ef: {  	v9 =	vor.u32 v9, v27;
	[tilespmem:s24+$0xFE30] =	vst v11;
	v11 =	vld [tilespmem:$0x1F810]  }
0x5f0: {  	v10 =	vor.u32 v10, v27;
	[tilespmem:s24+$0xFEB0] =	vst v12;
	v12 =	vld [tilespmem:$0x1F820]  }
0x5f1: {  	[tilespmem:s24+$0xFF30] =	vst v13;
	v13 =	vld [tilespmem:$0x1F830]  }
0x5f2: {  	v7 =	vor.u32 v7, v27;
	[tilespmem:s24+$0xFFB0] =	vst v14;
	v14 =	vld [tilespmem:$0x1F840]  }
0x5f3: {  	v8 =	vld.idx.msk [tilespmem:v8+s29+$0x0], $0xffff  }
0x5f4: {  	v9 =	vld.idx.msk [tilespmem:v9+s29+$0x0], $0xffff  }
0x5f5: {  	v10 =	vld.idx.msk [tilespmem:v10+s29+$0x0], $0xffff  }
0x5f6: {  	[tilespmem:s24+$0x10030] =	vst v15;
	v15 =	vld [tilespmem:$0x1F850];
	v6 =	vor.u32 v6, v27  }
0x5f7: {  	v7 =	vld.idx.msk [tilespmem:v7+s29+$0x0], $0xffff  }
0x5f8: {  	v11 =	vor.u32 v11, v27;
	[tilespmem:s24+$0xFE40] =	vst v8;
	v8 =	vld [tilespmem:$0x1F870]  }
0x5f9: {  	v12 =	vor.u32 v12, v27;
	[tilespmem:s24+$0xFEC0] =	vst v9;
	v9 =	vld [tilespmem:$0x1F880]  }
0x5fa: {  	v13 =	vor.u32 v13, v27;
	[tilespmem:s24+$0xFF40] =	vst v10;
	v10 =	vld [tilespmem:$0x1F890]  }
0x5fb: {  	v14 =	vor.u32 v14, v27;
	v6 =	vld.idx.msk [tilespmem:v6+s29+$0x0], $0xffff  }
0x5fc: {  	v15 =	vor.u32 v15, v27;
	[tilespmem:s24+$0x100B0] =	vst v7;
	v7 =	vld [tilespmem:$0x1F860]  }
0x5fd: {  	v11 =	vld.idx.msk [tilespmem:v11+s29+$0x0], $0xffff  }
0x5fe: {  	v12 =	vld.idx.msk [tilespmem:v12+s29+$0x0], $0xffff  }
0x5ff: {  	v13 =	vld.idx.msk [tilespmem:v13+s29+$0x0], $0xffff  }
0x600: {  	v14 =	vld.idx.msk [tilespmem:v14+s29+$0x0], $0xffff  }
0x601: {  	v15 =	vld.idx.msk [tilespmem:v15+s29+$0x0], $0xffff  }
0x602: {  	v8 =	vor.u32 v8, v27;
	[tilespmem:s24+$0xFFC0] =	vst v6;
	v6 =	vld [tilespmem:$0x1F8A0]  }
0x603: {  	v9 =	vor.u32 v9, v27;
	[tilespmem:s24+$0x10040] =	vst v11;
	v11 =	vld [tilespmem:$0x1F8B0]  }
0x604: {  	v10 =	vor.u32 v10, v27;
	[tilespmem:s24+$0x100C0] =	vst v12;
	v12 =	vld [tilespmem:$0x1F8C0]  }
0x605: {  	[tilespmem:s24+$0xFE50] =	vst v13;
	v13 =	vld [tilespmem:$0x1F8D0]  }
0x606: {  	v7 =	vor.u32 v7, v27;
	[tilespmem:s24+$0xFED0] =	vst v14;
	v14 =	vld [tilespmem:$0x1F8E0]  }
0x607: {  	v8 =	vld.idx.msk [tilespmem:v8+s29+$0x0], $0xffff  }
0x608: {  	v9 =	vld.idx.msk [tilespmem:v9+s29+$0x0], $0xffff  }
0x609: {  	v10 =	vld.idx.msk [tilespmem:v10+s29+$0x0], $0xffff  }
0x60a: {  	[tilespmem:s24+$0xFF50] =	vst v15;
	v15 =	vld [tilespmem:$0x1F8F0];
	v6 =	vor.u32 v6, v27  }
0x60b: {  	v7 =	vld.idx.msk [tilespmem:v7+s29+$0x0], $0xffff  }
0x60c: {  	v11 =	vor.u32 v11, v27;
	[tilespmem:s24+$0x10050] =	vst v8;
	v8 =	vld [tilespmem:$0x1F910]  }
0x60d: {  	v12 =	vor.u32 v12, v27;
	[tilespmem:s24+$0x100D0] =	vst v9;
	v9 =	vld [tilespmem:$0x1F920]  }
0x60e: {  	v13 =	vor.u32 v13, v27;
	[tilespmem:s24+$0xFE60] =	vst v10;
	v10 =	vld [tilespmem:$0x1F930]  }
0x60f: {  	v14 =	vor.u32 v14, v27;
	v6 =	vld.idx.msk [tilespmem:v6+s29+$0x0], $0xffff  }
0x610: {  	v15 =	vor.u32 v15, v27;
	[tilespmem:s24+$0xFFD0] =	vst v7;
	v7 =	vld [tilespmem:$0x1F900]  }
0x611: {  	v11 =	vld.idx.msk [tilespmem:v11+s29+$0x0], $0xffff  }
0x612: {  	v12 =	vld.idx.msk [tilespmem:v12+s29+$0x0], $0xffff  }
0x613: {  	v13 =	vld.idx.msk [tilespmem:v13+s29+$0x0], $0xffff  }
0x614: {  	v14 =	vld.idx.msk [tilespmem:v14+s29+$0x0], $0xffff  }
0x615: {  	v15 =	vld.idx.msk [tilespmem:v15+s29+$0x0], $0xffff  }
0x616: {  	v8 =	vor.u32 v8, v27;
	[tilespmem:s24+$0xFEE0] =	vst v6;
	v6 =	vld [tilespmem:$0x1F940]  }
0x617: {  	v9 =	vor.u32 v9, v27;
	[tilespmem:s24+$0xFF60] =	vst v11;
	v11 =	vld [tilespmem:$0x1F950]  }
0x618: {  	v10 =	vor.u32 v10, v27;
	[tilespmem:s24+$0xFFE0] =	vst v12;
	v12 =	vld [tilespmem:$0x1F960]  }
0x619: {  	[tilespmem:s24+$0x10060] =	vst v13;
	v13 =	vld [tilespmem:$0x1F970]  }
0x61a: {  	v7 =	vor.u32 v7, v27;
	[tilespmem:s24+$0x100E0] =	vst v14;
	v14 =	vld [tilespmem:$0x1F980]  }
0x61b: {  	v8 =	vld.idx.msk [tilespmem:v8+s29+$0x0], $0xffff  }
0x61c: {  	v9 =	vld.idx.msk [tilespmem:v9+s29+$0x0], $0xffff  }
0x61d: {  	v10 =	vld.idx.msk [tilespmem:v10+s29+$0x0], $0xffff  }
0x61e: {  	[tilespmem:s24+$0xFE70] =	vst v15;
	v15 =	vld [tilespmem:$0x1F990];
	v6 =	vor.u32 v6, v27  }
0x61f: {  	v7 =	vld.idx.msk [tilespmem:v7+s29+$0x0], $0xffff  }
0x620: {  	v11 =	vor.u32 v11, v27;
	[tilespmem:s24+$0xFF70] =	vst v8;
	v8 =	vld [tilespmem:$0x1F9B0]  }
0x621: {  	v12 =	vor.u32 v12, v27;
	[tilespmem:s24+$0xFFF0] =	vst v9;
	v9 =	vld [tilespmem:$0x1F9C0]  }
0x622: {  	v13 =	vor.u32 v13, v27;
	[tilespmem:s24+$0x10070] =	vst v10;
	v10 =	vld [tilespmem:$0x1F9D0]  }
0x623: {  	v14 =	vor.u32 v14, v27;
	v6 =	vld.idx.msk [tilespmem:v6+s29+$0x0], $0xffff  }
0x624: {  	v15 =	vor.u32 v15, v27;
	[tilespmem:s24+$0xFEF0] =	vst v7;
	v7 =	vld [tilespmem:$0x1F9A0]  }
0x625: {  	v11 =	vld.idx.msk [tilespmem:v11+s29+$0x0], $0xffff  }
0x626: {  	v12 =	vld.idx.msk [tilespmem:v12+s29+$0x0], $0xffff  }
0x627: {  	v13 =	vld.idx.msk [tilespmem:v13+s29+$0x0], $0xffff  }
0x628: {  	v14 =	vld.idx.msk [tilespmem:v14+s29+$0x0], $0xffff  }
0x629: {  	v15 =	vld.idx.msk [tilespmem:v15+s29+$0x0], $0xffff  }
0x62a: {  	v8 =	vor.u32 v8, v27;
	[tilespmem:s24+$0x100F0] =	vst v6;
	v6 =	vld [tilespmem:$0x1F9E0]  }
0x62b: {  	v9 =	vor.u32 v9, v27;
	[tilespmem:s24+$0x10200] =	vst v11;
	v11 =	vld [tilespmem:$0x1F9F0]  }
0x62c: {  	v10 =	vor.u32 v10, v27;
	[tilespmem:s24+$0x10280] =	vst v12;
	v12 =	vld [tilespmem:$0x1FA00]  }
0x62d: {  	[tilespmem:s24+$0x10300] =	vst v13;
	v13 =	vld [tilespmem:$0x1FA10]  }
0x62e: {  	v7 =	vor.u32 v7, v27;
	[tilespmem:s24+$0x10380] =	vst v14;
	v14 =	vld [tilespmem:$0x1FA20]  }
0x62f: {  	v8 =	vld.idx.msk [tilespmem:v8+s29+$0x0], $0xffff  }
0x630: {  	v9 =	vld.idx.msk [tilespmem:v9+s29+$0x0], $0xffff  }
0x631: {  	v10 =	vld.idx.msk [tilespmem:v10+s29+$0x0], $0xffff  }
0x632: {  	[tilespmem:s24+$0x10400] =	vst v15;
	v15 =	vld [tilespmem:$0x1FA30];
	v6 =	vor.u32 v6, v27  }
0x633: {  	v7 =	vld.idx.msk [tilespmem:v7+s29+$0x0], $0xffff  }
0x634: {  	v11 =	vor.u32 v11, v27;
	[tilespmem:s24+$0x10210] =	vst v8;
	v8 =	vld [tilespmem:$0x1FA50]  }
0x635: {  	v12 =	vor.u32 v12, v27;
	[tilespmem:s24+$0x10290] =	vst v9;
	v9 =	vld [tilespmem:$0x1FA60]  }
0x636: {  	v13 =	vor.u32 v13, v27;
	[tilespmem:s24+$0x10310] =	vst v10;
	v10 =	vld [tilespmem:$0x1FA70]  }
0x637: {  	v14 =	vor.u32 v14, v27;
	v6 =	vld.idx.msk [tilespmem:v6+s29+$0x0], $0xffff  }
0x638: {  	v15 =	vor.u32 v15, v27;
	[tilespmem:s24+$0x10480] =	vst v7;
	v7 =	vld [tilespmem:$0x1FA40]  }
0x639: {  	v11 =	vld.idx.msk [tilespmem:v11+s29+$0x0], $0xffff  }
0x63a: {  	v12 =	vld.idx.msk [tilespmem:v12+s29+$0x0], $0xffff  }
0x63b: {  	v13 =	vld.idx.msk [tilespmem:v13+s29+$0x0], $0xffff  }
0x63c: {  	v14 =	vld.idx.msk [tilespmem:v14+s29+$0x0], $0xffff  }
0x63d: {  	v15 =	vld.idx.msk [tilespmem:v15+s29+$0x0], $0xffff  }
0x63e: {  	v8 =	vor.u32 v8, v27;
	[tilespmem:s24+$0x10390] =	vst v6;
	v6 =	vld [tilespmem:$0x1FA80]  }
0x63f: {  	v9 =	vor.u32 v9, v27;
	[tilespmem:s24+$0x10410] =	vst v11;
	v11 =	vld [tilespmem:$0x1FA90]  }
0x640: {  	v10 =	vor.u32 v10, v27;
	[tilespmem:s24+$0x10490] =	vst v12;
	v12 =	vld [tilespmem:$0x1FAA0]  }
0x641: {  	[tilespmem:s24+$0x10220] =	vst v13;
	v13 =	vld [tilespmem:$0x1FAB0]  }
0x642: {  	v7 =	vor.u32 v7, v27;
	[tilespmem:s24+$0x102A0] =	vst v14;
	v14 =	vld [tilespmem:$0x1FAC0]  }
0x643: {  	v8 =	vld.idx.msk [tilespmem:v8+s29+$0x0], $0xffff  }
0x644: {  	v9 =	vld.idx.msk [tilespmem:v9+s29+$0x0], $0xffff  }
0x645: {  	v10 =	vld.idx.msk [tilespmem:v10+s29+$0x0], $0xffff  }
0x646: {  	[tilespmem:s24+$0x10320] =	vst v15;
	v15 =	vld [tilespmem:$0x1FAD0];
	v6 =	vor.u32 v6, v27  }
0x647: {  	v7 =	vld.idx.msk [tilespmem:v7+s29+$0x0], $0xffff  }
0x648: {  	v11 =	vor.u32 v11, v27;
	[tilespmem:s24+$0x10420] =	vst v8;
	v8 =	vld [tilespmem:$0x1FAF0]  }
0x649: {  	v12 =	vor.u32 v12, v27;
	[tilespmem:s24+$0x104A0] =	vst v9;
	v9 =	vld [tilespmem:$0x1FB00]  }
0x64a: {  	v13 =	vor.u32 v13, v27;
	[tilespmem:s24+$0x10230] =	vst v10;
	v10 =	vld [tilespmem:$0x1FB10]  }
0x64b: {  	v14 =	vor.u32 v14, v27;
	v6 =	vld.idx.msk [tilespmem:v6+s29+$0x0], $0xffff  }
0x64c: {  	v15 =	vor.u32 v15, v27;
	[tilespmem:s24+$0x103A0] =	vst v7;
	v7 =	vld [tilespmem:$0x1FAE0]  }
0x64d: {  	v11 =	vld.idx.msk [tilespmem:v11+s29+$0x0], $0xffff  }
0x64e: {  	v12 =	vld.idx.msk [tilespmem:v12+s29+$0x0], $0xffff  }
0x64f: {  	v13 =	vld.idx.msk [tilespmem:v13+s29+$0x0], $0xffff  }
0x650: {  	v14 =	vld.idx.msk [tilespmem:v14+s29+$0x0], $0xffff  }
0x651: {  	v15 =	vld.idx.msk [tilespmem:v15+s29+$0x0], $0xffff  }
0x652: {  	v8 =	vor.u32 v8, v27;
	[tilespmem:s24+$0x102B0] =	vst v6;
	v6 =	vld [tilespmem:$0x1FB20]  }
0x653: {  	v9 =	vor.u32 v9, v27;
	[tilespmem:s24+$0x10330] =	vst v11;
	v11 =	vld [tilespmem:$0x1FB30]  }
0x654: {  	v10 =	vor.u32 v10, v27;
	[tilespmem:s24+$0x103B0] =	vst v12;
	v12 =	vld [tilespmem:$0x1FB40]  }
0x655: {  	[tilespmem:s24+$0x10430] =	vst v13;
	v13 =	vld [tilespmem:$0x1FB50]  }
0x656: {  	v7 =	vor.u32 v7, v27;
	[tilespmem:s24+$0x104B0] =	vst v14;
	v14 =	vld [tilespmem:$0x1FB60]  }
0x657: {  	v8 =	vld.idx.msk [tilespmem:v8+s29+$0x0], $0xffff  }
0x658: {  	v9 =	vld.idx.msk [tilespmem:v9+s29+$0x0], $0xffff  }
0x659: {  	v10 =	vld.idx.msk [tilespmem:v10+s29+$0x0], $0xffff  }
0x65a: {  	[tilespmem:s24+$0x10240] =	vst v15;
	v15 =	vld [tilespmem:$0x1FB70];
	v6 =	vor.u32 v6, v27  }
0x65b: {  	v7 =	vld.idx.msk [tilespmem:v7+s29+$0x0], $0xffff  }
0x65c: {  	v11 =	vor.u32 v11, v27;
	[tilespmem:s24+$0x10340] =	vst v8;
	v8 =	vld [tilespmem:$0x1FB90]  }
0x65d: {  	v12 =	vor.u32 v12, v27;
	[tilespmem:s24+$0x103C0] =	vst v9;
	v9 =	vld [tilespmem:$0x1FBA0]  }
0x65e: {  	v13 =	vor.u32 v13, v27;
	[tilespmem:s24+$0x10440] =	vst v10;
	v10 =	vld [tilespmem:$0x1FBB0]  }
0x65f: {  	v14 =	vor.u32 v14, v27;
	v6 =	vld.idx.msk [tilespmem:v6+s29+$0x0], $0xffff  }
0x660: {  	[tilespmem:s24+$0x102C0] =	vst v7;
	v7 =	vld [tilespmem:$0x1FB80]  }
0x661: {  	v11 =	vld.idx.msk [tilespmem:v11+s29+$0x0], $0xffff  }
0x662: {  	v12 =	vld.idx.msk [tilespmem:v12+s29+$0x0], $0xffff  }
0x663: {  	v13 =	vld.idx.msk [tilespmem:v13+s29+$0x0], $0xffff  }
0x664: {  	v14 =	vld.idx.msk [tilespmem:v14+s29+$0x0], $0xffff  }
0x665: {  	v15 =	vor.u32 v15, v27;
	[tilespmem:s24+$0x104C0] =	vst v6;
	v6 =	vld [tilespmem:$0x1FBC0]  }
0x666: {  	v7 =	vor.u32 v7, v27;
	[tilespmem:s24+$0x10250] =	vst v11;
	v11 =	vld [tilespmem:$0x1FBD0]  }
0x667: {  	v8 =	vor.u32 v8, v27;
	[tilespmem:s24+$0x102D0] =	vst v12;
	v12 =	vld [tilespmem:$0x1FBE0]  }
0x668: {  	v9 =	vor.u32 v9, v27;
	[tilespmem:s24+$0x10350] =	vst v13;
	v13 =	vld [tilespmem:$0x1FBF0]  }
0x669: {  	v10 =	vor.u32 v10, v27;
	[tilespmem:s24+$0x103D0] =	vst v14;
	v14 =	vld [tilespmem:$0x1FC00]  }
0x66a: {  	v15 =	vld.idx.msk [tilespmem:v15+s29+$0x0], $0xffff;
	v6 =	vor.u32 v6, v27  }
0x66b: {  	v7 =	vld.idx.msk [tilespmem:v7+s29+$0x0], $0xffff;
	v11 =	vor.u32 v11, v27  }
0x66c: {  	v8 =	vld.idx.msk [tilespmem:v8+s29+$0x0], $0xffff;
	v12 =	vor.u32 v12, v27  }
0x66d: {  	v9 =	vld.idx.msk [tilespmem:v9+s29+$0x0], $0xffff;
	v13 =	vor.u32 v13, v27  }
0x66e: {  	v10 =	vld.idx.msk [tilespmem:v10+s29+$0x0], $0xffff;
	v14 =	vor.u32 v14, v27  }
0x66f: {  	[tilespmem:s24+$0x10450] =	vst v15;
	v15 =	vor.u32 v16, v27;
	v6 =	vld.idx.msk [tilespmem:v6+s29+$0x0], $0xffff  }
0x670: {  	[tilespmem:s24+$0x104D0] =	vst v7;
	v7 =	vor.u32 v17, v27;
	v11 =	vld.idx.msk [tilespmem:v11+s29+$0x0], $0xffff  }
0x671: {  	[tilespmem:s24+$0x10260] =	vst v8;
	v8 =	vor.u32 v18, v27;
	v12 =	vld.idx.msk [tilespmem:v12+s29+$0x0], $0xffff  }
0x672: {  	[tilespmem:s24+$0x102E0] =	vst v9;
	v9 =	vor.u32 v19, v27;
	v13 =	vld.idx.msk [tilespmem:v13+s29+$0x0], $0xffff  }
0x673: {  	[tilespmem:s24+$0x10360] =	vst v10;
	v10 =	vor.u32 v20, v27;
	v14 =	vld.idx.msk [tilespmem:v14+s29+$0x0], $0xffff  }
0x674: {  	v15 =	vld.idx.msk [tilespmem:v15+s29+$0x0], $0xffff;
	[tilespmem:s24+$0x103E0] =	vst v6;
	v6 =	vor.u32 v21, v27  }
0x675: {  	[tilespmem:s24+$0x10460] =	vst v11;
	v11 =	vor.u32 v22, v27;
	v7 =	vld.idx.msk [tilespmem:v7+s29+$0x0], $0xffff  }
0x676: {  	[tilespmem:s24+$0x104E0] =	vst v12;
	v12 =	vor.u32 v23, v27;
	v8 =	vld.idx.msk [tilespmem:v8+s29+$0x0], $0xffff  }
0x677: {  	[tilespmem:s24+$0x10270] =	vst v13;
	v13 =	vor.u32 v24, v27;
	v9 =	vld.idx.msk [tilespmem:v9+s29+$0x0], $0xffff  }
0x678: {  	[tilespmem:s24+$0x102F0] =	vst v14;
	v14 =	vor.u32 v25, v27;
	v10 =	vld.idx.msk [tilespmem:v10+s29+$0x0], $0xffff  }
0x679: {  	[tilespmem:s24+$0x10370] =	vst v15;
	v15 =	vor.u32 v26, v27;
	v6 =	vld.idx.msk [tilespmem:v6+s29+$0x0], $0xffff  }
0x67a: {  	[tilespmem:s24+$0x103F0] =	vst v7;
	v7 =	vor.u32 v28, v27;
	v11 =	vld.idx.msk [tilespmem:v11+s29+$0x0], $0xffff  }
0x67b: {  	[tilespmem:s24+$0x10470] =	vst v8;
	v8 =	vor.u32 v29, v27;
	v12 =	vld.idx.msk [tilespmem:v12+s29+$0x0], $0xffff  }
0x67c: {  	[tilespmem:s24+$0x104F0] =	vst v9;
	v9 =	vor.u32 v30, v27;
	v13 =	vld.idx.msk [tilespmem:v13+s29+$0x0], $0xffff  }
0x67d: {  	[tilespmem:s24+$0x10600] =	vst v10;
	v10 =	vor.u32 v31, v27;
	v14 =	vld.idx.msk [tilespmem:v14+s29+$0x0], $0xffff  }
0x67e: {  	v15 =	vld.idx.msk [tilespmem:v15+s29+$0x0], $0xffff;
	[tilespmem:s24+$0x10680] =	vst v6;
	v6 =	vor.u32 v32, v27  }
0x67f: {  	[tilespmem:s24+$0x10700] =	vst v11;
	v11 =	vor.u32 v33, v27;
	v7 =	vld.idx.msk [tilespmem:v7+s29+$0x0], $0xffff  }
0x680: {  	[tilespmem:s24+$0x10780] =	vst v12;
	v12 =	vor.u32 v34, v27;
	v8 =	vld.idx.msk [tilespmem:v8+s29+$0x0], $0xffff  }
0x681: {  	[tilespmem:s24+$0x10800] =	vst v13;
	v13 =	vor.u32 v35, v27;
	v9 =	vld.idx.msk [tilespmem:v9+s29+$0x0], $0xffff  }
0x682: {  	[tilespmem:s24+$0x10880] =	vst v14;
	v14 =	vor.u32 v36, v27;
	v10 =	vld.idx.msk [tilespmem:v10+s29+$0x0], $0xffff  }
0x683: {  	[tilespmem:s24+$0x10610] =	vst v15;
	v15 =	vor.u32 v37, v27;
	v6 =	vld.idx.msk [tilespmem:v6+s29+$0x0], $0xffff  }
0x684: {  	v11 =	vld.idx.msk [tilespmem:v11+s29+$0x0], $0xffff;
	[tilespmem:s24+$0x10690] =	vst v7;
	v7 =	vor.u32 v38, v27  }
0x685: {  	[tilespmem:s24+$0x10710] =	vst v8;
	v8 =	vor.u32 v39, v27;
	v12 =	vld.idx.msk [tilespmem:v12+s29+$0x0], $0xffff  }
0x686: {  	[tilespmem:s24+$0x10790] =	vst v9;
	v9 =	vor.u32 v40, v27;
	v13 =	vld.idx.msk [tilespmem:v13+s29+$0x0], $0xffff  }
0x687: {  	[tilespmem:s24+$0x10810] =	vst v10;
	v10 =	vor.u32 v41, v27;
	v14 =	vld.idx.msk [tilespmem:v14+s29+$0x0], $0xffff  }
0x688: {  	[tilespmem:s24+$0x10890] =	vst v6;
	v6 =	vor.u32 v42, v27;
	v15 =	vld.idx.msk [tilespmem:v15+s29+$0x0], $0xffff  }
0x689: {  	[tilespmem:s24+$0x10620] =	vst v11;
	v11 =	vor.u32 v43, v27;
	v7 =	vld.idx.msk [tilespmem:v7+s29+$0x0], $0xffff  }
0x68a: {  	v8 =	vld.idx.msk [tilespmem:v8+s29+$0x0], $0xffff;
	[tilespmem:s24+$0x106A0] =	vst v12;
	v12 =	vor.u32 v44, v27  }
0x68b: {  	[tilespmem:s24+$0x10720] =	vst v13;
	v13 =	vor.u32 v45, v27;
	v9 =	vld.idx.msk [tilespmem:v9+s29+$0x0], $0xffff  }
0x68c: {  	[tilespmem:s24+$0x107A0] =	vst v14;
	v14 =	vor.u32 v46, v27;
	v10 =	vld.idx.msk [tilespmem:v10+s29+$0x0], $0xffff  }
0x68d: {  	[tilespmem:s24+$0x10820] =	vst v15;
	v15 =	vor.u32 v47, v27;
	v6 =	vld.idx.msk [tilespmem:v6+s29+$0x0], $0xffff  }
0x68e: {  	[tilespmem:s24+$0x108A0] =	vst v7;
	v7 =	vor.u32 v48, v27;
	v11 =	vld.idx.msk [tilespmem:v11+s29+$0x0], $0xffff  }
0x68f: {  	[tilespmem:s24+$0x10630] =	vst v8;
	v8 =	vor.u32 v49, v27;
	v12 =	vld.idx.msk [tilespmem:v12+s29+$0x0], $0xffff  }
0x690: {  	v13 =	vld.idx.msk [tilespmem:v13+s29+$0x0], $0xffff;
	[tilespmem:s24+$0x106B0] =	vst v9;
	v9 =	vor.u32 v50, v27  }
0x691: {  	[tilespmem:s24+$0x10730] =	vst v10;
	v10 =	vor.u32 v51, v27;
	v14 =	vld.idx.msk [tilespmem:v14+s29+$0x0], $0xffff  }
0x692: {  	[tilespmem:s24+$0x107B0] =	vst v6;
	v6 =	vor.u32 v52, v27;
	v15 =	vld.idx.msk [tilespmem:v15+s29+$0x0], $0xffff  }
0x693: {  	[tilespmem:s24+$0x10830] =	vst v11;
	v11 =	vor.u32 v53, v27;
	v7 =	vld.idx.msk [tilespmem:v7+s29+$0x0], $0xffff  }
0x694: {  	[tilespmem:s24+$0x108B0] =	vst v12;
	v12 =	vor.u32 v54, v27;
	v8 =	vld.idx.msk [tilespmem:v8+s29+$0x0], $0xffff  }
0x695: {  	[tilespmem:s24+$0x10640] =	vst v13;
	v13 =	vor.u32 v55, v27;
	v9 =	vld.idx.msk [tilespmem:v9+s29+$0x0], $0xffff  }
0x696: {  	v10 =	vld.idx.msk [tilespmem:v10+s29+$0x0], $0xffff;
	[tilespmem:s24+$0x106C0] =	vst v14;
	v14 =	vor.u32 v56, v27  }
0x697: {  	[tilespmem:s24+$0x10740] =	vst v15;
	v15 =	vor.u32 v57, v27;
	v6 =	vld.idx.msk [tilespmem:v6+s29+$0x0], $0xffff  }
0x698: {  	[tilespmem:s24+$0x107C0] =	vst v7;
	v7 =	vor.u32 v58, v27;
	v11 =	vld.idx.msk [tilespmem:v11+s29+$0x0], $0xffff  }
0x699: {  	[tilespmem:s24+$0x10840] =	vst v8;
	v8 =	vor.u32 v59, v27;
	v12 =	vld.idx.msk [tilespmem:v12+s29+$0x0], $0xffff  }
0x69a: {  	[tilespmem:s24+$0x108C0] =	vst v9;
	v9 =	vor.u32 v60, v27;
	v13 =	vld.idx.msk [tilespmem:v13+s29+$0x0], $0xffff  }
0x69b: {  	[tilespmem:s24+$0x10650] =	vst v10;
	v10 =	vor.u32 v61, v27;
	v14 =	vld.idx.msk [tilespmem:v14+s29+$0x0], $0xffff  }
0x69c: {  	v15 =	vld.idx.msk [tilespmem:v15+s29+$0x0], $0xffff;
	[tilespmem:s24+$0x106D0] =	vst v6;
	v6 =	vor.u32 v62, v27  }
0x69d: {  	[tilespmem:s24+$0x10750] =	vst v11;
	v11 =	vor.u32 v63, v27;
	v7 =	vld.idx.msk [tilespmem:v7+s29+$0x0], $0xffff  }
0x69e: {  	[tilespmem:s24+$0x107D0] =	vst v12;
	v12 =	vor.u32 v1, v27;
	v8 =	vld.idx.msk [tilespmem:v8+s29+$0x0], $0xffff  }
0x69f: {  	[tilespmem:s24+$0x10850] =	vst v13;
	v9 =	vld.idx.msk [tilespmem:v9+s29+$0x0], $0xffff  }
0x6a0: {  	v13 =	vor.u32 v2, v27;
	[tilespmem:s24+$0x108D0] =	vst v14;
	v10 =	vld.idx.msk [tilespmem:v10+s29+$0x0], $0xffff  }
0x6a1: {  	[tilespmem:s24+$0x10660] =	vst v15;
	v6 =	vld.idx.msk [tilespmem:v6+s29+$0x0], $0xffff  }
0x6a2: {  	v14 =	vor.u32 v3, v27;
	[tilespmem:s24+$0x106E0] =	vst v7;
	v7 =	vld.idx.msk [tilespmem:v11+s29+$0x0], $0xffff  }
0x6a3: {  	[tilespmem:s24+$0x10760] =	vst v8;
	v8 =	vld.idx.msk [tilespmem:v12+s29+$0x0], $0xffff  }
0x6a4: {  	v15 =	vor.u32 v4, v27;
	v12 =	vld [tilespmem:$0x1FFB0]  }
0x6a5: {  	[tilespmem:s24+$0x107E0] =	vst v9;
	v9 =	vld.idx.msk [tilespmem:v13+s29+$0x0], $0xffff  }
0x6a6: {  	v11 =	vor.u32 v5, v27;
	v13 =	vld [tilespmem:$0x1FFC0]  }
0x6a7: {  	[tilespmem:s24+$0x10860] =	vst v10;
	v10 =	vld.idx.msk [tilespmem:v14+s29+$0x0], $0xffff  }
0x6a8: {  	v14 =	vld [tilespmem:$0x1FFD0]  }
0x6a9: {  	[tilespmem:s24+$0x108E0] =	vst v6;
	v6 =	vld.idx.msk [tilespmem:v15+s29+$0x0], $0xffff  }
0x6aa: {  	v15 =	vld [tilespmem:$0x1FFE0]  }
0x6ab: {  	p0 =	slt.u32 s23, $0x18;
	[tilespmem:s24+$0x10670] =	vst v7;
	v7 =	vld.idx.msk [tilespmem:v11+s29+$0x0], $0xffff  }
.Ltmp6:
0x6ac: {  	v11 =	vld [tilespmem:$0x1FFA0];
	[tilespmem:s24+$0x106F0] =	vst v8;
	(pc) =	sbr.rel @p0 .LBB2_9-.Ltmp6, $4  }
0x6ad: {  	v8 =	vld [tilespmem:$0x1FF70];
	[tilespmem:s24+$0x10770] =	vst v9  }
0x6ae: {  	v9 =	vld [tilespmem:$0x1FF80];
	[tilespmem:s24+$0x107F0] =	vst v10  }
0x6af: {  	v10 =	vld [tilespmem:$0x1FF90];
	[tilespmem:s24+$0x10870] =	vst v6  }
0x6b0: {  	s23 =	sadd.s32 $0x8, s23;
	v6 =	vld [tilespmem:$0x1FF60];
	[tilespmem:s24+$0x108F0] =	vst v7  }
0x6b1: {  	s20 =	sadd.s32 s14, s20  }
0x6b2: {  	s20 =	sshrl.u32 s20, $0x3  }
0x6b3: {  	s23 =	sadd.s32 s1, s20  }
0x6b4: {  	[hbm4b:s23+s7] =	stream.strided.scatter [tilespmem:s31], [sflag:$0x4], $0x1400, s22, s7, $0x38;
	[tilespmem:$0x14500] =	vst v63  }
0x6b5: {  	p0 =	seq.s32 s6, $0x13;
	s24 =	sadd.s32 s20, s11  }
0x6b6: {  	[hbm4b:s24+s7] =	stream.strided.scatter [tilespmem:s0], [sflag:$0x4], $0x1400, s22, s7, $0x38;
	[tilespmem:$0x14500] =	vst v63  }
.Ltmp7:
0x6b7: {  	_ = 	snop;
	(pc) =	sbr.rel @p0 .LBB2_12-.Ltmp7, $4  }
0x6b8: {  	s25 =	sadd.s32 s20, s12  }
0x6b9: {  	[hbm4b:s25+s7] =	stream.strided.scatter [tilespmem:s2], [sflag:$0x4], $0x1400, s22, s7, $0x38;
	[tilespmem:$0x14500] =	vst v63  }
0x6ba: {  	s20 =	sadd.s32 s20, s13  }
0x6bb: {  	[hbm4b:s20+s7] =	stream.strided.scatter [tilespmem:s15], [sflag:$0x4], $0x1400, s22, s7, $0x38;
	[tilespmem:$0x14500] =	vst v63  }
0x6bc: {  	s20 =	smul.u32 $0xA000, s6;
	_ =	sdelay $0x1  }
0x6bd: {  	s20 =	sadd.s32 s9, s20  }
0x6be: {  	s20 =	sshrl.u32 s20, $0x3  }
0x6bf: {  	s20 =	sadd.s32 s4, s20  }
0x6c0: {  	[tilespmem:s28], [sflag:$0x5] =	stream.strided.gather [hbm4b:s20+s16], $0x280, s17, s16, $0x38;
	[tilespmem:$0x14500] =	vst v63  }
0x6c1: {  	_ =	swait.ge [sflag:s18], $0x280  }
0x6c2: {  	[sflag:s18] =	ssyncset.done $0x0  }
0x6c3: {  	[sflag:s18] =	ssyncadd.s32 $0xFFFFFD80  }
0x6c4: {  	[tilespmem:s29], [sflag:$0x2] =	stream.indirect.gather [hbm4b:s5+s16], $0x20, s28, s16, $0xb8;
	[tilespmem:$0x14500] =	vst v63  }
0x6c5: {  	s25 =	simm.s32 $0x300;
	s23 =	simm.s32 $0x6500  }
0x6c6: {  	[tilespmem:s23], [sflag:$0x2] =	stream.indirect.gather [hbm4b:s5+s16], $0x20, s25, s16, $0xb8;
	[tilespmem:$0x14500] =	vst v63  }
0x6c7: {  	s24 =	simm.s32 $0x380;
	s25 =	simm.s32 $0x7500  }
0x6c8: {  	[tilespmem:s25], [sflag:$0x2] =	stream.indirect.gather [hbm4b:s5+s16], $0x20, s24, s16, $0xb8;
	[tilespmem:$0x14500] =	vst v63  }
.Ltmp8:
0x6c9: {  	_ = 	snop;
	(pc) =	sbr.rel .LBB2_2-.Ltmp8, $4  }
0x6ca: {  	s23 =	simm.s32 $0x8500  }
0x6cb: {  	[tilespmem:s23], [sflag:$0x2] =	stream.indirect.gather [hbm4b:s5+s16], $0x20, s7, s16, $0xb8;
	[tilespmem:$0x14500] =	vst v63  }
0x6cc: {  	s6 =	sadd.s32 $0x1, s6;
	s24 =	simm.s32 $0x480;
	s25 =	simm.s32 $0x9500  }
0x6cd: {  	v7 =	vld [tilespmem:$0x1FFF0];
	[tilespmem:s25], [sflag:$0x2] =	stream.indirect.gather [hbm4b:s5+s16], $0x20, s24, s16, $0xb8  }
.LBB2_13:
0x6ce: {  	_ =	sfence.sel $0x180000  }
0x6cf: {  	[bflag:$0x0] =	sbarrier.arrive $0xFFFF  }
0x6d0: {  	_ =	strace $0x90000047  }
0x6d1: {  	s0 =	stileid.u32;
	[bflag:$0x2] =	sbarrier.arrive $0xFFFF  }
0x6d2: {  	p0 =	sne.s32 s0, $0x0;
	s0 =	rddreg [dreg:$0x2]  }
0x6d3: {  	s0 =	sadd.s32 @!p0 $0x100000, s0  }
0x6d4: {  	[sflag:s0] =	ssyncadd.tile.s32 @!p0 $0x1;
	_ =	shalt  }
.Lfunc_end2:
_tile_overlayer_lowered:
.L_overlay_start_2:
0x6d5: {  	(tag) =	ssettag $0x2  }
0x6d6: {  	s0 =	rddreg [dreg:$0x0];
	s2 =	stileid.u32  }
0x6d7: {  	s1 =	rddreg [dreg:$0x1];
	p0 =	sne.s32 s2, $0x0  }
0x6d8: {  	s3 =	rddreg [dreg:$0x2];
	[bflag:$0x3] =	sbarrier.arrive $0xFFFF;
	s2 =	simm.s32 @!p0 $0x1C05  }
0x6d9: {  	[timem:s3], [sflag:s2] =	dma.local @!p0 [hbm:s0], s1  }
0x6da: {  	s0 =	simm.s32 @!p0 $0x5  }
0x6db: {  	_ =	swait.ge @!p0 [sflag:s0], s1  }
0x6dc: {  	s1 =	ssub.s32 @!p0 $0x0, s1;
	[sflag:s0] =	ssyncset.done @!p0 $0x0  }
0x6dd: {  	[sflag:s0] =	ssyncadd.s32 @!p0 s1  }
0x6de: {  	[bflag:$0x3] =	sbarrier.arrive $0xFFFF  }
0x6df: {  	_ =	shalt  }

</sc_bundles>
